<compile_context>
chip_gen: v7x
topology: tpu7x:2x2x1
jax: 0.10.2.dev20260603
libtpu: 0.0.44.dev20260713+nightly
codegen_flags: <defaults>
</compile_context>

<pallas_src>
import functools

import jax
import jax.numpy as jnp
from jax import lax
from jax.experimental import pallas as pl
from jax.experimental.pallas import tpu as pltpu
from jax.experimental.pallas import tpu_sc as plsc

N_NODES = 10000
N_EDGES = 320000
D_FEAT = 128
N_GRAPHS = 64

NW = 32
CHUNK = 128
NBUF = 6
EC = N_EDGES // CHUNK
CPT = EC // NW
NEXTRA = EC - CPT * NW
NPAD = 10240
RPT = NPAD // 16
RCH = RPT // CHUNK

@functools.cache
def _get_sc_agg():
    mesh = plsc.VectorSubcoreMesh(core_axis_name="c", subcore_axis_name="s",
                                  num_cores=2, num_subcores=16)

    @functools.partial(
        pl.kernel,
        out_type=jax.ShapeDtypeStruct((2, NPAD, 32), jnp.bfloat16),
        mesh=mesh,
        scratch_types=[
            pltpu.VMEM((CPT + 1, CHUNK), jnp.int32),
            pltpu.VMEM((CPT + 1, CHUNK), jnp.int32),
            [pltpu.VMEM((CHUNK, 32), jnp.bfloat16) for _ in range(NBUF)],
            pltpu.VMEM_SHARED((NPAD, 32), jnp.bfloat16),
            pltpu.VMEM_SHARED((NPAD, 32), jnp.bfloat16),
            [pltpu.SemaphoreType.DMA for _ in range(NBUF)],
            [pltpu.SemaphoreType.DMA for _ in range(NBUF)],
        ],
        compiler_params=pltpu.CompilerParams(use_tc_tiling_on_sc=False),
    )
    def _sc_agg(e_hbm, hs_hbm, zeros_hbm, out_hbm,
                src_v, dst_v, rows, agg_sh, hs_sh, gsem, ssem):
        c = lax.axis_index("c")
        s = lax.axis_index("s")
        wid = s * 2 + c
        r0 = s * RPT
        base = wid * CPT + jnp.minimum(wid, NEXTRA)

        pend = []
        for k in range(RCH):
            r = r0 + k * CHUNK
            pend.append(pltpu.async_copy(
                hs_hbm.at[pl.ds(r, CHUNK)], hs_sh.at[pl.ds(r, CHUNK)],
                gsem[0]))
            pend.append(pltpu.async_copy(
                zeros_hbm, agg_sh.at[pl.ds(r, CHUNK)], gsem[1]))
        pend.append(pltpu.async_copy(
            e_hbm.at[0, pl.ds(base, CPT)], src_v.at[pl.ds(0, CPT)], gsem[2]))
        pend.append(pltpu.async_copy(
            e_hbm.at[1, pl.ds(base, CPT)], dst_v.at[pl.ds(0, CPT)], gsem[2]))
        for p in pend:
            p.wait()

        @pl.when(wid < NEXTRA)
        def _tail_idx():
            pltpu.sync_copy(e_hbm.at[0, pl.ds(base + CPT, 1)],
                            src_v.at[pl.ds(CPT, 1)])
            pltpu.sync_copy(e_hbm.at[1, pl.ds(base + CPT, 1)],
                            dst_v.at[pl.ds(CPT, 1)])

        plsc.subcore_barrier()

        NIT = CPT // NBUF

        for b in range(NBUF):
            pltpu.async_copy(hs_sh.at[src_v.at[b]], rows[b], gsem[b])

        def body(i, carry):
            j = i * NBUF
            scatters = []
            for b in range(NBUF):
                pltpu.make_async_copy(hs_sh.at[src_v.at[j + b]], rows[b],
                                      gsem[b]).wait()
                scatters.append(pltpu.async_copy(
                    rows[b], agg_sh.at[dst_v.at[j + b]], ssem[b], add=True))
            for b in range(NBUF):
                scatters[b].wait()

                @pl.when(i < NIT - 1)
                def _next():
                    pltpu.async_copy(hs_sh.at[src_v.at[j + NBUF + b]],
                                     rows[b], gsem[b])
            return carry

        lax.fori_loop(0, NIT, body, 0)

        @pl.when(wid < NEXTRA)
        def _tail_edge():
            pltpu.async_copy(hs_sh.at[src_v.at[CPT]], rows[0], gsem[0]).wait()
            pltpu.sync_copy(rows[0], agg_sh.at[dst_v.at[CPT]], add=True)

        plsc.subcore_barrier()

        outs = []
        for k in range(RCH):
            r = r0 + k * CHUNK
            outs.append(pltpu.async_copy(
                agg_sh.at[pl.ds(r, CHUNK)], out_hbm.at[c, pl.ds(r, CHUNK)],
                ssem[0]))
        for o in outs:
            o.wait()

    return _sc_agg


@functools.cache
def _get_sc_deg():
    mesh = plsc.VectorSubcoreMesh(core_axis_name="c", subcore_axis_name="s",
                                  num_cores=2, num_subcores=16)

    @functools.partial(
        pl.kernel,
        out_type=jax.ShapeDtypeStruct((2, NPAD, 32), jnp.float32),
        mesh=mesh,
        scratch_types=[
            pltpu.VMEM((CPT + 1, CHUNK), jnp.int32),
            pltpu.VMEM((CHUNK, 32), jnp.float32),
            pltpu.VMEM_SHARED((NPAD, 32), jnp.float32),
            pltpu.SemaphoreType.DMA,
            pltpu.SemaphoreType.DMA,
        ],
        compiler_params=pltpu.CompilerParams(use_tc_tiling_on_sc=False),
    )
    def _sc_deg(e_hbm, zeros_hbm, ones_hbm, out_hbm, dst_v, buf_v, deg_sh,
                sem, zsem):
        c = lax.axis_index("c")
        s = lax.axis_index("s")
        wid = s * 2 + c
        r0 = s * RPT
        base = wid * CPT + jnp.minimum(wid, NEXTRA)

        pend = [pltpu.async_copy(zeros_hbm,
                                 deg_sh.at[pl.ds(r0 + k * CHUNK, CHUNK)], zsem)
                for k in range(RCH)]
        pend.append(pltpu.async_copy(
            e_hbm.at[1, pl.ds(base, CPT)], dst_v.at[pl.ds(0, CPT)], sem))
        pltpu.sync_copy(ones_hbm, buf_v)
        for p in pend:
            p.wait()

        @pl.when(wid < NEXTRA)
        def _tail_idx():
            pltpu.sync_copy(e_hbm.at[1, pl.ds(base + CPT, 1)],
                            dst_v.at[pl.ds(CPT, 1)])

        plsc.subcore_barrier()

        def body(i, carry):
            j = i * NBUF
            adds = [
                pltpu.async_copy(buf_v, deg_sh.at[dst_v.at[j + b]], sem,
                                 add=True)
                for b in range(NBUF)
            ]
            for a in adds:
                a.wait()
            return carry

        lax.fori_loop(0, CPT // NBUF, body, 0)

        @pl.when(wid < NEXTRA)
        def _tail_edge():
            pltpu.sync_copy(buf_v, deg_sh.at[dst_v.at[CPT]], add=True)

        plsc.subcore_barrier()

        outs = []
        for k in range(RCH):
            r = r0 + k * CHUNK
            outs.append(pltpu.async_copy(
                deg_sh.at[pl.ds(r, CHUNK)], out_hbm.at[c, pl.ds(r, CHUNK)],
                zsem))
        for o in outs:
            o.wait()

    return _sc_deg


BNP = 256
NP4 = NPAD // 4
GRID = NP4 // BNP



def _tc_xw_body(x_ref, w_ref, out_ref):
    out_ref[...] = jnp.dot(x_ref[...], w_ref[...],
                           preferred_element_type=jnp.float32)


def _tc_xw(x2, w1bd):
    return pl.pallas_call(
        _tc_xw_body,
        grid=(GRID,),
        in_specs=[
            pl.BlockSpec((BNP, 4 * D_FEAT), lambda i: (i, 0)),
            pl.BlockSpec((4 * D_FEAT, 128), lambda i: (0, 0)),
        ],
        out_specs=pl.BlockSpec((BNP, 128), lambda i: (i, 0)),
        out_shape=jax.ShapeDtypeStruct((NP4, 128), jnp.float32),
    )(x2, w1bd)


def _tc_dinv_body(degp_ref, h1lin_ref, dinv_ref, hs1_ref):
    dinv = lax.rsqrt(degp_ref[0] + degp_ref[1] + 1.0)
    dinv_ref[...] = dinv
    hs1_ref[...] = (dinv * h1lin_ref[...]).astype(jnp.bfloat16)


def _tc_dinv_hs1(degp_pk, h1lin_p):
    return pl.pallas_call(
        _tc_dinv_body,
        grid=(GRID,),
        in_specs=[
            pl.BlockSpec((2, BNP, 128), lambda i: (0, i, 0)),
            pl.BlockSpec((BNP, 128), lambda i: (i, 0)),
        ],
        out_specs=[
            pl.BlockSpec((BNP, 128), lambda i: (i, 0)),
            pl.BlockSpec((BNP, 128), lambda i: (i, 0)),
        ],
        out_shape=[
            jax.ShapeDtypeStruct((NP4, 128), jnp.float32),
            jax.ShapeDtypeStruct((NP4, 128), jnp.bfloat16),
        ],
    )(degp_pk, h1lin_p)


def _tc_layer_body(aggp_ref, hs_ref, dinv_ref, b_ref, w_ref, h_ref, hsn_ref):
    dinv = dinv_ref[...]
    agg = (aggp_ref[0].astype(jnp.float32) + aggp_ref[1].astype(jnp.float32)
           + hs_ref[...].astype(jnp.float32))
    h = jnp.tanh(dinv * agg + b_ref[...])
    h_ref[...] = h
    hsn_ref[...] = (dinv * jnp.dot(h, w_ref[...],
                                   preferred_element_type=jnp.float32)
                    ).astype(jnp.bfloat16)


def _tc_layer(aggp_pk, hs_p, dinv_p, b128, w_bd):
    return pl.pallas_call(
        _tc_layer_body,
        grid=(GRID,),
        in_specs=[
            pl.BlockSpec((2, BNP, 128), lambda i: (0, i, 0)),
            pl.BlockSpec((BNP, 128), lambda i: (i, 0)),
            pl.BlockSpec((BNP, 128), lambda i: (i, 0)),
            pl.BlockSpec((1, 128), lambda i: (0, 0)),
            pl.BlockSpec((128, 128), lambda i: (0, 0)),
        ],
        out_specs=[
            pl.BlockSpec((BNP, 128), lambda i: (i, 0)),
            pl.BlockSpec((BNP, 128), lambda i: (i, 0)),
        ],
        out_shape=[
            jax.ShapeDtypeStruct((NP4, 128), jnp.float32),
            jax.ShapeDtypeStruct((NP4, 128), jnp.bfloat16),
        ],
    )(aggp_pk, hs_p, dinv_p, b128, w_bd)


def _tc_head_body(aggp_ref, hs3_ref, dinv_ref, b3_ref, h1_ref, h2_ref,
                  batch4_ref, bprev4_ref, l1w_ref, l1b_ref, l2w_ref, l2b_ref,
                  out_ref, acc_ref):
    j = pl.program_id(0)

    @pl.when(j == 0)
    def _init():
        acc_ref[...] = jnp.zeros_like(acc_ref)

    dinv = dinv_ref[...]
    agg = (aggp_ref[0].astype(jnp.float32) + aggp_ref[1].astype(jnp.float32)
           + hs3_ref[...].astype(jnp.float32))
    h3 = jnp.tanh(dinv * agg + b3_ref[...])
    gids = lax.broadcasted_iota(jnp.int32, (BNP, N_GRAPHS), 1)
    cols = []
    for h_p in (h1_ref[...], h2_ref[...], h3):
        col = jnp.zeros((N_GRAPHS, 32), jnp.float32)
        for a in range(4):
            ba = batch4_ref[:, a:a + 1]
            pa = bprev4_ref[:, a:a + 1]
            sel = ((ba == gids) & (pa != gids)).astype(jnp.float32)
            col = col + lax.dot_general(
                sel, h_p[:, 32 * a:32 * a + 32], (((0,), (0,)), ((), ())),
                preferred_element_type=jnp.float32)
        cols.append(col)
    acc_ref[...] += jnp.concatenate(cols, axis=1)

    @pl.when(j == pl.num_programs(0) - 1)
    def _finish():
        g = acc_ref[...]
        hid = jnp.maximum(
            jnp.dot(g, l1w_ref[...], preferred_element_type=jnp.float32)
            + l1b_ref[...], 0.0)
        logits = (jnp.dot(hid, l2w_ref[...], preferred_element_type=jnp.float32)
                  + l2b_ref[...])
        m = jnp.max(logits, axis=1, keepdims=True)
        lse = m + jnp.log(jnp.sum(jnp.exp(logits - m), axis=1, keepdims=True))
        out_ref[...] = logits - lse


def _tc_head(aggp_pk, hs3_p, dinv_p, b3_128, h1_p, h2_p, batch4, bprev4,
             l1w, l1b, l2w, l2b):
    return pl.pallas_call(
        _tc_head_body,
        grid=(GRID,),
        in_specs=[
            pl.BlockSpec((2, BNP, 128), lambda i: (0, i, 0)),
            pl.BlockSpec((BNP, 128), lambda i: (i, 0)),
            pl.BlockSpec((BNP, 128), lambda i: (i, 0)),
            pl.BlockSpec((1, 128), lambda i: (0, 0)),
            pl.BlockSpec((BNP, 128), lambda i: (i, 0)),
            pl.BlockSpec((BNP, 128), lambda i: (i, 0)),
            pl.BlockSpec((BNP, 4), lambda i: (i, 0)),
            pl.BlockSpec((BNP, 4), lambda i: (i, 0)),
            pl.BlockSpec((96, 128), lambda i: (0, 0)),
            pl.BlockSpec((1, 128), lambda i: (0, 0)),
            pl.BlockSpec((128, 2), lambda i: (0, 0)),
            pl.BlockSpec((1, 2), lambda i: (0, 0)),
        ],
        out_specs=pl.BlockSpec((N_GRAPHS, 2), lambda i: (0, 0)),
        out_shape=jax.ShapeDtypeStruct((N_GRAPHS, 2), jnp.float32),
        scratch_shapes=[pltpu.VMEM((N_GRAPHS, 96), jnp.float32)],
    )(aggp_pk, hs3_p, dinv_p, b3_128, h1_p, h2_p, batch4, bprev4,
      l1w, l1b, l2w, l2b)


def _block_diag4(w):
    z = jnp.zeros((128, 128), jnp.float32)
    for a in range(4):
        z = z.at[32 * a:32 * a + 32, 32 * a:32 * a + 32].set(w)
    return z


def kernel(x, edge_index, batch, W1, b1, W2, b2, W3, b3,
           lin1_W, lin1_b, lin2_W, lin2_b):
    e3 = edge_index.reshape(2, EC, CHUNK)
    x2 = jnp.pad(x, ((0, NPAD - N_NODES), (0, 0))).reshape(NP4, 4 * D_FEAT)
    batchp = jnp.pad(batch, (0, NPAD - N_NODES), constant_values=N_GRAPHS)
    bprev = jnp.concatenate([jnp.full((1,), -1, jnp.int32), batchp[:-1]])
    batch4 = batchp.reshape(NP4, 4)
    bprev4 = bprev.reshape(NP4, 4)
    zeros_chunk = jnp.zeros((CHUNK, 32), jnp.bfloat16)
    zeros_f32 = jnp.zeros((CHUNK, 32), jnp.float32)
    ones32 = jnp.ones((CHUNK, 32), jnp.float32)
    w1bd = jnp.zeros((4 * D_FEAT, 128), jnp.float32)
    for a in range(4):
        w1bd = w1bd.at[D_FEAT * a:D_FEAT * (a + 1), 32 * a:32 * a + 32].set(W1)
    w2bd = _block_diag4(W2)
    w3bd = _block_diag4(W3)
    b1_128 = jnp.tile(b1, 4).reshape(1, 128)
    b2_128 = jnp.tile(b2, 4).reshape(1, 128)
    b3_128 = jnp.tile(b3, 4).reshape(1, 128)
    l1b = lin1_b.reshape(1, 128)
    l2b = lin2_b.reshape(1, 2)

    degp = _get_sc_deg()(e3, zeros_f32, ones32)
    h1lin_p = _tc_xw(x2, w1bd)

    dinv_p, hs1_p = _tc_dinv_hs1(degp.reshape(2, NP4, 128), h1lin_p)
    agg1 = _get_sc_agg()(e3, hs1_p.reshape(NPAD, 32), zeros_chunk)
    h1_p, hs2_p = _tc_layer(agg1.reshape(2, NP4, 128), hs1_p, dinv_p,
                            b1_128, w2bd)

    agg2 = _get_sc_agg()(e3, hs2_p.reshape(NPAD, 32), zeros_chunk)
    h2_p, hs3_p = _tc_layer(agg2.reshape(2, NP4, 128), hs2_p, dinv_p,
                            b2_128, w3bd)

    agg3 = _get_sc_agg()(e3, hs3_p.reshape(NPAD, 32), zeros_chunk)
    return _tc_head(agg3.reshape(2, NP4, 128), hs3_p, dinv_p, b3_128,
                    h1_p, h2_p, batch4, bprev4, lin1_W, l1b, lin2_W, l2b)

# --- scband reference (transcript-rebuilt; emitter-appended) ---
"""Pipeline reference for scband-base-net-12601434046511 (READ-ONLY COPY).

The authoritative reference and input builder live on the scoring server;
editing this copy changes nothing except your own understanding.
"""

import jax, jax.numpy as jnp
import numpy as np

N_NODES = 10000
N_EDGES = 320000
D_FEAT = 128
LATENT = [32, 32, 32]
HIDDEN = 128
N_GRAPHS = 64


def gcn_conv(x, edge_index, W, b):
    # Faithful PyG GCNConv: add self-loops, symmetric normalization, x @ W, scatter-add, + bias
    N = x.shape[0]
    loop = jnp.arange(N, dtype=edge_index.dtype)
    src = jnp.concatenate([edge_index[0], loop])
    dst = jnp.concatenate([edge_index[1], loop])
    ew = jnp.ones(src.shape[0], dtype=x.dtype)
    deg = jnp.zeros(N, dtype=x.dtype).at[dst].add(ew)
    dinv = jnp.where(deg > 0, jax.lax.rsqrt(jnp.maximum(deg, 1e-12)), 0.0)
    norm = dinv[src] * dinv[dst]
    h = x @ W
    msg = h[src] * norm[:, None]
    out = jnp.zeros((N, W.shape[1]), dtype=x.dtype).at[dst].add(msg)
    return out + b


def setup_inputs(seed: int = 0) -> dict:
    key = jax.random.key(seed)
    ks = jax.random.split(key, 16)
    x = jax.random.normal(ks[0], (N_NODES, D_FEAT), dtype=jnp.float32)
    edge_index = jax.random.randint(ks[1], (2, N_EDGES), 0, N_NODES, dtype=jnp.int32)
    # sorted graph-assignment vector; guarantee all 64 graphs present
    batch = jnp.sort(jnp.concatenate([
        jnp.arange(N_GRAPHS, dtype=jnp.int32),
        jax.random.randint(ks[2], (N_NODES - N_GRAPHS,), 0, N_GRAPHS, dtype=jnp.int32),
    ]))
    def lin_init(k, fan_in, fan_out):
        s = 1.0 / np.sqrt(fan_in)
        return jax.random.uniform(k, (fan_in, fan_out), jnp.float32, -s, s)
    W1 = lin_init(ks[3], D_FEAT, LATENT[0]); b1 = jnp.zeros((LATENT[0],), jnp.float32)
    W2 = lin_init(ks[4], LATENT[0], LATENT[1]); b2 = jnp.zeros((LATENT[1],), jnp.float32)
    W3 = lin_init(ks[5], LATENT[1], LATENT[2]); b3 = jnp.zeros((LATENT[2],), jnp.float32)
    cat_dim = sum(LATENT)
    lin1_W = lin_init(ks[6], cat_dim, HIDDEN)
    lin1_b = jax.random.uniform(ks[7], (HIDDEN,), jnp.float32, -1.0/np.sqrt(cat_dim), 1.0/np.sqrt(cat_dim))
    lin2_W = lin_init(ks[8], HIDDEN, 2)
    lin2_b = jax.random.uniform(ks[9], (2,), jnp.float32, -1.0/np.sqrt(HIDDEN), 1.0/np.sqrt(HIDDEN))
    return {"x": x, "edge_index": edge_index, "batch": batch,
            "W1": W1, "b1": b1, "W2": W2, "b2": b2, "W3": W3, "b3": b3,
            "lin1_W": lin1_W, "lin1_b": lin1_b, "lin2_W": lin2_W, "lin2_b": lin2_b}


def reference(x, edge_index, batch, W1, b1, W2, b2, W3, b3, lin1_W, lin1_b, lin2_W, lin2_b):
    h1 = jnp.tanh(gcn_conv(x, edge_index, W1, b1))
    h2 = jnp.tanh(gcn_conv(h1, edge_index, W2, b2))
    h3 = jnp.tanh(gcn_conv(h2, edge_index, W3, b3))
    cat = jnp.concatenate([h1, h2, h3], axis=1)
    # first-node-per-graph selection: (batch == i).nonzero()[0] for each unique graph id
    _, first_idx = jnp.unique(batch, return_index=True, size=N_GRAPHS)
    g = cat[first_idx, :]
    hidden = g @ lin1_W + lin1_b
    hidden = jax.nn.relu(hidden)
    logits = hidden @ lin2_W + lin2_b
    logits = jax.nn.log_softmax(logits, axis=1)
    return logits

if __name__ == "__main__":
    import jax
    _d = setup_inputs()
    print(jax.jit(kernel)(*tuple(_d.values())))

</pallas_src>

<mosaic_0001>
#map = affine_map<(d0, d1) -> (0, 0, 0)>
#map1 = affine_map<(d0, d1) -> (0, 0)>
module attributes {stable_mosaic.version = 14 : i64} {
  func.func @_sc_deg(%arg0: i32, %arg1: i32, %arg2: memref<2x2500x128xi32, #tpu.memory_space<hbm>>, %arg3: memref<128x32xf32, #tpu.memory_space<hbm>>, %arg4: memref<128x32xf32, #tpu.memory_space<hbm>>, %arg5: memref<2x10240x32xf32, #tpu.memory_space<hbm>>, %arg6: memref<79x128xi32, #tpu.memory_space<vmem>>, %arg7: memref<128x32xf32, #tpu.memory_space<vmem>>, %arg8: memref<10240x32xf32, #tpu.memory_space<vmem_shared>>, %arg9: memref<!tpu.dma_semaphore, #tpu.memory_space<semaphore_mem>>, %arg10: memref<!tpu.dma_semaphore, #tpu.memory_space<semaphore_mem>>) attributes {dimension_semantics = [#tpu.dimension_semantics<core_parallel>, #tpu.dimension_semantics<subcore_parallel>], iteration_bounds = array<i64: 2, 16>, scalar_prefetch = 0 : i64, scratch_operands = 5 : i64, tpu.core_type = #tpu.core_type<sc_vector_subcore>, window_params = [{transform_indices = #map}, {transform_indices = #map1}, {transform_indices = #map1}, {transform_indices = #map}]} {
    %mul3A = arith.constant 2 : i32
    %mul3A_0 = arith.muli %arg1, %mul3A : i32
    %add3A = arith.addi %mul3A_0, %arg0 : i32
    %mul3A_1 = arith.constant 640 : i32
    %mul3A_2 = arith.muli %arg1, %mul3A_1 : i32
    %mul3A_3 = arith.constant 78 : i32
    %mul3A_4 = arith.muli %add3A, %mul3A_3 : i32
    %min3A = arith.constant 4 : i32
    %min3A_5 = arith.minsi %add3A, %min3A : i32
    %add3A_6 = arith.addi %mul3A_4, %min3A_5 : i32
    %add3A_7 = arith.constant 0 : i32
    %add3A_8 = arith.addi %mul3A_2, %add3A_7 : i32
    %dma_start3A = arith.constant 0 : i32
    %dma_start3A_9 = tpu.memref_slice %arg8[%add3A_8, %dma_start3A] : memref<10240x32xf32, #tpu.memory_space<vmem_shared>> -> memref<128x32xf32, #tpu.memory_space<vmem_shared>>
    tpu.enqueue_dma source(%arg3 : memref<128x32xf32, #tpu.memory_space<hbm>>) target(%dma_start3A_9 : memref<128x32xf32, #tpu.memory_space<vmem_shared>>) target_semaphore(%arg10 : memref<!tpu.dma_semaphore, #tpu.memory_space<semaphore_mem>>)
    %add3A_10 = arith.constant 128 : i32
    %add3A_11 = arith.addi %mul3A_2, %add3A_10 : i32
    %dma_start3A_12 = arith.constant 0 : i32
    %dma_start3A_13 = tpu.memref_slice %arg8[%add3A_11, %dma_start3A_12] : memref<10240x32xf32, #tpu.memory_space<vmem_shared>> -> memref<128x32xf32, #tpu.memory_space<vmem_shared>>
    tpu.enqueue_dma source(%arg3 : memref<128x32xf32, #tpu.memory_space<hbm>>) target(%dma_start3A_13 : memref<128x32xf32, #tpu.memory_space<vmem_shared>>) target_semaphore(%arg10 : memref<!tpu.dma_semaphore, #tpu.memory_space<semaphore_mem>>)
    %add3A_14 = arith.constant 256 : i32
    %add3A_15 = arith.addi %mul3A_2, %add3A_14 : i32
    %dma_start3A_16 = arith.constant 0 : i32
    %dma_start3A_17 = tpu.memref_slice %arg8[%add3A_15, %dma_start3A_16] : memref<10240x32xf32, #tpu.memory_space<vmem_shared>> -> memref<128x32xf32, #tpu.memory_space<vmem_shared>>
    tpu.enqueue_dma source(%arg3 : memref<128x32xf32, #tpu.memory_space<hbm>>) target(%dma_start3A_17 : memref<128x32xf32, #tpu.memory_space<vmem_shared>>) target_semaphore(%arg10 : memref<!tpu.dma_semaphore, #tpu.memory_space<semaphore_mem>>)
    %add3A_18 = arith.constant 384 : i32
    %add3A_19 = arith.addi %mul3A_2, %add3A_18 : i32
    %dma_start3A_20 = arith.constant 0 : i32
    %dma_start3A_21 = tpu.memref_slice %arg8[%add3A_19, %dma_start3A_20] : memref<10240x32xf32, #tpu.memory_space<vmem_shared>> -> memref<128x32xf32, #tpu.memory_space<vmem_shared>>
    tpu.enqueue_dma source(%arg3 : memref<128x32xf32, #tpu.memory_space<hbm>>) target(%dma_start3A_21 : memref<128x32xf32, #tpu.memory_space<vmem_shared>>) target_semaphore(%arg10 : memref<!tpu.dma_semaphore, #tpu.memory_space<semaphore_mem>>)
    %add3A_22 = arith.constant 512 : i32
    %add3A_23 = arith.addi %mul3A_2, %add3A_22 : i32
    %dma_start3A_24 = arith.constant 0 : i32
    %dma_start3A_25 = tpu.memref_slice %arg8[%add3A_23, %dma_start3A_24] : memref<10240x32xf32, #tpu.memory_space<vmem_shared>> -> memref<128x32xf32, #tpu.memory_space<vmem_shared>>
    tpu.enqueue_dma source(%arg3 : memref<128x32xf32, #tpu.memory_space<hbm>>) target(%dma_start3A_25 : memref<128x32xf32, #tpu.memory_space<vmem_shared>>) target_semaphore(%arg10 : memref<!tpu.dma_semaphore, #tpu.memory_space<semaphore_mem>>)
    %dma_start3A_26 = arith.constant 1 : i32
    %dma_start3A_27 = arith.constant 0 : i32
    %dma_start3A_28 = arith.constant 0 : i32
    %dma_start3A_29 = tpu.memref_slice %arg6[%dma_start3A_27, %dma_start3A_28] : memref<79x128xi32, #tpu.memory_space<vmem>> -> memref<78x128xi32, #tpu.memory_space<vmem>>
    %dma_start3A_30 = arith.constant 0 : i32
    %dma_start3A_31 = tpu.memref_slice %arg2[%dma_start3A_26, %add3A_6, %dma_start3A_30] : memref<2x2500x128xi32, #tpu.memory_space<hbm>> -> memref<1x78x128xi32, #tpu.memory_space<hbm>>
    %dma_start3A_32 = tpu.memref_squeeze %dma_start3A_31 : memref<1x78x128xi32, #tpu.memory_space<hbm>> -> memref<78x128xi32, #tpu.memory_space<hbm>>
    %dma_start3A_33 = arith.constant 0 : i32
    %dma_start3A_34 = arith.constant 0 : i32
    %dma_start3A_35 = tpu.memref_slice %arg6[%dma_start3A_33, %dma_start3A_34] : memref<79x128xi32, #tpu.memory_space<vmem>> -> memref<78x128xi32, #tpu.memory_space<vmem>>
    %dma_start3A_36 = arith.constant 0 : i32
    %dma_start3A_37 = tpu.memref_slice %arg2[%dma_start3A_26, %add3A_6, %dma_start3A_36] : memref<2x2500x128xi32, #tpu.memory_space<hbm>> -> memref<1x78x128xi32, #tpu.memory_space<hbm>>
    %dma_start3A_38 = tpu.memref_squeeze %dma_start3A_37 : memref<1x78x128xi32, #tpu.memory_space<hbm>> -> memref<78x128xi32, #tpu.memory_space<hbm>>
    tpu.enqueue_dma source(%dma_start3A_38 : memref<78x128xi32, #tpu.memory_space<hbm>>) target(%dma_start3A_35 : memref<78x128xi32, #tpu.memory_space<vmem>>) target_semaphore(%arg9 : memref<!tpu.dma_semaphore, #tpu.memory_space<semaphore_mem>>)
    "tpu.region"() ({
      %run_scoped3A = tpu.sem_alloc : memref<!tpu.dma_semaphore, #tpu.memory_space<semaphore_mem>>
      tpu.enqueue_dma source(%arg4 : memref<128x32xf32, #tpu.memory_space<hbm>>) target(%arg7 : memref<128x32xf32, #tpu.memory_space<vmem>>) target_semaphore(%run_scoped3A : memref<!tpu.dma_semaphore, #tpu.memory_space<semaphore_mem>>)
      tpu.wait_dma2 semaphore(%run_scoped3A : memref<!tpu.dma_semaphore, #tpu.memory_space<semaphore_mem>>) src(%arg4 : memref<128x32xf32, #tpu.memory_space<hbm>>) dst(%arg7 : memref<128x32xf32, #tpu.memory_space<vmem>>)
      tpu.yield
    }) : () -> ()
    %dma_wait3A = arith.constant 0 : i32
    %dma_wait3A_39 = tpu.memref_slice %arg8[%add3A_8, %dma_wait3A] : memref<10240x32xf32, #tpu.memory_space<vmem_shared>> -> memref<128x32xf32, #tpu.memory_space<vmem_shared>>
    tpu.wait_dma2 semaphore(%arg10 : memref<!tpu.dma_semaphore, #tpu.memory_space<semaphore_mem>>) src(%arg3 : memref<128x32xf32, #tpu.memory_space<hbm>>) dst(%dma_wait3A_39 : memref<128x32xf32, #tpu.memory_space<vmem_shared>>)
    %dma_wait3A_40 = arith.constant 0 : i32
    %dma_wait3A_41 = tpu.memref_slice %arg8[%add3A_11, %dma_wait3A_40] : memref<10240x32xf32, #tpu.memory_space<vmem_shared>> -> memref<128x32xf32, #tpu.memory_space<vmem_shared>>
    tpu.wait_dma2 semaphore(%arg10 : memref<!tpu.dma_semaphore, #tpu.memory_space<semaphore_mem>>) src(%arg3 : memref<128x32xf32, #tpu.memory_space<hbm>>) dst(%dma_wait3A_41 : memref<128x32xf32, #tpu.memory_space<vmem_shared>>)
    %dma_wait3A_42 = arith.constant 0 : i32
    %dma_wait3A_43 = tpu.memref_slice %arg8[%add3A_15, %dma_wait3A_42] : memref<10240x32xf32, #tpu.memory_space<vmem_shared>> -> memref<128x32xf32, #tpu.memory_space<vmem_shared>>
    tpu.wait_dma2 semaphore(%arg10 : memref<!tpu.dma_semaphore, #tpu.memory_space<semaphore_mem>>) src(%arg3 : memref<128x32xf32, #tpu.memory_space<hbm>>) dst(%dma_wait3A_43 : memref<128x32xf32, #tpu.memory_space<vmem_shared>>)
    %dma_wait3A_44 = arith.constant 0 : i32
    %dma_wait3A_45 = tpu.memref_slice %arg8[%add3A_19, %dma_wait3A_44] : memref<10240x32xf32, #tpu.memory_space<vmem_shared>> -> memref<128x32xf32, #tpu.memory_space<vmem_shared>>
    tpu.wait_dma2 semaphore(%arg10 : memref<!tpu.dma_semaphore, #tpu.memory_space<semaphore_mem>>) src(%arg3 : memref<128x32xf32, #tpu.memory_space<hbm>>) dst(%dma_wait3A_45 : memref<128x32xf32, #tpu.memory_space<vmem_shared>>)
    %dma_wait3A_46 = arith.constant 0 : i32
    %dma_wait3A_47 = tpu.memref_slice %arg8[%add3A_23, %dma_wait3A_46] : memref<10240x32xf32, #tpu.memory_space<vmem_shared>> -> memref<128x32xf32, #tpu.memory_space<vmem_shared>>
    tpu.wait_dma2 semaphore(%arg10 : memref<!tpu.dma_semaphore, #tpu.memory_space<semaphore_mem>>) src(%arg3 : memref<128x32xf32, #tpu.memory_space<hbm>>) dst(%dma_wait3A_47 : memref<128x32xf32, #tpu.memory_space<vmem_shared>>)
    %dma_wait3A_48 = arith.constant 1 : i32
    %dma_wait3A_49 = arith.constant 0 : i32
    %dma_wait3A_50 = arith.constant 0 : i32
    %dma_wait3A_51 = tpu.memref_slice %arg6[%dma_wait3A_49, %dma_wait3A_50] : memref<79x128xi32, #tpu.memory_space<vmem>> -> memref<78x128xi32, #tpu.memory_space<vmem>>
    %dma_wait3A_52 = arith.constant 0 : i32
    %dma_wait3A_53 = tpu.memref_slice %arg2[%dma_wait3A_48, %add3A_6, %dma_wait3A_52] : memref<2x2500x128xi32, #tpu.memory_space<hbm>> -> memref<1x78x128xi32, #tpu.memory_space<hbm>>
    %dma_wait3A_54 = tpu.memref_squeeze %dma_wait3A_53 : memref<1x78x128xi32, #tpu.memory_space<hbm>> -> memref<78x128xi32, #tpu.memory_space<hbm>>
    %dma_wait3A_55 = arith.constant 0 : i32
    %dma_wait3A_56 = arith.constant 0 : i32
    %dma_wait3A_57 = tpu.memref_slice %arg6[%dma_wait3A_55, %dma_wait3A_56] : memref<79x128xi32, #tpu.memory_space<vmem>> -> memref<78x128xi32, #tpu.memory_space<vmem>>
    %dma_wait3A_58 = arith.constant 0 : i32
    %dma_wait3A_59 = tpu.memref_slice %arg2[%dma_wait3A_48, %add3A_6, %dma_wait3A_58] : memref<2x2500x128xi32, #tpu.memory_space<hbm>> -> memref<1x78x128xi32, #tpu.memory_space<hbm>>
    %dma_wait3A_60 = tpu.memref_squeeze %dma_wait3A_59 : memref<1x78x128xi32, #tpu.memory_space<hbm>> -> memref<78x128xi32, #tpu.memory_space<hbm>>
    tpu.wait_dma2 semaphore(%arg9 : memref<!tpu.dma_semaphore, #tpu.memory_space<semaphore_mem>>) src(%dma_wait3A_60 : memref<78x128xi32, #tpu.memory_space<hbm>>) dst(%dma_wait3A_57 : memref<78x128xi32, #tpu.memory_space<vmem>>)
    %lt3A = arith.constant 4 : i32
    %lt3A_61 = arith.cmpi slt, %add3A, %lt3A : i32
    %convert_element_type3A = arith.extui %lt3A_61 : i1 to i32
    %cond3A = arith.constant 0 : i32
    %cond3A_62 = arith.cmpi ne, %convert_element_type3A, %cond3A : i32
    scf.if %cond3A_62 {
      %add3A_134 = arith.constant 78 : i32
      %add3A_135 = arith.addi %add3A_6, %add3A_134 : i32
      %run_scoped3A = arith.constant 1 : i32
      "tpu.region"() ({
        %run_scoped3A_136 = tpu.sem_alloc : memref<!tpu.dma_semaphore, #tpu.memory_space<semaphore_mem>>
        %dma_start3A_137 = arith.constant 78 : i32
        %dma_start3A_138 = arith.constant 0 : i32
        %dma_start3A_139 = tpu.memref_slice %arg6[%dma_start3A_137, %dma_start3A_138] : memref<79x128xi32, #tpu.memory_space<vmem>> -> memref<1x128xi32, #tpu.memory_space<vmem>>
        %dma_start3A_140 = arith.constant 0 : i32
        %dma_start3A_141 = tpu.memref_slice %arg2[%run_scoped3A, %add3A_135, %dma_start3A_140] : memref<2x2500x128xi32, #tpu.memory_space<hbm>> -> memref<1x1x128xi32, #tpu.memory_space<hbm>>
        %dma_start3A_142 = tpu.memref_squeeze %dma_start3A_141 : memref<1x1x128xi32, #tpu.memory_space<hbm>> -> memref<1x128xi32, #tpu.memory_space<hbm>>
        %dma_start3A_143 = arith.constant 78 : i32
        %dma_start3A_144 = arith.constant 0 : i32
        %dma_start3A_145 = tpu.memref_slice %arg6[%dma_start3A_143, %dma_start3A_144] : memref<79x128xi32, #tpu.memory_space<vmem>> -> memref<1x128xi32, #tpu.memory_space<vmem>>
        %dma_start3A_146 = arith.constant 0 : i32
        %dma_start3A_147 = tpu.memref_slice %arg2[%run_scoped3A, %add3A_135, %dma_start3A_146] : memref<2x2500x128xi32, #tpu.memory_space<hbm>> -> memref<1x1x128xi32, #tpu.memory_space<hbm>>
        %dma_start3A_148 = tpu.memref_squeeze %dma_start3A_147 : memref<1x1x128xi32, #tpu.memory_space<hbm>> -> memref<1x128xi32, #tpu.memory_space<hbm>>
        tpu.enqueue_dma source(%dma_start3A_148 : memref<1x128xi32, #tpu.memory_space<hbm>>) target(%dma_start3A_145 : memref<1x128xi32, #tpu.memory_space<vmem>>) target_semaphore(%run_scoped3A_136 : memref<!tpu.dma_semaphore, #tpu.memory_space<semaphore_mem>>)
        %dma_wait3A_149 = arith.constant 78 : i32
        %dma_wait3A_150 = arith.constant 0 : i32
        %dma_wait3A_151 = tpu.memref_slice %arg6[%dma_wait3A_149, %dma_wait3A_150] : memref<79x128xi32, #tpu.memory_space<vmem>> -> memref<1x128xi32, #tpu.memory_space<vmem>>
        %dma_wait3A_152 = arith.constant 0 : i32
        %dma_wait3A_153 = tpu.memref_slice %arg2[%run_scoped3A, %add3A_135, %dma_wait3A_152] : memref<2x2500x128xi32, #tpu.memory_space<hbm>> -> memref<1x1x128xi32, #tpu.memory_space<hbm>>
        %dma_wait3A_154 = tpu.memref_squeeze %dma_wait3A_153 : memref<1x1x128xi32, #tpu.memory_space<hbm>> -> memref<1x128xi32, #tpu.memory_space<hbm>>
        %dma_wait3A_155 = arith.constant 78 : i32
        %dma_wait3A_156 = arith.constant 0 : i32
        %dma_wait3A_157 = tpu.memref_slice %arg6[%dma_wait3A_155, %dma_wait3A_156] : memref<79x128xi32, #tpu.memory_space<vmem>> -> memref<1x128xi32, #tpu.memory_space<vmem>>
        %dma_wait3A_158 = arith.constant 0 : i32
        %dma_wait3A_159 = tpu.memref_slice %arg2[%run_scoped3A, %add3A_135, %dma_wait3A_158] : memref<2x2500x128xi32, #tpu.memory_space<hbm>> -> memref<1x1x128xi32, #tpu.memory_space<hbm>>
        %dma_wait3A_160 = tpu.memref_squeeze %dma_wait3A_159 : memref<1x1x128xi32, #tpu.memory_space<hbm>> -> memref<1x128xi32, #tpu.memory_space<hbm>>
        tpu.wait_dma2 semaphore(%run_scoped3A_136 : memref<!tpu.dma_semaphore, #tpu.memory_space<semaphore_mem>>) src(%dma_wait3A_160 : memref<1x128xi32, #tpu.memory_space<hbm>>) dst(%dma_wait3A_157 : memref<1x128xi32, #tpu.memory_space<vmem>>)
        tpu.yield
      }) : () -> ()
    } else {
    }
    %barrier3A = arith.constant 0 : index
    tpu.barrier barrier_id(%barrier3A)
    %scan3A = arith.constant 0 : i32
    %scan3A_63 = arith.constant 0 : i32
    %scan3A_64 = arith.constant 13 : i32
    %scan3A_65 = arith.addi %scan3A_63, %scan3A_64 : i32
    %scan3A_66 = arith.constant 1 : i32
    scf.for %scan3A_134 = %scan3A_63 to %scan3A_65 step %scan3A_66  : i32 {
      %mul3A_135 = arith.constant 6 : i32
      %mul3A_136 = arith.muli %scan3A_134, %mul3A_135 : i32
      %add3A_137 = arith.constant 0 : i32
      %add3A_138 = arith.addi %mul3A_136, %add3A_137 : i32
      %dma_start3A_139 = arith.constant 0 : i32
      %dma_start3A_140 = tpu.memref_slice %arg6[%add3A_138, %dma_start3A_139] : memref<79x128xi32, #tpu.memory_space<vmem>> -> memref<1x128xi32, #tpu.memory_space<vmem>>
      %dma_start3A_141 = tpu.memref_squeeze %dma_start3A_140 : memref<1x128xi32, #tpu.memory_space<vmem>> -> memref<128xi32, #tpu.memory_space<vmem>>
      %dma_start3A_142 = arith.constant 0 : i32
      %dma_start3A_143 = arith.constant 0 : i32
      %dma_start3A_144 = tpu.memref_slice %arg8[%dma_start3A_142, %dma_start3A_143] : memref<10240x32xf32, #tpu.memory_space<vmem_shared>> -> memref<10240x32xf32, #tpu.memory_space<vmem_shared>>
      tpu.enqueue_indirect_dma source(%arg7 : memref<128x32xf32, #tpu.memory_space<vmem>>) target(%dma_start3A_144 : memref<10240x32xf32, #tpu.memory_space<vmem_shared>>) offsets(%dma_start3A_141 : memref<128xi32, #tpu.memory_space<vmem>>) semaphore(%arg9 : memref<!tpu.dma_semaphore, #tpu.memory_space<semaphore_mem>>) {add = true}
      %add3A_145 = arith.constant 1 : i32
      %add3A_146 = arith.addi %mul3A_136, %add3A_145 : i32
      %dma_start3A_147 = arith.constant 0 : i32
      %dma_start3A_148 = tpu.memref_slice %arg6[%add3A_146, %dma_start3A_147] : memref<79x128xi32, #tpu.memory_space<vmem>> -> memref<1x128xi32, #tpu.memory_space<vmem>>
      %dma_start3A_149 = tpu.memref_squeeze %dma_start3A_148 : memref<1x128xi32, #tpu.memory_space<vmem>> -> memref<128xi32, #tpu.memory_space<vmem>>
      %dma_start3A_150 = arith.constant 0 : i32
      %dma_start3A_151 = arith.constant 0 : i32
      %dma_start3A_152 = tpu.memref_slice %arg8[%dma_start3A_150, %dma_start3A_151] : memref<10240x32xf32, #tpu.memory_space<vmem_shared>> -> memref<10240x32xf32, #tpu.memory_space<vmem_shared>>
      tpu.enqueue_indirect_dma source(%arg7 : memref<128x32xf32, #tpu.memory_space<vmem>>) target(%dma_start3A_152 : memref<10240x32xf32, #tpu.memory_space<vmem_shared>>) offsets(%dma_start3A_149 : memref<128xi32, #tpu.memory_space<vmem>>) semaphore(%arg9 : memref<!tpu.dma_semaphore, #tpu.memory_space<semaphore_mem>>) {add = true}
      %add3A_153 = arith.constant 2 : i32
      %add3A_154 = arith.addi %mul3A_136, %add3A_153 : i32
      %dma_start3A_155 = arith.constant 0 : i32
      %dma_start3A_156 = tpu.memref_slice %arg6[%add3A_154, %dma_start3A_155] : memref<79x128xi32, #tpu.memory_space<vmem>> -> memref<1x128xi32, #tpu.memory_space<vmem>>
      %dma_start3A_157 = tpu.memref_squeeze %dma_start3A_156 : memref<1x128xi32, #tpu.memory_space<vmem>> -> memref<128xi32, #tpu.memory_space<vmem>>
      %dma_start3A_158 = arith.constant 0 : i32
      %dma_start3A_159 = arith.constant 0 : i32
      %dma_start3A_160 = tpu.memref_slice %arg8[%dma_start3A_158, %dma_start3A_159] : memref<10240x32xf32, #tpu.memory_space<vmem_shared>> -> memref<10240x32xf32, #tpu.memory_space<vmem_shared>>
      tpu.enqueue_indirect_dma source(%arg7 : memref<128x32xf32, #tpu.memory_space<vmem>>) target(%dma_start3A_160 : memref<10240x32xf32, #tpu.memory_space<vmem_shared>>) offsets(%dma_start3A_157 : memref<128xi32, #tpu.memory_space<vmem>>) semaphore(%arg9 : memref<!tpu.dma_semaphore, #tpu.memory_space<semaphore_mem>>) {add = true}
      %add3A_161 = arith.constant 3 : i32
      %add3A_162 = arith.addi %mul3A_136, %add3A_161 : i32
      %dma_start3A_163 = arith.constant 0 : i32
      %dma_start3A_164 = tpu.memref_slice %arg6[%add3A_162, %dma_start3A_163] : memref<79x128xi32, #tpu.memory_space<vmem>> -> memref<1x128xi32, #tpu.memory_space<vmem>>
      %dma_start3A_165 = tpu.memref_squeeze %dma_start3A_164 : memref<1x128xi32, #tpu.memory_space<vmem>> -> memref<128xi32, #tpu.memory_space<vmem>>
      %dma_start3A_166 = arith.constant 0 : i32
      %dma_start3A_167 = arith.constant 0 : i32
      %dma_start3A_168 = tpu.memref_slice %arg8[%dma_start3A_166, %dma_start3A_167] : memref<10240x32xf32, #tpu.memory_space<vmem_shared>> -> memref<10240x32xf32, #tpu.memory_space<vmem_shared>>
      tpu.enqueue_indirect_dma source(%arg7 : memref<128x32xf32, #tpu.memory_space<vmem>>) target(%dma_start3A_168 : memref<10240x32xf32, #tpu.memory_space<vmem_shared>>) offsets(%dma_start3A_165 : memref<128xi32, #tpu.memory_space<vmem>>) semaphore(%arg9 : memref<!tpu.dma_semaphore, #tpu.memory_space<semaphore_mem>>) {add = true}
      %add3A_169 = arith.constant 4 : i32
      %add3A_170 = arith.addi %mul3A_136, %add3A_169 : i32
      %dma_start3A_171 = arith.constant 0 : i32
      %dma_start3A_172 = tpu.memref_slice %arg6[%add3A_170, %dma_start3A_171] : memref<79x128xi32, #tpu.memory_space<vmem>> -> memref<1x128xi32, #tpu.memory_space<vmem>>
      %dma_start3A_173 = tpu.memref_squeeze %dma_start3A_172 : memref<1x128xi32, #tpu.memory_space<vmem>> -> memref<128xi32, #tpu.memory_space<vmem>>
      %dma_start3A_174 = arith.constant 0 : i32
      %dma_start3A_175 = arith.constant 0 : i32
      %dma_start3A_176 = tpu.memref_slice %arg8[%dma_start3A_174, %dma_start3A_175] : memref<10240x32xf32, #tpu.memory_space<vmem_shared>> -> memref<10240x32xf32, #tpu.memory_space<vmem_shared>>
      tpu.enqueue_indirect_dma source(%arg7 : memref<128x32xf32, #tpu.memory_space<vmem>>) target(%dma_start3A_176 : memref<10240x32xf32, #tpu.memory_space<vmem_shared>>) offsets(%dma_start3A_173 : memref<128xi32, #tpu.memory_space<vmem>>) semaphore(%arg9 : memref<!tpu.dma_semaphore, #tpu.memory_space<semaphore_mem>>) {add = true}
      %add3A_177 = arith.constant 5 : i32
      %add3A_178 = arith.addi %mul3A_136, %add3A_177 : i32
      %dma_start3A_179 = arith.constant 0 : i32
      %dma_start3A_180 = tpu.memref_slice %arg6[%add3A_178, %dma_start3A_179] : memref<79x128xi32, #tpu.memory_space<vmem>> -> memref<1x128xi32, #tpu.memory_space<vmem>>
      %dma_start3A_181 = tpu.memref_squeeze %dma_start3A_180 : memref<1x128xi32, #tpu.memory_space<vmem>> -> memref<128xi32, #tpu.memory_space<vmem>>
      %dma_start3A_182 = arith.constant 0 : i32
      %dma_start3A_183 = arith.constant 0 : i32
      %dma_start3A_184 = tpu.memref_slice %arg8[%dma_start3A_182, %dma_start3A_183] : memref<10240x32xf32, #tpu.memory_space<vmem_shared>> -> memref<10240x32xf32, #tpu.memory_space<vmem_shared>>
      tpu.enqueue_indirect_dma source(%arg7 : memref<128x32xf32, #tpu.memory_space<vmem>>) target(%dma_start3A_184 : memref<10240x32xf32, #tpu.memory_space<vmem_shared>>) offsets(%dma_start3A_181 : memref<128xi32, #tpu.memory_space<vmem>>) semaphore(%arg9 : memref<!tpu.dma_semaphore, #tpu.memory_space<semaphore_mem>>) {add = true}
      %dma_wait3A_185 = arith.constant 0 : i32
      %dma_wait3A_186 = tpu.memref_slice %arg6[%add3A_138, %dma_wait3A_185] : memref<79x128xi32, #tpu.memory_space<vmem>> -> memref<1x128xi32, #tpu.memory_space<vmem>>
      %dma_wait3A_187 = tpu.memref_squeeze %dma_wait3A_186 : memref<1x128xi32, #tpu.memory_space<vmem>> -> memref<128xi32, #tpu.memory_space<vmem>>
      %dma_wait3A_188 = arith.constant 0 : i32
      %dma_wait3A_189 = arith.constant 0 : i32
      %dma_wait3A_190 = tpu.memref_slice %arg8[%dma_wait3A_188, %dma_wait3A_189] : memref<10240x32xf32, #tpu.memory_space<vmem_shared>> -> memref<10240x32xf32, #tpu.memory_space<vmem_shared>>
      tpu.wait_indirect_dma semaphore(%arg9 : memref<!tpu.dma_semaphore, #tpu.memory_space<semaphore_mem>>) src(%arg7 : memref<128x32xf32, #tpu.memory_space<vmem>>) dst(%dma_wait3A_190 : memref<10240x32xf32, #tpu.memory_space<vmem_shared>>)
      %dma_wait3A_191 = arith.constant 0 : i32
      %dma_wait3A_192 = tpu.memref_slice %arg6[%add3A_146, %dma_wait3A_191] : memref<79x128xi32, #tpu.memory_space<vmem>> -> memref<1x128xi32, #tpu.memory_space<vmem>>
      %dma_wait3A_193 = tpu.memref_squeeze %dma_wait3A_192 : memref<1x128xi32, #tpu.memory_space<vmem>> -> memref<128xi32, #tpu.memory_space<vmem>>
      %dma_wait3A_194 = arith.constant 0 : i32
      %dma_wait3A_195 = arith.constant 0 : i32
      %dma_wait3A_196 = tpu.memref_slice %arg8[%dma_wait3A_194, %dma_wait3A_195] : memref<10240x32xf32, #tpu.memory_space<vmem_shared>> -> memref<10240x32xf32, #tpu.memory_space<vmem_shared>>
      tpu.wait_indirect_dma semaphore(%arg9 : memref<!tpu.dma_semaphore, #tpu.memory_space<semaphore_mem>>) src(%arg7 : memref<128x32xf32, #tpu.memory_space<vmem>>) dst(%dma_wait3A_196 : memref<10240x32xf32, #tpu.memory_space<vmem_shared>>)
      %dma_wait3A_197 = arith.constant 0 : i32
      %dma_wait3A_198 = tpu.memref_slice %arg6[%add3A_154, %dma_wait3A_197] : memref<79x128xi32, #tpu.memory_space<vmem>> -> memref<1x128xi32, #tpu.memory_space<vmem>>
      %dma_wait3A_199 = tpu.memref_squeeze %dma_wait3A_198 : memref<1x128xi32, #tpu.memory_space<vmem>> -> memref<128xi32, #tpu.memory_space<vmem>>
      %dma_wait3A_200 = arith.constant 0 : i32
      %dma_wait3A_201 = arith.constant 0 : i32
      %dma_wait3A_202 = tpu.memref_slice %arg8[%dma_wait3A_200, %dma_wait3A_201] : memref<10240x32xf32, #tpu.memory_space<vmem_shared>> -> memref<10240x32xf32, #tpu.memory_space<vmem_shared>>
      tpu.wait_indirect_dma semaphore(%arg9 : memref<!tpu.dma_semaphore, #tpu.memory_space<semaphore_mem>>) src(%arg7 : memref<128x32xf32, #tpu.memory_space<vmem>>) dst(%dma_wait3A_202 : memref<10240x32xf32, #tpu.memory_space<vmem_shared>>)
      %dma_wait3A_203 = arith.constant 0 : i32
      %dma_wait3A_204 = tpu.memref_slice %arg6[%add3A_162, %dma_wait3A_203] : memref<79x128xi32, #tpu.memory_space<vmem>> -> memref<1x128xi32, #tpu.memory_space<vmem>>
      %dma_wait3A_205 = tpu.memref_squeeze %dma_wait3A_204 : memref<1x128xi32, #tpu.memory_space<vmem>> -> memref<128xi32, #tpu.memory_space<vmem>>
      %dma_wait3A_206 = arith.constant 0 : i32
      %dma_wait3A_207 = arith.constant 0 : i32
      %dma_wait3A_208 = tpu.memref_slice %arg8[%dma_wait3A_206, %dma_wait3A_207] : memref<10240x32xf32, #tpu.memory_space<vmem_shared>> -> memref<10240x32xf32, #tpu.memory_space<vmem_shared>>
      tpu.wait_indirect_dma semaphore(%arg9 : memref<!tpu.dma_semaphore, #tpu.memory_space<semaphore_mem>>) src(%arg7 : memref<128x32xf32, #tpu.memory_space<vmem>>) dst(%dma_wait3A_208 : memref<10240x32xf32, #tpu.memory_space<vmem_shared>>)
      %dma_wait3A_209 = arith.constant 0 : i32
      %dma_wait3A_210 = tpu.memref_slice %arg6[%add3A_170, %dma_wait3A_209] : memref<79x128xi32, #tpu.memory_space<vmem>> -> memref<1x128xi32, #tpu.memory_space<vmem>>
      %dma_wait3A_211 = tpu.memref_squeeze %dma_wait3A_210 : memref<1x128xi32, #tpu.memory_space<vmem>> -> memref<128xi32, #tpu.memory_space<vmem>>
      %dma_wait3A_212 = arith.constant 0 : i32
      %dma_wait3A_213 = arith.constant 0 : i32
      %dma_wait3A_214 = tpu.memref_slice %arg8[%dma_wait3A_212, %dma_wait3A_213] : memref<10240x32xf32, #tpu.memory_space<vmem_shared>> -> memref<10240x32xf32, #tpu.memory_space<vmem_shared>>
      tpu.wait_indirect_dma semaphore(%arg9 : memref<!tpu.dma_semaphore, #tpu.memory_space<semaphore_mem>>) src(%arg7 : memref<128x32xf32, #tpu.memory_space<vmem>>) dst(%dma_wait3A_214 : memref<10240x32xf32, #tpu.memory_space<vmem_shared>>)
      %dma_wait3A_215 = arith.constant 0 : i32
      %dma_wait3A_216 = tpu.memref_slice %arg6[%add3A_178, %dma_wait3A_215] : memref<79x128xi32, #tpu.memory_space<vmem>> -> memref<1x128xi32, #tpu.memory_space<vmem>>
      %dma_wait3A_217 = tpu.memref_squeeze %dma_wait3A_216 : memref<1x128xi32, #tpu.memory_space<vmem>> -> memref<128xi32, #tpu.memory_space<vmem>>
      %dma_wait3A_218 = arith.constant 0 : i32
      %dma_wait3A_219 = arith.constant 0 : i32
      %dma_wait3A_220 = tpu.memref_slice %arg8[%dma_wait3A_218, %dma_wait3A_219] : memref<10240x32xf32, #tpu.memory_space<vmem_shared>> -> memref<10240x32xf32, #tpu.memory_space<vmem_shared>>
      tpu.wait_indirect_dma semaphore(%arg9 : memref<!tpu.dma_semaphore, #tpu.memory_space<semaphore_mem>>) src(%arg7 : memref<128x32xf32, #tpu.memory_space<vmem>>) dst(%dma_wait3A_220 : memref<10240x32xf32, #tpu.memory_space<vmem_shared>>)
    }
    %scan3A_67 = arith.constant 13 : i32
    %lt3A_68 = arith.constant 4 : i32
    %lt3A_69 = arith.cmpi slt, %add3A, %lt3A_68 : i32
    %convert_element_type3A_70 = arith.extui %lt3A_69 : i1 to i32
    %cond3A_71 = arith.constant 0 : i32
    %cond3A_72 = arith.cmpi ne, %convert_element_type3A_70, %cond3A_71 : i32
    scf.if %cond3A_72 {
      %run_scoped3A = arith.constant 78 : i32
      "tpu.region"() ({
        %run_scoped3A_134 = tpu.sem_alloc : memref<!tpu.dma_semaphore, #tpu.memory_space<semaphore_mem>>
        %dma_start3A_135 = arith.constant 0 : i32
        %dma_start3A_136 = tpu.memref_slice %arg6[%run_scoped3A, %dma_start3A_135] : memref<79x128xi32, #tpu.memory_space<vmem>> -> memref<1x128xi32, #tpu.memory_space<vmem>>
        %dma_start3A_137 = tpu.memref_squeeze %dma_start3A_136 : memref<1x128xi32, #tpu.memory_space<vmem>> -> memref<128xi32, #tpu.memory_space<vmem>>
        %dma_start3A_138 = arith.constant 0 : i32
        %dma_start3A_139 = arith.constant 0 : i32
        %dma_start3A_140 = tpu.memref_slice %arg8[%dma_start3A_138, %dma_start3A_139] : memref<10240x32xf32, #tpu.memory_space<vmem_shared>> -> memref<10240x32xf32, #tpu.memory_space<vmem_shared>>
        tpu.enqueue_indirect_dma source(%arg7 : memref<128x32xf32, #tpu.memory_space<vmem>>) target(%dma_start3A_140 : memref<10240x32xf32, #tpu.memory_space<vmem_shared>>) offsets(%dma_start3A_137 : memref<128xi32, #tpu.memory_space<vmem>>) semaphore(%run_scoped3A_134 : memref<!tpu.dma_semaphore, #tpu.memory_space<semaphore_mem>>) {add = true}
        %dma_wait3A_141 = arith.constant 0 : i32
        %dma_wait3A_142 = tpu.memref_slice %arg6[%run_scoped3A, %dma_wait3A_141] : memref<79x128xi32, #tpu.memory_space<vmem>> -> memref<1x128xi32, #tpu.memory_space<vmem>>
        %dma_wait3A_143 = tpu.memref_squeeze %dma_wait3A_142 : memref<1x128xi32, #tpu.memory_space<vmem>> -> memref<128xi32, #tpu.memory_space<vmem>>
        %dma_wait3A_144 = arith.constant 0 : i32
        %dma_wait3A_145 = arith.constant 0 : i32
        %dma_wait3A_146 = tpu.memref_slice %arg8[%dma_wait3A_144, %dma_wait3A_145] : memref<10240x32xf32, #tpu.memory_space<vmem_shared>> -> memref<10240x32xf32, #tpu.memory_space<vmem_shared>>
        tpu.wait_indirect_dma semaphore(%run_scoped3A_134 : memref<!tpu.dma_semaphore, #tpu.memory_space<semaphore_mem>>) src(%arg7 : memref<128x32xf32, #tpu.memory_space<vmem>>) dst(%dma_wait3A_146 : memref<10240x32xf32, #tpu.memory_space<vmem_shared>>)
        tpu.yield
      }) : () -> ()
    } else {
    }
    %barrier3A_73 = arith.constant 0 : index
    tpu.barrier barrier_id(%barrier3A_73)
    %add3A_74 = arith.constant 0 : i32
    %add3A_75 = arith.addi %mul3A_2, %add3A_74 : i32
    %dma_start3A_76 = arith.constant 0 : i32
    %dma_start3A_77 = tpu.memref_slice %arg5[%arg0, %add3A_75, %dma_start3A_76] : memref<2x10240x32xf32, #tpu.memory_space<hbm>> -> memref<1x128x32xf32, #tpu.memory_space<hbm>>
    %dma_start3A_78 = tpu.memref_squeeze %dma_start3A_77 : memref<1x128x32xf32, #tpu.memory_space<hbm>> -> memref<128x32xf32, #tpu.memory_space<hbm>>
    %dma_start3A_79 = arith.constant 0 : i32
    %dma_start3A_80 = tpu.memref_slice %arg8[%add3A_75, %dma_start3A_79] : memref<10240x32xf32, #tpu.memory_space<vmem_shared>> -> memref<128x32xf32, #tpu.memory_space<vmem_shared>>
    tpu.enqueue_dma source(%dma_start3A_80 : memref<128x32xf32, #tpu.memory_space<vmem_shared>>) target(%dma_start3A_78 : memref<128x32xf32, #tpu.memory_space<hbm>>) target_semaphore(%arg10 : memref<!tpu.dma_semaphore, #tpu.memory_space<semaphore_mem>>)
    %add3A_81 = arith.constant 128 : i32
    %add3A_82 = arith.addi %mul3A_2, %add3A_81 : i32
    %dma_start3A_83 = arith.constant 0 : i32
    %dma_start3A_84 = tpu.memref_slice %arg5[%arg0, %add3A_82, %dma_start3A_83] : memref<2x10240x32xf32, #tpu.memory_space<hbm>> -> memref<1x128x32xf32, #tpu.memory_space<hbm>>
    %dma_start3A_85 = tpu.memref_squeeze %dma_start3A_84 : memref<1x128x32xf32, #tpu.memory_space<hbm>> -> memref<128x32xf32, #tpu.memory_space<hbm>>
    %dma_start3A_86 = arith.constant 0 : i32
    %dma_start3A_87 = tpu.memref_slice %arg8[%add3A_82, %dma_start3A_86] : memref<10240x32xf32, #tpu.memory_space<vmem_shared>> -> memref<128x32xf32, #tpu.memory_space<vmem_shared>>
    tpu.enqueue_dma source(%dma_start3A_87 : memref<128x32xf32, #tpu.memory_space<vmem_shared>>) target(%dma_start3A_85 : memref<128x32xf32, #tpu.memory_space<hbm>>) target_semaphore(%arg10 : memref<!tpu.dma_semaphore, #tpu.memory_space<semaphore_mem>>)
    %add3A_88 = arith.constant 256 : i32
    %add3A_89 = arith.addi %mul3A_2, %add3A_88 : i32
    %dma_start3A_90 = arith.constant 0 : i32
    %dma_start3A_91 = tpu.memref_slice %arg5[%arg0, %add3A_89, %dma_start3A_90] : memref<2x10240x32xf32, #tpu.memory_space<hbm>> -> memref<1x128x32xf32, #tpu.memory_space<hbm>>
    %dma_start3A_92 = tpu.memref_squeeze %dma_start3A_91 : memref<1x128x32xf32, #tpu.memory_space<hbm>> -> memref<128x32xf32, #tpu.memory_space<hbm>>
    %dma_start3A_93 = arith.constant 0 : i32
    %dma_start3A_94 = tpu.memref_slice %arg8[%add3A_89, %dma_start3A_93] : memref<10240x32xf32, #tpu.memory_space<vmem_shared>> -> memref<128x32xf32, #tpu.memory_space<vmem_shared>>
    tpu.enqueue_dma source(%dma_start3A_94 : memref<128x32xf32, #tpu.memory_space<vmem_shared>>) target(%dma_start3A_92 : memref<128x32xf32, #tpu.memory_space<hbm>>) target_semaphore(%arg10 : memref<!tpu.dma_semaphore, #tpu.memory_space<semaphore_mem>>)
    %add3A_95 = arith.constant 384 : i32
    %add3A_96 = arith.addi %mul3A_2, %add3A_95 : i32
    %dma_start3A_97 = arith.constant 0 : i32
    %dma_start3A_98 = tpu.memref_slice %arg5[%arg0, %add3A_96, %dma_start3A_97] : memref<2x10240x32xf32, #tpu.memory_space<hbm>> -> memref<1x128x32xf32, #tpu.memory_space<hbm>>
    %dma_start3A_99 = tpu.memref_squeeze %dma_start3A_98 : memref<1x128x32xf32, #tpu.memory_space<hbm>> -> memref<128x32xf32, #tpu.memory_space<hbm>>
    %dma_start3A_100 = arith.constant 0 : i32
    %dma_start3A_101 = tpu.memref_slice %arg8[%add3A_96, %dma_start3A_100] : memref<10240x32xf32, #tpu.memory_space<vmem_shared>> -> memref<128x32xf32, #tpu.memory_space<vmem_shared>>
    tpu.enqueue_dma source(%dma_start3A_101 : memref<128x32xf32, #tpu.memory_space<vmem_shared>>) target(%dma_start3A_99 : memref<128x32xf32, #tpu.memory_space<hbm>>) target_semaphore(%arg10 : memref<!tpu.dma_semaphore, #tpu.memory_space<semaphore_mem>>)
    %add3A_102 = arith.constant 512 : i32
    %add3A_103 = arith.addi %mul3A_2, %add3A_102 : i32
    %dma_start3A_104 = arith.constant 0 : i32
    %dma_start3A_105 = tpu.memref_slice %arg5[%arg0, %add3A_103, %dma_start3A_104] : memref<2x10240x32xf32, #tpu.memory_space<hbm>> -> memref<1x128x32xf32, #tpu.memory_space<hbm>>
    %dma_start3A_106 = tpu.memref_squeeze %dma_start3A_105 : memref<1x128x32xf32, #tpu.memory_space<hbm>> -> memref<128x32xf32, #tpu.memory_space<hbm>>
    %dma_start3A_107 = arith.constant 0 : i32
    %dma_start3A_108 = tpu.memref_slice %arg8[%add3A_103, %dma_start3A_107] : memref<10240x32xf32, #tpu.memory_space<vmem_shared>> -> memref<128x32xf32, #tpu.memory_space<vmem_shared>>
    tpu.enqueue_dma source(%dma_start3A_108 : memref<128x32xf32, #tpu.memory_space<vmem_shared>>) target(%dma_start3A_106 : memref<128x32xf32, #tpu.memory_space<hbm>>) target_semaphore(%arg10 : memref<!tpu.dma_semaphore, #tpu.memory_space<semaphore_mem>>)
    %dma_wait3A_109 = arith.constant 0 : i32
    %dma_wait3A_110 = tpu.memref_slice %arg5[%arg0, %add3A_75, %dma_wait3A_109] : memref<2x10240x32xf32, #tpu.memory_space<hbm>> -> memref<1x128x32xf32, #tpu.memory_space<hbm>>
    %dma_wait3A_111 = tpu.memref_squeeze %dma_wait3A_110 : memref<1x128x32xf32, #tpu.memory_space<hbm>> -> memref<128x32xf32, #tpu.memory_space<hbm>>
    %dma_wait3A_112 = arith.constant 0 : i32
    %dma_wait3A_113 = tpu.memref_slice %arg8[%add3A_75, %dma_wait3A_112] : memref<10240x32xf32, #tpu.memory_space<vmem_shared>> -> memref<128x32xf32, #tpu.memory_space<vmem_shared>>
    tpu.wait_dma2 semaphore(%arg10 : memref<!tpu.dma_semaphore, #tpu.memory_space<semaphore_mem>>) src(%dma_wait3A_113 : memref<128x32xf32, #tpu.memory_space<vmem_shared>>) dst(%dma_wait3A_111 : memref<128x32xf32, #tpu.memory_space<hbm>>)
    %dma_wait3A_114 = arith.constant 0 : i32
    %dma_wait3A_115 = tpu.memref_slice %arg5[%arg0, %add3A_82, %dma_wait3A_114] : memref<2x10240x32xf32, #tpu.memory_space<hbm>> -> memref<1x128x32xf32, #tpu.memory_space<hbm>>
    %dma_wait3A_116 = tpu.memref_squeeze %dma_wait3A_115 : memref<1x128x32xf32, #tpu.memory_space<hbm>> -> memref<128x32xf32, #tpu.memory_space<hbm>>
    %dma_wait3A_117 = arith.constant 0 : i32
    %dma_wait3A_118 = tpu.memref_slice %arg8[%add3A_82, %dma_wait3A_117] : memref<10240x32xf32, #tpu.memory_space<vmem_shared>> -> memref<128x32xf32, #tpu.memory_space<vmem_shared>>
    tpu.wait_dma2 semaphore(%arg10 : memref<!tpu.dma_semaphore, #tpu.memory_space<semaphore_mem>>) src(%dma_wait3A_118 : memref<128x32xf32, #tpu.memory_space<vmem_shared>>) dst(%dma_wait3A_116 : memref<128x32xf32, #tpu.memory_space<hbm>>)
    %dma_wait3A_119 = arith.constant 0 : i32
    %dma_wait3A_120 = tpu.memref_slice %arg5[%arg0, %add3A_89, %dma_wait3A_119] : memref<2x10240x32xf32, #tpu.memory_space<hbm>> -> memref<1x128x32xf32, #tpu.memory_space<hbm>>
    %dma_wait3A_121 = tpu.memref_squeeze %dma_wait3A_120 : memref<1x128x32xf32, #tpu.memory_space<hbm>> -> memref<128x32xf32, #tpu.memory_space<hbm>>
    %dma_wait3A_122 = arith.constant 0 : i32
    %dma_wait3A_123 = tpu.memref_slice %arg8[%add3A_89, %dma_wait3A_122] : memref<10240x32xf32, #tpu.memory_space<vmem_shared>> -> memref<128x32xf32, #tpu.memory_space<vmem_shared>>
    tpu.wait_dma2 semaphore(%arg10 : memref<!tpu.dma_semaphore, #tpu.memory_space<semaphore_mem>>) src(%dma_wait3A_123 : memref<128x32xf32, #tpu.memory_space<vmem_shared>>) dst(%dma_wait3A_121 : memref<128x32xf32, #tpu.memory_space<hbm>>)
    %dma_wait3A_124 = arith.constant 0 : i32
    %dma_wait3A_125 = tpu.memref_slice %arg5[%arg0, %add3A_96, %dma_wait3A_124] : memref<2x10240x32xf32, #tpu.memory_space<hbm>> -> memref<1x128x32xf32, #tpu.memory_space<hbm>>
    %dma_wait3A_126 = tpu.memref_squeeze %dma_wait3A_125 : memref<1x128x32xf32, #tpu.memory_space<hbm>> -> memref<128x32xf32, #tpu.memory_space<hbm>>
    %dma_wait3A_127 = arith.constant 0 : i32
    %dma_wait3A_128 = tpu.memref_slice %arg8[%add3A_96, %dma_wait3A_127] : memref<10240x32xf32, #tpu.memory_space<vmem_shared>> -> memref<128x32xf32, #tpu.memory_space<vmem_shared>>
    tpu.wait_dma2 semaphore(%arg10 : memref<!tpu.dma_semaphore, #tpu.memory_space<semaphore_mem>>) src(%dma_wait3A_128 : memref<128x32xf32, #tpu.memory_space<vmem_shared>>) dst(%dma_wait3A_126 : memref<128x32xf32, #tpu.memory_space<hbm>>)
    %dma_wait3A_129 = arith.constant 0 : i32
    %dma_wait3A_130 = tpu.memref_slice %arg5[%arg0, %add3A_103, %dma_wait3A_129] : memref<2x10240x32xf32, #tpu.memory_space<hbm>> -> memref<1x128x32xf32, #tpu.memory_space<hbm>>
    %dma_wait3A_131 = tpu.memref_squeeze %dma_wait3A_130 : memref<1x128x32xf32, #tpu.memory_space<hbm>> -> memref<128x32xf32, #tpu.memory_space<hbm>>
    %dma_wait3A_132 = arith.constant 0 : i32
    %dma_wait3A_133 = tpu.memref_slice %arg8[%add3A_103, %dma_wait3A_132] : memref<10240x32xf32, #tpu.memory_space<vmem_shared>> -> memref<128x32xf32, #tpu.memory_space<vmem_shared>>
    tpu.wait_dma2 semaphore(%arg10 : memref<!tpu.dma_semaphore, #tpu.memory_space<semaphore_mem>>) src(%dma_wait3A_133 : memref<128x32xf32, #tpu.memory_space<vmem_shared>>) dst(%dma_wait3A_131 : memref<128x32xf32, #tpu.memory_space<hbm>>)
    return
  }
}

#map = affine_map<(d0, d1) -> (0, 0, 0)>
#map1 = affine_map<(d0, d1) -> (0, 0)>
module attributes {stable_mosaic.version = 14 : i64} {
  func.func @_sc_agg(%arg0: i32, %arg1: i32, %arg2: memref<2x2500x128xi32, #tpu.memory_space<hbm>>, %arg3: memref<10240x32xbf16, #tpu.memory_space<hbm>>, %arg4: memref<128x32xbf16, #tpu.memory_space<hbm>>, %arg5: memref<2x10240x32xbf16, #tpu.memory_space<hbm>>, %arg6: memref<79x128xi32, #tpu.memory_space<vmem>>, %arg7: memref<79x128xi32, #tpu.memory_space<vmem>>, %arg8: memref<128x32xbf16, #tpu.memory_space<vmem>>, %arg9: memref<128x32xbf16, #tpu.memory_space<vmem>>, %arg10: memref<128x32xbf16, #tpu.memory_space<vmem>>, %arg11: memref<128x32xbf16, #tpu.memory_space<vmem>>, %arg12: memref<128x32xbf16, #tpu.memory_space<vmem>>, %arg13: memref<128x32xbf16, #tpu.memory_space<vmem>>, %arg14: memref<10240x32xbf16, #tpu.memory_space<vmem_shared>>, %arg15: memref<10240x32xbf16, #tpu.memory_space<vmem_shared>>, %arg16: memref<!tpu.dma_semaphore, #tpu.memory_space<semaphore_mem>>, %arg17: memref<!tpu.dma_semaphore, #tpu.memory_space<semaphore_mem>>, %arg18: memref<!tpu.dma_semaphore, #tpu.memory_space<semaphore_mem>>, %arg19: memref<!tpu.dma_semaphore, #tpu.memory_space<semaphore_mem>>, %arg20: memref<!tpu.dma_semaphore, #tpu.memory_space<semaphore_mem>>, %arg21: memref<!tpu.dma_semaphore, #tpu.memory_space<semaphore_mem>>, %arg22: memref<!tpu.dma_semaphore, #tpu.memory_space<semaphore_mem>>, %arg23: memref<!tpu.dma_semaphore, #tpu.memory_space<semaphore_mem>>, %arg24: memref<!tpu.dma_semaphore, #tpu.memory_space<semaphore_mem>>, %arg25: memref<!tpu.dma_semaphore, #tpu.memory_space<semaphore_mem>>, %arg26: memref<!tpu.dma_semaphore, #tpu.memory_space<semaphore_mem>>, %arg27: memref<!tpu.dma_semaphore, #tpu.memory_space<semaphore_mem>>) attributes {dimension_semantics = [#tpu.dimension_semantics<core_parallel>, #tpu.dimension_semantics<subcore_parallel>], iteration_bounds = array<i64: 2, 16>, scalar_prefetch = 0 : i64, scratch_operands = 22 : i64, tpu.core_type = #tpu.core_type<sc_vector_subcore>, window_params = [{transform_indices = #map}, {transform_indices = #map1}, {transform_indices = #map1}, {transform_indices = #map}]} {
    %mul3A = arith.constant 2 : i32
    %mul3A_0 = arith.muli %arg1, %mul3A : i32
    %add3A = arith.addi %mul3A_0, %arg0 : i32
    %mul3A_1 = arith.constant 640 : i32
    %mul3A_2 = arith.muli %arg1, %mul3A_1 : i32
    %mul3A_3 = arith.constant 78 : i32
    %mul3A_4 = arith.muli %add3A, %mul3A_3 : i32
    %min3A = arith.constant 4 : i32
    %min3A_5 = arith.minsi %add3A, %min3A : i32
    %add3A_6 = arith.addi %mul3A_4, %min3A_5 : i32
    %add3A_7 = arith.constant 0 : i32
    %add3A_8 = arith.addi %mul3A_2, %add3A_7 : i32
    %dma_start3A = arith.constant 0 : i32
    %dma_start3A_9 = tpu.memref_slice %arg15[%add3A_8, %dma_start3A] : memref<10240x32xbf16, #tpu.memory_space<vmem_shared>> -> memref<128x32xbf16, #tpu.memory_space<vmem_shared>>
    %dma_start3A_10 = arith.constant 0 : i32
    %dma_start3A_11 = tpu.memref_slice %arg3[%add3A_8, %dma_start3A_10] : memref<10240x32xbf16, #tpu.memory_space<hbm>> -> memref<128x32xbf16, #tpu.memory_space<hbm>>
    tpu.enqueue_dma source(%dma_start3A_11 : memref<128x32xbf16, #tpu.memory_space<hbm>>) target(%dma_start3A_9 : memref<128x32xbf16, #tpu.memory_space<vmem_shared>>) target_semaphore(%arg16 : memref<!tpu.dma_semaphore, #tpu.memory_space<semaphore_mem>>)
    %dma_start3A_12 = arith.constant 0 : i32
    %dma_start3A_13 = tpu.memref_slice %arg14[%add3A_8, %dma_start3A_12] : memref<10240x32xbf16, #tpu.memory_space<vmem_shared>> -> memref<128x32xbf16, #tpu.memory_space<vmem_shared>>
    tpu.enqueue_dma source(%arg4 : memref<128x32xbf16, #tpu.memory_space<hbm>>) target(%dma_start3A_13 : memref<128x32xbf16, #tpu.memory_space<vmem_shared>>) target_semaphore(%arg17 : memref<!tpu.dma_semaphore, #tpu.memory_space<semaphore_mem>>)
    %add3A_14 = arith.constant 128 : i32
    %add3A_15 = arith.addi %mul3A_2, %add3A_14 : i32
    %dma_start3A_16 = arith.constant 0 : i32
    %dma_start3A_17 = tpu.memref_slice %arg15[%add3A_15, %dma_start3A_16] : memref<10240x32xbf16, #tpu.memory_space<vmem_shared>> -> memref<128x32xbf16, #tpu.memory_space<vmem_shared>>
    %dma_start3A_18 = arith.constant 0 : i32
    %dma_start3A_19 = tpu.memref_slice %arg3[%add3A_15, %dma_start3A_18] : memref<10240x32xbf16, #tpu.memory_space<hbm>> -> memref<128x32xbf16, #tpu.memory_space<hbm>>
    tpu.enqueue_dma source(%dma_start3A_19 : memref<128x32xbf16, #tpu.memory_space<hbm>>) target(%dma_start3A_17 : memref<128x32xbf16, #tpu.memory_space<vmem_shared>>) target_semaphore(%arg16 : memref<!tpu.dma_semaphore, #tpu.memory_space<semaphore_mem>>)
    %dma_start3A_20 = arith.constant 0 : i32
    %dma_start3A_21 = tpu.memref_slice %arg14[%add3A_15, %dma_start3A_20] : memref<10240x32xbf16, #tpu.memory_space<vmem_shared>> -> memref<128x32xbf16, #tpu.memory_space<vmem_shared>>
    tpu.enqueue_dma source(%arg4 : memref<128x32xbf16, #tpu.memory_space<hbm>>) target(%dma_start3A_21 : memref<128x32xbf16, #tpu.memory_space<vmem_shared>>) target_semaphore(%arg17 : memref<!tpu.dma_semaphore, #tpu.memory_space<semaphore_mem>>)
    %add3A_22 = arith.constant 256 : i32
    %add3A_23 = arith.addi %mul3A_2, %add3A_22 : i32
    %dma_start3A_24 = arith.constant 0 : i32
    %dma_start3A_25 = tpu.memref_slice %arg15[%add3A_23, %dma_start3A_24] : memref<10240x32xbf16, #tpu.memory_space<vmem_shared>> -> memref<128x32xbf16, #tpu.memory_space<vmem_shared>>
    %dma_start3A_26 = arith.constant 0 : i32
    %dma_start3A_27 = tpu.memref_slice %arg3[%add3A_23, %dma_start3A_26] : memref<10240x32xbf16, #tpu.memory_space<hbm>> -> memref<128x32xbf16, #tpu.memory_space<hbm>>
    tpu.enqueue_dma source(%dma_start3A_27 : memref<128x32xbf16, #tpu.memory_space<hbm>>) target(%dma_start3A_25 : memref<128x32xbf16, #tpu.memory_space<vmem_shared>>) target_semaphore(%arg16 : memref<!tpu.dma_semaphore, #tpu.memory_space<semaphore_mem>>)
    %dma_start3A_28 = arith.constant 0 : i32
    %dma_start3A_29 = tpu.memref_slice %arg14[%add3A_23, %dma_start3A_28] : memref<10240x32xbf16, #tpu.memory_space<vmem_shared>> -> memref<128x32xbf16, #tpu.memory_space<vmem_shared>>
    tpu.enqueue_dma source(%arg4 : memref<128x32xbf16, #tpu.memory_space<hbm>>) target(%dma_start3A_29 : memref<128x32xbf16, #tpu.memory_space<vmem_shared>>) target_semaphore(%arg17 : memref<!tpu.dma_semaphore, #tpu.memory_space<semaphore_mem>>)
    %add3A_30 = arith.constant 384 : i32
    %add3A_31 = arith.addi %mul3A_2, %add3A_30 : i32
    %dma_start3A_32 = arith.constant 0 : i32
    %dma_start3A_33 = tpu.memref_slice %arg15[%add3A_31, %dma_start3A_32] : memref<10240x32xbf16, #tpu.memory_space<vmem_shared>> -> memref<128x32xbf16, #tpu.memory_space<vmem_shared>>
    %dma_start3A_34 = arith.constant 0 : i32
    %dma_start3A_35 = tpu.memref_slice %arg3[%add3A_31, %dma_start3A_34] : memref<10240x32xbf16, #tpu.memory_space<hbm>> -> memref<128x32xbf16, #tpu.memory_space<hbm>>
    tpu.enqueue_dma source(%dma_start3A_35 : memref<128x32xbf16, #tpu.memory_space<hbm>>) target(%dma_start3A_33 : memref<128x32xbf16, #tpu.memory_space<vmem_shared>>) target_semaphore(%arg16 : memref<!tpu.dma_semaphore, #tpu.memory_space<semaphore_mem>>)
    %dma_start3A_36 = arith.constant 0 : i32
    %dma_start3A_37 = tpu.memref_slice %arg14[%add3A_31, %dma_start3A_36] : memref<10240x32xbf16, #tpu.memory_space<vmem_shared>> -> memref<128x32xbf16, #tpu.memory_space<vmem_shared>>
    tpu.enqueue_dma source(%arg4 : memref<128x32xbf16, #tpu.memory_space<hbm>>) target(%dma_start3A_37 : memref<128x32xbf16, #tpu.memory_space<vmem_shared>>) target_semaphore(%arg17 : memref<!tpu.dma_semaphore, #tpu.memory_space<semaphore_mem>>)
    %add3A_38 = arith.constant 512 : i32
    %add3A_39 = arith.addi %mul3A_2, %add3A_38 : i32
    %dma_start3A_40 = arith.constant 0 : i32
    %dma_start3A_41 = tpu.memref_slice %arg15[%add3A_39, %dma_start3A_40] : memref<10240x32xbf16, #tpu.memory_space<vmem_shared>> -> memref<128x32xbf16, #tpu.memory_space<vmem_shared>>
    %dma_start3A_42 = arith.constant 0 : i32
    %dma_start3A_43 = tpu.memref_slice %arg3[%add3A_39, %dma_start3A_42] : memref<10240x32xbf16, #tpu.memory_space<hbm>> -> memref<128x32xbf16, #tpu.memory_space<hbm>>
    tpu.enqueue_dma source(%dma_start3A_43 : memref<128x32xbf16, #tpu.memory_space<hbm>>) target(%dma_start3A_41 : memref<128x32xbf16, #tpu.memory_space<vmem_shared>>) target_semaphore(%arg16 : memref<!tpu.dma_semaphore, #tpu.memory_space<semaphore_mem>>)
    %dma_start3A_44 = arith.constant 0 : i32
    %dma_start3A_45 = tpu.memref_slice %arg14[%add3A_39, %dma_start3A_44] : memref<10240x32xbf16, #tpu.memory_space<vmem_shared>> -> memref<128x32xbf16, #tpu.memory_space<vmem_shared>>
    tpu.enqueue_dma source(%arg4 : memref<128x32xbf16, #tpu.memory_space<hbm>>) target(%dma_start3A_45 : memref<128x32xbf16, #tpu.memory_space<vmem_shared>>) target_semaphore(%arg17 : memref<!tpu.dma_semaphore, #tpu.memory_space<semaphore_mem>>)
    %dma_start3A_46 = arith.constant 0 : i32
    %dma_start3A_47 = arith.constant 0 : i32
    %dma_start3A_48 = arith.constant 0 : i32
    %dma_start3A_49 = tpu.memref_slice %arg6[%dma_start3A_47, %dma_start3A_48] : memref<79x128xi32, #tpu.memory_space<vmem>> -> memref<78x128xi32, #tpu.memory_space<vmem>>
    %dma_start3A_50 = arith.constant 0 : i32
    %dma_start3A_51 = tpu.memref_slice %arg2[%dma_start3A_46, %add3A_6, %dma_start3A_50] : memref<2x2500x128xi32, #tpu.memory_space<hbm>> -> memref<1x78x128xi32, #tpu.memory_space<hbm>>
    %dma_start3A_52 = tpu.memref_squeeze %dma_start3A_51 : memref<1x78x128xi32, #tpu.memory_space<hbm>> -> memref<78x128xi32, #tpu.memory_space<hbm>>
    %dma_start3A_53 = arith.constant 0 : i32
    %dma_start3A_54 = arith.constant 0 : i32
    %dma_start3A_55 = tpu.memref_slice %arg6[%dma_start3A_53, %dma_start3A_54] : memref<79x128xi32, #tpu.memory_space<vmem>> -> memref<78x128xi32, #tpu.memory_space<vmem>>
    %dma_start3A_56 = arith.constant 0 : i32
    %dma_start3A_57 = tpu.memref_slice %arg2[%dma_start3A_46, %add3A_6, %dma_start3A_56] : memref<2x2500x128xi32, #tpu.memory_space<hbm>> -> memref<1x78x128xi32, #tpu.memory_space<hbm>>
    %dma_start3A_58 = tpu.memref_squeeze %dma_start3A_57 : memref<1x78x128xi32, #tpu.memory_space<hbm>> -> memref<78x128xi32, #tpu.memory_space<hbm>>
    tpu.enqueue_dma source(%dma_start3A_58 : memref<78x128xi32, #tpu.memory_space<hbm>>) target(%dma_start3A_55 : memref<78x128xi32, #tpu.memory_space<vmem>>) target_semaphore(%arg18 : memref<!tpu.dma_semaphore, #tpu.memory_space<semaphore_mem>>)
    %dma_start3A_59 = arith.constant 1 : i32
    %dma_start3A_60 = arith.constant 0 : i32
    %dma_start3A_61 = arith.constant 0 : i32
    %dma_start3A_62 = tpu.memref_slice %arg7[%dma_start3A_60, %dma_start3A_61] : memref<79x128xi32, #tpu.memory_space<vmem>> -> memref<78x128xi32, #tpu.memory_space<vmem>>
    %dma_start3A_63 = arith.constant 0 : i32
    %dma_start3A_64 = tpu.memref_slice %arg2[%dma_start3A_59, %add3A_6, %dma_start3A_63] : memref<2x2500x128xi32, #tpu.memory_space<hbm>> -> memref<1x78x128xi32, #tpu.memory_space<hbm>>
    %dma_start3A_65 = tpu.memref_squeeze %dma_start3A_64 : memref<1x78x128xi32, #tpu.memory_space<hbm>> -> memref<78x128xi32, #tpu.memory_space<hbm>>
    %dma_start3A_66 = arith.constant 0 : i32
    %dma_start3A_67 = arith.constant 0 : i32
    %dma_start3A_68 = tpu.memref_slice %arg7[%dma_start3A_66, %dma_start3A_67] : memref<79x128xi32, #tpu.memory_space<vmem>> -> memref<78x128xi32, #tpu.memory_space<vmem>>
    %dma_start3A_69 = arith.constant 0 : i32
    %dma_start3A_70 = tpu.memref_slice %arg2[%dma_start3A_59, %add3A_6, %dma_start3A_69] : memref<2x2500x128xi32, #tpu.memory_space<hbm>> -> memref<1x78x128xi32, #tpu.memory_space<hbm>>
    %dma_start3A_71 = tpu.memref_squeeze %dma_start3A_70 : memref<1x78x128xi32, #tpu.memory_space<hbm>> -> memref<78x128xi32, #tpu.memory_space<hbm>>
    tpu.enqueue_dma source(%dma_start3A_71 : memref<78x128xi32, #tpu.memory_space<hbm>>) target(%dma_start3A_68 : memref<78x128xi32, #tpu.memory_space<vmem>>) target_semaphore(%arg18 : memref<!tpu.dma_semaphore, #tpu.memory_space<semaphore_mem>>)
    %dma_wait3A = arith.constant 0 : i32
    %dma_wait3A_72 = tpu.memref_slice %arg15[%add3A_8, %dma_wait3A] : memref<10240x32xbf16, #tpu.memory_space<vmem_shared>> -> memref<128x32xbf16, #tpu.memory_space<vmem_shared>>
    %dma_wait3A_73 = arith.constant 0 : i32
    %dma_wait3A_74 = tpu.memref_slice %arg3[%add3A_8, %dma_wait3A_73] : memref<10240x32xbf16, #tpu.memory_space<hbm>> -> memref<128x32xbf16, #tpu.memory_space<hbm>>
    tpu.wait_dma2 semaphore(%arg16 : memref<!tpu.dma_semaphore, #tpu.memory_space<semaphore_mem>>) src(%dma_wait3A_74 : memref<128x32xbf16, #tpu.memory_space<hbm>>) dst(%dma_wait3A_72 : memref<128x32xbf16, #tpu.memory_space<vmem_shared>>)
    %dma_wait3A_75 = arith.constant 0 : i32
    %dma_wait3A_76 = tpu.memref_slice %arg14[%add3A_8, %dma_wait3A_75] : memref<10240x32xbf16, #tpu.memory_space<vmem_shared>> -> memref<128x32xbf16, #tpu.memory_space<vmem_shared>>
    tpu.wait_dma2 semaphore(%arg17 : memref<!tpu.dma_semaphore, #tpu.memory_space<semaphore_mem>>) src(%arg4 : memref<128x32xbf16, #tpu.memory_space<hbm>>) dst(%dma_wait3A_76 : memref<128x32xbf16, #tpu.memory_space<vmem_shared>>)
    %dma_wait3A_77 = arith.constant 0 : i32
    %dma_wait3A_78 = tpu.memref_slice %arg15[%add3A_15, %dma_wait3A_77] : memref<10240x32xbf16, #tpu.memory_space<vmem_shared>> -> memref<128x32xbf16, #tpu.memory_space<vmem_shared>>
    %dma_wait3A_79 = arith.constant 0 : i32
    %dma_wait3A_80 = tpu.memref_slice %arg3[%add3A_15, %dma_wait3A_79] : memref<10240x32xbf16, #tpu.memory_space<hbm>> -> memref<128x32xbf16, #tpu.memory_space<hbm>>
    tpu.wait_dma2 semaphore(%arg16 : memref<!tpu.dma_semaphore, #tpu.memory_space<semaphore_mem>>) src(%dma_wait3A_80 : memref<128x32xbf16, #tpu.memory_space<hbm>>) dst(%dma_wait3A_78 : memref<128x32xbf16, #tpu.memory_space<vmem_shared>>)
    %dma_wait3A_81 = arith.constant 0 : i32
    %dma_wait3A_82 = tpu.memref_slice %arg14[%add3A_15, %dma_wait3A_81] : memref<10240x32xbf16, #tpu.memory_space<vmem_shared>> -> memref<128x32xbf16, #tpu.memory_space<vmem_shared>>
    tpu.wait_dma2 semaphore(%arg17 : memref<!tpu.dma_semaphore, #tpu.memory_space<semaphore_mem>>) src(%arg4 : memref<128x32xbf16, #tpu.memory_space<hbm>>) dst(%dma_wait3A_82 : memref<128x32xbf16, #tpu.memory_space<vmem_shared>>)
    %dma_wait3A_83 = arith.constant 0 : i32
    %dma_wait3A_84 = tpu.memref_slice %arg15[%add3A_23, %dma_wait3A_83] : memref<10240x32xbf16, #tpu.memory_space<vmem_shared>> -> memref<128x32xbf16, #tpu.memory_space<vmem_shared>>
    %dma_wait3A_85 = arith.constant 0 : i32
    %dma_wait3A_86 = tpu.memref_slice %arg3[%add3A_23, %dma_wait3A_85] : memref<10240x32xbf16, #tpu.memory_space<hbm>> -> memref<128x32xbf16, #tpu.memory_space<hbm>>
    tpu.wait_dma2 semaphore(%arg16 : memref<!tpu.dma_semaphore, #tpu.memory_space<semaphore_mem>>) src(%dma_wait3A_86 : memref<128x32xbf16, #tpu.memory_space<hbm>>) dst(%dma_wait3A_84 : memref<128x32xbf16, #tpu.memory_space<vmem_shared>>)
    %dma_wait3A_87 = arith.constant 0 : i32
    %dma_wait3A_88 = tpu.memref_slice %arg14[%add3A_23, %dma_wait3A_87] : memref<10240x32xbf16, #tpu.memory_space<vmem_shared>> -> memref<128x32xbf16, #tpu.memory_space<vmem_shared>>
    tpu.wait_dma2 semaphore(%arg17 : memref<!tpu.dma_semaphore, #tpu.memory_space<semaphore_mem>>) src(%arg4 : memref<128x32xbf16, #tpu.memory_space<hbm>>) dst(%dma_wait3A_88 : memref<128x32xbf16, #tpu.memory_space<vmem_shared>>)
    %dma_wait3A_89 = arith.constant 0 : i32
    %dma_wait3A_90 = tpu.memref_slice %arg15[%add3A_31, %dma_wait3A_89] : memref<10240x32xbf16, #tpu.memory_space<vmem_shared>> -> memref<128x32xbf16, #tpu.memory_space<vmem_shared>>
    %dma_wait3A_91 = arith.constant 0 : i32
    %dma_wait3A_92 = tpu.memref_slice %arg3[%add3A_31, %dma_wait3A_91] : memref<10240x32xbf16, #tpu.memory_space<hbm>> -> memref<128x32xbf16, #tpu.memory_space<hbm>>
    tpu.wait_dma2 semaphore(%arg16 : memref<!tpu.dma_semaphore, #tpu.memory_space<semaphore_mem>>) src(%dma_wait3A_92 : memref<128x32xbf16, #tpu.memory_space<hbm>>) dst(%dma_wait3A_90 : memref<128x32xbf16, #tpu.memory_space<vmem_shared>>)
    %dma_wait3A_93 = arith.constant 0 : i32
    %dma_wait3A_94 = tpu.memref_slice %arg14[%add3A_31, %dma_wait3A_93] : memref<10240x32xbf16, #tpu.memory_space<vmem_shared>> -> memref<128x32xbf16, #tpu.memory_space<vmem_shared>>
    tpu.wait_dma2 semaphore(%arg17 : memref<!tpu.dma_semaphore, #tpu.memory_space<semaphore_mem>>) src(%arg4 : memref<128x32xbf16, #tpu.memory_space<hbm>>) dst(%dma_wait3A_94 : memref<128x32xbf16, #tpu.memory_space<vmem_shared>>)
    %dma_wait3A_95 = arith.constant 0 : i32
    %dma_wait3A_96 = tpu.memref_slice %arg15[%add3A_39, %dma_wait3A_95] : memref<10240x32xbf16, #tpu.memory_space<vmem_shared>> -> memref<128x32xbf16, #tpu.memory_space<vmem_shared>>
    %dma_wait3A_97 = arith.constant 0 : i32
    %dma_wait3A_98 = tpu.memref_slice %arg3[%add3A_39, %dma_wait3A_97] : memref<10240x32xbf16, #tpu.memory_space<hbm>> -> memref<128x32xbf16, #tpu.memory_space<hbm>>
    tpu.wait_dma2 semaphore(%arg16 : memref<!tpu.dma_semaphore, #tpu.memory_space<semaphore_mem>>) src(%dma_wait3A_98 : memref<128x32xbf16, #tpu.memory_space<hbm>>) dst(%dma_wait3A_96 : memref<128x32xbf16, #tpu.memory_space<vmem_shared>>)
    %dma_wait3A_99 = arith.constant 0 : i32
    %dma_wait3A_100 = tpu.memref_slice %arg14[%add3A_39, %dma_wait3A_99] : memref<10240x32xbf16, #tpu.memory_space<vmem_shared>> -> memref<128x32xbf16, #tpu.memory_space<vmem_shared>>
    tpu.wait_dma2 semaphore(%arg17 : memref<!tpu.dma_semaphore, #tpu.memory_space<semaphore_mem>>) src(%arg4 : memref<128x32xbf16, #tpu.memory_space<hbm>>) dst(%dma_wait3A_100 : memref<128x32xbf16, #tpu.memory_space<vmem_shared>>)
    %dma_wait3A_101 = arith.constant 0 : i32
    %dma_wait3A_102 = arith.constant 0 : i32
    %dma_wait3A_103 = arith.constant 0 : i32
    %dma_wait3A_104 = tpu.memref_slice %arg6[%dma_wait3A_102, %dma_wait3A_103] : memref<79x128xi32, #tpu.memory_space<vmem>> -> memref<78x128xi32, #tpu.memory_space<vmem>>
    %dma_wait3A_105 = arith.constant 0 : i32
    %dma_wait3A_106 = tpu.memref_slice %arg2[%dma_wait3A_101, %add3A_6, %dma_wait3A_105] : memref<2x2500x128xi32, #tpu.memory_space<hbm>> -> memref<1x78x128xi32, #tpu.memory_space<hbm>>
    %dma_wait3A_107 = tpu.memref_squeeze %dma_wait3A_106 : memref<1x78x128xi32, #tpu.memory_space<hbm>> -> memref<78x128xi32, #tpu.memory_space<hbm>>
    %dma_wait3A_108 = arith.constant 0 : i32
    %dma_wait3A_109 = arith.constant 0 : i32
    %dma_wait3A_110 = tpu.memref_slice %arg6[%dma_wait3A_108, %dma_wait3A_109] : memref<79x128xi32, #tpu.memory_space<vmem>> -> memref<78x128xi32, #tpu.memory_space<vmem>>
    %dma_wait3A_111 = arith.constant 0 : i32
    %dma_wait3A_112 = tpu.memref_slice %arg2[%dma_wait3A_101, %add3A_6, %dma_wait3A_111] : memref<2x2500x128xi32, #tpu.memory_space<hbm>> -> memref<1x78x128xi32, #tpu.memory_space<hbm>>
    %dma_wait3A_113 = tpu.memref_squeeze %dma_wait3A_112 : memref<1x78x128xi32, #tpu.memory_space<hbm>> -> memref<78x128xi32, #tpu.memory_space<hbm>>
    tpu.wait_dma2 semaphore(%arg18 : memref<!tpu.dma_semaphore, #tpu.memory_space<semaphore_mem>>) src(%dma_wait3A_113 : memref<78x128xi32, #tpu.memory_space<hbm>>) dst(%dma_wait3A_110 : memref<78x128xi32, #tpu.memory_space<vmem>>)
    %dma_wait3A_114 = arith.constant 1 : i32
    %dma_wait3A_115 = arith.constant 0 : i32
    %dma_wait3A_116 = arith.constant 0 : i32
    %dma_wait3A_117 = tpu.memref_slice %arg7[%dma_wait3A_115, %dma_wait3A_116] : memref<79x128xi32, #tpu.memory_space<vmem>> -> memref<78x128xi32, #tpu.memory_space<vmem>>
    %dma_wait3A_118 = arith.constant 0 : i32
    %dma_wait3A_119 = tpu.memref_slice %arg2[%dma_wait3A_114, %add3A_6, %dma_wait3A_118] : memref<2x2500x128xi32, #tpu.memory_space<hbm>> -> memref<1x78x128xi32, #tpu.memory_space<hbm>>
    %dma_wait3A_120 = tpu.memref_squeeze %dma_wait3A_119 : memref<1x78x128xi32, #tpu.memory_space<hbm>> -> memref<78x128xi32, #tpu.memory_space<hbm>>
    %dma_wait3A_121 = arith.constant 0 : i32
    %dma_wait3A_122 = arith.constant 0 : i32
    %dma_wait3A_123 = tpu.memref_slice %arg7[%dma_wait3A_121, %dma_wait3A_122] : memref<79x128xi32, #tpu.memory_space<vmem>> -> memref<78x128xi32, #tpu.memory_space<vmem>>
    %dma_wait3A_124 = arith.constant 0 : i32
    %dma_wait3A_125 = tpu.memref_slice %arg2[%dma_wait3A_114, %add3A_6, %dma_wait3A_124] : memref<2x2500x128xi32, #tpu.memory_space<hbm>> -> memref<1x78x128xi32, #tpu.memory_space<hbm>>
    %dma_wait3A_126 = tpu.memref_squeeze %dma_wait3A_125 : memref<1x78x128xi32, #tpu.memory_space<hbm>> -> memref<78x128xi32, #tpu.memory_space<hbm>>
    tpu.wait_dma2 semaphore(%arg18 : memref<!tpu.dma_semaphore, #tpu.memory_space<semaphore_mem>>) src(%dma_wait3A_126 : memref<78x128xi32, #tpu.memory_space<hbm>>) dst(%dma_wait3A_123 : memref<78x128xi32, #tpu.memory_space<vmem>>)
    %lt3A = arith.constant 4 : i32
    %lt3A_127 = arith.cmpi slt, %add3A, %lt3A : i32
    %convert_element_type3A = arith.extui %lt3A_127 : i1 to i32
    %cond3A = arith.constant 0 : i32
    %cond3A_128 = arith.cmpi ne, %convert_element_type3A, %cond3A : i32
    scf.if %cond3A_128 {
      %add3A_242 = arith.constant 78 : i32
      %add3A_243 = arith.addi %add3A_6, %add3A_242 : i32
      %run_scoped3A = arith.constant 0 : i32
      "tpu.region"() ({
        %run_scoped3A_247 = tpu.sem_alloc : memref<!tpu.dma_semaphore, #tpu.memory_space<semaphore_mem>>
        %dma_start3A_248 = arith.constant 78 : i32
        %dma_start3A_249 = arith.constant 0 : i32
        %dma_start3A_250 = tpu.memref_slice %arg6[%dma_start3A_248, %dma_start3A_249] : memref<79x128xi32, #tpu.memory_space<vmem>> -> memref<1x128xi32, #tpu.memory_space<vmem>>
        %dma_start3A_251 = arith.constant 0 : i32
        %dma_start3A_252 = tpu.memref_slice %arg2[%run_scoped3A, %add3A_243, %dma_start3A_251] : memref<2x2500x128xi32, #tpu.memory_space<hbm>> -> memref<1x1x128xi32, #tpu.memory_space<hbm>>
        %dma_start3A_253 = tpu.memref_squeeze %dma_start3A_252 : memref<1x1x128xi32, #tpu.memory_space<hbm>> -> memref<1x128xi32, #tpu.memory_space<hbm>>
        %dma_start3A_254 = arith.constant 78 : i32
        %dma_start3A_255 = arith.constant 0 : i32
        %dma_start3A_256 = tpu.memref_slice %arg6[%dma_start3A_254, %dma_start3A_255] : memref<79x128xi32, #tpu.memory_space<vmem>> -> memref<1x128xi32, #tpu.memory_space<vmem>>
        %dma_start3A_257 = arith.constant 0 : i32
        %dma_start3A_258 = tpu.memref_slice %arg2[%run_scoped3A, %add3A_243, %dma_start3A_257] : memref<2x2500x128xi32, #tpu.memory_space<hbm>> -> memref<1x1x128xi32, #tpu.memory_space<hbm>>
        %dma_start3A_259 = tpu.memref_squeeze %dma_start3A_258 : memref<1x1x128xi32, #tpu.memory_space<hbm>> -> memref<1x128xi32, #tpu.memory_space<hbm>>
        tpu.enqueue_dma source(%dma_start3A_259 : memref<1x128xi32, #tpu.memory_space<hbm>>) target(%dma_start3A_256 : memref<1x128xi32, #tpu.memory_space<vmem>>) target_semaphore(%run_scoped3A_247 : memref<!tpu.dma_semaphore, #tpu.memory_space<semaphore_mem>>)
        %dma_wait3A_260 = arith.constant 78 : i32
        %dma_wait3A_261 = arith.constant 0 : i32
        %dma_wait3A_262 = tpu.memref_slice %arg6[%dma_wait3A_260, %dma_wait3A_261] : memref<79x128xi32, #tpu.memory_space<vmem>> -> memref<1x128xi32, #tpu.memory_space<vmem>>
        %dma_wait3A_263 = arith.constant 0 : i32
        %dma_wait3A_264 = tpu.memref_slice %arg2[%run_scoped3A, %add3A_243, %dma_wait3A_263] : memref<2x2500x128xi32, #tpu.memory_space<hbm>> -> memref<1x1x128xi32, #tpu.memory_space<hbm>>
        %dma_wait3A_265 = tpu.memref_squeeze %dma_wait3A_264 : memref<1x1x128xi32, #tpu.memory_space<hbm>> -> memref<1x128xi32, #tpu.memory_space<hbm>>
        %dma_wait3A_266 = arith.constant 78 : i32
        %dma_wait3A_267 = arith.constant 0 : i32
        %dma_wait3A_268 = tpu.memref_slice %arg6[%dma_wait3A_266, %dma_wait3A_267] : memref<79x128xi32, #tpu.memory_space<vmem>> -> memref<1x128xi32, #tpu.memory_space<vmem>>
        %dma_wait3A_269 = arith.constant 0 : i32
        %dma_wait3A_270 = tpu.memref_slice %arg2[%run_scoped3A, %add3A_243, %dma_wait3A_269] : memref<2x2500x128xi32, #tpu.memory_space<hbm>> -> memref<1x1x128xi32, #tpu.memory_space<hbm>>
        %dma_wait3A_271 = tpu.memref_squeeze %dma_wait3A_270 : memref<1x1x128xi32, #tpu.memory_space<hbm>> -> memref<1x128xi32, #tpu.memory_space<hbm>>
        tpu.wait_dma2 semaphore(%run_scoped3A_247 : memref<!tpu.dma_semaphore, #tpu.memory_space<semaphore_mem>>) src(%dma_wait3A_271 : memref<1x128xi32, #tpu.memory_space<hbm>>) dst(%dma_wait3A_268 : memref<1x128xi32, #tpu.memory_space<vmem>>)
        tpu.yield
      }) : () -> ()
      %add3A_244 = arith.constant 78 : i32
      %add3A_245 = arith.addi %add3A_6, %add3A_244 : i32
      %run_scoped3A_246 = arith.constant 1 : i32
      "tpu.region"() ({
        %run_scoped3A_247 = tpu.sem_alloc : memref<!tpu.dma_semaphore, #tpu.memory_space<semaphore_mem>>
        %dma_start3A_248 = arith.constant 78 : i32
        %dma_start3A_249 = arith.constant 0 : i32
        %dma_start3A_250 = tpu.memref_slice %arg7[%dma_start3A_248, %dma_start3A_249] : memref<79x128xi32, #tpu.memory_space<vmem>> -> memref<1x128xi32, #tpu.memory_space<vmem>>
        %dma_start3A_251 = arith.constant 0 : i32
        %dma_start3A_252 = tpu.memref_slice %arg2[%run_scoped3A_246, %add3A_245, %dma_start3A_251] : memref<2x2500x128xi32, #tpu.memory_space<hbm>> -> memref<1x1x128xi32, #tpu.memory_space<hbm>>
        %dma_start3A_253 = tpu.memref_squeeze %dma_start3A_252 : memref<1x1x128xi32, #tpu.memory_space<hbm>> -> memref<1x128xi32, #tpu.memory_space<hbm>>
        %dma_start3A_254 = arith.constant 78 : i32
        %dma_start3A_255 = arith.constant 0 : i32
        %dma_start3A_256 = tpu.memref_slice %arg7[%dma_start3A_254, %dma_start3A_255] : memref<79x128xi32, #tpu.memory_space<vmem>> -> memref<1x128xi32, #tpu.memory_space<vmem>>
        %dma_start3A_257 = arith.constant 0 : i32
        %dma_start3A_258 = tpu.memref_slice %arg2[%run_scoped3A_246, %add3A_245, %dma_start3A_257] : memref<2x2500x128xi32, #tpu.memory_space<hbm>> -> memref<1x1x128xi32, #tpu.memory_space<hbm>>
        %dma_start3A_259 = tpu.memref_squeeze %dma_start3A_258 : memref<1x1x128xi32, #tpu.memory_space<hbm>> -> memref<1x128xi32, #tpu.memory_space<hbm>>
        tpu.enqueue_dma source(%dma_start3A_259 : memref<1x128xi32, #tpu.memory_space<hbm>>) target(%dma_start3A_256 : memref<1x128xi32, #tpu.memory_space<vmem>>) target_semaphore(%run_scoped3A_247 : memref<!tpu.dma_semaphore, #tpu.memory_space<semaphore_mem>>)
        %dma_wait3A_260 = arith.constant 78 : i32
        %dma_wait3A_261 = arith.constant 0 : i32
        %dma_wait3A_262 = tpu.memref_slice %arg7[%dma_wait3A_260, %dma_wait3A_261] : memref<79x128xi32, #tpu.memory_space<vmem>> -> memref<1x128xi32, #tpu.memory_space<vmem>>
        %dma_wait3A_263 = arith.constant 0 : i32
        %dma_wait3A_264 = tpu.memref_slice %arg2[%run_scoped3A_246, %add3A_245, %dma_wait3A_263] : memref<2x2500x128xi32, #tpu.memory_space<hbm>> -> memref<1x1x128xi32, #tpu.memory_space<hbm>>
        %dma_wait3A_265 = tpu.memref_squeeze %dma_wait3A_264 : memref<1x1x128xi32, #tpu.memory_space<hbm>> -> memref<1x128xi32, #tpu.memory_space<hbm>>
        %dma_wait3A_266 = arith.constant 78 : i32
        %dma_wait3A_267 = arith.constant 0 : i32
        %dma_wait3A_268 = tpu.memref_slice %arg7[%dma_wait3A_266, %dma_wait3A_267] : memref<79x128xi32, #tpu.memory_space<vmem>> -> memref<1x128xi32, #tpu.memory_space<vmem>>
        %dma_wait3A_269 = arith.constant 0 : i32
        %dma_wait3A_270 = tpu.memref_slice %arg2[%run_scoped3A_246, %add3A_245, %dma_wait3A_269] : memref<2x2500x128xi32, #tpu.memory_space<hbm>> -> memref<1x1x128xi32, #tpu.memory_space<hbm>>
        %dma_wait3A_271 = tpu.memref_squeeze %dma_wait3A_270 : memref<1x1x128xi32, #tpu.memory_space<hbm>> -> memref<1x128xi32, #tpu.memory_space<hbm>>
        tpu.wait_dma2 semaphore(%run_scoped3A_247 : memref<!tpu.dma_semaphore, #tpu.memory_space<semaphore_mem>>) src(%dma_wait3A_271 : memref<1x128xi32, #tpu.memory_space<hbm>>) dst(%dma_wait3A_268 : memref<1x128xi32, #tpu.memory_space<vmem>>)
        tpu.yield
      }) : () -> ()
    } else {
    }
    %barrier3A = arith.constant 0 : index
    tpu.barrier barrier_id(%barrier3A)
    %dma_start3A_129 = arith.constant 0 : i32
    %dma_start3A_130 = arith.constant 0 : i32
    %dma_start3A_131 = tpu.memref_slice %arg6[%dma_start3A_129, %dma_start3A_130] : memref<79x128xi32, #tpu.memory_space<vmem>> -> memref<1x128xi32, #tpu.memory_space<vmem>>
    %dma_start3A_132 = tpu.memref_squeeze %dma_start3A_131 : memref<1x128xi32, #tpu.memory_space<vmem>> -> memref<128xi32, #tpu.memory_space<vmem>>
    %dma_start3A_133 = arith.constant 0 : i32
    %dma_start3A_134 = arith.constant 0 : i32
    %dma_start3A_135 = tpu.memref_slice %arg15[%dma_start3A_133, %dma_start3A_134] : memref<10240x32xbf16, #tpu.memory_space<vmem_shared>> -> memref<10240x32xbf16, #tpu.memory_space<vmem_shared>>
    tpu.enqueue_indirect_dma source(%dma_start3A_135 : memref<10240x32xbf16, #tpu.memory_space<vmem_shared>>) target(%arg8 : memref<128x32xbf16, #tpu.memory_space<vmem>>) offsets(%dma_start3A_132 : memref<128xi32, #tpu.memory_space<vmem>>) semaphore(%arg16 : memref<!tpu.dma_semaphore, #tpu.memory_space<semaphore_mem>>)
    %dma_start3A_136 = arith.constant 1 : i32
    %dma_start3A_137 = arith.constant 0 : i32
    %dma_start3A_138 = tpu.memref_slice %arg6[%dma_start3A_136, %dma_start3A_137] : memref<79x128xi32, #tpu.memory_space<vmem>> -> memref<1x128xi32, #tpu.memory_space<vmem>>
    %dma_start3A_139 = tpu.memref_squeeze %dma_start3A_138 : memref<1x128xi32, #tpu.memory_space<vmem>> -> memref<128xi32, #tpu.memory_space<vmem>>
    %dma_start3A_140 = arith.constant 0 : i32
    %dma_start3A_141 = arith.constant 0 : i32
    %dma_start3A_142 = tpu.memref_slice %arg15[%dma_start3A_140, %dma_start3A_141] : memref<10240x32xbf16, #tpu.memory_space<vmem_shared>> -> memref<10240x32xbf16, #tpu.memory_space<vmem_shared>>
    tpu.enqueue_indirect_dma source(%dma_start3A_142 : memref<10240x32xbf16, #tpu.memory_space<vmem_shared>>) target(%arg9 : memref<128x32xbf16, #tpu.memory_space<vmem>>) offsets(%dma_start3A_139 : memref<128xi32, #tpu.memory_space<vmem>>) semaphore(%arg17 : memref<!tpu.dma_semaphore, #tpu.memory_space<semaphore_mem>>)
    %dma_start3A_143 = arith.constant 2 : i32
    %dma_start3A_144 = arith.constant 0 : i32
    %dma_start3A_145 = tpu.memref_slice %arg6[%dma_start3A_143, %dma_start3A_144] : memref<79x128xi32, #tpu.memory_space<vmem>> -> memref<1x128xi32, #tpu.memory_space<vmem>>
    %dma_start3A_146 = tpu.memref_squeeze %dma_start3A_145 : memref<1x128xi32, #tpu.memory_space<vmem>> -> memref<128xi32, #tpu.memory_space<vmem>>
    %dma_start3A_147 = arith.constant 0 : i32
    %dma_start3A_148 = arith.constant 0 : i32
    %dma_start3A_149 = tpu.memref_slice %arg15[%dma_start3A_147, %dma_start3A_148] : memref<10240x32xbf16, #tpu.memory_space<vmem_shared>> -> memref<10240x32xbf16, #tpu.memory_space<vmem_shared>>
    tpu.enqueue_indirect_dma source(%dma_start3A_149 : memref<10240x32xbf16, #tpu.memory_space<vmem_shared>>) target(%arg10 : memref<128x32xbf16, #tpu.memory_space<vmem>>) offsets(%dma_start3A_146 : memref<128xi32, #tpu.memory_space<vmem>>) semaphore(%arg18 : memref<!tpu.dma_semaphore, #tpu.memory_space<semaphore_mem>>)
    %dma_start3A_150 = arith.constant 3 : i32
    %dma_start3A_151 = arith.constant 0 : i32
    %dma_start3A_152 = tpu.memref_slice %arg6[%dma_start3A_150, %dma_start3A_151] : memref<79x128xi32, #tpu.memory_space<vmem>> -> memref<1x128xi32, #tpu.memory_space<vmem>>
    %dma_start3A_153 = tpu.memref_squeeze %dma_start3A_152 : memref<1x128xi32, #tpu.memory_space<vmem>> -> memref<128xi32, #tpu.memory_space<vmem>>
    %dma_start3A_154 = arith.constant 0 : i32
    %dma_start3A_155 = arith.constant 0 : i32
    %dma_start3A_156 = tpu.memref_slice %arg15[%dma_start3A_154, %dma_start3A_155] : memref<10240x32xbf16, #tpu.memory_space<vmem_shared>> -> memref<10240x32xbf16, #tpu.memory_space<vmem_shared>>
    tpu.enqueue_indirect_dma source(%dma_start3A_156 : memref<10240x32xbf16, #tpu.memory_space<vmem_shared>>) target(%arg11 : memref<128x32xbf16, #tpu.memory_space<vmem>>) offsets(%dma_start3A_153 : memref<128xi32, #tpu.memory_space<vmem>>) semaphore(%arg19 : memref<!tpu.dma_semaphore, #tpu.memory_space<semaphore_mem>>)
    %dma_start3A_157 = arith.constant 4 : i32
    %dma_start3A_158 = arith.constant 0 : i32
    %dma_start3A_159 = tpu.memref_slice %arg6[%dma_start3A_157, %dma_start3A_158] : memref<79x128xi32, #tpu.memory_space<vmem>> -> memref<1x128xi32, #tpu.memory_space<vmem>>
    %dma_start3A_160 = tpu.memref_squeeze %dma_start3A_159 : memref<1x128xi32, #tpu.memory_space<vmem>> -> memref<128xi32, #tpu.memory_space<vmem>>
    %dma_start3A_161 = arith.constant 0 : i32
    %dma_start3A_162 = arith.constant 0 : i32
    %dma_start3A_163 = tpu.memref_slice %arg15[%dma_start3A_161, %dma_start3A_162] : memref<10240x32xbf16, #tpu.memory_space<vmem_shared>> -> memref<10240x32xbf16, #tpu.memory_space<vmem_shared>>
    tpu.enqueue_indirect_dma source(%dma_start3A_163 : memref<10240x32xbf16, #tpu.memory_space<vmem_shared>>) target(%arg12 : memref<128x32xbf16, #tpu.memory_space<vmem>>) offsets(%dma_start3A_160 : memref<128xi32, #tpu.memory_space<vmem>>) semaphore(%arg20 : memref<!tpu.dma_semaphore, #tpu.memory_space<semaphore_mem>>)
    %dma_start3A_164 = arith.constant 5 : i32
    %dma_start3A_165 = arith.constant 0 : i32
    %dma_start3A_166 = tpu.memref_slice %arg6[%dma_start3A_164, %dma_start3A_165] : memref<79x128xi32, #tpu.memory_space<vmem>> -> memref<1x128xi32, #tpu.memory_space<vmem>>
    %dma_start3A_167 = tpu.memref_squeeze %dma_start3A_166 : memref<1x128xi32, #tpu.memory_space<vmem>> -> memref<128xi32, #tpu.memory_space<vmem>>
    %dma_start3A_168 = arith.constant 0 : i32
    %dma_start3A_169 = arith.constant 0 : i32
    %dma_start3A_170 = tpu.memref_slice %arg15[%dma_start3A_168, %dma_start3A_169] : memref<10240x32xbf16, #tpu.memory_space<vmem_shared>> -> memref<10240x32xbf16, #tpu.memory_space<vmem_shared>>
    tpu.enqueue_indirect_dma source(%dma_start3A_170 : memref<10240x32xbf16, #tpu.memory_space<vmem_shared>>) target(%arg13 : memref<128x32xbf16, #tpu.memory_space<vmem>>) offsets(%dma_start3A_167 : memref<128xi32, #tpu.memory_space<vmem>>) semaphore(%arg21 : memref<!tpu.dma_semaphore, #tpu.memory_space<semaphore_mem>>)
    %scan3A = arith.constant 0 : i32
    %scan3A_171 = arith.constant 0 : i32
    %scan3A_172 = arith.constant 13 : i32
    %scan3A_173 = arith.addi %scan3A_171, %scan3A_172 : i32
    %scan3A_174 = arith.constant 1 : i32
    scf.for %scan3A_242 = %scan3A_171 to %scan3A_173 step %scan3A_174  : i32 {
      %mul3A_243 = arith.constant 6 : i32
      %mul3A_244 = arith.muli %scan3A_242, %mul3A_243 : i32
      %add3A_245 = arith.constant 0 : i32
      %add3A_246 = arith.addi %mul3A_244, %add3A_245 : i32
      %dma_wait3A_247 = arith.constant 0 : i32
      %dma_wait3A_248 = tpu.memref_slice %arg6[%add3A_246, %dma_wait3A_247] : memref<79x128xi32, #tpu.memory_space<vmem>> -> memref<1x128xi32, #tpu.memory_space<vmem>>
      %dma_wait3A_249 = tpu.memref_squeeze %dma_wait3A_248 : memref<1x128xi32, #tpu.memory_space<vmem>> -> memref<128xi32, #tpu.memory_space<vmem>>
      %dma_wait3A_250 = arith.constant 0 : i32
      %dma_wait3A_251 = arith.constant 0 : i32
      %dma_wait3A_252 = tpu.memref_slice %arg15[%dma_wait3A_250, %dma_wait3A_251] : memref<10240x32xbf16, #tpu.memory_space<vmem_shared>> -> memref<10240x32xbf16, #tpu.memory_space<vmem_shared>>
      tpu.wait_indirect_dma semaphore(%arg16 : memref<!tpu.dma_semaphore, #tpu.memory_space<semaphore_mem>>) src(%dma_wait3A_252 : memref<10240x32xbf16, #tpu.memory_space<vmem_shared>>) dst(%arg8 : memref<128x32xbf16, #tpu.memory_space<vmem>>)
      %add3A_253 = arith.constant 0 : i32
      %add3A_254 = arith.addi %mul3A_244, %add3A_253 : i32
      %dma_start3A_255 = arith.constant 0 : i32
      %dma_start3A_256 = tpu.memref_slice %arg7[%add3A_254, %dma_start3A_255] : memref<79x128xi32, #tpu.memory_space<vmem>> -> memref<1x128xi32, #tpu.memory_space<vmem>>
      %dma_start3A_257 = tpu.memref_squeeze %dma_start3A_256 : memref<1x128xi32, #tpu.memory_space<vmem>> -> memref<128xi32, #tpu.memory_space<vmem>>
      %dma_start3A_258 = arith.constant 0 : i32
      %dma_start3A_259 = arith.constant 0 : i32
      %dma_start3A_260 = tpu.memref_slice %arg14[%dma_start3A_258, %dma_start3A_259] : memref<10240x32xbf16, #tpu.memory_space<vmem_shared>> -> memref<10240x32xbf16, #tpu.memory_space<vmem_shared>>
      tpu.enqueue_indirect_dma source(%arg8 : memref<128x32xbf16, #tpu.memory_space<vmem>>) target(%dma_start3A_260 : memref<10240x32xbf16, #tpu.memory_space<vmem_shared>>) offsets(%dma_start3A_257 : memref<128xi32, #tpu.memory_space<vmem>>) semaphore(%arg22 : memref<!tpu.dma_semaphore, #tpu.memory_space<semaphore_mem>>) {add = true}
      %add3A_261 = arith.constant 1 : i32
      %add3A_262 = arith.addi %mul3A_244, %add3A_261 : i32
      %dma_wait3A_263 = arith.constant 0 : i32
      %dma_wait3A_264 = tpu.memref_slice %arg6[%add3A_262, %dma_wait3A_263] : memref<79x128xi32, #tpu.memory_space<vmem>> -> memref<1x128xi32, #tpu.memory_space<vmem>>
      %dma_wait3A_265 = tpu.memref_squeeze %dma_wait3A_264 : memref<1x128xi32, #tpu.memory_space<vmem>> -> memref<128xi32, #tpu.memory_space<vmem>>
      %dma_wait3A_266 = arith.constant 0 : i32
      %dma_wait3A_267 = arith.constant 0 : i32
      %dma_wait3A_268 = tpu.memref_slice %arg15[%dma_wait3A_266, %dma_wait3A_267] : memref<10240x32xbf16, #tpu.memory_space<vmem_shared>> -> memref<10240x32xbf16, #tpu.memory_space<vmem_shared>>
      tpu.wait_indirect_dma semaphore(%arg17 : memref<!tpu.dma_semaphore, #tpu.memory_space<semaphore_mem>>) src(%dma_wait3A_268 : memref<10240x32xbf16, #tpu.memory_space<vmem_shared>>) dst(%arg9 : memref<128x32xbf16, #tpu.memory_space<vmem>>)
      %add3A_269 = arith.constant 1 : i32
      %add3A_270 = arith.addi %mul3A_244, %add3A_269 : i32
      %dma_start3A_271 = arith.constant 0 : i32
      %dma_start3A_272 = tpu.memref_slice %arg7[%add3A_270, %dma_start3A_271] : memref<79x128xi32, #tpu.memory_space<vmem>> -> memref<1x128xi32, #tpu.memory_space<vmem>>
      %dma_start3A_273 = tpu.memref_squeeze %dma_start3A_272 : memref<1x128xi32, #tpu.memory_space<vmem>> -> memref<128xi32, #tpu.memory_space<vmem>>
      %dma_start3A_274 = arith.constant 0 : i32
      %dma_start3A_275 = arith.constant 0 : i32
      %dma_start3A_276 = tpu.memref_slice %arg14[%dma_start3A_274, %dma_start3A_275] : memref<10240x32xbf16, #tpu.memory_space<vmem_shared>> -> memref<10240x32xbf16, #tpu.memory_space<vmem_shared>>
      tpu.enqueue_indirect_dma source(%arg9 : memref<128x32xbf16, #tpu.memory_space<vmem>>) target(%dma_start3A_276 : memref<10240x32xbf16, #tpu.memory_space<vmem_shared>>) offsets(%dma_start3A_273 : memref<128xi32, #tpu.memory_space<vmem>>) semaphore(%arg23 : memref<!tpu.dma_semaphore, #tpu.memory_space<semaphore_mem>>) {add = true}
      %add3A_277 = arith.constant 2 : i32
      %add3A_278 = arith.addi %mul3A_244, %add3A_277 : i32
      %dma_wait3A_279 = arith.constant 0 : i32
      %dma_wait3A_280 = tpu.memref_slice %arg6[%add3A_278, %dma_wait3A_279] : memref<79x128xi32, #tpu.memory_space<vmem>> -> memref<1x128xi32, #tpu.memory_space<vmem>>
      %dma_wait3A_281 = tpu.memref_squeeze %dma_wait3A_280 : memref<1x128xi32, #tpu.memory_space<vmem>> -> memref<128xi32, #tpu.memory_space<vmem>>
      %dma_wait3A_282 = arith.constant 0 : i32
      %dma_wait3A_283 = arith.constant 0 : i32
      %dma_wait3A_284 = tpu.memref_slice %arg15[%dma_wait3A_282, %dma_wait3A_283] : memref<10240x32xbf16, #tpu.memory_space<vmem_shared>> -> memref<10240x32xbf16, #tpu.memory_space<vmem_shared>>
      tpu.wait_indirect_dma semaphore(%arg18 : memref<!tpu.dma_semaphore, #tpu.memory_space<semaphore_mem>>) src(%dma_wait3A_284 : memref<10240x32xbf16, #tpu.memory_space<vmem_shared>>) dst(%arg10 : memref<128x32xbf16, #tpu.memory_space<vmem>>)
      %add3A_285 = arith.constant 2 : i32
      %add3A_286 = arith.addi %mul3A_244, %add3A_285 : i32
      %dma_start3A_287 = arith.constant 0 : i32
      %dma_start3A_288 = tpu.memref_slice %arg7[%add3A_286, %dma_start3A_287] : memref<79x128xi32, #tpu.memory_space<vmem>> -> memref<1x128xi32, #tpu.memory_space<vmem>>
      %dma_start3A_289 = tpu.memref_squeeze %dma_start3A_288 : memref<1x128xi32, #tpu.memory_space<vmem>> -> memref<128xi32, #tpu.memory_space<vmem>>
      %dma_start3A_290 = arith.constant 0 : i32
      %dma_start3A_291 = arith.constant 0 : i32
      %dma_start3A_292 = tpu.memref_slice %arg14[%dma_start3A_290, %dma_start3A_291] : memref<10240x32xbf16, #tpu.memory_space<vmem_shared>> -> memref<10240x32xbf16, #tpu.memory_space<vmem_shared>>
      tpu.enqueue_indirect_dma source(%arg10 : memref<128x32xbf16, #tpu.memory_space<vmem>>) target(%dma_start3A_292 : memref<10240x32xbf16, #tpu.memory_space<vmem_shared>>) offsets(%dma_start3A_289 : memref<128xi32, #tpu.memory_space<vmem>>) semaphore(%arg24 : memref<!tpu.dma_semaphore, #tpu.memory_space<semaphore_mem>>) {add = true}
      %add3A_293 = arith.constant 3 : i32
      %add3A_294 = arith.addi %mul3A_244, %add3A_293 : i32
      %dma_wait3A_295 = arith.constant 0 : i32
      %dma_wait3A_296 = tpu.memref_slice %arg6[%add3A_294, %dma_wait3A_295] : memref<79x128xi32, #tpu.memory_space<vmem>> -> memref<1x128xi32, #tpu.memory_space<vmem>>
      %dma_wait3A_297 = tpu.memref_squeeze %dma_wait3A_296 : memref<1x128xi32, #tpu.memory_space<vmem>> -> memref<128xi32, #tpu.memory_space<vmem>>
      %dma_wait3A_298 = arith.constant 0 : i32
      %dma_wait3A_299 = arith.constant 0 : i32
      %dma_wait3A_300 = tpu.memref_slice %arg15[%dma_wait3A_298, %dma_wait3A_299] : memref<10240x32xbf16, #tpu.memory_space<vmem_shared>> -> memref<10240x32xbf16, #tpu.memory_space<vmem_shared>>
      tpu.wait_indirect_dma semaphore(%arg19 : memref<!tpu.dma_semaphore, #tpu.memory_space<semaphore_mem>>) src(%dma_wait3A_300 : memref<10240x32xbf16, #tpu.memory_space<vmem_shared>>) dst(%arg11 : memref<128x32xbf16, #tpu.memory_space<vmem>>)
      %add3A_301 = arith.constant 3 : i32
      %add3A_302 = arith.addi %mul3A_244, %add3A_301 : i32
      %dma_start3A_303 = arith.constant 0 : i32
      %dma_start3A_304 = tpu.memref_slice %arg7[%add3A_302, %dma_start3A_303] : memref<79x128xi32, #tpu.memory_space<vmem>> -> memref<1x128xi32, #tpu.memory_space<vmem>>
      %dma_start3A_305 = tpu.memref_squeeze %dma_start3A_304 : memref<1x128xi32, #tpu.memory_space<vmem>> -> memref<128xi32, #tpu.memory_space<vmem>>
      %dma_start3A_306 = arith.constant 0 : i32
      %dma_start3A_307 = arith.constant 0 : i32
      %dma_start3A_308 = tpu.memref_slice %arg14[%dma_start3A_306, %dma_start3A_307] : memref<10240x32xbf16, #tpu.memory_space<vmem_shared>> -> memref<10240x32xbf16, #tpu.memory_space<vmem_shared>>
      tpu.enqueue_indirect_dma source(%arg11 : memref<128x32xbf16, #tpu.memory_space<vmem>>) target(%dma_start3A_308 : memref<10240x32xbf16, #tpu.memory_space<vmem_shared>>) offsets(%dma_start3A_305 : memref<128xi32, #tpu.memory_space<vmem>>) semaphore(%arg25 : memref<!tpu.dma_semaphore, #tpu.memory_space<semaphore_mem>>) {add = true}
      %add3A_309 = arith.constant 4 : i32
      %add3A_310 = arith.addi %mul3A_244, %add3A_309 : i32
      %dma_wait3A_311 = arith.constant 0 : i32
      %dma_wait3A_312 = tpu.memref_slice %arg6[%add3A_310, %dma_wait3A_311] : memref<79x128xi32, #tpu.memory_space<vmem>> -> memref<1x128xi32, #tpu.memory_space<vmem>>
      %dma_wait3A_313 = tpu.memref_squeeze %dma_wait3A_312 : memref<1x128xi32, #tpu.memory_space<vmem>> -> memref<128xi32, #tpu.memory_space<vmem>>
      %dma_wait3A_314 = arith.constant 0 : i32
      %dma_wait3A_315 = arith.constant 0 : i32
      %dma_wait3A_316 = tpu.memref_slice %arg15[%dma_wait3A_314, %dma_wait3A_315] : memref<10240x32xbf16, #tpu.memory_space<vmem_shared>> -> memref<10240x32xbf16, #tpu.memory_space<vmem_shared>>
      tpu.wait_indirect_dma semaphore(%arg20 : memref<!tpu.dma_semaphore, #tpu.memory_space<semaphore_mem>>) src(%dma_wait3A_316 : memref<10240x32xbf16, #tpu.memory_space<vmem_shared>>) dst(%arg12 : memref<128x32xbf16, #tpu.memory_space<vmem>>)
      %add3A_317 = arith.constant 4 : i32
      %add3A_318 = arith.addi %mul3A_244, %add3A_317 : i32
      %dma_start3A_319 = arith.constant 0 : i32
      %dma_start3A_320 = tpu.memref_slice %arg7[%add3A_318, %dma_start3A_319] : memref<79x128xi32, #tpu.memory_space<vmem>> -> memref<1x128xi32, #tpu.memory_space<vmem>>
      %dma_start3A_321 = tpu.memref_squeeze %dma_start3A_320 : memref<1x128xi32, #tpu.memory_space<vmem>> -> memref<128xi32, #tpu.memory_space<vmem>>
      %dma_start3A_322 = arith.constant 0 : i32
      %dma_start3A_323 = arith.constant 0 : i32
      %dma_start3A_324 = tpu.memref_slice %arg14[%dma_start3A_322, %dma_start3A_323] : memref<10240x32xbf16, #tpu.memory_space<vmem_shared>> -> memref<10240x32xbf16, #tpu.memory_space<vmem_shared>>
      tpu.enqueue_indirect_dma source(%arg12 : memref<128x32xbf16, #tpu.memory_space<vmem>>) target(%dma_start3A_324 : memref<10240x32xbf16, #tpu.memory_space<vmem_shared>>) offsets(%dma_start3A_321 : memref<128xi32, #tpu.memory_space<vmem>>) semaphore(%arg26 : memref<!tpu.dma_semaphore, #tpu.memory_space<semaphore_mem>>) {add = true}
      %add3A_325 = arith.constant 5 : i32
      %add3A_326 = arith.addi %mul3A_244, %add3A_325 : i32
      %dma_wait3A_327 = arith.constant 0 : i32
      %dma_wait3A_328 = tpu.memref_slice %arg6[%add3A_326, %dma_wait3A_327] : memref<79x128xi32, #tpu.memory_space<vmem>> -> memref<1x128xi32, #tpu.memory_space<vmem>>
      %dma_wait3A_329 = tpu.memref_squeeze %dma_wait3A_328 : memref<1x128xi32, #tpu.memory_space<vmem>> -> memref<128xi32, #tpu.memory_space<vmem>>
      %dma_wait3A_330 = arith.constant 0 : i32
      %dma_wait3A_331 = arith.constant 0 : i32
      %dma_wait3A_332 = tpu.memref_slice %arg15[%dma_wait3A_330, %dma_wait3A_331] : memref<10240x32xbf16, #tpu.memory_space<vmem_shared>> -> memref<10240x32xbf16, #tpu.memory_space<vmem_shared>>
      tpu.wait_indirect_dma semaphore(%arg21 : memref<!tpu.dma_semaphore, #tpu.memory_space<semaphore_mem>>) src(%dma_wait3A_332 : memref<10240x32xbf16, #tpu.memory_space<vmem_shared>>) dst(%arg13 : memref<128x32xbf16, #tpu.memory_space<vmem>>)
      %add3A_333 = arith.constant 5 : i32
      %add3A_334 = arith.addi %mul3A_244, %add3A_333 : i32
      %dma_start3A_335 = arith.constant 0 : i32
      %dma_start3A_336 = tpu.memref_slice %arg7[%add3A_334, %dma_start3A_335] : memref<79x128xi32, #tpu.memory_space<vmem>> -> memref<1x128xi32, #tpu.memory_space<vmem>>
      %dma_start3A_337 = tpu.memref_squeeze %dma_start3A_336 : memref<1x128xi32, #tpu.memory_space<vmem>> -> memref<128xi32, #tpu.memory_space<vmem>>
      %dma_start3A_338 = arith.constant 0 : i32
      %dma_start3A_339 = arith.constant 0 : i32
      %dma_start3A_340 = tpu.memref_slice %arg14[%dma_start3A_338, %dma_start3A_339] : memref<10240x32xbf16, #tpu.memory_space<vmem_shared>> -> memref<10240x32xbf16, #tpu.memory_space<vmem_shared>>
      tpu.enqueue_indirect_dma source(%arg13 : memref<128x32xbf16, #tpu.memory_space<vmem>>) target(%dma_start3A_340 : memref<10240x32xbf16, #tpu.memory_space<vmem_shared>>) offsets(%dma_start3A_337 : memref<128xi32, #tpu.memory_space<vmem>>) semaphore(%arg27 : memref<!tpu.dma_semaphore, #tpu.memory_space<semaphore_mem>>) {add = true}
      %dma_wait3A_341 = arith.constant 0 : i32
      %dma_wait3A_342 = tpu.memref_slice %arg7[%add3A_254, %dma_wait3A_341] : memref<79x128xi32, #tpu.memory_space<vmem>> -> memref<1x128xi32, #tpu.memory_space<vmem>>
      %dma_wait3A_343 = tpu.memref_squeeze %dma_wait3A_342 : memref<1x128xi32, #tpu.memory_space<vmem>> -> memref<128xi32, #tpu.memory_space<vmem>>
      %dma_wait3A_344 = arith.constant 0 : i32
      %dma_wait3A_345 = arith.constant 0 : i32
      %dma_wait3A_346 = tpu.memref_slice %arg14[%dma_wait3A_344, %dma_wait3A_345] : memref<10240x32xbf16, #tpu.memory_space<vmem_shared>> -> memref<10240x32xbf16, #tpu.memory_space<vmem_shared>>
      tpu.wait_indirect_dma semaphore(%arg22 : memref<!tpu.dma_semaphore, #tpu.memory_space<semaphore_mem>>) src(%arg8 : memref<128x32xbf16, #tpu.memory_space<vmem>>) dst(%dma_wait3A_346 : memref<10240x32xbf16, #tpu.memory_space<vmem_shared>>)
      %lt3A_347 = arith.constant 12 : i32
      %lt3A_348 = arith.cmpi slt, %scan3A_242, %lt3A_347 : i32
      %convert_element_type3A_349 = arith.extui %lt3A_348 : i1 to i32
      %cond3A_350 = arith.constant 0 : i32
      %cond3A_351 = arith.cmpi ne, %convert_element_type3A_349, %cond3A_350 : i32
      scf.if %cond3A_351 {
        %add3A_407 = arith.constant 6 : i32
        %add3A_408 = arith.addi %mul3A_244, %add3A_407 : i32
        %add3A_409 = arith.constant 0 : i32
        %add3A_410 = arith.addi %add3A_408, %add3A_409 : i32
        %dma_start3A_411 = arith.constant 0 : i32
        %dma_start3A_412 = tpu.memref_slice %arg6[%add3A_410, %dma_start3A_411] : memref<79x128xi32, #tpu.memory_space<vmem>> -> memref<1x128xi32, #tpu.memory_space<vmem>>
        %dma_start3A_413 = tpu.memref_squeeze %dma_start3A_412 : memref<1x128xi32, #tpu.memory_space<vmem>> -> memref<128xi32, #tpu.memory_space<vmem>>
        %dma_start3A_414 = arith.constant 0 : i32
        %dma_start3A_415 = arith.constant 0 : i32
        %dma_start3A_416 = tpu.memref_slice %arg15[%dma_start3A_414, %dma_start3A_415] : memref<10240x32xbf16, #tpu.memory_space<vmem_shared>> -> memref<10240x32xbf16, #tpu.memory_space<vmem_shared>>
        tpu.enqueue_indirect_dma source(%dma_start3A_416 : memref<10240x32xbf16, #tpu.memory_space<vmem_shared>>) target(%arg8 : memref<128x32xbf16, #tpu.memory_space<vmem>>) offsets(%dma_start3A_413 : memref<128xi32, #tpu.memory_space<vmem>>) semaphore(%arg16 : memref<!tpu.dma_semaphore, #tpu.memory_space<semaphore_mem>>)
      } else {
      }
      %dma_wait3A_352 = arith.constant 0 : i32
      %dma_wait3A_353 = tpu.memref_slice %arg7[%add3A_270, %dma_wait3A_352] : memref<79x128xi32, #tpu.memory_space<vmem>> -> memref<1x128xi32, #tpu.memory_space<vmem>>
      %dma_wait3A_354 = tpu.memref_squeeze %dma_wait3A_353 : memref<1x128xi32, #tpu.memory_space<vmem>> -> memref<128xi32, #tpu.memory_space<vmem>>
      %dma_wait3A_355 = arith.constant 0 : i32
      %dma_wait3A_356 = arith.constant 0 : i32
      %dma_wait3A_357 = tpu.memref_slice %arg14[%dma_wait3A_355, %dma_wait3A_356] : memref<10240x32xbf16, #tpu.memory_space<vmem_shared>> -> memref<10240x32xbf16, #tpu.memory_space<vmem_shared>>
      tpu.wait_indirect_dma semaphore(%arg23 : memref<!tpu.dma_semaphore, #tpu.memory_space<semaphore_mem>>) src(%arg9 : memref<128x32xbf16, #tpu.memory_space<vmem>>) dst(%dma_wait3A_357 : memref<10240x32xbf16, #tpu.memory_space<vmem_shared>>)
      %lt3A_358 = arith.constant 12 : i32
      %lt3A_359 = arith.cmpi slt, %scan3A_242, %lt3A_358 : i32
      %convert_element_type3A_360 = arith.extui %lt3A_359 : i1 to i32
      %cond3A_361 = arith.constant 0 : i32
      %cond3A_362 = arith.cmpi ne, %convert_element_type3A_360, %cond3A_361 : i32
      scf.if %cond3A_362 {
        %add3A_407 = arith.constant 6 : i32
        %add3A_408 = arith.addi %mul3A_244, %add3A_407 : i32
        %add3A_409 = arith.constant 1 : i32
        %add3A_410 = arith.addi %add3A_408, %add3A_409 : i32
        %dma_start3A_411 = arith.constant 0 : i32
        %dma_start3A_412 = tpu.memref_slice %arg6[%add3A_410, %dma_start3A_411] : memref<79x128xi32, #tpu.memory_space<vmem>> -> memref<1x128xi32, #tpu.memory_space<vmem>>
        %dma_start3A_413 = tpu.memref_squeeze %dma_start3A_412 : memref<1x128xi32, #tpu.memory_space<vmem>> -> memref<128xi32, #tpu.memory_space<vmem>>
        %dma_start3A_414 = arith.constant 0 : i32
        %dma_start3A_415 = arith.constant 0 : i32
        %dma_start3A_416 = tpu.memref_slice %arg15[%dma_start3A_414, %dma_start3A_415] : memref<10240x32xbf16, #tpu.memory_space<vmem_shared>> -> memref<10240x32xbf16, #tpu.memory_space<vmem_shared>>
        tpu.enqueue_indirect_dma source(%dma_start3A_416 : memref<10240x32xbf16, #tpu.memory_space<vmem_shared>>) target(%arg9 : memref<128x32xbf16, #tpu.memory_space<vmem>>) offsets(%dma_start3A_413 : memref<128xi32, #tpu.memory_space<vmem>>) semaphore(%arg17 : memref<!tpu.dma_semaphore, #tpu.memory_space<semaphore_mem>>)
      } else {
      }
      %dma_wait3A_363 = arith.constant 0 : i32
      %dma_wait3A_364 = tpu.memref_slice %arg7[%add3A_286, %dma_wait3A_363] : memref<79x128xi32, #tpu.memory_space<vmem>> -> memref<1x128xi32, #tpu.memory_space<vmem>>
      %dma_wait3A_365 = tpu.memref_squeeze %dma_wait3A_364 : memref<1x128xi32, #tpu.memory_space<vmem>> -> memref<128xi32, #tpu.memory_space<vmem>>
      %dma_wait3A_366 = arith.constant 0 : i32
      %dma_wait3A_367 = arith.constant 0 : i32
      %dma_wait3A_368 = tpu.memref_slice %arg14[%dma_wait3A_366, %dma_wait3A_367] : memref<10240x32xbf16, #tpu.memory_space<vmem_shared>> -> memref<10240x32xbf16, #tpu.memory_space<vmem_shared>>
      tpu.wait_indirect_dma semaphore(%arg24 : memref<!tpu.dma_semaphore, #tpu.memory_space<semaphore_mem>>) src(%arg10 : memref<128x32xbf16, #tpu.memory_space<vmem>>) dst(%dma_wait3A_368 : memref<10240x32xbf16, #tpu.memory_space<vmem_shared>>)
      %lt3A_369 = arith.constant 12 : i32
      %lt3A_370 = arith.cmpi slt, %scan3A_242, %lt3A_369 : i32
      %convert_element_type3A_371 = arith.extui %lt3A_370 : i1 to i32
      %cond3A_372 = arith.constant 0 : i32
      %cond3A_373 = arith.cmpi ne, %convert_element_type3A_371, %cond3A_372 : i32
      scf.if %cond3A_373 {
        %add3A_407 = arith.constant 6 : i32
        %add3A_408 = arith.addi %mul3A_244, %add3A_407 : i32
        %add3A_409 = arith.constant 2 : i32
        %add3A_410 = arith.addi %add3A_408, %add3A_409 : i32
        %dma_start3A_411 = arith.constant 0 : i32
        %dma_start3A_412 = tpu.memref_slice %arg6[%add3A_410, %dma_start3A_411] : memref<79x128xi32, #tpu.memory_space<vmem>> -> memref<1x128xi32, #tpu.memory_space<vmem>>
        %dma_start3A_413 = tpu.memref_squeeze %dma_start3A_412 : memref<1x128xi32, #tpu.memory_space<vmem>> -> memref<128xi32, #tpu.memory_space<vmem>>
        %dma_start3A_414 = arith.constant 0 : i32
        %dma_start3A_415 = arith.constant 0 : i32
        %dma_start3A_416 = tpu.memref_slice %arg15[%dma_start3A_414, %dma_start3A_415] : memref<10240x32xbf16, #tpu.memory_space<vmem_shared>> -> memref<10240x32xbf16, #tpu.memory_space<vmem_shared>>
        tpu.enqueue_indirect_dma source(%dma_start3A_416 : memref<10240x32xbf16, #tpu.memory_space<vmem_shared>>) target(%arg10 : memref<128x32xbf16, #tpu.memory_space<vmem>>) offsets(%dma_start3A_413 : memref<128xi32, #tpu.memory_space<vmem>>) semaphore(%arg18 : memref<!tpu.dma_semaphore, #tpu.memory_space<semaphore_mem>>)
      } else {
      }
      %dma_wait3A_374 = arith.constant 0 : i32
      %dma_wait3A_375 = tpu.memref_slice %arg7[%add3A_302, %dma_wait3A_374] : memref<79x128xi32, #tpu.memory_space<vmem>> -> memref<1x128xi32, #tpu.memory_space<vmem>>
      %dma_wait3A_376 = tpu.memref_squeeze %dma_wait3A_375 : memref<1x128xi32, #tpu.memory_space<vmem>> -> memref<128xi32, #tpu.memory_space<vmem>>
      %dma_wait3A_377 = arith.constant 0 : i32
      %dma_wait3A_378 = arith.constant 0 : i32
      %dma_wait3A_379 = tpu.memref_slice %arg14[%dma_wait3A_377, %dma_wait3A_378] : memref<10240x32xbf16, #tpu.memory_space<vmem_shared>> -> memref<10240x32xbf16, #tpu.memory_space<vmem_shared>>
      tpu.wait_indirect_dma semaphore(%arg25 : memref<!tpu.dma_semaphore, #tpu.memory_space<semaphore_mem>>) src(%arg11 : memref<128x32xbf16, #tpu.memory_space<vmem>>) dst(%dma_wait3A_379 : memref<10240x32xbf16, #tpu.memory_space<vmem_shared>>)
      %lt3A_380 = arith.constant 12 : i32
      %lt3A_381 = arith.cmpi slt, %scan3A_242, %lt3A_380 : i32
      %convert_element_type3A_382 = arith.extui %lt3A_381 : i1 to i32
      %cond3A_383 = arith.constant 0 : i32
      %cond3A_384 = arith.cmpi ne, %convert_element_type3A_382, %cond3A_383 : i32
      scf.if %cond3A_384 {
        %add3A_407 = arith.constant 6 : i32
        %add3A_408 = arith.addi %mul3A_244, %add3A_407 : i32
        %add3A_409 = arith.constant 3 : i32
        %add3A_410 = arith.addi %add3A_408, %add3A_409 : i32
        %dma_start3A_411 = arith.constant 0 : i32
        %dma_start3A_412 = tpu.memref_slice %arg6[%add3A_410, %dma_start3A_411] : memref<79x128xi32, #tpu.memory_space<vmem>> -> memref<1x128xi32, #tpu.memory_space<vmem>>
        %dma_start3A_413 = tpu.memref_squeeze %dma_start3A_412 : memref<1x128xi32, #tpu.memory_space<vmem>> -> memref<128xi32, #tpu.memory_space<vmem>>
        %dma_start3A_414 = arith.constant 0 : i32
        %dma_start3A_415 = arith.constant 0 : i32
        %dma_start3A_416 = tpu.memref_slice %arg15[%dma_start3A_414, %dma_start3A_415] : memref<10240x32xbf16, #tpu.memory_space<vmem_shared>> -> memref<10240x32xbf16, #tpu.memory_space<vmem_shared>>
        tpu.enqueue_indirect_dma source(%dma_start3A_416 : memref<10240x32xbf16, #tpu.memory_space<vmem_shared>>) target(%arg11 : memref<128x32xbf16, #tpu.memory_space<vmem>>) offsets(%dma_start3A_413 : memref<128xi32, #tpu.memory_space<vmem>>) semaphore(%arg19 : memref<!tpu.dma_semaphore, #tpu.memory_space<semaphore_mem>>)
      } else {
      }
      %dma_wait3A_385 = arith.constant 0 : i32
      %dma_wait3A_386 = tpu.memref_slice %arg7[%add3A_318, %dma_wait3A_385] : memref<79x128xi32, #tpu.memory_space<vmem>> -> memref<1x128xi32, #tpu.memory_space<vmem>>
      %dma_wait3A_387 = tpu.memref_squeeze %dma_wait3A_386 : memref<1x128xi32, #tpu.memory_space<vmem>> -> memref<128xi32, #tpu.memory_space<vmem>>
      %dma_wait3A_388 = arith.constant 0 : i32
      %dma_wait3A_389 = arith.constant 0 : i32
      %dma_wait3A_390 = tpu.memref_slice %arg14[%dma_wait3A_388, %dma_wait3A_389] : memref<10240x32xbf16, #tpu.memory_space<vmem_shared>> -> memref<10240x32xbf16, #tpu.memory_space<vmem_shared>>
      tpu.wait_indirect_dma semaphore(%arg26 : memref<!tpu.dma_semaphore, #tpu.memory_space<semaphore_mem>>) src(%arg12 : memref<128x32xbf16, #tpu.memory_space<vmem>>) dst(%dma_wait3A_390 : memref<10240x32xbf16, #tpu.memory_space<vmem_shared>>)
      %lt3A_391 = arith.constant 12 : i32
      %lt3A_392 = arith.cmpi slt, %scan3A_242, %lt3A_391 : i32
      %convert_element_type3A_393 = arith.extui %lt3A_392 : i1 to i32
      %cond3A_394 = arith.constant 0 : i32
      %cond3A_395 = arith.cmpi ne, %convert_element_type3A_393, %cond3A_394 : i32
      scf.if %cond3A_395 {
        %add3A_407 = arith.constant 6 : i32
        %add3A_408 = arith.addi %mul3A_244, %add3A_407 : i32
        %add3A_409 = arith.constant 4 : i32
        %add3A_410 = arith.addi %add3A_408, %add3A_409 : i32
        %dma_start3A_411 = arith.constant 0 : i32
        %dma_start3A_412 = tpu.memref_slice %arg6[%add3A_410, %dma_start3A_411] : memref<79x128xi32, #tpu.memory_space<vmem>> -> memref<1x128xi32, #tpu.memory_space<vmem>>
        %dma_start3A_413 = tpu.memref_squeeze %dma_start3A_412 : memref<1x128xi32, #tpu.memory_space<vmem>> -> memref<128xi32, #tpu.memory_space<vmem>>
        %dma_start3A_414 = arith.constant 0 : i32
        %dma_start3A_415 = arith.constant 0 : i32
        %dma_start3A_416 = tpu.memref_slice %arg15[%dma_start3A_414, %dma_start3A_415] : memref<10240x32xbf16, #tpu.memory_space<vmem_shared>> -> memref<10240x32xbf16, #tpu.memory_space<vmem_shared>>
        tpu.enqueue_indirect_dma source(%dma_start3A_416 : memref<10240x32xbf16, #tpu.memory_space<vmem_shared>>) target(%arg12 : memref<128x32xbf16, #tpu.memory_space<vmem>>) offsets(%dma_start3A_413 : memref<128xi32, #tpu.memory_space<vmem>>) semaphore(%arg20 : memref<!tpu.dma_semaphore, #tpu.memory_space<semaphore_mem>>)
      } else {
      }
      %dma_wait3A_396 = arith.constant 0 : i32
      %dma_wait3A_397 = tpu.memref_slice %arg7[%add3A_334, %dma_wait3A_396] : memref<79x128xi32, #tpu.memory_space<vmem>> -> memref<1x128xi32, #tpu.memory_space<vmem>>
      %dma_wait3A_398 = tpu.memref_squeeze %dma_wait3A_397 : memref<1x128xi32, #tpu.memory_space<vmem>> -> memref<128xi32, #tpu.memory_space<vmem>>
      %dma_wait3A_399 = arith.constant 0 : i32
      %dma_wait3A_400 = arith.constant 0 : i32
      %dma_wait3A_401 = tpu.memref_slice %arg14[%dma_wait3A_399, %dma_wait3A_400] : memref<10240x32xbf16, #tpu.memory_space<vmem_shared>> -> memref<10240x32xbf16, #tpu.memory_space<vmem_shared>>
      tpu.wait_indirect_dma semaphore(%arg27 : memref<!tpu.dma_semaphore, #tpu.memory_space<semaphore_mem>>) src(%arg13 : memref<128x32xbf16, #tpu.memory_space<vmem>>) dst(%dma_wait3A_401 : memref<10240x32xbf16, #tpu.memory_space<vmem_shared>>)
      %lt3A_402 = arith.constant 12 : i32
      %lt3A_403 = arith.cmpi slt, %scan3A_242, %lt3A_402 : i32
      %convert_element_type3A_404 = arith.extui %lt3A_403 : i1 to i32
      %cond3A_405 = arith.constant 0 : i32
      %cond3A_406 = arith.cmpi ne, %convert_element_type3A_404, %cond3A_405 : i32
      scf.if %cond3A_406 {
        %add3A_407 = arith.constant 6 : i32
        %add3A_408 = arith.addi %mul3A_244, %add3A_407 : i32
        %add3A_409 = arith.constant 5 : i32
        %add3A_410 = arith.addi %add3A_408, %add3A_409 : i32
        %dma_start3A_411 = arith.constant 0 : i32
        %dma_start3A_412 = tpu.memref_slice %arg6[%add3A_410, %dma_start3A_411] : memref<79x128xi32, #tpu.memory_space<vmem>> -> memref<1x128xi32, #tpu.memory_space<vmem>>
        %dma_start3A_413 = tpu.memref_squeeze %dma_start3A_412 : memref<1x128xi32, #tpu.memory_space<vmem>> -> memref<128xi32, #tpu.memory_space<vmem>>
        %dma_start3A_414 = arith.constant 0 : i32
        %dma_start3A_415 = arith.constant 0 : i32
        %dma_start3A_416 = tpu.memref_slice %arg15[%dma_start3A_414, %dma_start3A_415] : memref<10240x32xbf16, #tpu.memory_space<vmem_shared>> -> memref<10240x32xbf16, #tpu.memory_space<vmem_shared>>
        tpu.enqueue_indirect_dma source(%dma_start3A_416 : memref<10240x32xbf16, #tpu.memory_space<vmem_shared>>) target(%arg13 : memref<128x32xbf16, #tpu.memory_space<vmem>>) offsets(%dma_start3A_413 : memref<128xi32, #tpu.memory_space<vmem>>) semaphore(%arg21 : memref<!tpu.dma_semaphore, #tpu.memory_space<semaphore_mem>>)
      } else {
      }
    }
    %scan3A_175 = arith.constant 13 : i32
    %lt3A_176 = arith.constant 4 : i32
    %lt3A_177 = arith.cmpi slt, %add3A, %lt3A_176 : i32
    %convert_element_type3A_178 = arith.extui %lt3A_177 : i1 to i32
    %cond3A_179 = arith.constant 0 : i32
    %cond3A_180 = arith.cmpi ne, %convert_element_type3A_178, %cond3A_179 : i32
    scf.if %cond3A_180 {
      %dma_start3A_242 = arith.constant 78 : i32
      %dma_start3A_243 = arith.constant 0 : i32
      %dma_start3A_244 = tpu.memref_slice %arg6[%dma_start3A_242, %dma_start3A_243] : memref<79x128xi32, #tpu.memory_space<vmem>> -> memref<1x128xi32, #tpu.memory_space<vmem>>
      %dma_start3A_245 = tpu.memref_squeeze %dma_start3A_244 : memref<1x128xi32, #tpu.memory_space<vmem>> -> memref<128xi32, #tpu.memory_space<vmem>>
      %dma_start3A_246 = arith.constant 0 : i32
      %dma_start3A_247 = arith.constant 0 : i32
      %dma_start3A_248 = tpu.memref_slice %arg15[%dma_start3A_246, %dma_start3A_247] : memref<10240x32xbf16, #tpu.memory_space<vmem_shared>> -> memref<10240x32xbf16, #tpu.memory_space<vmem_shared>>
      tpu.enqueue_indirect_dma source(%dma_start3A_248 : memref<10240x32xbf16, #tpu.memory_space<vmem_shared>>) target(%arg8 : memref<128x32xbf16, #tpu.memory_space<vmem>>) offsets(%dma_start3A_245 : memref<128xi32, #tpu.memory_space<vmem>>) semaphore(%arg16 : memref<!tpu.dma_semaphore, #tpu.memory_space<semaphore_mem>>)
      %dma_wait3A_249 = arith.constant 78 : i32
      %dma_wait3A_250 = arith.constant 0 : i32
      %dma_wait3A_251 = tpu.memref_slice %arg6[%dma_wait3A_249, %dma_wait3A_250] : memref<79x128xi32, #tpu.memory_space<vmem>> -> memref<1x128xi32, #tpu.memory_space<vmem>>
      %dma_wait3A_252 = tpu.memref_squeeze %dma_wait3A_251 : memref<1x128xi32, #tpu.memory_space<vmem>> -> memref<128xi32, #tpu.memory_space<vmem>>
      %dma_wait3A_253 = arith.constant 0 : i32
      %dma_wait3A_254 = arith.constant 0 : i32
      %dma_wait3A_255 = tpu.memref_slice %arg15[%dma_wait3A_253, %dma_wait3A_254] : memref<10240x32xbf16, #tpu.memory_space<vmem_shared>> -> memref<10240x32xbf16, #tpu.memory_space<vmem_shared>>
      tpu.wait_indirect_dma semaphore(%arg16 : memref<!tpu.dma_semaphore, #tpu.memory_space<semaphore_mem>>) src(%dma_wait3A_255 : memref<10240x32xbf16, #tpu.memory_space<vmem_shared>>) dst(%arg8 : memref<128x32xbf16, #tpu.memory_space<vmem>>)
      %run_scoped3A = arith.constant 78 : i32
      "tpu.region"() ({
        %run_scoped3A_256 = tpu.sem_alloc : memref<!tpu.dma_semaphore, #tpu.memory_space<semaphore_mem>>
        %dma_start3A_257 = arith.constant 0 : i32
        %dma_start3A_258 = tpu.memref_slice %arg7[%run_scoped3A, %dma_start3A_257] : memref<79x128xi32, #tpu.memory_space<vmem>> -> memref<1x128xi32, #tpu.memory_space<vmem>>
        %dma_start3A_259 = tpu.memref_squeeze %dma_start3A_258 : memref<1x128xi32, #tpu.memory_space<vmem>> -> memref<128xi32, #tpu.memory_space<vmem>>
        %dma_start3A_260 = arith.constant 0 : i32
        %dma_start3A_261 = arith.constant 0 : i32
        %dma_start3A_262 = tpu.memref_slice %arg14[%dma_start3A_260, %dma_start3A_261] : memref<10240x32xbf16, #tpu.memory_space<vmem_shared>> -> memref<10240x32xbf16, #tpu.memory_space<vmem_shared>>
        tpu.enqueue_indirect_dma source(%arg8 : memref<128x32xbf16, #tpu.memory_space<vmem>>) target(%dma_start3A_262 : memref<10240x32xbf16, #tpu.memory_space<vmem_shared>>) offsets(%dma_start3A_259 : memref<128xi32, #tpu.memory_space<vmem>>) semaphore(%run_scoped3A_256 : memref<!tpu.dma_semaphore, #tpu.memory_space<semaphore_mem>>) {add = true}
        %dma_wait3A_263 = arith.constant 0 : i32
        %dma_wait3A_264 = tpu.memref_slice %arg7[%run_scoped3A, %dma_wait3A_263] : memref<79x128xi32, #tpu.memory_space<vmem>> -> memref<1x128xi32, #tpu.memory_space<vmem>>
        %dma_wait3A_265 = tpu.memref_squeeze %dma_wait3A_264 : memref<1x128xi32, #tpu.memory_space<vmem>> -> memref<128xi32, #tpu.memory_space<vmem>>
        %dma_wait3A_266 = arith.constant 0 : i32
        %dma_wait3A_267 = arith.constant 0 : i32
        %dma_wait3A_268 = tpu.memref_slice %arg14[%dma_wait3A_266, %dma_wait3A_267] : memref<10240x32xbf16, #tpu.memory_space<vmem_shared>> -> memref<10240x32xbf16, #tpu.memory_space<vmem_shared>>
        tpu.wait_indirect_dma semaphore(%run_scoped3A_256 : memref<!tpu.dma_semaphore, #tpu.memory_space<semaphore_mem>>) src(%arg8 : memref<128x32xbf16, #tpu.memory_space<vmem>>) dst(%dma_wait3A_268 : memref<10240x32xbf16, #tpu.memory_space<vmem_shared>>)
        tpu.yield
      }) : () -> ()
    } else {
    }
    %barrier3A_181 = arith.constant 0 : index
    tpu.barrier barrier_id(%barrier3A_181)
    %add3A_182 = arith.constant 0 : i32
    %add3A_183 = arith.addi %mul3A_2, %add3A_182 : i32
    %dma_start3A_184 = arith.constant 0 : i32
    %dma_start3A_185 = tpu.memref_slice %arg5[%arg0, %add3A_183, %dma_start3A_184] : memref<2x10240x32xbf16, #tpu.memory_space<hbm>> -> memref<1x128x32xbf16, #tpu.memory_space<hbm>>
    %dma_start3A_186 = tpu.memref_squeeze %dma_start3A_185 : memref<1x128x32xbf16, #tpu.memory_space<hbm>> -> memref<128x32xbf16, #tpu.memory_space<hbm>>
    %dma_start3A_187 = arith.constant 0 : i32
    %dma_start3A_188 = tpu.memref_slice %arg14[%add3A_183, %dma_start3A_187] : memref<10240x32xbf16, #tpu.memory_space<vmem_shared>> -> memref<128x32xbf16, #tpu.memory_space<vmem_shared>>
    tpu.enqueue_dma source(%dma_start3A_188 : memref<128x32xbf16, #tpu.memory_space<vmem_shared>>) target(%dma_start3A_186 : memref<128x32xbf16, #tpu.memory_space<hbm>>) target_semaphore(%arg22 : memref<!tpu.dma_semaphore, #tpu.memory_space<semaphore_mem>>)
    %add3A_189 = arith.constant 128 : i32
    %add3A_190 = arith.addi %mul3A_2, %add3A_189 : i32
    %dma_start3A_191 = arith.constant 0 : i32
    %dma_start3A_192 = tpu.memref_slice %arg5[%arg0, %add3A_190, %dma_start3A_191] : memref<2x10240x32xbf16, #tpu.memory_space<hbm>> -> memref<1x128x32xbf16, #tpu.memory_space<hbm>>
    %dma_start3A_193 = tpu.memref_squeeze %dma_start3A_192 : memref<1x128x32xbf16, #tpu.memory_space<hbm>> -> memref<128x32xbf16, #tpu.memory_space<hbm>>
    %dma_start3A_194 = arith.constant 0 : i32
    %dma_start3A_195 = tpu.memref_slice %arg14[%add3A_190, %dma_start3A_194] : memref<10240x32xbf16, #tpu.memory_space<vmem_shared>> -> memref<128x32xbf16, #tpu.memory_space<vmem_shared>>
    tpu.enqueue_dma source(%dma_start3A_195 : memref<128x32xbf16, #tpu.memory_space<vmem_shared>>) target(%dma_start3A_193 : memref<128x32xbf16, #tpu.memory_space<hbm>>) target_semaphore(%arg22 : memref<!tpu.dma_semaphore, #tpu.memory_space<semaphore_mem>>)
    %add3A_196 = arith.constant 256 : i32
    %add3A_197 = arith.addi %mul3A_2, %add3A_196 : i32
    %dma_start3A_198 = arith.constant 0 : i32
    %dma_start3A_199 = tpu.memref_slice %arg5[%arg0, %add3A_197, %dma_start3A_198] : memref<2x10240x32xbf16, #tpu.memory_space<hbm>> -> memref<1x128x32xbf16, #tpu.memory_space<hbm>>
    %dma_start3A_200 = tpu.memref_squeeze %dma_start3A_199 : memref<1x128x32xbf16, #tpu.memory_space<hbm>> -> memref<128x32xbf16, #tpu.memory_space<hbm>>
    %dma_start3A_201 = arith.constant 0 : i32
    %dma_start3A_202 = tpu.memref_slice %arg14[%add3A_197, %dma_start3A_201] : memref<10240x32xbf16, #tpu.memory_space<vmem_shared>> -> memref<128x32xbf16, #tpu.memory_space<vmem_shared>>
    tpu.enqueue_dma source(%dma_start3A_202 : memref<128x32xbf16, #tpu.memory_space<vmem_shared>>) target(%dma_start3A_200 : memref<128x32xbf16, #tpu.memory_space<hbm>>) target_semaphore(%arg22 : memref<!tpu.dma_semaphore, #tpu.memory_space<semaphore_mem>>)
    %add3A_203 = arith.constant 384 : i32
    %add3A_204 = arith.addi %mul3A_2, %add3A_203 : i32
    %dma_start3A_205 = arith.constant 0 : i32
    %dma_start3A_206 = tpu.memref_slice %arg5[%arg0, %add3A_204, %dma_start3A_205] : memref<2x10240x32xbf16, #tpu.memory_space<hbm>> -> memref<1x128x32xbf16, #tpu.memory_space<hbm>>
    %dma_start3A_207 = tpu.memref_squeeze %dma_start3A_206 : memref<1x128x32xbf16, #tpu.memory_space<hbm>> -> memref<128x32xbf16, #tpu.memory_space<hbm>>
    %dma_start3A_208 = arith.constant 0 : i32
    %dma_start3A_209 = tpu.memref_slice %arg14[%add3A_204, %dma_start3A_208] : memref<10240x32xbf16, #tpu.memory_space<vmem_shared>> -> memref<128x32xbf16, #tpu.memory_space<vmem_shared>>
    tpu.enqueue_dma source(%dma_start3A_209 : memref<128x32xbf16, #tpu.memory_space<vmem_shared>>) target(%dma_start3A_207 : memref<128x32xbf16, #tpu.memory_space<hbm>>) target_semaphore(%arg22 : memref<!tpu.dma_semaphore, #tpu.memory_space<semaphore_mem>>)
    %add3A_210 = arith.constant 512 : i32
    %add3A_211 = arith.addi %mul3A_2, %add3A_210 : i32
    %dma_start3A_212 = arith.constant 0 : i32
    %dma_start3A_213 = tpu.memref_slice %arg5[%arg0, %add3A_211, %dma_start3A_212] : memref<2x10240x32xbf16, #tpu.memory_space<hbm>> -> memref<1x128x32xbf16, #tpu.memory_space<hbm>>
    %dma_start3A_214 = tpu.memref_squeeze %dma_start3A_213 : memref<1x128x32xbf16, #tpu.memory_space<hbm>> -> memref<128x32xbf16, #tpu.memory_space<hbm>>
    %dma_start3A_215 = arith.constant 0 : i32
    %dma_start3A_216 = tpu.memref_slice %arg14[%add3A_211, %dma_start3A_215] : memref<10240x32xbf16, #tpu.memory_space<vmem_shared>> -> memref<128x32xbf16, #tpu.memory_space<vmem_shared>>
    tpu.enqueue_dma source(%dma_start3A_216 : memref<128x32xbf16, #tpu.memory_space<vmem_shared>>) target(%dma_start3A_214 : memref<128x32xbf16, #tpu.memory_space<hbm>>) target_semaphore(%arg22 : memref<!tpu.dma_semaphore, #tpu.memory_space<semaphore_mem>>)
    %dma_wait3A_217 = arith.constant 0 : i32
    %dma_wait3A_218 = tpu.memref_slice %arg5[%arg0, %add3A_183, %dma_wait3A_217] : memref<2x10240x32xbf16, #tpu.memory_space<hbm>> -> memref<1x128x32xbf16, #tpu.memory_space<hbm>>
    %dma_wait3A_219 = tpu.memref_squeeze %dma_wait3A_218 : memref<1x128x32xbf16, #tpu.memory_space<hbm>> -> memref<128x32xbf16, #tpu.memory_space<hbm>>
    %dma_wait3A_220 = arith.constant 0 : i32
    %dma_wait3A_221 = tpu.memref_slice %arg14[%add3A_183, %dma_wait3A_220] : memref<10240x32xbf16, #tpu.memory_space<vmem_shared>> -> memref<128x32xbf16, #tpu.memory_space<vmem_shared>>
    tpu.wait_dma2 semaphore(%arg22 : memref<!tpu.dma_semaphore, #tpu.memory_space<semaphore_mem>>) src(%dma_wait3A_221 : memref<128x32xbf16, #tpu.memory_space<vmem_shared>>) dst(%dma_wait3A_219 : memref<128x32xbf16, #tpu.memory_space<hbm>>)
    %dma_wait3A_222 = arith.constant 0 : i32
    %dma_wait3A_223 = tpu.memref_slice %arg5[%arg0, %add3A_190, %dma_wait3A_222] : memref<2x10240x32xbf16, #tpu.memory_space<hbm>> -> memref<1x128x32xbf16, #tpu.memory_space<hbm>>
    %dma_wait3A_224 = tpu.memref_squeeze %dma_wait3A_223 : memref<1x128x32xbf16, #tpu.memory_space<hbm>> -> memref<128x32xbf16, #tpu.memory_space<hbm>>
    %dma_wait3A_225 = arith.constant 0 : i32
    %dma_wait3A_226 = tpu.memref_slice %arg14[%add3A_190, %dma_wait3A_225] : memref<10240x32xbf16, #tpu.memory_space<vmem_shared>> -> memref<128x32xbf16, #tpu.memory_space<vmem_shared>>
    tpu.wait_dma2 semaphore(%arg22 : memref<!tpu.dma_semaphore, #tpu.memory_space<semaphore_mem>>) src(%dma_wait3A_226 : memref<128x32xbf16, #tpu.memory_space<vmem_shared>>) dst(%dma_wait3A_224 : memref<128x32xbf16, #tpu.memory_space<hbm>>)
    %dma_wait3A_227 = arith.constant 0 : i32
    %dma_wait3A_228 = tpu.memref_slice %arg5[%arg0, %add3A_197, %dma_wait3A_227] : memref<2x10240x32xbf16, #tpu.memory_space<hbm>> -> memref<1x128x32xbf16, #tpu.memory_space<hbm>>
    %dma_wait3A_229 = tpu.memref_squeeze %dma_wait3A_228 : memref<1x128x32xbf16, #tpu.memory_space<hbm>> -> memref<128x32xbf16, #tpu.memory_space<hbm>>
    %dma_wait3A_230 = arith.constant 0 : i32
    %dma_wait3A_231 = tpu.memref_slice %arg14[%add3A_197, %dma_wait3A_230] : memref<10240x32xbf16, #tpu.memory_space<vmem_shared>> -> memref<128x32xbf16, #tpu.memory_space<vmem_shared>>
    tpu.wait_dma2 semaphore(%arg22 : memref<!tpu.dma_semaphore, #tpu.memory_space<semaphore_mem>>) src(%dma_wait3A_231 : memref<128x32xbf16, #tpu.memory_space<vmem_shared>>) dst(%dma_wait3A_229 : memref<128x32xbf16, #tpu.memory_space<hbm>>)
    %dma_wait3A_232 = arith.constant 0 : i32
    %dma_wait3A_233 = tpu.memref_slice %arg5[%arg0, %add3A_204, %dma_wait3A_232] : memref<2x10240x32xbf16, #tpu.memory_space<hbm>> -> memref<1x128x32xbf16, #tpu.memory_space<hbm>>
    %dma_wait3A_234 = tpu.memref_squeeze %dma_wait3A_233 : memref<1x128x32xbf16, #tpu.memory_space<hbm>> -> memref<128x32xbf16, #tpu.memory_space<hbm>>
    %dma_wait3A_235 = arith.constant 0 : i32
    %dma_wait3A_236 = tpu.memref_slice %arg14[%add3A_204, %dma_wait3A_235] : memref<10240x32xbf16, #tpu.memory_space<vmem_shared>> -> memref<128x32xbf16, #tpu.memory_space<vmem_shared>>
    tpu.wait_dma2 semaphore(%arg22 : memref<!tpu.dma_semaphore, #tpu.memory_space<semaphore_mem>>) src(%dma_wait3A_236 : memref<128x32xbf16, #tpu.memory_space<vmem_shared>>) dst(%dma_wait3A_234 : memref<128x32xbf16, #tpu.memory_space<hbm>>)
    %dma_wait3A_237 = arith.constant 0 : i32
    %dma_wait3A_238 = tpu.memref_slice %arg5[%arg0, %add3A_211, %dma_wait3A_237] : memref<2x10240x32xbf16, #tpu.memory_space<hbm>> -> memref<1x128x32xbf16, #tpu.memory_space<hbm>>
    %dma_wait3A_239 = tpu.memref_squeeze %dma_wait3A_238 : memref<1x128x32xbf16, #tpu.memory_space<hbm>> -> memref<128x32xbf16, #tpu.memory_space<hbm>>
    %dma_wait3A_240 = arith.constant 0 : i32
    %dma_wait3A_241 = tpu.memref_slice %arg14[%add3A_211, %dma_wait3A_240] : memref<10240x32xbf16, #tpu.memory_space<vmem_shared>> -> memref<128x32xbf16, #tpu.memory_space<vmem_shared>>
    tpu.wait_dma2 semaphore(%arg22 : memref<!tpu.dma_semaphore, #tpu.memory_space<semaphore_mem>>) src(%dma_wait3A_241 : memref<128x32xbf16, #tpu.memory_space<vmem_shared>>) dst(%dma_wait3A_239 : memref<128x32xbf16, #tpu.memory_space<hbm>>)
    return
  }
}

#map = affine_map<(d0, d1) -> (0, 0, 0)>
#map1 = affine_map<(d0, d1) -> (0, 0)>
module attributes {stable_mosaic.version = 14 : i64} {
  func.func @_sc_agg(%arg0: i32, %arg1: i32, %arg2: memref<2x2500x128xi32, #tpu.memory_space<hbm>>, %arg3: memref<10240x32xbf16, #tpu.memory_space<hbm>>, %arg4: memref<128x32xbf16, #tpu.memory_space<hbm>>, %arg5: memref<2x10240x32xbf16, #tpu.memory_space<hbm>>, %arg6: memref<79x128xi32, #tpu.memory_space<vmem>>, %arg7: memref<79x128xi32, #tpu.memory_space<vmem>>, %arg8: memref<128x32xbf16, #tpu.memory_space<vmem>>, %arg9: memref<128x32xbf16, #tpu.memory_space<vmem>>, %arg10: memref<128x32xbf16, #tpu.memory_space<vmem>>, %arg11: memref<128x32xbf16, #tpu.memory_space<vmem>>, %arg12: memref<128x32xbf16, #tpu.memory_space<vmem>>, %arg13: memref<128x32xbf16, #tpu.memory_space<vmem>>, %arg14: memref<10240x32xbf16, #tpu.memory_space<vmem_shared>>, %arg15: memref<10240x32xbf16, #tpu.memory_space<vmem_shared>>, %arg16: memref<!tpu.dma_semaphore, #tpu.memory_space<semaphore_mem>>, %arg17: memref<!tpu.dma_semaphore, #tpu.memory_space<semaphore_mem>>, %arg18: memref<!tpu.dma_semaphore, #tpu.memory_space<semaphore_mem>>, %arg19: memref<!tpu.dma_semaphore, #tpu.memory_space<semaphore_mem>>, %arg20: memref<!tpu.dma_semaphore, #tpu.memory_space<semaphore_mem>>, %arg21: memref<!tpu.dma_semaphore, #tpu.memory_space<semaphore_mem>>, %arg22: memref<!tpu.dma_semaphore, #tpu.memory_space<semaphore_mem>>, %arg23: memref<!tpu.dma_semaphore, #tpu.memory_space<semaphore_mem>>, %arg24: memref<!tpu.dma_semaphore, #tpu.memory_space<semaphore_mem>>, %arg25: memref<!tpu.dma_semaphore, #tpu.memory_space<semaphore_mem>>, %arg26: memref<!tpu.dma_semaphore, #tpu.memory_space<semaphore_mem>>, %arg27: memref<!tpu.dma_semaphore, #tpu.memory_space<semaphore_mem>>) attributes {dimension_semantics = [#tpu.dimension_semantics<core_parallel>, #tpu.dimension_semantics<subcore_parallel>], iteration_bounds = array<i64: 2, 16>, scalar_prefetch = 0 : i64, scratch_operands = 22 : i64, tpu.core_type = #tpu.core_type<sc_vector_subcore>, window_params = [{transform_indices = #map}, {transform_indices = #map1}, {transform_indices = #map1}, {transform_indices = #map}]} {
    %mul3A = arith.constant 2 : i32
    %mul3A_0 = arith.muli %arg1, %mul3A : i32
    %add3A = arith.addi %mul3A_0, %arg0 : i32
    %mul3A_1 = arith.constant 640 : i32
    %mul3A_2 = arith.muli %arg1, %mul3A_1 : i32
    %mul3A_3 = arith.constant 78 : i32
    %mul3A_4 = arith.muli %add3A, %mul3A_3 : i32
    %min3A = arith.constant 4 : i32
    %min3A_5 = arith.minsi %add3A, %min3A : i32
    %add3A_6 = arith.addi %mul3A_4, %min3A_5 : i32
    %add3A_7 = arith.constant 0 : i32
    %add3A_8 = arith.addi %mul3A_2, %add3A_7 : i32
    %dma_start3A = arith.constant 0 : i32
    %dma_start3A_9 = tpu.memref_slice %arg15[%add3A_8, %dma_start3A] : memref<10240x32xbf16, #tpu.memory_space<vmem_shared>> -> memref<128x32xbf16, #tpu.memory_space<vmem_shared>>
    %dma_start3A_10 = arith.constant 0 : i32
    %dma_start3A_11 = tpu.memref_slice %arg3[%add3A_8, %dma_start3A_10] : memref<10240x32xbf16, #tpu.memory_space<hbm>> -> memref<128x32xbf16, #tpu.memory_space<hbm>>
    tpu.enqueue_dma source(%dma_start3A_11 : memref<128x32xbf16, #tpu.memory_space<hbm>>) target(%dma_start3A_9 : memref<128x32xbf16, #tpu.memory_space<vmem_shared>>) target_semaphore(%arg16 : memref<!tpu.dma_semaphore, #tpu.memory_space<semaphore_mem>>)
    %dma_start3A_12 = arith.constant 0 : i32
    %dma_start3A_13 = tpu.memref_slice %arg14[%add3A_8, %dma_start3A_12] : memref<10240x32xbf16, #tpu.memory_space<vmem_shared>> -> memref<128x32xbf16, #tpu.memory_space<vmem_shared>>
    tpu.enqueue_dma source(%arg4 : memref<128x32xbf16, #tpu.memory_space<hbm>>) target(%dma_start3A_13 : memref<128x32xbf16, #tpu.memory_space<vmem_shared>>) target_semaphore(%arg17 : memref<!tpu.dma_semaphore, #tpu.memory_space<semaphore_mem>>)
    %add3A_14 = arith.constant 128 : i32
    %add3A_15 = arith.addi %mul3A_2, %add3A_14 : i32
    %dma_start3A_16 = arith.constant 0 : i32
    %dma_start3A_17 = tpu.memref_slice %arg15[%add3A_15, %dma_start3A_16] : memref<10240x32xbf16, #tpu.memory_space<vmem_shared>> -> memref<128x32xbf16, #tpu.memory_space<vmem_shared>>
    %dma_start3A_18 = arith.constant 0 : i32
    %dma_start3A_19 = tpu.memref_slice %arg3[%add3A_15, %dma_start3A_18] : memref<10240x32xbf16, #tpu.memory_space<hbm>> -> memref<128x32xbf16, #tpu.memory_space<hbm>>
    tpu.enqueue_dma source(%dma_start3A_19 : memref<128x32xbf16, #tpu.memory_space<hbm>>) target(%dma_start3A_17 : memref<128x32xbf16, #tpu.memory_space<vmem_shared>>) target_semaphore(%arg16 : memref<!tpu.dma_semaphore, #tpu.memory_space<semaphore_mem>>)
    %dma_start3A_20 = arith.constant 0 : i32
    %dma_start3A_21 = tpu.memref_slice %arg14[%add3A_15, %dma_start3A_20] : memref<10240x32xbf16, #tpu.memory_space<vmem_shared>> -> memref<128x32xbf16, #tpu.memory_space<vmem_shared>>
    tpu.enqueue_dma source(%arg4 : memref<128x32xbf16, #tpu.memory_space<hbm>>) target(%dma_start3A_21 : memref<128x32xbf16, #tpu.memory_space<vmem_shared>>) target_semaphore(%arg17 : memref<!tpu.dma_semaphore, #tpu.memory_space<semaphore_mem>>)
    %add3A_22 = arith.constant 256 : i32
    %add3A_23 = arith.addi %mul3A_2, %add3A_22 : i32
    %dma_start3A_24 = arith.constant 0 : i32
    %dma_start3A_25 = tpu.memref_slice %arg15[%add3A_23, %dma_start3A_24] : memref<10240x32xbf16, #tpu.memory_space<vmem_shared>> -> memref<128x32xbf16, #tpu.memory_space<vmem_shared>>
    %dma_start3A_26 = arith.constant 0 : i32
    %dma_start3A_27 = tpu.memref_slice %arg3[%add3A_23, %dma_start3A_26] : memref<10240x32xbf16, #tpu.memory_space<hbm>> -> memref<128x32xbf16, #tpu.memory_space<hbm>>
    tpu.enqueue_dma source(%dma_start3A_27 : memref<128x32xbf16, #tpu.memory_space<hbm>>) target(%dma_start3A_25 : memref<128x32xbf16, #tpu.memory_space<vmem_shared>>) target_semaphore(%arg16 : memref<!tpu.dma_semaphore, #tpu.memory_space<semaphore_mem>>)
    %dma_start3A_28 = arith.constant 0 : i32
    %dma_start3A_29 = tpu.memref_slice %arg14[%add3A_23, %dma_start3A_28] : memref<10240x32xbf16, #tpu.memory_space<vmem_shared>> -> memref<128x32xbf16, #tpu.memory_space<vmem_shared>>
    tpu.enqueue_dma source(%arg4 : memref<128x32xbf16, #tpu.memory_space<hbm>>) target(%dma_start3A_29 : memref<128x32xbf16, #tpu.memory_space<vmem_shared>>) target_semaphore(%arg17 : memref<!tpu.dma_semaphore, #tpu.memory_space<semaphore_mem>>)
    %add3A_30 = arith.constant 384 : i32
    %add3A_31 = arith.addi %mul3A_2, %add3A_30 : i32
    %dma_start3A_32 = arith.constant 0 : i32
    %dma_start3A_33 = tpu.memref_slice %arg15[%add3A_31, %dma_start3A_32] : memref<10240x32xbf16, #tpu.memory_space<vmem_shared>> -> memref<128x32xbf16, #tpu.memory_space<vmem_shared>>
    %dma_start3A_34 = arith.constant 0 : i32
    %dma_start3A_35 = tpu.memref_slice %arg3[%add3A_31, %dma_start3A_34] : memref<10240x32xbf16, #tpu.memory_space<hbm>> -> memref<128x32xbf16, #tpu.memory_space<hbm>>
    tpu.enqueue_dma source(%dma_start3A_35 : memref<128x32xbf16, #tpu.memory_space<hbm>>) target(%dma_start3A_33 : memref<128x32xbf16, #tpu.memory_space<vmem_shared>>) target_semaphore(%arg16 : memref<!tpu.dma_semaphore, #tpu.memory_space<semaphore_mem>>)
    %dma_start3A_36 = arith.constant 0 : i32
    %dma_start3A_37 = tpu.memref_slice %arg14[%add3A_31, %dma_start3A_36] : memref<10240x32xbf16, #tpu.memory_space<vmem_shared>> -> memref<128x32xbf16, #tpu.memory_space<vmem_shared>>
    tpu.enqueue_dma source(%arg4 : memref<128x32xbf16, #tpu.memory_space<hbm>>) target(%dma_start3A_37 : memref<128x32xbf16, #tpu.memory_space<vmem_shared>>) target_semaphore(%arg17 : memref<!tpu.dma_semaphore, #tpu.memory_space<semaphore_mem>>)
    %add3A_38 = arith.constant 512 : i32
    %add3A_39 = arith.addi %mul3A_2, %add3A_38 : i32
    %dma_start3A_40 = arith.constant 0 : i32
    %dma_start3A_41 = tpu.memref_slice %arg15[%add3A_39, %dma_start3A_40] : memref<10240x32xbf16, #tpu.memory_space<vmem_shared>> -> memref<128x32xbf16, #tpu.memory_space<vmem_shared>>
    %dma_start3A_42 = arith.constant 0 : i32
    %dma_start3A_43 = tpu.memref_slice %arg3[%add3A_39, %dma_start3A_42] : memref<10240x32xbf16, #tpu.memory_space<hbm>> -> memref<128x32xbf16, #tpu.memory_space<hbm>>
    tpu.enqueue_dma source(%dma_start3A_43 : memref<128x32xbf16, #tpu.memory_space<hbm>>) target(%dma_start3A_41 : memref<128x32xbf16, #tpu.memory_space<vmem_shared>>) target_semaphore(%arg16 : memref<!tpu.dma_semaphore, #tpu.memory_space<semaphore_mem>>)
    %dma_start3A_44 = arith.constant 0 : i32
    %dma_start3A_45 = tpu.memref_slice %arg14[%add3A_39, %dma_start3A_44] : memref<10240x32xbf16, #tpu.memory_space<vmem_shared>> -> memref<128x32xbf16, #tpu.memory_space<vmem_shared>>
    tpu.enqueue_dma source(%arg4 : memref<128x32xbf16, #tpu.memory_space<hbm>>) target(%dma_start3A_45 : memref<128x32xbf16, #tpu.memory_space<vmem_shared>>) target_semaphore(%arg17 : memref<!tpu.dma_semaphore, #tpu.memory_space<semaphore_mem>>)
    %dma_start3A_46 = arith.constant 0 : i32
    %dma_start3A_47 = arith.constant 0 : i32
    %dma_start3A_48 = arith.constant 0 : i32
    %dma_start3A_49 = tpu.memref_slice %arg6[%dma_start3A_47, %dma_start3A_48] : memref<79x128xi32, #tpu.memory_space<vmem>> -> memref<78x128xi32, #tpu.memory_space<vmem>>
    %dma_start3A_50 = arith.constant 0 : i32
    %dma_start3A_51 = tpu.memref_slice %arg2[%dma_start3A_46, %add3A_6, %dma_start3A_50] : memref<2x2500x128xi32, #tpu.memory_space<hbm>> -> memref<1x78x128xi32, #tpu.memory_space<hbm>>
    %dma_start3A_52 = tpu.memref_squeeze %dma_start3A_51 : memref<1x78x128xi32, #tpu.memory_space<hbm>> -> memref<78x128xi32, #tpu.memory_space<hbm>>
    %dma_start3A_53 = arith.constant 0 : i32
    %dma_start3A_54 = arith.constant 0 : i32
    %dma_start3A_55 = tpu.memref_slice %arg6[%dma_start3A_53, %dma_start3A_54] : memref<79x128xi32, #tpu.memory_space<vmem>> -> memref<78x128xi32, #tpu.memory_space<vmem>>
    %dma_start3A_56 = arith.constant 0 : i32
    %dma_start3A_57 = tpu.memref_slice %arg2[%dma_start3A_46, %add3A_6, %dma_start3A_56] : memref<2x2500x128xi32, #tpu.memory_space<hbm>> -> memref<1x78x128xi32, #tpu.memory_space<hbm>>
    %dma_start3A_58 = tpu.memref_squeeze %dma_start3A_57 : memref<1x78x128xi32, #tpu.memory_space<hbm>> -> memref<78x128xi32, #tpu.memory_space<hbm>>
    tpu.enqueue_dma source(%dma_start3A_58 : memref<78x128xi32, #tpu.memory_space<hbm>>) target(%dma_start3A_55 : memref<78x128xi32, #tpu.memory_space<vmem>>) target_semaphore(%arg18 : memref<!tpu.dma_semaphore, #tpu.memory_space<semaphore_mem>>)
    %dma_start3A_59 = arith.constant 1 : i32
    %dma_start3A_60 = arith.constant 0 : i32
    %dma_start3A_61 = arith.constant 0 : i32
    %dma_start3A_62 = tpu.memref_slice %arg7[%dma_start3A_60, %dma_start3A_61] : memref<79x128xi32, #tpu.memory_space<vmem>> -> memref<78x128xi32, #tpu.memory_space<vmem>>
    %dma_start3A_63 = arith.constant 0 : i32
    %dma_start3A_64 = tpu.memref_slice %arg2[%dma_start3A_59, %add3A_6, %dma_start3A_63] : memref<2x2500x128xi32, #tpu.memory_space<hbm>> -> memref<1x78x128xi32, #tpu.memory_space<hbm>>
    %dma_start3A_65 = tpu.memref_squeeze %dma_start3A_64 : memref<1x78x128xi32, #tpu.memory_space<hbm>> -> memref<78x128xi32, #tpu.memory_space<hbm>>
    %dma_start3A_66 = arith.constant 0 : i32
    %dma_start3A_67 = arith.constant 0 : i32
    %dma_start3A_68 = tpu.memref_slice %arg7[%dma_start3A_66, %dma_start3A_67] : memref<79x128xi32, #tpu.memory_space<vmem>> -> memref<78x128xi32, #tpu.memory_space<vmem>>
    %dma_start3A_69 = arith.constant 0 : i32
    %dma_start3A_70 = tpu.memref_slice %arg2[%dma_start3A_59, %add3A_6, %dma_start3A_69] : memref<2x2500x128xi32, #tpu.memory_space<hbm>> -> memref<1x78x128xi32, #tpu.memory_space<hbm>>
    %dma_start3A_71 = tpu.memref_squeeze %dma_start3A_70 : memref<1x78x128xi32, #tpu.memory_space<hbm>> -> memref<78x128xi32, #tpu.memory_space<hbm>>
    tpu.enqueue_dma source(%dma_start3A_71 : memref<78x128xi32, #tpu.memory_space<hbm>>) target(%dma_start3A_68 : memref<78x128xi32, #tpu.memory_space<vmem>>) target_semaphore(%arg18 : memref<!tpu.dma_semaphore, #tpu.memory_space<semaphore_mem>>)
    %dma_wait3A = arith.constant 0 : i32
    %dma_wait3A_72 = tpu.memref_slice %arg15[%add3A_8, %dma_wait3A] : memref<10240x32xbf16, #tpu.memory_space<vmem_shared>> -> memref<128x32xbf16, #tpu.memory_space<vmem_shared>>
    %dma_wait3A_73 = arith.constant 0 : i32
    %dma_wait3A_74 = tpu.memref_slice %arg3[%add3A_8, %dma_wait3A_73] : memref<10240x32xbf16, #tpu.memory_space<hbm>> -> memref<128x32xbf16, #tpu.memory_space<hbm>>
    tpu.wait_dma2 semaphore(%arg16 : memref<!tpu.dma_semaphore, #tpu.memory_space<semaphore_mem>>) src(%dma_wait3A_74 : memref<128x32xbf16, #tpu.memory_space<hbm>>) dst(%dma_wait3A_72 : memref<128x32xbf16, #tpu.memory_space<vmem_shared>>)
    %dma_wait3A_75 = arith.constant 0 : i32
    %dma_wait3A_76 = tpu.memref_slice %arg14[%add3A_8, %dma_wait3A_75] : memref<10240x32xbf16, #tpu.memory_space<vmem_shared>> -> memref<128x32xbf16, #tpu.memory_space<vmem_shared>>
    tpu.wait_dma2 semaphore(%arg17 : memref<!tpu.dma_semaphore, #tpu.memory_space<semaphore_mem>>) src(%arg4 : memref<128x32xbf16, #tpu.memory_space<hbm>>) dst(%dma_wait3A_76 : memref<128x32xbf16, #tpu.memory_space<vmem_shared>>)
    %dma_wait3A_77 = arith.constant 0 : i32
    %dma_wait3A_78 = tpu.memref_slice %arg15[%add3A_15, %dma_wait3A_77] : memref<10240x32xbf16, #tpu.memory_space<vmem_shared>> -> memref<128x32xbf16, #tpu.memory_space<vmem_shared>>
    %dma_wait3A_79 = arith.constant 0 : i32
    %dma_wait3A_80 = tpu.memref_slice %arg3[%add3A_15, %dma_wait3A_79] : memref<10240x32xbf16, #tpu.memory_space<hbm>> -> memref<128x32xbf16, #tpu.memory_space<hbm>>
    tpu.wait_dma2 semaphore(%arg16 : memref<!tpu.dma_semaphore, #tpu.memory_space<semaphore_mem>>) src(%dma_wait3A_80 : memref<128x32xbf16, #tpu.memory_space<hbm>>) dst(%dma_wait3A_78 : memref<128x32xbf16, #tpu.memory_space<vmem_shared>>)
    %dma_wait3A_81 = arith.constant 0 : i32
    %dma_wait3A_82 = tpu.memref_slice %arg14[%add3A_15, %dma_wait3A_81] : memref<10240x32xbf16, #tpu.memory_space<vmem_shared>> -> memref<128x32xbf16, #tpu.memory_space<vmem_shared>>
    tpu.wait_dma2 semaphore(%arg17 : memref<!tpu.dma_semaphore, #tpu.memory_space<semaphore_mem>>) src(%arg4 : memref<128x32xbf16, #tpu.memory_space<hbm>>) dst(%dma_wait3A_82 : memref<128x32xbf16, #tpu.memory_space<vmem_shared>>)
    %dma_wait3A_83 = arith.constant 0 : i32
    %dma_wait3A_84 = tpu.memref_slice %arg15[%add3A_23, %dma_wait3A_83] : memref<10240x32xbf16, #tpu.memory_space<vmem_shared>> -> memref<128x32xbf16, #tpu.memory_space<vmem_shared>>
    %dma_wait3A_85 = arith.constant 0 : i32
    %dma_wait3A_86 = tpu.memref_slice %arg3[%add3A_23, %dma_wait3A_85] : memref<10240x32xbf16, #tpu.memory_space<hbm>> -> memref<128x32xbf16, #tpu.memory_space<hbm>>
    tpu.wait_dma2 semaphore(%arg16 : memref<!tpu.dma_semaphore, #tpu.memory_space<semaphore_mem>>) src(%dma_wait3A_86 : memref<128x32xbf16, #tpu.memory_space<hbm>>) dst(%dma_wait3A_84 : memref<128x32xbf16, #tpu.memory_space<vmem_shared>>)
    %dma_wait3A_87 = arith.constant 0 : i32
    %dma_wait3A_88 = tpu.memref_slice %arg14[%add3A_23, %dma_wait3A_87] : memref<10240x32xbf16, #tpu.memory_space<vmem_shared>> -> memref<128x32xbf16, #tpu.memory_space<vmem_shared>>
    tpu.wait_dma2 semaphore(%arg17 : memref<!tpu.dma_semaphore, #tpu.memory_space<semaphore_mem>>) src(%arg4 : memref<128x32xbf16, #tpu.memory_space<hbm>>) dst(%dma_wait3A_88 : memref<128x32xbf16, #tpu.memory_space<vmem_shared>>)
    %dma_wait3A_89 = arith.constant 0 : i32
    %dma_wait3A_90 = tpu.memref_slice %arg15[%add3A_31, %dma_wait3A_89] : memref<10240x32xbf16, #tpu.memory_space<vmem_shared>> -> memref<128x32xbf16, #tpu.memory_space<vmem_shared>>
    %dma_wait3A_91 = arith.constant 0 : i32
    %dma_wait3A_92 = tpu.memref_slice %arg3[%add3A_31, %dma_wait3A_91] : memref<10240x32xbf16, #tpu.memory_space<hbm>> -> memref<128x32xbf16, #tpu.memory_space<hbm>>
    tpu.wait_dma2 semaphore(%arg16 : memref<!tpu.dma_semaphore, #tpu.memory_space<semaphore_mem>>) src(%dma_wait3A_92 : memref<128x32xbf16, #tpu.memory_space<hbm>>) dst(%dma_wait3A_90 : memref<128x32xbf16, #tpu.memory_space<vmem_shared>>)
    %dma_wait3A_93 = arith.constant 0 : i32
    %dma_wait3A_94 = tpu.memref_slice %arg14[%add3A_31, %dma_wait3A_93] : memref<10240x32xbf16, #tpu.memory_space<vmem_shared>> -> memref<128x32xbf16, #tpu.memory_space<vmem_shared>>
    tpu.wait_dma2 semaphore(%arg17 : memref<!tpu.dma_semaphore, #tpu.memory_space<semaphore_mem>>) src(%arg4 : memref<128x32xbf16, #tpu.memory_space<hbm>>) dst(%dma_wait3A_94 : memref<128x32xbf16, #tpu.memory_space<vmem_shared>>)
    %dma_wait3A_95 = arith.constant 0 : i32
    %dma_wait3A_96 = tpu.memref_slice %arg15[%add3A_39, %dma_wait3A_95] : memref<10240x32xbf16, #tpu.memory_space<vmem_shared>> -> memref<128x32xbf16, #tpu.memory_space<vmem_shared>>
    %dma_wait3A_97 = arith.constant 0 : i32
    %dma_wait3A_98 = tpu.memref_slice %arg3[%add3A_39, %dma_wait3A_97] : memref<10240x32xbf16, #tpu.memory_space<hbm>> -> memref<128x32xbf16, #tpu.memory_space<hbm>>
    tpu.wait_dma2 semaphore(%arg16 : memref<!tpu.dma_semaphore, #tpu.memory_space<semaphore_mem>>) src(%dma_wait3A_98 : memref<128x32xbf16, #tpu.memory_space<hbm>>) dst(%dma_wait3A_96 : memref<128x32xbf16, #tpu.memory_space<vmem_shared>>)
    %dma_wait3A_99 = arith.constant 0 : i32
    %dma_wait3A_100 = tpu.memref_slice %arg14[%add3A_39, %dma_wait3A_99] : memref<10240x32xbf16, #tpu.memory_space<vmem_shared>> -> memref<128x32xbf16, #tpu.memory_space<vmem_shared>>
    tpu.wait_dma2 semaphore(%arg17 : memref<!tpu.dma_semaphore, #tpu.memory_space<semaphore_mem>>) src(%arg4 : memref<128x32xbf16, #tpu.memory_space<hbm>>) dst(%dma_wait3A_100 : memref<128x32xbf16, #tpu.memory_space<vmem_shared>>)
    %dma_wait3A_101 = arith.constant 0 : i32
    %dma_wait3A_102 = arith.constant 0 : i32
    %dma_wait3A_103 = arith.constant 0 : i32
    %dma_wait3A_104 = tpu.memref_slice %arg6[%dma_wait3A_102, %dma_wait3A_103] : memref<79x128xi32, #tpu.memory_space<vmem>> -> memref<78x128xi32, #tpu.memory_space<vmem>>
    %dma_wait3A_105 = arith.constant 0 : i32
    %dma_wait3A_106 = tpu.memref_slice %arg2[%dma_wait3A_101, %add3A_6, %dma_wait3A_105] : memref<2x2500x128xi32, #tpu.memory_space<hbm>> -> memref<1x78x128xi32, #tpu.memory_space<hbm>>
    %dma_wait3A_107 = tpu.memref_squeeze %dma_wait3A_106 : memref<1x78x128xi32, #tpu.memory_space<hbm>> -> memref<78x128xi32, #tpu.memory_space<hbm>>
    %dma_wait3A_108 = arith.constant 0 : i32
    %dma_wait3A_109 = arith.constant 0 : i32
    %dma_wait3A_110 = tpu.memref_slice %arg6[%dma_wait3A_108, %dma_wait3A_109] : memref<79x128xi32, #tpu.memory_space<vmem>> -> memref<78x128xi32, #tpu.memory_space<vmem>>
    %dma_wait3A_111 = arith.constant 0 : i32
    %dma_wait3A_112 = tpu.memref_slice %arg2[%dma_wait3A_101, %add3A_6, %dma_wait3A_111] : memref<2x2500x128xi32, #tpu.memory_space<hbm>> -> memref<1x78x128xi32, #tpu.memory_space<hbm>>
    %dma_wait3A_113 = tpu.memref_squeeze %dma_wait3A_112 : memref<1x78x128xi32, #tpu.memory_space<hbm>> -> memref<78x128xi32, #tpu.memory_space<hbm>>
    tpu.wait_dma2 semaphore(%arg18 : memref<!tpu.dma_semaphore, #tpu.memory_space<semaphore_mem>>) src(%dma_wait3A_113 : memref<78x128xi32, #tpu.memory_space<hbm>>) dst(%dma_wait3A_110 : memref<78x128xi32, #tpu.memory_space<vmem>>)
    %dma_wait3A_114 = arith.constant 1 : i32
    %dma_wait3A_115 = arith.constant 0 : i32
    %dma_wait3A_116 = arith.constant 0 : i32
    %dma_wait3A_117 = tpu.memref_slice %arg7[%dma_wait3A_115, %dma_wait3A_116] : memref<79x128xi32, #tpu.memory_space<vmem>> -> memref<78x128xi32, #tpu.memory_space<vmem>>
    %dma_wait3A_118 = arith.constant 0 : i32
    %dma_wait3A_119 = tpu.memref_slice %arg2[%dma_wait3A_114, %add3A_6, %dma_wait3A_118] : memref<2x2500x128xi32, #tpu.memory_space<hbm>> -> memref<1x78x128xi32, #tpu.memory_space<hbm>>
    %dma_wait3A_120 = tpu.memref_squeeze %dma_wait3A_119 : memref<1x78x128xi32, #tpu.memory_space<hbm>> -> memref<78x128xi32, #tpu.memory_space<hbm>>
    %dma_wait3A_121 = arith.constant 0 : i32
    %dma_wait3A_122 = arith.constant 0 : i32
    %dma_wait3A_123 = tpu.memref_slice %arg7[%dma_wait3A_121, %dma_wait3A_122] : memref<79x128xi32, #tpu.memory_space<vmem>> -> memref<78x128xi32, #tpu.memory_space<vmem>>
    %dma_wait3A_124 = arith.constant 0 : i32
    %dma_wait3A_125 = tpu.memref_slice %arg2[%dma_wait3A_114, %add3A_6, %dma_wait3A_124] : memref<2x2500x128xi32, #tpu.memory_space<hbm>> -> memref<1x78x128xi32, #tpu.memory_space<hbm>>
    %dma_wait3A_126 = tpu.memref_squeeze %dma_wait3A_125 : memref<1x78x128xi32, #tpu.memory_space<hbm>> -> memref<78x128xi32, #tpu.memory_space<hbm>>
    tpu.wait_dma2 semaphore(%arg18 : memref<!tpu.dma_semaphore, #tpu.memory_space<semaphore_mem>>) src(%dma_wait3A_126 : memref<78x128xi32, #tpu.memory_space<hbm>>) dst(%dma_wait3A_123 : memref<78x128xi32, #tpu.memory_space<vmem>>)
    %lt3A = arith.constant 4 : i32
    %lt3A_127 = arith.cmpi slt, %add3A, %lt3A : i32
    %convert_element_type3A = arith.extui %lt3A_127 : i1 to i32
    %cond3A = arith.constant 0 : i32
    %cond3A_128 = arith.cmpi ne, %convert_element_type3A, %cond3A : i32
    scf.if %cond3A_128 {
      %add3A_242 = arith.constant 78 : i32
      %add3A_243 = arith.addi %add3A_6, %add3A_242 : i32
      %run_scoped3A = arith.constant 0 : i32
      "tpu.region"() ({
        %run_scoped3A_247 = tpu.sem_alloc : memref<!tpu.dma_semaphore, #tpu.memory_space<semaphore_mem>>
        %dma_start3A_248 = arith.constant 78 : i32
        %dma_start3A_249 = arith.constant 0 : i32
        %dma_start3A_250 = tpu.memref_slice %arg6[%dma_start3A_248, %dma_start3A_249] : memref<79x128xi32, #tpu.memory_space<vmem>> -> memref<1x128xi32, #tpu.memory_space<vmem>>
        %dma_start3A_251 = arith.constant 0 : i32
        %dma_start3A_252 = tpu.memref_slice %arg2[%run_scoped3A, %add3A_243, %dma_start3A_251] : memref<2x2500x128xi32, #tpu.memory_space<hbm>> -> memref<1x1x128xi32, #tpu.memory_space<hbm>>
        %dma_start3A_253 = tpu.memref_squeeze %dma_start3A_252 : memref<1x1x128xi32, #tpu.memory_space<hbm>> -> memref<1x128xi32, #tpu.memory_space<hbm>>
        %dma_start3A_254 = arith.constant 78 : i32
        %dma_start3A_255 = arith.constant 0 : i32
        %dma_start3A_256 = tpu.memref_slice %arg6[%dma_start3A_254, %dma_start3A_255] : memref<79x128xi32, #tpu.memory_space<vmem>> -> memref<1x128xi32, #tpu.memory_space<vmem>>
        %dma_start3A_257 = arith.constant 0 : i32
        %dma_start3A_258 = tpu.memref_slice %arg2[%run_scoped3A, %add3A_243, %dma_start3A_257] : memref<2x2500x128xi32, #tpu.memory_space<hbm>> -> memref<1x1x128xi32, #tpu.memory_space<hbm>>
        %dma_start3A_259 = tpu.memref_squeeze %dma_start3A_258 : memref<1x1x128xi32, #tpu.memory_space<hbm>> -> memref<1x128xi32, #tpu.memory_space<hbm>>
        tpu.enqueue_dma source(%dma_start3A_259 : memref<1x128xi32, #tpu.memory_space<hbm>>) target(%dma_start3A_256 : memref<1x128xi32, #tpu.memory_space<vmem>>) target_semaphore(%run_scoped3A_247 : memref<!tpu.dma_semaphore, #tpu.memory_space<semaphore_mem>>)
        %dma_wait3A_260 = arith.constant 78 : i32
        %dma_wait3A_261 = arith.constant 0 : i32
        %dma_wait3A_262 = tpu.memref_slice %arg6[%dma_wait3A_260, %dma_wait3A_261] : memref<79x128xi32, #tpu.memory_space<vmem>> -> memref<1x128xi32, #tpu.memory_space<vmem>>
        %dma_wait3A_263 = arith.constant 0 : i32
        %dma_wait3A_264 = tpu.memref_slice %arg2[%run_scoped3A, %add3A_243, %dma_wait3A_263] : memref<2x2500x128xi32, #tpu.memory_space<hbm>> -> memref<1x1x128xi32, #tpu.memory_space<hbm>>
        %dma_wait3A_265 = tpu.memref_squeeze %dma_wait3A_264 : memref<1x1x128xi32, #tpu.memory_space<hbm>> -> memref<1x128xi32, #tpu.memory_space<hbm>>
        %dma_wait3A_266 = arith.constant 78 : i32
        %dma_wait3A_267 = arith.constant 0 : i32
        %dma_wait3A_268 = tpu.memref_slice %arg6[%dma_wait3A_266, %dma_wait3A_267] : memref<79x128xi32, #tpu.memory_space<vmem>> -> memref<1x128xi32, #tpu.memory_space<vmem>>
        %dma_wait3A_269 = arith.constant 0 : i32
        %dma_wait3A_270 = tpu.memref_slice %arg2[%run_scoped3A, %add3A_243, %dma_wait3A_269] : memref<2x2500x128xi32, #tpu.memory_space<hbm>> -> memref<1x1x128xi32, #tpu.memory_space<hbm>>
        %dma_wait3A_271 = tpu.memref_squeeze %dma_wait3A_270 : memref<1x1x128xi32, #tpu.memory_space<hbm>> -> memref<1x128xi32, #tpu.memory_space<hbm>>
        tpu.wait_dma2 semaphore(%run_scoped3A_247 : memref<!tpu.dma_semaphore, #tpu.memory_space<semaphore_mem>>) src(%dma_wait3A_271 : memref<1x128xi32, #tpu.memory_space<hbm>>) dst(%dma_wait3A_268 : memref<1x128xi32, #tpu.memory_space<vmem>>)
        tpu.yield
      }) : () -> ()
      %add3A_244 = arith.constant 78 : i32
      %add3A_245 = arith.addi %add3A_6, %add3A_244 : i32
      %run_scoped3A_246 = arith.constant 1 : i32
      "tpu.region"() ({
        %run_scoped3A_247 = tpu.sem_alloc : memref<!tpu.dma_semaphore, #tpu.memory_space<semaphore_mem>>
        %dma_start3A_248 = arith.constant 78 : i32
        %dma_start3A_249 = arith.constant 0 : i32
        %dma_start3A_250 = tpu.memref_slice %arg7[%dma_start3A_248, %dma_start3A_249] : memref<79x128xi32, #tpu.memory_space<vmem>> -> memref<1x128xi32, #tpu.memory_space<vmem>>
        %dma_start3A_251 = arith.constant 0 : i32
        %dma_start3A_252 = tpu.memref_slice %arg2[%run_scoped3A_246, %add3A_245, %dma_start3A_251] : memref<2x2500x128xi32, #tpu.memory_space<hbm>> -> memref<1x1x128xi32, #tpu.memory_space<hbm>>
        %dma_start3A_253 = tpu.memref_squeeze %dma_start3A_252 : memref<1x1x128xi32, #tpu.memory_space<hbm>> -> memref<1x128xi32, #tpu.memory_space<hbm>>
        %dma_start3A_254 = arith.constant 78 : i32
        %dma_start3A_255 = arith.constant 0 : i32
        %dma_start3A_256 = tpu.memref_slice %arg7[%dma_start3A_254, %dma_start3A_255] : memref<79x128xi32, #tpu.memory_space<vmem>> -> memref<1x128xi32, #tpu.memory_space<vmem>>
        %dma_start3A_257 = arith.constant 0 : i32
        %dma_start3A_258 = tpu.memref_slice %arg2[%run_scoped3A_246, %add3A_245, %dma_start3A_257] : memref<2x2500x128xi32, #tpu.memory_space<hbm>> -> memref<1x1x128xi32, #tpu.memory_space<hbm>>
        %dma_start3A_259 = tpu.memref_squeeze %dma_start3A_258 : memref<1x1x128xi32, #tpu.memory_space<hbm>> -> memref<1x128xi32, #tpu.memory_space<hbm>>
        tpu.enqueue_dma source(%dma_start3A_259 : memref<1x128xi32, #tpu.memory_space<hbm>>) target(%dma_start3A_256 : memref<1x128xi32, #tpu.memory_space<vmem>>) target_semaphore(%run_scoped3A_247 : memref<!tpu.dma_semaphore, #tpu.memory_space<semaphore_mem>>)
        %dma_wait3A_260 = arith.constant 78 : i32
        %dma_wait3A_261 = arith.constant 0 : i32
        %dma_wait3A_262 = tpu.memref_slice %arg7[%dma_wait3A_260, %dma_wait3A_261] : memref<79x128xi32, #tpu.memory_space<vmem>> -> memref<1x128xi32, #tpu.memory_space<vmem>>
        %dma_wait3A_263 = arith.constant 0 : i32
        %dma_wait3A_264 = tpu.memref_slice %arg2[%run_scoped3A_246, %add3A_245, %dma_wait3A_263] : memref<2x2500x128xi32, #tpu.memory_space<hbm>> -> memref<1x1x128xi32, #tpu.memory_space<hbm>>
        %dma_wait3A_265 = tpu.memref_squeeze %dma_wait3A_264 : memref<1x1x128xi32, #tpu.memory_space<hbm>> -> memref<1x128xi32, #tpu.memory_space<hbm>>
        %dma_wait3A_266 = arith.constant 78 : i32
        %dma_wait3A_267 = arith.constant 0 : i32
        %dma_wait3A_268 = tpu.memref_slice %arg7[%dma_wait3A_266, %dma_wait3A_267] : memref<79x128xi32, #tpu.memory_space<vmem>> -> memref<1x128xi32, #tpu.memory_space<vmem>>
        %dma_wait3A_269 = arith.constant 0 : i32
        %dma_wait3A_270 = tpu.memref_slice %arg2[%run_scoped3A_246, %add3A_245, %dma_wait3A_269] : memref<2x2500x128xi32, #tpu.memory_space<hbm>> -> memref<1x1x128xi32, #tpu.memory_space<hbm>>
        %dma_wait3A_271 = tpu.memref_squeeze %dma_wait3A_270 : memref<1x1x128xi32, #tpu.memory_space<hbm>> -> memref<1x128xi32, #tpu.memory_space<hbm>>
        tpu.wait_dma2 semaphore(%run_scoped3A_247 : memref<!tpu.dma_semaphore, #tpu.memory_space<semaphore_mem>>) src(%dma_wait3A_271 : memref<1x128xi32, #tpu.memory_space<hbm>>) dst(%dma_wait3A_268 : memref<1x128xi32, #tpu.memory_space<vmem>>)
        tpu.yield
      }) : () -> ()
    } else {
    }
    %barrier3A = arith.constant 0 : index
    tpu.barrier barrier_id(%barrier3A)
    %dma_start3A_129 = arith.constant 0 : i32
    %dma_start3A_130 = arith.constant 0 : i32
    %dma_start3A_131 = tpu.memref_slice %arg6[%dma_start3A_129, %dma_start3A_130] : memref<79x128xi32, #tpu.memory_space<vmem>> -> memref<1x128xi32, #tpu.memory_space<vmem>>
    %dma_start3A_132 = tpu.memref_squeeze %dma_start3A_131 : memref<1x128xi32, #tpu.memory_space<vmem>> -> memref<128xi32, #tpu.memory_space<vmem>>
    %dma_start3A_133 = arith.constant 0 : i32
    %dma_start3A_134 = arith.constant 0 : i32
    %dma_start3A_135 = tpu.memref_slice %arg15[%dma_start3A_133, %dma_start3A_134] : memref<10240x32xbf16, #tpu.memory_space<vmem_shared>> -> memref<10240x32xbf16, #tpu.memory_space<vmem_shared>>
    tpu.enqueue_indirect_dma source(%dma_start3A_135 : memref<10240x32xbf16, #tpu.memory_space<vmem_shared>>) target(%arg8 : memref<128x32xbf16, #tpu.memory_space<vmem>>) offsets(%dma_start3A_132 : memref<128xi32, #tpu.memory_space<vmem>>) semaphore(%arg16 : memref<!tpu.dma_semaphore, #tpu.memory_space<semaphore_mem>>)
    %dma_start3A_136 = arith.constant 1 : i32
    %dma_start3A_137 = arith.constant 0 : i32
    %dma_start3A_138 = tpu.memref_slice %arg6[%dma_start3A_136, %dma_start3A_137] : memref<79x128xi32, #tpu.memory_space<vmem>> -> memref<1x128xi32, #tpu.memory_space<vmem>>
    %dma_start3A_139 = tpu.memref_squeeze %dma_start3A_138 : memref<1x128xi32, #tpu.memory_space<vmem>> -> memref<128xi32, #tpu.memory_space<vmem>>
    %dma_start3A_140 = arith.constant 0 : i32
    %dma_start3A_141 = arith.constant 0 : i32
    %dma_start3A_142 = tpu.memref_slice %arg15[%dma_start3A_140, %dma_start3A_141] : memref<10240x32xbf16, #tpu.memory_space<vmem_shared>> -> memref<10240x32xbf16, #tpu.memory_space<vmem_shared>>
    tpu.enqueue_indirect_dma source(%dma_start3A_142 : memref<10240x32xbf16, #tpu.memory_space<vmem_shared>>) target(%arg9 : memref<128x32xbf16, #tpu.memory_space<vmem>>) offsets(%dma_start3A_139 : memref<128xi32, #tpu.memory_space<vmem>>) semaphore(%arg17 : memref<!tpu.dma_semaphore, #tpu.memory_space<semaphore_mem>>)
    %dma_start3A_143 = arith.constant 2 : i32
    %dma_start3A_144 = arith.constant 0 : i32
    %dma_start3A_145 = tpu.memref_slice %arg6[%dma_start3A_143, %dma_start3A_144] : memref<79x128xi32, #tpu.memory_space<vmem>> -> memref<1x128xi32, #tpu.memory_space<vmem>>
    %dma_start3A_146 = tpu.memref_squeeze %dma_start3A_145 : memref<1x128xi32, #tpu.memory_space<vmem>> -> memref<128xi32, #tpu.memory_space<vmem>>
    %dma_start3A_147 = arith.constant 0 : i32
    %dma_start3A_148 = arith.constant 0 : i32
    %dma_start3A_149 = tpu.memref_slice %arg15[%dma_start3A_147, %dma_start3A_148] : memref<10240x32xbf16, #tpu.memory_space<vmem_shared>> -> memref<10240x32xbf16, #tpu.memory_space<vmem_shared>>
    tpu.enqueue_indirect_dma source(%dma_start3A_149 : memref<10240x32xbf16, #tpu.memory_space<vmem_shared>>) target(%arg10 : memref<128x32xbf16, #tpu.memory_space<vmem>>) offsets(%dma_start3A_146 : memref<128xi32, #tpu.memory_space<vmem>>) semaphore(%arg18 : memref<!tpu.dma_semaphore, #tpu.memory_space<semaphore_mem>>)
    %dma_start3A_150 = arith.constant 3 : i32
    %dma_start3A_151 = arith.constant 0 : i32
    %dma_start3A_152 = tpu.memref_slice %arg6[%dma_start3A_150, %dma_start3A_151] : memref<79x128xi32, #tpu.memory_space<vmem>> -> memref<1x128xi32, #tpu.memory_space<vmem>>
    %dma_start3A_153 = tpu.memref_squeeze %dma_start3A_152 : memref<1x128xi32, #tpu.memory_space<vmem>> -> memref<128xi32, #tpu.memory_space<vmem>>
    %dma_start3A_154 = arith.constant 0 : i32
    %dma_start3A_155 = arith.constant 0 : i32
    %dma_start3A_156 = tpu.memref_slice %arg15[%dma_start3A_154, %dma_start3A_155] : memref<10240x32xbf16, #tpu.memory_space<vmem_shared>> -> memref<10240x32xbf16, #tpu.memory_space<vmem_shared>>
    tpu.enqueue_indirect_dma source(%dma_start3A_156 : memref<10240x32xbf16, #tpu.memory_space<vmem_shared>>) target(%arg11 : memref<128x32xbf16, #tpu.memory_space<vmem>>) offsets(%dma_start3A_153 : memref<128xi32, #tpu.memory_space<vmem>>) semaphore(%arg19 : memref<!tpu.dma_semaphore, #tpu.memory_space<semaphore_mem>>)
    %dma_start3A_157 = arith.constant 4 : i32
    %dma_start3A_158 = arith.constant 0 : i32
    %dma_start3A_159 = tpu.memref_slice %arg6[%dma_start3A_157, %dma_start3A_158] : memref<79x128xi32, #tpu.memory_space<vmem>> -> memref<1x128xi32, #tpu.memory_space<vmem>>
    %dma_start3A_160 = tpu.memref_squeeze %dma_start3A_159 : memref<1x128xi32, #tpu.memory_space<vmem>> -> memref<128xi32, #tpu.memory_space<vmem>>
    %dma_start3A_161 = arith.constant 0 : i32
    %dma_start3A_162 = arith.constant 0 : i32
    %dma_start3A_163 = tpu.memref_slice %arg15[%dma_start3A_161, %dma_start3A_162] : memref<10240x32xbf16, #tpu.memory_space<vmem_shared>> -> memref<10240x32xbf16, #tpu.memory_space<vmem_shared>>
    tpu.enqueue_indirect_dma source(%dma_start3A_163 : memref<10240x32xbf16, #tpu.memory_space<vmem_shared>>) target(%arg12 : memref<128x32xbf16, #tpu.memory_space<vmem>>) offsets(%dma_start3A_160 : memref<128xi32, #tpu.memory_space<vmem>>) semaphore(%arg20 : memref<!tpu.dma_semaphore, #tpu.memory_space<semaphore_mem>>)
    %dma_start3A_164 = arith.constant 5 : i32
    %dma_start3A_165 = arith.constant 0 : i32
    %dma_start3A_166 = tpu.memref_slice %arg6[%dma_start3A_164, %dma_start3A_165] : memref<79x128xi32, #tpu.memory_space<vmem>> -> memref<1x128xi32, #tpu.memory_space<vmem>>
    %dma_start3A_167 = tpu.memref_squeeze %dma_start3A_166 : memref<1x128xi32, #tpu.memory_space<vmem>> -> memref<128xi32, #tpu.memory_space<vmem>>
    %dma_start3A_168 = arith.constant 0 : i32
    %dma_start3A_169 = arith.constant 0 : i32
    %dma_start3A_170 = tpu.memref_slice %arg15[%dma_start3A_168, %dma_start3A_169] : memref<10240x32xbf16, #tpu.memory_space<vmem_shared>> -> memref<10240x32xbf16, #tpu.memory_space<vmem_shared>>
    tpu.enqueue_indirect_dma source(%dma_start3A_170 : memref<10240x32xbf16, #tpu.memory_space<vmem_shared>>) target(%arg13 : memref<128x32xbf16, #tpu.memory_space<vmem>>) offsets(%dma_start3A_167 : memref<128xi32, #tpu.memory_space<vmem>>) semaphore(%arg21 : memref<!tpu.dma_semaphore, #tpu.memory_space<semaphore_mem>>)
    %scan3A = arith.constant 0 : i32
    %scan3A_171 = arith.constant 0 : i32
    %scan3A_172 = arith.constant 13 : i32
    %scan3A_173 = arith.addi %scan3A_171, %scan3A_172 : i32
    %scan3A_174 = arith.constant 1 : i32
    scf.for %scan3A_242 = %scan3A_171 to %scan3A_173 step %scan3A_174  : i32 {
      %mul3A_243 = arith.constant 6 : i32
      %mul3A_244 = arith.muli %scan3A_242, %mul3A_243 : i32
      %add3A_245 = arith.constant 0 : i32
      %add3A_246 = arith.addi %mul3A_244, %add3A_245 : i32
      %dma_wait3A_247 = arith.constant 0 : i32
      %dma_wait3A_248 = tpu.memref_slice %arg6[%add3A_246, %dma_wait3A_247] : memref<79x128xi32, #tpu.memory_space<vmem>> -> memref<1x128xi32, #tpu.memory_space<vmem>>
      %dma_wait3A_249 = tpu.memref_squeeze %dma_wait3A_248 : memref<1x128xi32, #tpu.memory_space<vmem>> -> memref<128xi32, #tpu.memory_space<vmem>>
      %dma_wait3A_250 = arith.constant 0 : i32
      %dma_wait3A_251 = arith.constant 0 : i32
      %dma_wait3A_252 = tpu.memref_slice %arg15[%dma_wait3A_250, %dma_wait3A_251] : memref<10240x32xbf16, #tpu.memory_space<vmem_shared>> -> memref<10240x32xbf16, #tpu.memory_space<vmem_shared>>
      tpu.wait_indirect_dma semaphore(%arg16 : memref<!tpu.dma_semaphore, #tpu.memory_space<semaphore_mem>>) src(%dma_wait3A_252 : memref<10240x32xbf16, #tpu.memory_space<vmem_shared>>) dst(%arg8 : memref<128x32xbf16, #tpu.memory_space<vmem>>)
      %add3A_253 = arith.constant 0 : i32
      %add3A_254 = arith.addi %mul3A_244, %add3A_253 : i32
      %dma_start3A_255 = arith.constant 0 : i32
      %dma_start3A_256 = tpu.memref_slice %arg7[%add3A_254, %dma_start3A_255] : memref<79x128xi32, #tpu.memory_space<vmem>> -> memref<1x128xi32, #tpu.memory_space<vmem>>
      %dma_start3A_257 = tpu.memref_squeeze %dma_start3A_256 : memref<1x128xi32, #tpu.memory_space<vmem>> -> memref<128xi32, #tpu.memory_space<vmem>>
      %dma_start3A_258 = arith.constant 0 : i32
      %dma_start3A_259 = arith.constant 0 : i32
      %dma_start3A_260 = tpu.memref_slice %arg14[%dma_start3A_258, %dma_start3A_259] : memref<10240x32xbf16, #tpu.memory_space<vmem_shared>> -> memref<10240x32xbf16, #tpu.memory_space<vmem_shared>>
      tpu.enqueue_indirect_dma source(%arg8 : memref<128x32xbf16, #tpu.memory_space<vmem>>) target(%dma_start3A_260 : memref<10240x32xbf16, #tpu.memory_space<vmem_shared>>) offsets(%dma_start3A_257 : memref<128xi32, #tpu.memory_space<vmem>>) semaphore(%arg22 : memref<!tpu.dma_semaphore, #tpu.memory_space<semaphore_mem>>) {add = true}
      %add3A_261 = arith.constant 1 : i32
      %add3A_262 = arith.addi %mul3A_244, %add3A_261 : i32
      %dma_wait3A_263 = arith.constant 0 : i32
      %dma_wait3A_264 = tpu.memref_slice %arg6[%add3A_262, %dma_wait3A_263] : memref<79x128xi32, #tpu.memory_space<vmem>> -> memref<1x128xi32, #tpu.memory_space<vmem>>
      %dma_wait3A_265 = tpu.memref_squeeze %dma_wait3A_264 : memref<1x128xi32, #tpu.memory_space<vmem>> -> memref<128xi32, #tpu.memory_space<vmem>>
      %dma_wait3A_266 = arith.constant 0 : i32
      %dma_wait3A_267 = arith.constant 0 : i32
      %dma_wait3A_268 = tpu.memref_slice %arg15[%dma_wait3A_266, %dma_wait3A_267] : memref<10240x32xbf16, #tpu.memory_space<vmem_shared>> -> memref<10240x32xbf16, #tpu.memory_space<vmem_shared>>
      tpu.wait_indirect_dma semaphore(%arg17 : memref<!tpu.dma_semaphore, #tpu.memory_space<semaphore_mem>>) src(%dma_wait3A_268 : memref<10240x32xbf16, #tpu.memory_space<vmem_shared>>) dst(%arg9 : memref<128x32xbf16, #tpu.memory_space<vmem>>)
      %add3A_269 = arith.constant 1 : i32
      %add3A_270 = arith.addi %mul3A_244, %add3A_269 : i32
      %dma_start3A_271 = arith.constant 0 : i32
      %dma_start3A_272 = tpu.memref_slice %arg7[%add3A_270, %dma_start3A_271] : memref<79x128xi32, #tpu.memory_space<vmem>> -> memref<1x128xi32, #tpu.memory_space<vmem>>
      %dma_start3A_273 = tpu.memref_squeeze %dma_start3A_272 : memref<1x128xi32, #tpu.memory_space<vmem>> -> memref<128xi32, #tpu.memory_space<vmem>>
      %dma_start3A_274 = arith.constant 0 : i32
      %dma_start3A_275 = arith.constant 0 : i32
      %dma_start3A_276 = tpu.memref_slice %arg14[%dma_start3A_274, %dma_start3A_275] : memref<10240x32xbf16, #tpu.memory_space<vmem_shared>> -> memref<10240x32xbf16, #tpu.memory_space<vmem_shared>>
      tpu.enqueue_indirect_dma source(%arg9 : memref<128x32xbf16, #tpu.memory_space<vmem>>) target(%dma_start3A_276 : memref<10240x32xbf16, #tpu.memory_space<vmem_shared>>) offsets(%dma_start3A_273 : memref<128xi32, #tpu.memory_space<vmem>>) semaphore(%arg23 : memref<!tpu.dma_semaphore, #tpu.memory_space<semaphore_mem>>) {add = true}
      %add3A_277 = arith.constant 2 : i32
      %add3A_278 = arith.addi %mul3A_244, %add3A_277 : i32
      %dma_wait3A_279 = arith.constant 0 : i32
      %dma_wait3A_280 = tpu.memref_slice %arg6[%add3A_278, %dma_wait3A_279] : memref<79x128xi32, #tpu.memory_space<vmem>> -> memref<1x128xi32, #tpu.memory_space<vmem>>
      %dma_wait3A_281 = tpu.memref_squeeze %dma_wait3A_280 : memref<1x128xi32, #tpu.memory_space<vmem>> -> memref<128xi32, #tpu.memory_space<vmem>>
      %dma_wait3A_282 = arith.constant 0 : i32
      %dma_wait3A_283 = arith.constant 0 : i32
      %dma_wait3A_284 = tpu.memref_slice %arg15[%dma_wait3A_282, %dma_wait3A_283] : memref<10240x32xbf16, #tpu.memory_space<vmem_shared>> -> memref<10240x32xbf16, #tpu.memory_space<vmem_shared>>
      tpu.wait_indirect_dma semaphore(%arg18 : memref<!tpu.dma_semaphore, #tpu.memory_space<semaphore_mem>>) src(%dma_wait3A_284 : memref<10240x32xbf16, #tpu.memory_space<vmem_shared>>) dst(%arg10 : memref<128x32xbf16, #tpu.memory_space<vmem>>)
      %add3A_285 = arith.constant 2 : i32
      %add3A_286 = arith.addi %mul3A_244, %add3A_285 : i32
      %dma_start3A_287 = arith.constant 0 : i32
      %dma_start3A_288 = tpu.memref_slice %arg7[%add3A_286, %dma_start3A_287] : memref<79x128xi32, #tpu.memory_space<vmem>> -> memref<1x128xi32, #tpu.memory_space<vmem>>
      %dma_start3A_289 = tpu.memref_squeeze %dma_start3A_288 : memref<1x128xi32, #tpu.memory_space<vmem>> -> memref<128xi32, #tpu.memory_space<vmem>>
      %dma_start3A_290 = arith.constant 0 : i32
      %dma_start3A_291 = arith.constant 0 : i32
      %dma_start3A_292 = tpu.memref_slice %arg14[%dma_start3A_290, %dma_start3A_291] : memref<10240x32xbf16, #tpu.memory_space<vmem_shared>> -> memref<10240x32xbf16, #tpu.memory_space<vmem_shared>>
      tpu.enqueue_indirect_dma source(%arg10 : memref<128x32xbf16, #tpu.memory_space<vmem>>) target(%dma_start3A_292 : memref<10240x32xbf16, #tpu.memory_space<vmem_shared>>) offsets(%dma_start3A_289 : memref<128xi32, #tpu.memory_space<vmem>>) semaphore(%arg24 : memref<!tpu.dma_semaphore, #tpu.memory_space<semaphore_mem>>) {add = true}
      %add3A_293 = arith.constant 3 : i32
      %add3A_294 = arith.addi %mul3A_244, %add3A_293 : i32
      %dma_wait3A_295 = arith.constant 0 : i32
      %dma_wait3A_296 = tpu.memref_slice %arg6[%add3A_294, %dma_wait3A_295] : memref<79x128xi32, #tpu.memory_space<vmem>> -> memref<1x128xi32, #tpu.memory_space<vmem>>
      %dma_wait3A_297 = tpu.memref_squeeze %dma_wait3A_296 : memref<1x128xi32, #tpu.memory_space<vmem>> -> memref<128xi32, #tpu.memory_space<vmem>>
      %dma_wait3A_298 = arith.constant 0 : i32
      %dma_wait3A_299 = arith.constant 0 : i32
      %dma_wait3A_300 = tpu.memref_slice %arg15[%dma_wait3A_298, %dma_wait3A_299] : memref<10240x32xbf16, #tpu.memory_space<vmem_shared>> -> memref<10240x32xbf16, #tpu.memory_space<vmem_shared>>
      tpu.wait_indirect_dma semaphore(%arg19 : memref<!tpu.dma_semaphore, #tpu.memory_space<semaphore_mem>>) src(%dma_wait3A_300 : memref<10240x32xbf16, #tpu.memory_space<vmem_shared>>) dst(%arg11 : memref<128x32xbf16, #tpu.memory_space<vmem>>)
      %add3A_301 = arith.constant 3 : i32
      %add3A_302 = arith.addi %mul3A_244, %add3A_301 : i32
      %dma_start3A_303 = arith.constant 0 : i32
      %dma_start3A_304 = tpu.memref_slice %arg7[%add3A_302, %dma_start3A_303] : memref<79x128xi32, #tpu.memory_space<vmem>> -> memref<1x128xi32, #tpu.memory_space<vmem>>
      %dma_start3A_305 = tpu.memref_squeeze %dma_start3A_304 : memref<1x128xi32, #tpu.memory_space<vmem>> -> memref<128xi32, #tpu.memory_space<vmem>>
      %dma_start3A_306 = arith.constant 0 : i32
      %dma_start3A_307 = arith.constant 0 : i32
      %dma_start3A_308 = tpu.memref_slice %arg14[%dma_start3A_306, %dma_start3A_307] : memref<10240x32xbf16, #tpu.memory_space<vmem_shared>> -> memref<10240x32xbf16, #tpu.memory_space<vmem_shared>>
      tpu.enqueue_indirect_dma source(%arg11 : memref<128x32xbf16, #tpu.memory_space<vmem>>) target(%dma_start3A_308 : memref<10240x32xbf16, #tpu.memory_space<vmem_shared>>) offsets(%dma_start3A_305 : memref<128xi32, #tpu.memory_space<vmem>>) semaphore(%arg25 : memref<!tpu.dma_semaphore, #tpu.memory_space<semaphore_mem>>) {add = true}
      %add3A_309 = arith.constant 4 : i32
      %add3A_310 = arith.addi %mul3A_244, %add3A_309 : i32
      %dma_wait3A_311 = arith.constant 0 : i32
      %dma_wait3A_312 = tpu.memref_slice %arg6[%add3A_310, %dma_wait3A_311] : memref<79x128xi32, #tpu.memory_space<vmem>> -> memref<1x128xi32, #tpu.memory_space<vmem>>
      %dma_wait3A_313 = tpu.memref_squeeze %dma_wait3A_312 : memref<1x128xi32, #tpu.memory_space<vmem>> -> memref<128xi32, #tpu.memory_space<vmem>>
      %dma_wait3A_314 = arith.constant 0 : i32
      %dma_wait3A_315 = arith.constant 0 : i32
      %dma_wait3A_316 = tpu.memref_slice %arg15[%dma_wait3A_314, %dma_wait3A_315] : memref<10240x32xbf16, #tpu.memory_space<vmem_shared>> -> memref<10240x32xbf16, #tpu.memory_space<vmem_shared>>
      tpu.wait_indirect_dma semaphore(%arg20 : memref<!tpu.dma_semaphore, #tpu.memory_space<semaphore_mem>>) src(%dma_wait3A_316 : memref<10240x32xbf16, #tpu.memory_space<vmem_shared>>) dst(%arg12 : memref<128x32xbf16, #tpu.memory_space<vmem>>)
      %add3A_317 = arith.constant 4 : i32
      %add3A_318 = arith.addi %mul3A_244, %add3A_317 : i32
      %dma_start3A_319 = arith.constant 0 : i32
      %dma_start3A_320 = tpu.memref_slice %arg7[%add3A_318, %dma_start3A_319] : memref<79x128xi32, #tpu.memory_space<vmem>> -> memref<1x128xi32, #tpu.memory_space<vmem>>
      %dma_start3A_321 = tpu.memref_squeeze %dma_start3A_320 : memref<1x128xi32, #tpu.memory_space<vmem>> -> memref<128xi32, #tpu.memory_space<vmem>>
      %dma_start3A_322 = arith.constant 0 : i32
      %dma_start3A_323 = arith.constant 0 : i32
      %dma_start3A_324 = tpu.memref_slice %arg14[%dma_start3A_322, %dma_start3A_323] : memref<10240x32xbf16, #tpu.memory_space<vmem_shared>> -> memref<10240x32xbf16, #tpu.memory_space<vmem_shared>>
      tpu.enqueue_indirect_dma source(%arg12 : memref<128x32xbf16, #tpu.memory_space<vmem>>) target(%dma_start3A_324 : memref<10240x32xbf16, #tpu.memory_space<vmem_shared>>) offsets(%dma_start3A_321 : memref<128xi32, #tpu.memory_space<vmem>>) semaphore(%arg26 : memref<!tpu.dma_semaphore, #tpu.memory_space<semaphore_mem>>) {add = true}
      %add3A_325 = arith.constant 5 : i32
      %add3A_326 = arith.addi %mul3A_244, %add3A_325 : i32
      %dma_wait3A_327 = arith.constant 0 : i32
      %dma_wait3A_328 = tpu.memref_slice %arg6[%add3A_326, %dma_wait3A_327] : memref<79x128xi32, #tpu.memory_space<vmem>> -> memref<1x128xi32, #tpu.memory_space<vmem>>
      %dma_wait3A_329 = tpu.memref_squeeze %dma_wait3A_328 : memref<1x128xi32, #tpu.memory_space<vmem>> -> memref<128xi32, #tpu.memory_space<vmem>>
      %dma_wait3A_330 = arith.constant 0 : i32
      %dma_wait3A_331 = arith.constant 0 : i32
      %dma_wait3A_332 = tpu.memref_slice %arg15[%dma_wait3A_330, %dma_wait3A_331] : memref<10240x32xbf16, #tpu.memory_space<vmem_shared>> -> memref<10240x32xbf16, #tpu.memory_space<vmem_shared>>
      tpu.wait_indirect_dma semaphore(%arg21 : memref<!tpu.dma_semaphore, #tpu.memory_space<semaphore_mem>>) src(%dma_wait3A_332 : memref<10240x32xbf16, #tpu.memory_space<vmem_shared>>) dst(%arg13 : memref<128x32xbf16, #tpu.memory_space<vmem>>)
      %add3A_333 = arith.constant 5 : i32
      %add3A_334 = arith.addi %mul3A_244, %add3A_333 : i32
      %dma_start3A_335 = arith.constant 0 : i32
      %dma_start3A_336 = tpu.memref_slice %arg7[%add3A_334, %dma_start3A_335] : memref<79x128xi32, #tpu.memory_space<vmem>> -> memref<1x128xi32, #tpu.memory_space<vmem>>
      %dma_start3A_337 = tpu.memref_squeeze %dma_start3A_336 : memref<1x128xi32, #tpu.memory_space<vmem>> -> memref<128xi32, #tpu.memory_space<vmem>>
      %dma_start3A_338 = arith.constant 0 : i32
      %dma_start3A_339 = arith.constant 0 : i32
      %dma_start3A_340 = tpu.memref_slice %arg14[%dma_start3A_338, %dma_start3A_339] : memref<10240x32xbf16, #tpu.memory_space<vmem_shared>> -> memref<10240x32xbf16, #tpu.memory_space<vmem_shared>>
      tpu.enqueue_indirect_dma source(%arg13 : memref<128x32xbf16, #tpu.memory_space<vmem>>) target(%dma_start3A_340 : memref<10240x32xbf16, #tpu.memory_space<vmem_shared>>) offsets(%dma_start3A_337 : memref<128xi32, #tpu.memory_space<vmem>>) semaphore(%arg27 : memref<!tpu.dma_semaphore, #tpu.memory_space<semaphore_mem>>) {add = true}
      %dma_wait3A_341 = arith.constant 0 : i32
      %dma_wait3A_342 = tpu.memref_slice %arg7[%add3A_254, %dma_wait3A_341] : memref<79x128xi32, #tpu.memory_space<vmem>> -> memref<1x128xi32, #tpu.memory_space<vmem>>
      %dma_wait3A_343 = tpu.memref_squeeze %dma_wait3A_342 : memref<1x128xi32, #tpu.memory_space<vmem>> -> memref<128xi32, #tpu.memory_space<vmem>>
      %dma_wait3A_344 = arith.constant 0 : i32
      %dma_wait3A_345 = arith.constant 0 : i32
      %dma_wait3A_346 = tpu.memref_slice %arg14[%dma_wait3A_344, %dma_wait3A_345] : memref<10240x32xbf16, #tpu.memory_space<vmem_shared>> -> memref<10240x32xbf16, #tpu.memory_space<vmem_shared>>
      tpu.wait_indirect_dma semaphore(%arg22 : memref<!tpu.dma_semaphore, #tpu.memory_space<semaphore_mem>>) src(%arg8 : memref<128x32xbf16, #tpu.memory_space<vmem>>) dst(%dma_wait3A_346 : memref<10240x32xbf16, #tpu.memory_space<vmem_shared>>)
      %lt3A_347 = arith.constant 12 : i32
      %lt3A_348 = arith.cmpi slt, %scan3A_242, %lt3A_347 : i32
      %convert_element_type3A_349 = arith.extui %lt3A_348 : i1 to i32
      %cond3A_350 = arith.constant 0 : i32
      %cond3A_351 = arith.cmpi ne, %convert_element_type3A_349, %cond3A_350 : i32
      scf.if %cond3A_351 {
        %add3A_407 = arith.constant 6 : i32
        %add3A_408 = arith.addi %mul3A_244, %add3A_407 : i32
        %add3A_409 = arith.constant 0 : i32
        %add3A_410 = arith.addi %add3A_408, %add3A_409 : i32
        %dma_start3A_411 = arith.constant 0 : i32
        %dma_start3A_412 = tpu.memref_slice %arg6[%add3A_410, %dma_start3A_411] : memref<79x128xi32, #tpu.memory_space<vmem>> -> memref<1x128xi32, #tpu.memory_space<vmem>>
        %dma_start3A_413 = tpu.memref_squeeze %dma_start3A_412 : memref<1x128xi32, #tpu.memory_space<vmem>> -> memref<128xi32, #tpu.memory_space<vmem>>
        %dma_start3A_414 = arith.constant 0 : i32
        %dma_start3A_415 = arith.constant 0 : i32
        %dma_start3A_416 = tpu.memref_slice %arg15[%dma_start3A_414, %dma_start3A_415] : memref<10240x32xbf16, #tpu.memory_space<vmem_shared>> -> memref<10240x32xbf16, #tpu.memory_space<vmem_shared>>
        tpu.enqueue_indirect_dma source(%dma_start3A_416 : memref<10240x32xbf16, #tpu.memory_space<vmem_shared>>) target(%arg8 : memref<128x32xbf16, #tpu.memory_space<vmem>>) offsets(%dma_start3A_413 : memref<128xi32, #tpu.memory_space<vmem>>) semaphore(%arg16 : memref<!tpu.dma_semaphore, #tpu.memory_space<semaphore_mem>>)
      } else {
      }
      %dma_wait3A_352 = arith.constant 0 : i32
      %dma_wait3A_353 = tpu.memref_slice %arg7[%add3A_270, %dma_wait3A_352] : memref<79x128xi32, #tpu.memory_space<vmem>> -> memref<1x128xi32, #tpu.memory_space<vmem>>
      %dma_wait3A_354 = tpu.memref_squeeze %dma_wait3A_353 : memref<1x128xi32, #tpu.memory_space<vmem>> -> memref<128xi32, #tpu.memory_space<vmem>>
      %dma_wait3A_355 = arith.constant 0 : i32
      %dma_wait3A_356 = arith.constant 0 : i32
      %dma_wait3A_357 = tpu.memref_slice %arg14[%dma_wait3A_355, %dma_wait3A_356] : memref<10240x32xbf16, #tpu.memory_space<vmem_shared>> -> memref<10240x32xbf16, #tpu.memory_space<vmem_shared>>
      tpu.wait_indirect_dma semaphore(%arg23 : memref<!tpu.dma_semaphore, #tpu.memory_space<semaphore_mem>>) src(%arg9 : memref<128x32xbf16, #tpu.memory_space<vmem>>) dst(%dma_wait3A_357 : memref<10240x32xbf16, #tpu.memory_space<vmem_shared>>)
      %lt3A_358 = arith.constant 12 : i32
      %lt3A_359 = arith.cmpi slt, %scan3A_242, %lt3A_358 : i32
      %convert_element_type3A_360 = arith.extui %lt3A_359 : i1 to i32
      %cond3A_361 = arith.constant 0 : i32
      %cond3A_362 = arith.cmpi ne, %convert_element_type3A_360, %cond3A_361 : i32
      scf.if %cond3A_362 {
        %add3A_407 = arith.constant 6 : i32
        %add3A_408 = arith.addi %mul3A_244, %add3A_407 : i32
        %add3A_409 = arith.constant 1 : i32
        %add3A_410 = arith.addi %add3A_408, %add3A_409 : i32
        %dma_start3A_411 = arith.constant 0 : i32
        %dma_start3A_412 = tpu.memref_slice %arg6[%add3A_410, %dma_start3A_411] : memref<79x128xi32, #tpu.memory_space<vmem>> -> memref<1x128xi32, #tpu.memory_space<vmem>>
        %dma_start3A_413 = tpu.memref_squeeze %dma_start3A_412 : memref<1x128xi32, #tpu.memory_space<vmem>> -> memref<128xi32, #tpu.memory_space<vmem>>
        %dma_start3A_414 = arith.constant 0 : i32
        %dma_start3A_415 = arith.constant 0 : i32
        %dma_start3A_416 = tpu.memref_slice %arg15[%dma_start3A_414, %dma_start3A_415] : memref<10240x32xbf16, #tpu.memory_space<vmem_shared>> -> memref<10240x32xbf16, #tpu.memory_space<vmem_shared>>
        tpu.enqueue_indirect_dma source(%dma_start3A_416 : memref<10240x32xbf16, #tpu.memory_space<vmem_shared>>) target(%arg9 : memref<128x32xbf16, #tpu.memory_space<vmem>>) offsets(%dma_start3A_413 : memref<128xi32, #tpu.memory_space<vmem>>) semaphore(%arg17 : memref<!tpu.dma_semaphore, #tpu.memory_space<semaphore_mem>>)
      } else {
      }
      %dma_wait3A_363 = arith.constant 0 : i32
      %dma_wait3A_364 = tpu.memref_slice %arg7[%add3A_286, %dma_wait3A_363] : memref<79x128xi32, #tpu.memory_space<vmem>> -> memref<1x128xi32, #tpu.memory_space<vmem>>
      %dma_wait3A_365 = tpu.memref_squeeze %dma_wait3A_364 : memref<1x128xi32, #tpu.memory_space<vmem>> -> memref<128xi32, #tpu.memory_space<vmem>>
      %dma_wait3A_366 = arith.constant 0 : i32
      %dma_wait3A_367 = arith.constant 0 : i32
      %dma_wait3A_368 = tpu.memref_slice %arg14[%dma_wait3A_366, %dma_wait3A_367] : memref<10240x32xbf16, #tpu.memory_space<vmem_shared>> -> memref<10240x32xbf16, #tpu.memory_space<vmem_shared>>
      tpu.wait_indirect_dma semaphore(%arg24 : memref<!tpu.dma_semaphore, #tpu.memory_space<semaphore_mem>>) src(%arg10 : memref<128x32xbf16, #tpu.memory_space<vmem>>) dst(%dma_wait3A_368 : memref<10240x32xbf16, #tpu.memory_space<vmem_shared>>)
      %lt3A_369 = arith.constant 12 : i32
      %lt3A_370 = arith.cmpi slt, %scan3A_242, %lt3A_369 : i32
      %convert_element_type3A_371 = arith.extui %lt3A_370 : i1 to i32
      %cond3A_372 = arith.constant 0 : i32
      %cond3A_373 = arith.cmpi ne, %convert_element_type3A_371, %cond3A_372 : i32
      scf.if %cond3A_373 {
        %add3A_407 = arith.constant 6 : i32
        %add3A_408 = arith.addi %mul3A_244, %add3A_407 : i32
        %add3A_409 = arith.constant 2 : i32
        %add3A_410 = arith.addi %add3A_408, %add3A_409 : i32
        %dma_start3A_411 = arith.constant 0 : i32
        %dma_start3A_412 = tpu.memref_slice %arg6[%add3A_410, %dma_start3A_411] : memref<79x128xi32, #tpu.memory_space<vmem>> -> memref<1x128xi32, #tpu.memory_space<vmem>>
        %dma_start3A_413 = tpu.memref_squeeze %dma_start3A_412 : memref<1x128xi32, #tpu.memory_space<vmem>> -> memref<128xi32, #tpu.memory_space<vmem>>
        %dma_start3A_414 = arith.constant 0 : i32
        %dma_start3A_415 = arith.constant 0 : i32
        %dma_start3A_416 = tpu.memref_slice %arg15[%dma_start3A_414, %dma_start3A_415] : memref<10240x32xbf16, #tpu.memory_space<vmem_shared>> -> memref<10240x32xbf16, #tpu.memory_space<vmem_shared>>
        tpu.enqueue_indirect_dma source(%dma_start3A_416 : memref<10240x32xbf16, #tpu.memory_space<vmem_shared>>) target(%arg10 : memref<128x32xbf16, #tpu.memory_space<vmem>>) offsets(%dma_start3A_413 : memref<128xi32, #tpu.memory_space<vmem>>) semaphore(%arg18 : memref<!tpu.dma_semaphore, #tpu.memory_space<semaphore_mem>>)
      } else {
      }
      %dma_wait3A_374 = arith.constant 0 : i32
      %dma_wait3A_375 = tpu.memref_slice %arg7[%add3A_302, %dma_wait3A_374] : memref<79x128xi32, #tpu.memory_space<vmem>> -> memref<1x128xi32, #tpu.memory_space<vmem>>
      %dma_wait3A_376 = tpu.memref_squeeze %dma_wait3A_375 : memref<1x128xi32, #tpu.memory_space<vmem>> -> memref<128xi32, #tpu.memory_space<vmem>>
      %dma_wait3A_377 = arith.constant 0 : i32
      %dma_wait3A_378 = arith.constant 0 : i32
      %dma_wait3A_379 = tpu.memref_slice %arg14[%dma_wait3A_377, %dma_wait3A_378] : memref<10240x32xbf16, #tpu.memory_space<vmem_shared>> -> memref<10240x32xbf16, #tpu.memory_space<vmem_shared>>
      tpu.wait_indirect_dma semaphore(%arg25 : memref<!tpu.dma_semaphore, #tpu.memory_space<semaphore_mem>>) src(%arg11 : memref<128x32xbf16, #tpu.memory_space<vmem>>) dst(%dma_wait3A_379 : memref<10240x32xbf16, #tpu.memory_space<vmem_shared>>)
      %lt3A_380 = arith.constant 12 : i32
      %lt3A_381 = arith.cmpi slt, %scan3A_242, %lt3A_380 : i32
      %convert_element_type3A_382 = arith.extui %lt3A_381 : i1 to i32
      %cond3A_383 = arith.constant 0 : i32
      %cond3A_384 = arith.cmpi ne, %convert_element_type3A_382, %cond3A_383 : i32
      scf.if %cond3A_384 {
        %add3A_407 = arith.constant 6 : i32
        %add3A_408 = arith.addi %mul3A_244, %add3A_407 : i32
        %add3A_409 = arith.constant 3 : i32
        %add3A_410 = arith.addi %add3A_408, %add3A_409 : i32
        %dma_start3A_411 = arith.constant 0 : i32
        %dma_start3A_412 = tpu.memref_slice %arg6[%add3A_410, %dma_start3A_411] : memref<79x128xi32, #tpu.memory_space<vmem>> -> memref<1x128xi32, #tpu.memory_space<vmem>>
        %dma_start3A_413 = tpu.memref_squeeze %dma_start3A_412 : memref<1x128xi32, #tpu.memory_space<vmem>> -> memref<128xi32, #tpu.memory_space<vmem>>
        %dma_start3A_414 = arith.constant 0 : i32
        %dma_start3A_415 = arith.constant 0 : i32
        %dma_start3A_416 = tpu.memref_slice %arg15[%dma_start3A_414, %dma_start3A_415] : memref<10240x32xbf16, #tpu.memory_space<vmem_shared>> -> memref<10240x32xbf16, #tpu.memory_space<vmem_shared>>
        tpu.enqueue_indirect_dma source(%dma_start3A_416 : memref<10240x32xbf16, #tpu.memory_space<vmem_shared>>) target(%arg11 : memref<128x32xbf16, #tpu.memory_space<vmem>>) offsets(%dma_start3A_413 : memref<128xi32, #tpu.memory_space<vmem>>) semaphore(%arg19 : memref<!tpu.dma_semaphore, #tpu.memory_space<semaphore_mem>>)
      } else {
      }
      %dma_wait3A_385 = arith.constant 0 : i32
      %dma_wait3A_386 = tpu.memref_slice %arg7[%add3A_318, %dma_wait3A_385] : memref<79x128xi32, #tpu.memory_space<vmem>> -> memref<1x128xi32, #tpu.memory_space<vmem>>
      %dma_wait3A_387 = tpu.memref_squeeze %dma_wait3A_386 : memref<1x128xi32, #tpu.memory_space<vmem>> -> memref<128xi32, #tpu.memory_space<vmem>>
      %dma_wait3A_388 = arith.constant 0 : i32
      %dma_wait3A_389 = arith.constant 0 : i32
      %dma_wait3A_390 = tpu.memref_slice %arg14[%dma_wait3A_388, %dma_wait3A_389] : memref<10240x32xbf16, #tpu.memory_space<vmem_shared>> -> memref<10240x32xbf16, #tpu.memory_space<vmem_shared>>
      tpu.wait_indirect_dma semaphore(%arg26 : memref<!tpu.dma_semaphore, #tpu.memory_space<semaphore_mem>>) src(%arg12 : memref<128x32xbf16, #tpu.memory_space<vmem>>) dst(%dma_wait3A_390 : memref<10240x32xbf16, #tpu.memory_space<vmem_shared>>)
      %lt3A_391 = arith.constant 12 : i32
      %lt3A_392 = arith.cmpi slt, %scan3A_242, %lt3A_391 : i32
      %convert_element_type3A_393 = arith.extui %lt3A_392 : i1 to i32
      %cond3A_394 = arith.constant 0 : i32
      %cond3A_395 = arith.cmpi ne, %convert_element_type3A_393, %cond3A_394 : i32
      scf.if %cond3A_395 {
        %add3A_407 = arith.constant 6 : i32
        %add3A_408 = arith.addi %mul3A_244, %add3A_407 : i32
        %add3A_409 = arith.constant 4 : i32
        %add3A_410 = arith.addi %add3A_408, %add3A_409 : i32
        %dma_start3A_411 = arith.constant 0 : i32
        %dma_start3A_412 = tpu.memref_slice %arg6[%add3A_410, %dma_start3A_411] : memref<79x128xi32, #tpu.memory_space<vmem>> -> memref<1x128xi32, #tpu.memory_space<vmem>>
        %dma_start3A_413 = tpu.memref_squeeze %dma_start3A_412 : memref<1x128xi32, #tpu.memory_space<vmem>> -> memref<128xi32, #tpu.memory_space<vmem>>
        %dma_start3A_414 = arith.constant 0 : i32
        %dma_start3A_415 = arith.constant 0 : i32
        %dma_start3A_416 = tpu.memref_slice %arg15[%dma_start3A_414, %dma_start3A_415] : memref<10240x32xbf16, #tpu.memory_space<vmem_shared>> -> memref<10240x32xbf16, #tpu.memory_space<vmem_shared>>
        tpu.enqueue_indirect_dma source(%dma_start3A_416 : memref<10240x32xbf16, #tpu.memory_space<vmem_shared>>) target(%arg12 : memref<128x32xbf16, #tpu.memory_space<vmem>>) offsets(%dma_start3A_413 : memref<128xi32, #tpu.memory_space<vmem>>) semaphore(%arg20 : memref<!tpu.dma_semaphore, #tpu.memory_space<semaphore_mem>>)
      } else {
      }
      %dma_wait3A_396 = arith.constant 0 : i32
      %dma_wait3A_397 = tpu.memref_slice %arg7[%add3A_334, %dma_wait3A_396] : memref<79x128xi32, #tpu.memory_space<vmem>> -> memref<1x128xi32, #tpu.memory_space<vmem>>
      %dma_wait3A_398 = tpu.memref_squeeze %dma_wait3A_397 : memref<1x128xi32, #tpu.memory_space<vmem>> -> memref<128xi32, #tpu.memory_space<vmem>>
      %dma_wait3A_399 = arith.constant 0 : i32
      %dma_wait3A_400 = arith.constant 0 : i32
      %dma_wait3A_401 = tpu.memref_slice %arg14[%dma_wait3A_399, %dma_wait3A_400] : memref<10240x32xbf16, #tpu.memory_space<vmem_shared>> -> memref<10240x32xbf16, #tpu.memory_space<vmem_shared>>
      tpu.wait_indirect_dma semaphore(%arg27 : memref<!tpu.dma_semaphore, #tpu.memory_space<semaphore_mem>>) src(%arg13 : memref<128x32xbf16, #tpu.memory_space<vmem>>) dst(%dma_wait3A_401 : memref<10240x32xbf16, #tpu.memory_space<vmem_shared>>)
      %lt3A_402 = arith.constant 12 : i32
      %lt3A_403 = arith.cmpi slt, %scan3A_242, %lt3A_402 : i32
      %convert_element_type3A_404 = arith.extui %lt3A_403 : i1 to i32
      %cond3A_405 = arith.constant 0 : i32
      %cond3A_406 = arith.cmpi ne, %convert_element_type3A_404, %cond3A_405 : i32
      scf.if %cond3A_406 {
        %add3A_407 = arith.constant 6 : i32
        %add3A_408 = arith.addi %mul3A_244, %add3A_407 : i32
        %add3A_409 = arith.constant 5 : i32
        %add3A_410 = arith.addi %add3A_408, %add3A_409 : i32
        %dma_start3A_411 = arith.constant 0 : i32
        %dma_start3A_412 = tpu.memref_slice %arg6[%add3A_410, %dma_start3A_411] : memref<79x128xi32, #tpu.memory_space<vmem>> -> memref<1x128xi32, #tpu.memory_space<vmem>>
        %dma_start3A_413 = tpu.memref_squeeze %dma_start3A_412 : memref<1x128xi32, #tpu.memory_space<vmem>> -> memref<128xi32, #tpu.memory_space<vmem>>
        %dma_start3A_414 = arith.constant 0 : i32
        %dma_start3A_415 = arith.constant 0 : i32
        %dma_start3A_416 = tpu.memref_slice %arg15[%dma_start3A_414, %dma_start3A_415] : memref<10240x32xbf16, #tpu.memory_space<vmem_shared>> -> memref<10240x32xbf16, #tpu.memory_space<vmem_shared>>
        tpu.enqueue_indirect_dma source(%dma_start3A_416 : memref<10240x32xbf16, #tpu.memory_space<vmem_shared>>) target(%arg13 : memref<128x32xbf16, #tpu.memory_space<vmem>>) offsets(%dma_start3A_413 : memref<128xi32, #tpu.memory_space<vmem>>) semaphore(%arg21 : memref<!tpu.dma_semaphore, #tpu.memory_space<semaphore_mem>>)
      } else {
      }
    }
    %scan3A_175 = arith.constant 13 : i32
    %lt3A_176 = arith.constant 4 : i32
    %lt3A_177 = arith.cmpi slt, %add3A, %lt3A_176 : i32
    %convert_element_type3A_178 = arith.extui %lt3A_177 : i1 to i32
    %cond3A_179 = arith.constant 0 : i32
    %cond3A_180 = arith.cmpi ne, %convert_element_type3A_178, %cond3A_179 : i32
    scf.if %cond3A_180 {
      %dma_start3A_242 = arith.constant 78 : i32
      %dma_start3A_243 = arith.constant 0 : i32
      %dma_start3A_244 = tpu.memref_slice %arg6[%dma_start3A_242, %dma_start3A_243] : memref<79x128xi32, #tpu.memory_space<vmem>> -> memref<1x128xi32, #tpu.memory_space<vmem>>
      %dma_start3A_245 = tpu.memref_squeeze %dma_start3A_244 : memref<1x128xi32, #tpu.memory_space<vmem>> -> memref<128xi32, #tpu.memory_space<vmem>>
      %dma_start3A_246 = arith.constant 0 : i32
      %dma_start3A_247 = arith.constant 0 : i32
      %dma_start3A_248 = tpu.memref_slice %arg15[%dma_start3A_246, %dma_start3A_247] : memref<10240x32xbf16, #tpu.memory_space<vmem_shared>> -> memref<10240x32xbf16, #tpu.memory_space<vmem_shared>>
      tpu.enqueue_indirect_dma source(%dma_start3A_248 : memref<10240x32xbf16, #tpu.memory_space<vmem_shared>>) target(%arg8 : memref<128x32xbf16, #tpu.memory_space<vmem>>) offsets(%dma_start3A_245 : memref<128xi32, #tpu.memory_space<vmem>>) semaphore(%arg16 : memref<!tpu.dma_semaphore, #tpu.memory_space<semaphore_mem>>)
      %dma_wait3A_249 = arith.constant 78 : i32
      %dma_wait3A_250 = arith.constant 0 : i32
      %dma_wait3A_251 = tpu.memref_slice %arg6[%dma_wait3A_249, %dma_wait3A_250] : memref<79x128xi32, #tpu.memory_space<vmem>> -> memref<1x128xi32, #tpu.memory_space<vmem>>
      %dma_wait3A_252 = tpu.memref_squeeze %dma_wait3A_251 : memref<1x128xi32, #tpu.memory_space<vmem>> -> memref<128xi32, #tpu.memory_space<vmem>>
      %dma_wait3A_253 = arith.constant 0 : i32
      %dma_wait3A_254 = arith.constant 0 : i32
      %dma_wait3A_255 = tpu.memref_slice %arg15[%dma_wait3A_253, %dma_wait3A_254] : memref<10240x32xbf16, #tpu.memory_space<vmem_shared>> -> memref<10240x32xbf16, #tpu.memory_space<vmem_shared>>
      tpu.wait_indirect_dma semaphore(%arg16 : memref<!tpu.dma_semaphore, #tpu.memory_space<semaphore_mem>>) src(%dma_wait3A_255 : memref<10240x32xbf16, #tpu.memory_space<vmem_shared>>) dst(%arg8 : memref<128x32xbf16, #tpu.memory_space<vmem>>)
      %run_scoped3A = arith.constant 78 : i32
      "tpu.region"() ({
        %run_scoped3A_256 = tpu.sem_alloc : memref<!tpu.dma_semaphore, #tpu.memory_space<semaphore_mem>>
        %dma_start3A_257 = arith.constant 0 : i32
        %dma_start3A_258 = tpu.memref_slice %arg7[%run_scoped3A, %dma_start3A_257] : memref<79x128xi32, #tpu.memory_space<vmem>> -> memref<1x128xi32, #tpu.memory_space<vmem>>
        %dma_start3A_259 = tpu.memref_squeeze %dma_start3A_258 : memref<1x128xi32, #tpu.memory_space<vmem>> -> memref<128xi32, #tpu.memory_space<vmem>>
        %dma_start3A_260 = arith.constant 0 : i32
        %dma_start3A_261 = arith.constant 0 : i32
        %dma_start3A_262 = tpu.memref_slice %arg14[%dma_start3A_260, %dma_start3A_261] : memref<10240x32xbf16, #tpu.memory_space<vmem_shared>> -> memref<10240x32xbf16, #tpu.memory_space<vmem_shared>>
        tpu.enqueue_indirect_dma source(%arg8 : memref<128x32xbf16, #tpu.memory_space<vmem>>) target(%dma_start3A_262 : memref<10240x32xbf16, #tpu.memory_space<vmem_shared>>) offsets(%dma_start3A_259 : memref<128xi32, #tpu.memory_space<vmem>>) semaphore(%run_scoped3A_256 : memref<!tpu.dma_semaphore, #tpu.memory_space<semaphore_mem>>) {add = true}
        %dma_wait3A_263 = arith.constant 0 : i32
        %dma_wait3A_264 = tpu.memref_slice %arg7[%run_scoped3A, %dma_wait3A_263] : memref<79x128xi32, #tpu.memory_space<vmem>> -> memref<1x128xi32, #tpu.memory_space<vmem>>
        %dma_wait3A_265 = tpu.memref_squeeze %dma_wait3A_264 : memref<1x128xi32, #tpu.memory_space<vmem>> -> memref<128xi32, #tpu.memory_space<vmem>>
        %dma_wait3A_266 = arith.constant 0 : i32
        %dma_wait3A_267 = arith.constant 0 : i32
        %dma_wait3A_268 = tpu.memref_slice %arg14[%dma_wait3A_266, %dma_wait3A_267] : memref<10240x32xbf16, #tpu.memory_space<vmem_shared>> -> memref<10240x32xbf16, #tpu.memory_space<vmem_shared>>
        tpu.wait_indirect_dma semaphore(%run_scoped3A_256 : memref<!tpu.dma_semaphore, #tpu.memory_space<semaphore_mem>>) src(%arg8 : memref<128x32xbf16, #tpu.memory_space<vmem>>) dst(%dma_wait3A_268 : memref<10240x32xbf16, #tpu.memory_space<vmem_shared>>)
        tpu.yield
      }) : () -> ()
    } else {
    }
    %barrier3A_181 = arith.constant 0 : index
    tpu.barrier barrier_id(%barrier3A_181)
    %add3A_182 = arith.constant 0 : i32
    %add3A_183 = arith.addi %mul3A_2, %add3A_182 : i32
    %dma_start3A_184 = arith.constant 0 : i32
    %dma_start3A_185 = tpu.memref_slice %arg5[%arg0, %add3A_183, %dma_start3A_184] : memref<2x10240x32xbf16, #tpu.memory_space<hbm>> -> memref<1x128x32xbf16, #tpu.memory_space<hbm>>
    %dma_start3A_186 = tpu.memref_squeeze %dma_start3A_185 : memref<1x128x32xbf16, #tpu.memory_space<hbm>> -> memref<128x32xbf16, #tpu.memory_space<hbm>>
    %dma_start3A_187 = arith.constant 0 : i32
    %dma_start3A_188 = tpu.memref_slice %arg14[%add3A_183, %dma_start3A_187] : memref<10240x32xbf16, #tpu.memory_space<vmem_shared>> -> memref<128x32xbf16, #tpu.memory_space<vmem_shared>>
    tpu.enqueue_dma source(%dma_start3A_188 : memref<128x32xbf16, #tpu.memory_space<vmem_shared>>) target(%dma_start3A_186 : memref<128x32xbf16, #tpu.memory_space<hbm>>) target_semaphore(%arg22 : memref<!tpu.dma_semaphore, #tpu.memory_space<semaphore_mem>>)
    %add3A_189 = arith.constant 128 : i32
    %add3A_190 = arith.addi %mul3A_2, %add3A_189 : i32
    %dma_start3A_191 = arith.constant 0 : i32
    %dma_start3A_192 = tpu.memref_slice %arg5[%arg0, %add3A_190, %dma_start3A_191] : memref<2x10240x32xbf16, #tpu.memory_space<hbm>> -> memref<1x128x32xbf16, #tpu.memory_space<hbm>>
    %dma_start3A_193 = tpu.memref_squeeze %dma_start3A_192 : memref<1x128x32xbf16, #tpu.memory_space<hbm>> -> memref<128x32xbf16, #tpu.memory_space<hbm>>
    %dma_start3A_194 = arith.constant 0 : i32
    %dma_start3A_195 = tpu.memref_slice %arg14[%add3A_190, %dma_start3A_194] : memref<10240x32xbf16, #tpu.memory_space<vmem_shared>> -> memref<128x32xbf16, #tpu.memory_space<vmem_shared>>
    tpu.enqueue_dma source(%dma_start3A_195 : memref<128x32xbf16, #tpu.memory_space<vmem_shared>>) target(%dma_start3A_193 : memref<128x32xbf16, #tpu.memory_space<hbm>>) target_semaphore(%arg22 : memref<!tpu.dma_semaphore, #tpu.memory_space<semaphore_mem>>)
    %add3A_196 = arith.constant 256 : i32
    %add3A_197 = arith.addi %mul3A_2, %add3A_196 : i32
    %dma_start3A_198 = arith.constant 0 : i32
    %dma_start3A_199 = tpu.memref_slice %arg5[%arg0, %add3A_197, %dma_start3A_198] : memref<2x10240x32xbf16, #tpu.memory_space<hbm>> -> memref<1x128x32xbf16, #tpu.memory_space<hbm>>
    %dma_start3A_200 = tpu.memref_squeeze %dma_start3A_199 : memref<1x128x32xbf16, #tpu.memory_space<hbm>> -> memref<128x32xbf16, #tpu.memory_space<hbm>>
    %dma_start3A_201 = arith.constant 0 : i32
    %dma_start3A_202 = tpu.memref_slice %arg14[%add3A_197, %dma_start3A_201] : memref<10240x32xbf16, #tpu.memory_space<vmem_shared>> -> memref<128x32xbf16, #tpu.memory_space<vmem_shared>>
    tpu.enqueue_dma source(%dma_start3A_202 : memref<128x32xbf16, #tpu.memory_space<vmem_shared>>) target(%dma_start3A_200 : memref<128x32xbf16, #tpu.memory_space<hbm>>) target_semaphore(%arg22 : memref<!tpu.dma_semaphore, #tpu.memory_space<semaphore_mem>>)
    %add3A_203 = arith.constant 384 : i32
    %add3A_204 = arith.addi %mul3A_2, %add3A_203 : i32
    %dma_start3A_205 = arith.constant 0 : i32
    %dma_start3A_206 = tpu.memref_slice %arg5[%arg0, %add3A_204, %dma_start3A_205] : memref<2x10240x32xbf16, #tpu.memory_space<hbm>> -> memref<1x128x32xbf16, #tpu.memory_space<hbm>>
    %dma_start3A_207 = tpu.memref_squeeze %dma_start3A_206 : memref<1x128x32xbf16, #tpu.memory_space<hbm>> -> memref<128x32xbf16, #tpu.memory_space<hbm>>
    %dma_start3A_208 = arith.constant 0 : i32
    %dma_start3A_209 = tpu.memref_slice %arg14[%add3A_204, %dma_start3A_208] : memref<10240x32xbf16, #tpu.memory_space<vmem_shared>> -> memref<128x32xbf16, #tpu.memory_space<vmem_shared>>
    tpu.enqueue_dma source(%dma_start3A_209 : memref<128x32xbf16, #tpu.memory_space<vmem_shared>>) target(%dma_start3A_207 : memref<128x32xbf16, #tpu.memory_space<hbm>>) target_semaphore(%arg22 : memref<!tpu.dma_semaphore, #tpu.memory_space<semaphore_mem>>)
    %add3A_210 = arith.constant 512 : i32
    %add3A_211 = arith.addi %mul3A_2, %add3A_210 : i32
    %dma_start3A_212 = arith.constant 0 : i32
    %dma_start3A_213 = tpu.memref_slice %arg5[%arg0, %add3A_211, %dma_start3A_212] : memref<2x10240x32xbf16, #tpu.memory_space<hbm>> -> memref<1x128x32xbf16, #tpu.memory_space<hbm>>
    %dma_start3A_214 = tpu.memref_squeeze %dma_start3A_213 : memref<1x128x32xbf16, #tpu.memory_space<hbm>> -> memref<128x32xbf16, #tpu.memory_space<hbm>>
    %dma_start3A_215 = arith.constant 0 : i32
    %dma_start3A_216 = tpu.memref_slice %arg14[%add3A_211, %dma_start3A_215] : memref<10240x32xbf16, #tpu.memory_space<vmem_shared>> -> memref<128x32xbf16, #tpu.memory_space<vmem_shared>>
    tpu.enqueue_dma source(%dma_start3A_216 : memref<128x32xbf16, #tpu.memory_space<vmem_shared>>) target(%dma_start3A_214 : memref<128x32xbf16, #tpu.memory_space<hbm>>) target_semaphore(%arg22 : memref<!tpu.dma_semaphore, #tpu.memory_space<semaphore_mem>>)
    %dma_wait3A_217 = arith.constant 0 : i32
    %dma_wait3A_218 = tpu.memref_slice %arg5[%arg0, %add3A_183, %dma_wait3A_217] : memref<2x10240x32xbf16, #tpu.memory_space<hbm>> -> memref<1x128x32xbf16, #tpu.memory_space<hbm>>
    %dma_wait3A_219 = tpu.memref_squeeze %dma_wait3A_218 : memref<1x128x32xbf16, #tpu.memory_space<hbm>> -> memref<128x32xbf16, #tpu.memory_space<hbm>>
    %dma_wait3A_220 = arith.constant 0 : i32
    %dma_wait3A_221 = tpu.memref_slice %arg14[%add3A_183, %dma_wait3A_220] : memref<10240x32xbf16, #tpu.memory_space<vmem_shared>> -> memref<128x32xbf16, #tpu.memory_space<vmem_shared>>
    tpu.wait_dma2 semaphore(%arg22 : memref<!tpu.dma_semaphore, #tpu.memory_space<semaphore_mem>>) src(%dma_wait3A_221 : memref<128x32xbf16, #tpu.memory_space<vmem_shared>>) dst(%dma_wait3A_219 : memref<128x32xbf16, #tpu.memory_space<hbm>>)
    %dma_wait3A_222 = arith.constant 0 : i32
    %dma_wait3A_223 = tpu.memref_slice %arg5[%arg0, %add3A_190, %dma_wait3A_222] : memref<2x10240x32xbf16, #tpu.memory_space<hbm>> -> memref<1x128x32xbf16, #tpu.memory_space<hbm>>
    %dma_wait3A_224 = tpu.memref_squeeze %dma_wait3A_223 : memref<1x128x32xbf16, #tpu.memory_space<hbm>> -> memref<128x32xbf16, #tpu.memory_space<hbm>>
    %dma_wait3A_225 = arith.constant 0 : i32
    %dma_wait3A_226 = tpu.memref_slice %arg14[%add3A_190, %dma_wait3A_225] : memref<10240x32xbf16, #tpu.memory_space<vmem_shared>> -> memref<128x32xbf16, #tpu.memory_space<vmem_shared>>
    tpu.wait_dma2 semaphore(%arg22 : memref<!tpu.dma_semaphore, #tpu.memory_space<semaphore_mem>>) src(%dma_wait3A_226 : memref<128x32xbf16, #tpu.memory_space<vmem_shared>>) dst(%dma_wait3A_224 : memref<128x32xbf16, #tpu.memory_space<hbm>>)
    %dma_wait3A_227 = arith.constant 0 : i32
    %dma_wait3A_228 = tpu.memref_slice %arg5[%arg0, %add3A_197, %dma_wait3A_227] : memref<2x10240x32xbf16, #tpu.memory_space<hbm>> -> memref<1x128x32xbf16, #tpu.memory_space<hbm>>
    %dma_wait3A_229 = tpu.memref_squeeze %dma_wait3A_228 : memref<1x128x32xbf16, #tpu.memory_space<hbm>> -> memref<128x32xbf16, #tpu.memory_space<hbm>>
    %dma_wait3A_230 = arith.constant 0 : i32
    %dma_wait3A_231 = tpu.memref_slice %arg14[%add3A_197, %dma_wait3A_230] : memref<10240x32xbf16, #tpu.memory_space<vmem_shared>> -> memref<128x32xbf16, #tpu.memory_space<vmem_shared>>
    tpu.wait_dma2 semaphore(%arg22 : memref<!tpu.dma_semaphore, #tpu.memory_space<semaphore_mem>>) src(%dma_wait3A_231 : memref<128x32xbf16, #tpu.memory_space<vmem_shared>>) dst(%dma_wait3A_229 : memref<128x32xbf16, #tpu.memory_space<hbm>>)
    %dma_wait3A_232 = arith.constant 0 : i32
    %dma_wait3A_233 = tpu.memref_slice %arg5[%arg0, %add3A_204, %dma_wait3A_232] : memref<2x10240x32xbf16, #tpu.memory_space<hbm>> -> memref<1x128x32xbf16, #tpu.memory_space<hbm>>
    %dma_wait3A_234 = tpu.memref_squeeze %dma_wait3A_233 : memref<1x128x32xbf16, #tpu.memory_space<hbm>> -> memref<128x32xbf16, #tpu.memory_space<hbm>>
    %dma_wait3A_235 = arith.constant 0 : i32
    %dma_wait3A_236 = tpu.memref_slice %arg14[%add3A_204, %dma_wait3A_235] : memref<10240x32xbf16, #tpu.memory_space<vmem_shared>> -> memref<128x32xbf16, #tpu.memory_space<vmem_shared>>
    tpu.wait_dma2 semaphore(%arg22 : memref<!tpu.dma_semaphore, #tpu.memory_space<semaphore_mem>>) src(%dma_wait3A_236 : memref<128x32xbf16, #tpu.memory_space<vmem_shared>>) dst(%dma_wait3A_234 : memref<128x32xbf16, #tpu.memory_space<hbm>>)
    %dma_wait3A_237 = arith.constant 0 : i32
    %dma_wait3A_238 = tpu.memref_slice %arg5[%arg0, %add3A_211, %dma_wait3A_237] : memref<2x10240x32xbf16, #tpu.memory_space<hbm>> -> memref<1x128x32xbf16, #tpu.memory_space<hbm>>
    %dma_wait3A_239 = tpu.memref_squeeze %dma_wait3A_238 : memref<1x128x32xbf16, #tpu.memory_space<hbm>> -> memref<128x32xbf16, #tpu.memory_space<hbm>>
    %dma_wait3A_240 = arith.constant 0 : i32
    %dma_wait3A_241 = tpu.memref_slice %arg14[%add3A_211, %dma_wait3A_240] : memref<10240x32xbf16, #tpu.memory_space<vmem_shared>> -> memref<128x32xbf16, #tpu.memory_space<vmem_shared>>
    tpu.wait_dma2 semaphore(%arg22 : memref<!tpu.dma_semaphore, #tpu.memory_space<semaphore_mem>>) src(%dma_wait3A_241 : memref<128x32xbf16, #tpu.memory_space<vmem_shared>>) dst(%dma_wait3A_239 : memref<128x32xbf16, #tpu.memory_space<hbm>>)
    return
  }
}

#map = affine_map<(d0, d1) -> (0, 0, 0)>
#map1 = affine_map<(d0, d1) -> (0, 0)>
module attributes {stable_mosaic.version = 14 : i64} {
  func.func @_sc_agg(%arg0: i32, %arg1: i32, %arg2: memref<2x2500x128xi32, #tpu.memory_space<hbm>>, %arg3: memref<10240x32xbf16, #tpu.memory_space<hbm>>, %arg4: memref<128x32xbf16, #tpu.memory_space<hbm>>, %arg5: memref<2x10240x32xbf16, #tpu.memory_space<hbm>>, %arg6: memref<79x128xi32, #tpu.memory_space<vmem>>, %arg7: memref<79x128xi32, #tpu.memory_space<vmem>>, %arg8: memref<128x32xbf16, #tpu.memory_space<vmem>>, %arg9: memref<128x32xbf16, #tpu.memory_space<vmem>>, %arg10: memref<128x32xbf16, #tpu.memory_space<vmem>>, %arg11: memref<128x32xbf16, #tpu.memory_space<vmem>>, %arg12: memref<128x32xbf16, #tpu.memory_space<vmem>>, %arg13: memref<128x32xbf16, #tpu.memory_space<vmem>>, %arg14: memref<10240x32xbf16, #tpu.memory_space<vmem_shared>>, %arg15: memref<10240x32xbf16, #tpu.memory_space<vmem_shared>>, %arg16: memref<!tpu.dma_semaphore, #tpu.memory_space<semaphore_mem>>, %arg17: memref<!tpu.dma_semaphore, #tpu.memory_space<semaphore_mem>>, %arg18: memref<!tpu.dma_semaphore, #tpu.memory_space<semaphore_mem>>, %arg19: memref<!tpu.dma_semaphore, #tpu.memory_space<semaphore_mem>>, %arg20: memref<!tpu.dma_semaphore, #tpu.memory_space<semaphore_mem>>, %arg21: memref<!tpu.dma_semaphore, #tpu.memory_space<semaphore_mem>>, %arg22: memref<!tpu.dma_semaphore, #tpu.memory_space<semaphore_mem>>, %arg23: memref<!tpu.dma_semaphore, #tpu.memory_space<semaphore_mem>>, %arg24: memref<!tpu.dma_semaphore, #tpu.memory_space<semaphore_mem>>, %arg25: memref<!tpu.dma_semaphore, #tpu.memory_space<semaphore_mem>>, %arg26: memref<!tpu.dma_semaphore, #tpu.memory_space<semaphore_mem>>, %arg27: memref<!tpu.dma_semaphore, #tpu.memory_space<semaphore_mem>>) attributes {dimension_semantics = [#tpu.dimension_semantics<core_parallel>, #tpu.dimension_semantics<subcore_parallel>], iteration_bounds = array<i64: 2, 16>, scalar_prefetch = 0 : i64, scratch_operands = 22 : i64, tpu.core_type = #tpu.core_type<sc_vector_subcore>, window_params = [{transform_indices = #map}, {transform_indices = #map1}, {transform_indices = #map1}, {transform_indices = #map}]} {
    %mul3A = arith.constant 2 : i32
    %mul3A_0 = arith.muli %arg1, %mul3A : i32
    %add3A = arith.addi %mul3A_0, %arg0 : i32
    %mul3A_1 = arith.constant 640 : i32
    %mul3A_2 = arith.muli %arg1, %mul3A_1 : i32
    %mul3A_3 = arith.constant 78 : i32
    %mul3A_4 = arith.muli %add3A, %mul3A_3 : i32
    %min3A = arith.constant 4 : i32
    %min3A_5 = arith.minsi %add3A, %min3A : i32
    %add3A_6 = arith.addi %mul3A_4, %min3A_5 : i32
    %add3A_7 = arith.constant 0 : i32
    %add3A_8 = arith.addi %mul3A_2, %add3A_7 : i32
    %dma_start3A = arith.constant 0 : i32
    %dma_start3A_9 = tpu.memref_slice %arg15[%add3A_8, %dma_start3A] : memref<10240x32xbf16, #tpu.memory_space<vmem_shared>> -> memref<128x32xbf16, #tpu.memory_space<vmem_shared>>
    %dma_start3A_10 = arith.constant 0 : i32
    %dma_start3A_11 = tpu.memref_slice %arg3[%add3A_8, %dma_start3A_10] : memref<10240x32xbf16, #tpu.memory_space<hbm>> -> memref<128x32xbf16, #tpu.memory_space<hbm>>
    tpu.enqueue_dma source(%dma_start3A_11 : memref<128x32xbf16, #tpu.memory_space<hbm>>) target(%dma_start3A_9 : memref<128x32xbf16, #tpu.memory_space<vmem_shared>>) target_semaphore(%arg16 : memref<!tpu.dma_semaphore, #tpu.memory_space<semaphore_mem>>)
    %dma_start3A_12 = arith.constant 0 : i32
    %dma_start3A_13 = tpu.memref_slice %arg14[%add3A_8, %dma_start3A_12] : memref<10240x32xbf16, #tpu.memory_space<vmem_shared>> -> memref<128x32xbf16, #tpu.memory_space<vmem_shared>>
    tpu.enqueue_dma source(%arg4 : memref<128x32xbf16, #tpu.memory_space<hbm>>) target(%dma_start3A_13 : memref<128x32xbf16, #tpu.memory_space<vmem_shared>>) target_semaphore(%arg17 : memref<!tpu.dma_semaphore, #tpu.memory_space<semaphore_mem>>)
    %add3A_14 = arith.constant 128 : i32
    %add3A_15 = arith.addi %mul3A_2, %add3A_14 : i32
    %dma_start3A_16 = arith.constant 0 : i32
    %dma_start3A_17 = tpu.memref_slice %arg15[%add3A_15, %dma_start3A_16] : memref<10240x32xbf16, #tpu.memory_space<vmem_shared>> -> memref<128x32xbf16, #tpu.memory_space<vmem_shared>>
    %dma_start3A_18 = arith.constant 0 : i32
    %dma_start3A_19 = tpu.memref_slice %arg3[%add3A_15, %dma_start3A_18] : memref<10240x32xbf16, #tpu.memory_space<hbm>> -> memref<128x32xbf16, #tpu.memory_space<hbm>>
    tpu.enqueue_dma source(%dma_start3A_19 : memref<128x32xbf16, #tpu.memory_space<hbm>>) target(%dma_start3A_17 : memref<128x32xbf16, #tpu.memory_space<vmem_shared>>) target_semaphore(%arg16 : memref<!tpu.dma_semaphore, #tpu.memory_space<semaphore_mem>>)
    %dma_start3A_20 = arith.constant 0 : i32
    %dma_start3A_21 = tpu.memref_slice %arg14[%add3A_15, %dma_start3A_20] : memref<10240x32xbf16, #tpu.memory_space<vmem_shared>> -> memref<128x32xbf16, #tpu.memory_space<vmem_shared>>
    tpu.enqueue_dma source(%arg4 : memref<128x32xbf16, #tpu.memory_space<hbm>>) target(%dma_start3A_21 : memref<128x32xbf16, #tpu.memory_space<vmem_shared>>) target_semaphore(%arg17 : memref<!tpu.dma_semaphore, #tpu.memory_space<semaphore_mem>>)
    %add3A_22 = arith.constant 256 : i32
    %add3A_23 = arith.addi %mul3A_2, %add3A_22 : i32
    %dma_start3A_24 = arith.constant 0 : i32
    %dma_start3A_25 = tpu.memref_slice %arg15[%add3A_23, %dma_start3A_24] : memref<10240x32xbf16, #tpu.memory_space<vmem_shared>> -> memref<128x32xbf16, #tpu.memory_space<vmem_shared>>
    %dma_start3A_26 = arith.constant 0 : i32
    %dma_start3A_27 = tpu.memref_slice %arg3[%add3A_23, %dma_start3A_26] : memref<10240x32xbf16, #tpu.memory_space<hbm>> -> memref<128x32xbf16, #tpu.memory_space<hbm>>
    tpu.enqueue_dma source(%dma_start3A_27 : memref<128x32xbf16, #tpu.memory_space<hbm>>) target(%dma_start3A_25 : memref<128x32xbf16, #tpu.memory_space<vmem_shared>>) target_semaphore(%arg16 : memref<!tpu.dma_semaphore, #tpu.memory_space<semaphore_mem>>)
    %dma_start3A_28 = arith.constant 0 : i32
    %dma_start3A_29 = tpu.memref_slice %arg14[%add3A_23, %dma_start3A_28] : memref<10240x32xbf16, #tpu.memory_space<vmem_shared>> -> memref<128x32xbf16, #tpu.memory_space<vmem_shared>>
    tpu.enqueue_dma source(%arg4 : memref<128x32xbf16, #tpu.memory_space<hbm>>) target(%dma_start3A_29 : memref<128x32xbf16, #tpu.memory_space<vmem_shared>>) target_semaphore(%arg17 : memref<!tpu.dma_semaphore, #tpu.memory_space<semaphore_mem>>)
    %add3A_30 = arith.constant 384 : i32
    %add3A_31 = arith.addi %mul3A_2, %add3A_30 : i32
    %dma_start3A_32 = arith.constant 0 : i32
    %dma_start3A_33 = tpu.memref_slice %arg15[%add3A_31, %dma_start3A_32] : memref<10240x32xbf16, #tpu.memory_space<vmem_shared>> -> memref<128x32xbf16, #tpu.memory_space<vmem_shared>>
    %dma_start3A_34 = arith.constant 0 : i32
    %dma_start3A_35 = tpu.memref_slice %arg3[%add3A_31, %dma_start3A_34] : memref<10240x32xbf16, #tpu.memory_space<hbm>> -> memref<128x32xbf16, #tpu.memory_space<hbm>>
    tpu.enqueue_dma source(%dma_start3A_35 : memref<128x32xbf16, #tpu.memory_space<hbm>>) target(%dma_start3A_33 : memref<128x32xbf16, #tpu.memory_space<vmem_shared>>) target_semaphore(%arg16 : memref<!tpu.dma_semaphore, #tpu.memory_space<semaphore_mem>>)
    %dma_start3A_36 = arith.constant 0 : i32
    %dma_start3A_37 = tpu.memref_slice %arg14[%add3A_31, %dma_start3A_36] : memref<10240x32xbf16, #tpu.memory_space<vmem_shared>> -> memref<128x32xbf16, #tpu.memory_space<vmem_shared>>
    tpu.enqueue_dma source(%arg4 : memref<128x32xbf16, #tpu.memory_space<hbm>>) target(%dma_start3A_37 : memref<128x32xbf16, #tpu.memory_space<vmem_shared>>) target_semaphore(%arg17 : memref<!tpu.dma_semaphore, #tpu.memory_space<semaphore_mem>>)
    %add3A_38 = arith.constant 512 : i32
    %add3A_39 = arith.addi %mul3A_2, %add3A_38 : i32
    %dma_start3A_40 = arith.constant 0 : i32
    %dma_start3A_41 = tpu.memref_slice %arg15[%add3A_39, %dma_start3A_40] : memref<10240x32xbf16, #tpu.memory_space<vmem_shared>> -> memref<128x32xbf16, #tpu.memory_space<vmem_shared>>
    %dma_start3A_42 = arith.constant 0 : i32
    %dma_start3A_43 = tpu.memref_slice %arg3[%add3A_39, %dma_start3A_42] : memref<10240x32xbf16, #tpu.memory_space<hbm>> -> memref<128x32xbf16, #tpu.memory_space<hbm>>
    tpu.enqueue_dma source(%dma_start3A_43 : memref<128x32xbf16, #tpu.memory_space<hbm>>) target(%dma_start3A_41 : memref<128x32xbf16, #tpu.memory_space<vmem_shared>>) target_semaphore(%arg16 : memref<!tpu.dma_semaphore, #tpu.memory_space<semaphore_mem>>)
    %dma_start3A_44 = arith.constant 0 : i32
    %dma_start3A_45 = tpu.memref_slice %arg14[%add3A_39, %dma_start3A_44] : memref<10240x32xbf16, #tpu.memory_space<vmem_shared>> -> memref<128x32xbf16, #tpu.memory_space<vmem_shared>>
    tpu.enqueue_dma source(%arg4 : memref<128x32xbf16, #tpu.memory_space<hbm>>) target(%dma_start3A_45 : memref<128x32xbf16, #tpu.memory_space<vmem_shared>>) target_semaphore(%arg17 : memref<!tpu.dma_semaphore, #tpu.memory_space<semaphore_mem>>)
    %dma_start3A_46 = arith.constant 0 : i32
    %dma_start3A_47 = arith.constant 0 : i32
    %dma_start3A_48 = arith.constant 0 : i32
    %dma_start3A_49 = tpu.memref_slice %arg6[%dma_start3A_47, %dma_start3A_48] : memref<79x128xi32, #tpu.memory_space<vmem>> -> memref<78x128xi32, #tpu.memory_space<vmem>>
    %dma_start3A_50 = arith.constant 0 : i32
    %dma_start3A_51 = tpu.memref_slice %arg2[%dma_start3A_46, %add3A_6, %dma_start3A_50] : memref<2x2500x128xi32, #tpu.memory_space<hbm>> -> memref<1x78x128xi32, #tpu.memory_space<hbm>>
    %dma_start3A_52 = tpu.memref_squeeze %dma_start3A_51 : memref<1x78x128xi32, #tpu.memory_space<hbm>> -> memref<78x128xi32, #tpu.memory_space<hbm>>
    %dma_start3A_53 = arith.constant 0 : i32
    %dma_start3A_54 = arith.constant 0 : i32
    %dma_start3A_55 = tpu.memref_slice %arg6[%dma_start3A_53, %dma_start3A_54] : memref<79x128xi32, #tpu.memory_space<vmem>> -> memref<78x128xi32, #tpu.memory_space<vmem>>
    %dma_start3A_56 = arith.constant 0 : i32
    %dma_start3A_57 = tpu.memref_slice %arg2[%dma_start3A_46, %add3A_6, %dma_start3A_56] : memref<2x2500x128xi32, #tpu.memory_space<hbm>> -> memref<1x78x128xi32, #tpu.memory_space<hbm>>
    %dma_start3A_58 = tpu.memref_squeeze %dma_start3A_57 : memref<1x78x128xi32, #tpu.memory_space<hbm>> -> memref<78x128xi32, #tpu.memory_space<hbm>>
    tpu.enqueue_dma source(%dma_start3A_58 : memref<78x128xi32, #tpu.memory_space<hbm>>) target(%dma_start3A_55 : memref<78x128xi32, #tpu.memory_space<vmem>>) target_semaphore(%arg18 : memref<!tpu.dma_semaphore, #tpu.memory_space<semaphore_mem>>)
    %dma_start3A_59 = arith.constant 1 : i32
    %dma_start3A_60 = arith.constant 0 : i32
    %dma_start3A_61 = arith.constant 0 : i32
    %dma_start3A_62 = tpu.memref_slice %arg7[%dma_start3A_60, %dma_start3A_61] : memref<79x128xi32, #tpu.memory_space<vmem>> -> memref<78x128xi32, #tpu.memory_space<vmem>>
    %dma_start3A_63 = arith.constant 0 : i32
    %dma_start3A_64 = tpu.memref_slice %arg2[%dma_start3A_59, %add3A_6, %dma_start3A_63] : memref<2x2500x128xi32, #tpu.memory_space<hbm>> -> memref<1x78x128xi32, #tpu.memory_space<hbm>>
    %dma_start3A_65 = tpu.memref_squeeze %dma_start3A_64 : memref<1x78x128xi32, #tpu.memory_space<hbm>> -> memref<78x128xi32, #tpu.memory_space<hbm>>
    %dma_start3A_66 = arith.constant 0 : i32
    %dma_start3A_67 = arith.constant 0 : i32
    %dma_start3A_68 = tpu.memref_slice %arg7[%dma_start3A_66, %dma_start3A_67] : memref<79x128xi32, #tpu.memory_space<vmem>> -> memref<78x128xi32, #tpu.memory_space<vmem>>
    %dma_start3A_69 = arith.constant 0 : i32
    %dma_start3A_70 = tpu.memref_slice %arg2[%dma_start3A_59, %add3A_6, %dma_start3A_69] : memref<2x2500x128xi32, #tpu.memory_space<hbm>> -> memref<1x78x128xi32, #tpu.memory_space<hbm>>
    %dma_start3A_71 = tpu.memref_squeeze %dma_start3A_70 : memref<1x78x128xi32, #tpu.memory_space<hbm>> -> memref<78x128xi32, #tpu.memory_space<hbm>>
    tpu.enqueue_dma source(%dma_start3A_71 : memref<78x128xi32, #tpu.memory_space<hbm>>) target(%dma_start3A_68 : memref<78x128xi32, #tpu.memory_space<vmem>>) target_semaphore(%arg18 : memref<!tpu.dma_semaphore, #tpu.memory_space<semaphore_mem>>)
    %dma_wait3A = arith.constant 0 : i32
    %dma_wait3A_72 = tpu.memref_slice %arg15[%add3A_8, %dma_wait3A] : memref<10240x32xbf16, #tpu.memory_space<vmem_shared>> -> memref<128x32xbf16, #tpu.memory_space<vmem_shared>>
    %dma_wait3A_73 = arith.constant 0 : i32
    %dma_wait3A_74 = tpu.memref_slice %arg3[%add3A_8, %dma_wait3A_73] : memref<10240x32xbf16, #tpu.memory_space<hbm>> -> memref<128x32xbf16, #tpu.memory_space<hbm>>
    tpu.wait_dma2 semaphore(%arg16 : memref<!tpu.dma_semaphore, #tpu.memory_space<semaphore_mem>>) src(%dma_wait3A_74 : memref<128x32xbf16, #tpu.memory_space<hbm>>) dst(%dma_wait3A_72 : memref<128x32xbf16, #tpu.memory_space<vmem_shared>>)
    %dma_wait3A_75 = arith.constant 0 : i32
    %dma_wait3A_76 = tpu.memref_slice %arg14[%add3A_8, %dma_wait3A_75] : memref<10240x32xbf16, #tpu.memory_space<vmem_shared>> -> memref<128x32xbf16, #tpu.memory_space<vmem_shared>>
    tpu.wait_dma2 semaphore(%arg17 : memref<!tpu.dma_semaphore, #tpu.memory_space<semaphore_mem>>) src(%arg4 : memref<128x32xbf16, #tpu.memory_space<hbm>>) dst(%dma_wait3A_76 : memref<128x32xbf16, #tpu.memory_space<vmem_shared>>)
    %dma_wait3A_77 = arith.constant 0 : i32
    %dma_wait3A_78 = tpu.memref_slice %arg15[%add3A_15, %dma_wait3A_77] : memref<10240x32xbf16, #tpu.memory_space<vmem_shared>> -> memref<128x32xbf16, #tpu.memory_space<vmem_shared>>
    %dma_wait3A_79 = arith.constant 0 : i32
    %dma_wait3A_80 = tpu.memref_slice %arg3[%add3A_15, %dma_wait3A_79] : memref<10240x32xbf16, #tpu.memory_space<hbm>> -> memref<128x32xbf16, #tpu.memory_space<hbm>>
    tpu.wait_dma2 semaphore(%arg16 : memref<!tpu.dma_semaphore, #tpu.memory_space<semaphore_mem>>) src(%dma_wait3A_80 : memref<128x32xbf16, #tpu.memory_space<hbm>>) dst(%dma_wait3A_78 : memref<128x32xbf16, #tpu.memory_space<vmem_shared>>)
    %dma_wait3A_81 = arith.constant 0 : i32
    %dma_wait3A_82 = tpu.memref_slice %arg14[%add3A_15, %dma_wait3A_81] : memref<10240x32xbf16, #tpu.memory_space<vmem_shared>> -> memref<128x32xbf16, #tpu.memory_space<vmem_shared>>
    tpu.wait_dma2 semaphore(%arg17 : memref<!tpu.dma_semaphore, #tpu.memory_space<semaphore_mem>>) src(%arg4 : memref<128x32xbf16, #tpu.memory_space<hbm>>) dst(%dma_wait3A_82 : memref<128x32xbf16, #tpu.memory_space<vmem_shared>>)
    %dma_wait3A_83 = arith.constant 0 : i32
    %dma_wait3A_84 = tpu.memref_slice %arg15[%add3A_23, %dma_wait3A_83] : memref<10240x32xbf16, #tpu.memory_space<vmem_shared>> -> memref<128x32xbf16, #tpu.memory_space<vmem_shared>>
    %dma_wait3A_85 = arith.constant 0 : i32
    %dma_wait3A_86 = tpu.memref_slice %arg3[%add3A_23, %dma_wait3A_85] : memref<10240x32xbf16, #tpu.memory_space<hbm>> -> memref<128x32xbf16, #tpu.memory_space<hbm>>
    tpu.wait_dma2 semaphore(%arg16 : memref<!tpu.dma_semaphore, #tpu.memory_space<semaphore_mem>>) src(%dma_wait3A_86 : memref<128x32xbf16, #tpu.memory_space<hbm>>) dst(%dma_wait3A_84 : memref<128x32xbf16, #tpu.memory_space<vmem_shared>>)
    %dma_wait3A_87 = arith.constant 0 : i32
    %dma_wait3A_88 = tpu.memref_slice %arg14[%add3A_23, %dma_wait3A_87] : memref<10240x32xbf16, #tpu.memory_space<vmem_shared>> -> memref<128x32xbf16, #tpu.memory_space<vmem_shared>>
    tpu.wait_dma2 semaphore(%arg17 : memref<!tpu.dma_semaphore, #tpu.memory_space<semaphore_mem>>) src(%arg4 : memref<128x32xbf16, #tpu.memory_space<hbm>>) dst(%dma_wait3A_88 : memref<128x32xbf16, #tpu.memory_space<vmem_shared>>)
    %dma_wait3A_89 = arith.constant 0 : i32
    %dma_wait3A_90 = tpu.memref_slice %arg15[%add3A_31, %dma_wait3A_89] : memref<10240x32xbf16, #tpu.memory_space<vmem_shared>> -> memref<128x32xbf16, #tpu.memory_space<vmem_shared>>
    %dma_wait3A_91 = arith.constant 0 : i32
    %dma_wait3A_92 = tpu.memref_slice %arg3[%add3A_31, %dma_wait3A_91] : memref<10240x32xbf16, #tpu.memory_space<hbm>> -> memref<128x32xbf16, #tpu.memory_space<hbm>>
    tpu.wait_dma2 semaphore(%arg16 : memref<!tpu.dma_semaphore, #tpu.memory_space<semaphore_mem>>) src(%dma_wait3A_92 : memref<128x32xbf16, #tpu.memory_space<hbm>>) dst(%dma_wait3A_90 : memref<128x32xbf16, #tpu.memory_space<vmem_shared>>)
    %dma_wait3A_93 = arith.constant 0 : i32
    %dma_wait3A_94 = tpu.memref_slice %arg14[%add3A_31, %dma_wait3A_93] : memref<10240x32xbf16, #tpu.memory_space<vmem_shared>> -> memref<128x32xbf16, #tpu.memory_space<vmem_shared>>
    tpu.wait_dma2 semaphore(%arg17 : memref<!tpu.dma_semaphore, #tpu.memory_space<semaphore_mem>>) src(%arg4 : memref<128x32xbf16, #tpu.memory_space<hbm>>) dst(%dma_wait3A_94 : memref<128x32xbf16, #tpu.memory_space<vmem_shared>>)
    %dma_wait3A_95 = arith.constant 0 : i32
    %dma_wait3A_96 = tpu.memref_slice %arg15[%add3A_39, %dma_wait3A_95] : memref<10240x32xbf16, #tpu.memory_space<vmem_shared>> -> memref<128x32xbf16, #tpu.memory_space<vmem_shared>>
    %dma_wait3A_97 = arith.constant 0 : i32
    %dma_wait3A_98 = tpu.memref_slice %arg3[%add3A_39, %dma_wait3A_97] : memref<10240x32xbf16, #tpu.memory_space<hbm>> -> memref<128x32xbf16, #tpu.memory_space<hbm>>
    tpu.wait_dma2 semaphore(%arg16 : memref<!tpu.dma_semaphore, #tpu.memory_space<semaphore_mem>>) src(%dma_wait3A_98 : memref<128x32xbf16, #tpu.memory_space<hbm>>) dst(%dma_wait3A_96 : memref<128x32xbf16, #tpu.memory_space<vmem_shared>>)
    %dma_wait3A_99 = arith.constant 0 : i32
    %dma_wait3A_100 = tpu.memref_slice %arg14[%add3A_39, %dma_wait3A_99] : memref<10240x32xbf16, #tpu.memory_space<vmem_shared>> -> memref<128x32xbf16, #tpu.memory_space<vmem_shared>>
    tpu.wait_dma2 semaphore(%arg17 : memref<!tpu.dma_semaphore, #tpu.memory_space<semaphore_mem>>) src(%arg4 : memref<128x32xbf16, #tpu.memory_space<hbm>>) dst(%dma_wait3A_100 : memref<128x32xbf16, #tpu.memory_space<vmem_shared>>)
    %dma_wait3A_101 = arith.constant 0 : i32
    %dma_wait3A_102 = arith.constant 0 : i32
    %dma_wait3A_103 = arith.constant 0 : i32
    %dma_wait3A_104 = tpu.memref_slice %arg6[%dma_wait3A_102, %dma_wait3A_103] : memref<79x128xi32, #tpu.memory_space<vmem>> -> memref<78x128xi32, #tpu.memory_space<vmem>>
    %dma_wait3A_105 = arith.constant 0 : i32
    %dma_wait3A_106 = tpu.memref_slice %arg2[%dma_wait3A_101, %add3A_6, %dma_wait3A_105] : memref<2x2500x128xi32, #tpu.memory_space<hbm>> -> memref<1x78x128xi32, #tpu.memory_space<hbm>>
    %dma_wait3A_107 = tpu.memref_squeeze %dma_wait3A_106 : memref<1x78x128xi32, #tpu.memory_space<hbm>> -> memref<78x128xi32, #tpu.memory_space<hbm>>
    %dma_wait3A_108 = arith.constant 0 : i32
    %dma_wait3A_109 = arith.constant 0 : i32
    %dma_wait3A_110 = tpu.memref_slice %arg6[%dma_wait3A_108, %dma_wait3A_109] : memref<79x128xi32, #tpu.memory_space<vmem>> -> memref<78x128xi32, #tpu.memory_space<vmem>>
    %dma_wait3A_111 = arith.constant 0 : i32
    %dma_wait3A_112 = tpu.memref_slice %arg2[%dma_wait3A_101, %add3A_6, %dma_wait3A_111] : memref<2x2500x128xi32, #tpu.memory_space<hbm>> -> memref<1x78x128xi32, #tpu.memory_space<hbm>>
    %dma_wait3A_113 = tpu.memref_squeeze %dma_wait3A_112 : memref<1x78x128xi32, #tpu.memory_space<hbm>> -> memref<78x128xi32, #tpu.memory_space<hbm>>
    tpu.wait_dma2 semaphore(%arg18 : memref<!tpu.dma_semaphore, #tpu.memory_space<semaphore_mem>>) src(%dma_wait3A_113 : memref<78x128xi32, #tpu.memory_space<hbm>>) dst(%dma_wait3A_110 : memref<78x128xi32, #tpu.memory_space<vmem>>)
    %dma_wait3A_114 = arith.constant 1 : i32
    %dma_wait3A_115 = arith.constant 0 : i32
    %dma_wait3A_116 = arith.constant 0 : i32
    %dma_wait3A_117 = tpu.memref_slice %arg7[%dma_wait3A_115, %dma_wait3A_116] : memref<79x128xi32, #tpu.memory_space<vmem>> -> memref<78x128xi32, #tpu.memory_space<vmem>>
    %dma_wait3A_118 = arith.constant 0 : i32
    %dma_wait3A_119 = tpu.memref_slice %arg2[%dma_wait3A_114, %add3A_6, %dma_wait3A_118] : memref<2x2500x128xi32, #tpu.memory_space<hbm>> -> memref<1x78x128xi32, #tpu.memory_space<hbm>>
    %dma_wait3A_120 = tpu.memref_squeeze %dma_wait3A_119 : memref<1x78x128xi32, #tpu.memory_space<hbm>> -> memref<78x128xi32, #tpu.memory_space<hbm>>
    %dma_wait3A_121 = arith.constant 0 : i32
    %dma_wait3A_122 = arith.constant 0 : i32
    %dma_wait3A_123 = tpu.memref_slice %arg7[%dma_wait3A_121, %dma_wait3A_122] : memref<79x128xi32, #tpu.memory_space<vmem>> -> memref<78x128xi32, #tpu.memory_space<vmem>>
    %dma_wait3A_124 = arith.constant 0 : i32
    %dma_wait3A_125 = tpu.memref_slice %arg2[%dma_wait3A_114, %add3A_6, %dma_wait3A_124] : memref<2x2500x128xi32, #tpu.memory_space<hbm>> -> memref<1x78x128xi32, #tpu.memory_space<hbm>>
    %dma_wait3A_126 = tpu.memref_squeeze %dma_wait3A_125 : memref<1x78x128xi32, #tpu.memory_space<hbm>> -> memref<78x128xi32, #tpu.memory_space<hbm>>
    tpu.wait_dma2 semaphore(%arg18 : memref<!tpu.dma_semaphore, #tpu.memory_space<semaphore_mem>>) src(%dma_wait3A_126 : memref<78x128xi32, #tpu.memory_space<hbm>>) dst(%dma_wait3A_123 : memref<78x128xi32, #tpu.memory_space<vmem>>)
    %lt3A = arith.constant 4 : i32
    %lt3A_127 = arith.cmpi slt, %add3A, %lt3A : i32
    %convert_element_type3A = arith.extui %lt3A_127 : i1 to i32
    %cond3A = arith.constant 0 : i32
    %cond3A_128 = arith.cmpi ne, %convert_element_type3A, %cond3A : i32
    scf.if %cond3A_128 {
      %add3A_242 = arith.constant 78 : i32
      %add3A_243 = arith.addi %add3A_6, %add3A_242 : i32
      %run_scoped3A = arith.constant 0 : i32
      "tpu.region"() ({
        %run_scoped3A_247 = tpu.sem_alloc : memref<!tpu.dma_semaphore, #tpu.memory_space<semaphore_mem>>
        %dma_start3A_248 = arith.constant 78 : i32
        %dma_start3A_249 = arith.constant 0 : i32
        %dma_start3A_250 = tpu.memref_slice %arg6[%dma_start3A_248, %dma_start3A_249] : memref<79x128xi32, #tpu.memory_space<vmem>> -> memref<1x128xi32, #tpu.memory_space<vmem>>
        %dma_start3A_251 = arith.constant 0 : i32
        %dma_start3A_252 = tpu.memref_slice %arg2[%run_scoped3A, %add3A_243, %dma_start3A_251] : memref<2x2500x128xi32, #tpu.memory_space<hbm>> -> memref<1x1x128xi32, #tpu.memory_space<hbm>>
        %dma_start3A_253 = tpu.memref_squeeze %dma_start3A_252 : memref<1x1x128xi32, #tpu.memory_space<hbm>> -> memref<1x128xi32, #tpu.memory_space<hbm>>
        %dma_start3A_254 = arith.constant 78 : i32
        %dma_start3A_255 = arith.constant 0 : i32
        %dma_start3A_256 = tpu.memref_slice %arg6[%dma_start3A_254, %dma_start3A_255] : memref<79x128xi32, #tpu.memory_space<vmem>> -> memref<1x128xi32, #tpu.memory_space<vmem>>
        %dma_start3A_257 = arith.constant 0 : i32
        %dma_start3A_258 = tpu.memref_slice %arg2[%run_scoped3A, %add3A_243, %dma_start3A_257] : memref<2x2500x128xi32, #tpu.memory_space<hbm>> -> memref<1x1x128xi32, #tpu.memory_space<hbm>>
        %dma_start3A_259 = tpu.memref_squeeze %dma_start3A_258 : memref<1x1x128xi32, #tpu.memory_space<hbm>> -> memref<1x128xi32, #tpu.memory_space<hbm>>
        tpu.enqueue_dma source(%dma_start3A_259 : memref<1x128xi32, #tpu.memory_space<hbm>>) target(%dma_start3A_256 : memref<1x128xi32, #tpu.memory_space<vmem>>) target_semaphore(%run_scoped3A_247 : memref<!tpu.dma_semaphore, #tpu.memory_space<semaphore_mem>>)
        %dma_wait3A_260 = arith.constant 78 : i32
        %dma_wait3A_261 = arith.constant 0 : i32
        %dma_wait3A_262 = tpu.memref_slice %arg6[%dma_wait3A_260, %dma_wait3A_261] : memref<79x128xi32, #tpu.memory_space<vmem>> -> memref<1x128xi32, #tpu.memory_space<vmem>>
        %dma_wait3A_263 = arith.constant 0 : i32
        %dma_wait3A_264 = tpu.memref_slice %arg2[%run_scoped3A, %add3A_243, %dma_wait3A_263] : memref<2x2500x128xi32, #tpu.memory_space<hbm>> -> memref<1x1x128xi32, #tpu.memory_space<hbm>>
        %dma_wait3A_265 = tpu.memref_squeeze %dma_wait3A_264 : memref<1x1x128xi32, #tpu.memory_space<hbm>> -> memref<1x128xi32, #tpu.memory_space<hbm>>
        %dma_wait3A_266 = arith.constant 78 : i32
        %dma_wait3A_267 = arith.constant 0 : i32
        %dma_wait3A_268 = tpu.memref_slice %arg6[%dma_wait3A_266, %dma_wait3A_267] : memref<79x128xi32, #tpu.memory_space<vmem>> -> memref<1x128xi32, #tpu.memory_space<vmem>>
        %dma_wait3A_269 = arith.constant 0 : i32
        %dma_wait3A_270 = tpu.memref_slice %arg2[%run_scoped3A, %add3A_243, %dma_wait3A_269] : memref<2x2500x128xi32, #tpu.memory_space<hbm>> -> memref<1x1x128xi32, #tpu.memory_space<hbm>>
        %dma_wait3A_271 = tpu.memref_squeeze %dma_wait3A_270 : memref<1x1x128xi32, #tpu.memory_space<hbm>> -> memref<1x128xi32, #tpu.memory_space<hbm>>
        tpu.wait_dma2 semaphore(%run_scoped3A_247 : memref<!tpu.dma_semaphore, #tpu.memory_space<semaphore_mem>>) src(%dma_wait3A_271 : memref<1x128xi32, #tpu.memory_space<hbm>>) dst(%dma_wait3A_268 : memref<1x128xi32, #tpu.memory_space<vmem>>)
        tpu.yield
      }) : () -> ()
      %add3A_244 = arith.constant 78 : i32
      %add3A_245 = arith.addi %add3A_6, %add3A_244 : i32
      %run_scoped3A_246 = arith.constant 1 : i32
      "tpu.region"() ({
        %run_scoped3A_247 = tpu.sem_alloc : memref<!tpu.dma_semaphore, #tpu.memory_space<semaphore_mem>>
        %dma_start3A_248 = arith.constant 78 : i32
        %dma_start3A_249 = arith.constant 0 : i32
        %dma_start3A_250 = tpu.memref_slice %arg7[%dma_start3A_248, %dma_start3A_249] : memref<79x128xi32, #tpu.memory_space<vmem>> -> memref<1x128xi32, #tpu.memory_space<vmem>>
        %dma_start3A_251 = arith.constant 0 : i32
        %dma_start3A_252 = tpu.memref_slice %arg2[%run_scoped3A_246, %add3A_245, %dma_start3A_251] : memref<2x2500x128xi32, #tpu.memory_space<hbm>> -> memref<1x1x128xi32, #tpu.memory_space<hbm>>
        %dma_start3A_253 = tpu.memref_squeeze %dma_start3A_252 : memref<1x1x128xi32, #tpu.memory_space<hbm>> -> memref<1x128xi32, #tpu.memory_space<hbm>>
        %dma_start3A_254 = arith.constant 78 : i32
        %dma_start3A_255 = arith.constant 0 : i32
        %dma_start3A_256 = tpu.memref_slice %arg7[%dma_start3A_254, %dma_start3A_255] : memref<79x128xi32, #tpu.memory_space<vmem>> -> memref<1x128xi32, #tpu.memory_space<vmem>>
        %dma_start3A_257 = arith.constant 0 : i32
        %dma_start3A_258 = tpu.memref_slice %arg2[%run_scoped3A_246, %add3A_245, %dma_start3A_257] : memref<2x2500x128xi32, #tpu.memory_space<hbm>> -> memref<1x1x128xi32, #tpu.memory_space<hbm>>
        %dma_start3A_259 = tpu.memref_squeeze %dma_start3A_258 : memref<1x1x128xi32, #tpu.memory_space<hbm>> -> memref<1x128xi32, #tpu.memory_space<hbm>>
        tpu.enqueue_dma source(%dma_start3A_259 : memref<1x128xi32, #tpu.memory_space<hbm>>) target(%dma_start3A_256 : memref<1x128xi32, #tpu.memory_space<vmem>>) target_semaphore(%run_scoped3A_247 : memref<!tpu.dma_semaphore, #tpu.memory_space<semaphore_mem>>)
        %dma_wait3A_260 = arith.constant 78 : i32
        %dma_wait3A_261 = arith.constant 0 : i32
        %dma_wait3A_262 = tpu.memref_slice %arg7[%dma_wait3A_260, %dma_wait3A_261] : memref<79x128xi32, #tpu.memory_space<vmem>> -> memref<1x128xi32, #tpu.memory_space<vmem>>
        %dma_wait3A_263 = arith.constant 0 : i32
        %dma_wait3A_264 = tpu.memref_slice %arg2[%run_scoped3A_246, %add3A_245, %dma_wait3A_263] : memref<2x2500x128xi32, #tpu.memory_space<hbm>> -> memref<1x1x128xi32, #tpu.memory_space<hbm>>
        %dma_wait3A_265 = tpu.memref_squeeze %dma_wait3A_264 : memref<1x1x128xi32, #tpu.memory_space<hbm>> -> memref<1x128xi32, #tpu.memory_space<hbm>>
        %dma_wait3A_266 = arith.constant 78 : i32
        %dma_wait3A_267 = arith.constant 0 : i32
        %dma_wait3A_268 = tpu.memref_slice %arg7[%dma_wait3A_266, %dma_wait3A_267] : memref<79x128xi32, #tpu.memory_space<vmem>> -> memref<1x128xi32, #tpu.memory_space<vmem>>
        %dma_wait3A_269 = arith.constant 0 : i32
        %dma_wait3A_270 = tpu.memref_slice %arg2[%run_scoped3A_246, %add3A_245, %dma_wait3A_269] : memref<2x2500x128xi32, #tpu.memory_space<hbm>> -> memref<1x1x128xi32, #tpu.memory_space<hbm>>
        %dma_wait3A_271 = tpu.memref_squeeze %dma_wait3A_270 : memref<1x1x128xi32, #tpu.memory_space<hbm>> -> memref<1x128xi32, #tpu.memory_space<hbm>>
        tpu.wait_dma2 semaphore(%run_scoped3A_247 : memref<!tpu.dma_semaphore, #tpu.memory_space<semaphore_mem>>) src(%dma_wait3A_271 : memref<1x128xi32, #tpu.memory_space<hbm>>) dst(%dma_wait3A_268 : memref<1x128xi32, #tpu.memory_space<vmem>>)
        tpu.yield
      }) : () -> ()
    } else {
    }
    %barrier3A = arith.constant 0 : index
    tpu.barrier barrier_id(%barrier3A)
    %dma_start3A_129 = arith.constant 0 : i32
    %dma_start3A_130 = arith.constant 0 : i32
    %dma_start3A_131 = tpu.memref_slice %arg6[%dma_start3A_129, %dma_start3A_130] : memref<79x128xi32, #tpu.memory_space<vmem>> -> memref<1x128xi32, #tpu.memory_space<vmem>>
    %dma_start3A_132 = tpu.memref_squeeze %dma_start3A_131 : memref<1x128xi32, #tpu.memory_space<vmem>> -> memref<128xi32, #tpu.memory_space<vmem>>
    %dma_start3A_133 = arith.constant 0 : i32
    %dma_start3A_134 = arith.constant 0 : i32
    %dma_start3A_135 = tpu.memref_slice %arg15[%dma_start3A_133, %dma_start3A_134] : memref<10240x32xbf16, #tpu.memory_space<vmem_shared>> -> memref<10240x32xbf16, #tpu.memory_space<vmem_shared>>
    tpu.enqueue_indirect_dma source(%dma_start3A_135 : memref<10240x32xbf16, #tpu.memory_space<vmem_shared>>) target(%arg8 : memref<128x32xbf16, #tpu.memory_space<vmem>>) offsets(%dma_start3A_132 : memref<128xi32, #tpu.memory_space<vmem>>) semaphore(%arg16 : memref<!tpu.dma_semaphore, #tpu.memory_space<semaphore_mem>>)
    %dma_start3A_136 = arith.constant 1 : i32
    %dma_start3A_137 = arith.constant 0 : i32
    %dma_start3A_138 = tpu.memref_slice %arg6[%dma_start3A_136, %dma_start3A_137] : memref<79x128xi32, #tpu.memory_space<vmem>> -> memref<1x128xi32, #tpu.memory_space<vmem>>
    %dma_start3A_139 = tpu.memref_squeeze %dma_start3A_138 : memref<1x128xi32, #tpu.memory_space<vmem>> -> memref<128xi32, #tpu.memory_space<vmem>>
    %dma_start3A_140 = arith.constant 0 : i32
    %dma_start3A_141 = arith.constant 0 : i32
    %dma_start3A_142 = tpu.memref_slice %arg15[%dma_start3A_140, %dma_start3A_141] : memref<10240x32xbf16, #tpu.memory_space<vmem_shared>> -> memref<10240x32xbf16, #tpu.memory_space<vmem_shared>>
    tpu.enqueue_indirect_dma source(%dma_start3A_142 : memref<10240x32xbf16, #tpu.memory_space<vmem_shared>>) target(%arg9 : memref<128x32xbf16, #tpu.memory_space<vmem>>) offsets(%dma_start3A_139 : memref<128xi32, #tpu.memory_space<vmem>>) semaphore(%arg17 : memref<!tpu.dma_semaphore, #tpu.memory_space<semaphore_mem>>)
    %dma_start3A_143 = arith.constant 2 : i32
    %dma_start3A_144 = arith.constant 0 : i32
    %dma_start3A_145 = tpu.memref_slice %arg6[%dma_start3A_143, %dma_start3A_144] : memref<79x128xi32, #tpu.memory_space<vmem>> -> memref<1x128xi32, #tpu.memory_space<vmem>>
    %dma_start3A_146 = tpu.memref_squeeze %dma_start3A_145 : memref<1x128xi32, #tpu.memory_space<vmem>> -> memref<128xi32, #tpu.memory_space<vmem>>
    %dma_start3A_147 = arith.constant 0 : i32
    %dma_start3A_148 = arith.constant 0 : i32
    %dma_start3A_149 = tpu.memref_slice %arg15[%dma_start3A_147, %dma_start3A_148] : memref<10240x32xbf16, #tpu.memory_space<vmem_shared>> -> memref<10240x32xbf16, #tpu.memory_space<vmem_shared>>
    tpu.enqueue_indirect_dma source(%dma_start3A_149 : memref<10240x32xbf16, #tpu.memory_space<vmem_shared>>) target(%arg10 : memref<128x32xbf16, #tpu.memory_space<vmem>>) offsets(%dma_start3A_146 : memref<128xi32, #tpu.memory_space<vmem>>) semaphore(%arg18 : memref<!tpu.dma_semaphore, #tpu.memory_space<semaphore_mem>>)
    %dma_start3A_150 = arith.constant 3 : i32
    %dma_start3A_151 = arith.constant 0 : i32
    %dma_start3A_152 = tpu.memref_slice %arg6[%dma_start3A_150, %dma_start3A_151] : memref<79x128xi32, #tpu.memory_space<vmem>> -> memref<1x128xi32, #tpu.memory_space<vmem>>
    %dma_start3A_153 = tpu.memref_squeeze %dma_start3A_152 : memref<1x128xi32, #tpu.memory_space<vmem>> -> memref<128xi32, #tpu.memory_space<vmem>>
    %dma_start3A_154 = arith.constant 0 : i32
    %dma_start3A_155 = arith.constant 0 : i32
    %dma_start3A_156 = tpu.memref_slice %arg15[%dma_start3A_154, %dma_start3A_155] : memref<10240x32xbf16, #tpu.memory_space<vmem_shared>> -> memref<10240x32xbf16, #tpu.memory_space<vmem_shared>>
    tpu.enqueue_indirect_dma source(%dma_start3A_156 : memref<10240x32xbf16, #tpu.memory_space<vmem_shared>>) target(%arg11 : memref<128x32xbf16, #tpu.memory_space<vmem>>) offsets(%dma_start3A_153 : memref<128xi32, #tpu.memory_space<vmem>>) semaphore(%arg19 : memref<!tpu.dma_semaphore, #tpu.memory_space<semaphore_mem>>)
    %dma_start3A_157 = arith.constant 4 : i32
    %dma_start3A_158 = arith.constant 0 : i32
    %dma_start3A_159 = tpu.memref_slice %arg6[%dma_start3A_157, %dma_start3A_158] : memref<79x128xi32, #tpu.memory_space<vmem>> -> memref<1x128xi32, #tpu.memory_space<vmem>>
    %dma_start3A_160 = tpu.memref_squeeze %dma_start3A_159 : memref<1x128xi32, #tpu.memory_space<vmem>> -> memref<128xi32, #tpu.memory_space<vmem>>
    %dma_start3A_161 = arith.constant 0 : i32
    %dma_start3A_162 = arith.constant 0 : i32
    %dma_start3A_163 = tpu.memref_slice %arg15[%dma_start3A_161, %dma_start3A_162] : memref<10240x32xbf16, #tpu.memory_space<vmem_shared>> -> memref<10240x32xbf16, #tpu.memory_space<vmem_shared>>
    tpu.enqueue_indirect_dma source(%dma_start3A_163 : memref<10240x32xbf16, #tpu.memory_space<vmem_shared>>) target(%arg12 : memref<128x32xbf16, #tpu.memory_space<vmem>>) offsets(%dma_start3A_160 : memref<128xi32, #tpu.memory_space<vmem>>) semaphore(%arg20 : memref<!tpu.dma_semaphore, #tpu.memory_space<semaphore_mem>>)
    %dma_start3A_164 = arith.constant 5 : i32
    %dma_start3A_165 = arith.constant 0 : i32
    %dma_start3A_166 = tpu.memref_slice %arg6[%dma_start3A_164, %dma_start3A_165] : memref<79x128xi32, #tpu.memory_space<vmem>> -> memref<1x128xi32, #tpu.memory_space<vmem>>
    %dma_start3A_167 = tpu.memref_squeeze %dma_start3A_166 : memref<1x128xi32, #tpu.memory_space<vmem>> -> memref<128xi32, #tpu.memory_space<vmem>>
    %dma_start3A_168 = arith.constant 0 : i32
    %dma_start3A_169 = arith.constant 0 : i32
    %dma_start3A_170 = tpu.memref_slice %arg15[%dma_start3A_168, %dma_start3A_169] : memref<10240x32xbf16, #tpu.memory_space<vmem_shared>> -> memref<10240x32xbf16, #tpu.memory_space<vmem_shared>>
    tpu.enqueue_indirect_dma source(%dma_start3A_170 : memref<10240x32xbf16, #tpu.memory_space<vmem_shared>>) target(%arg13 : memref<128x32xbf16, #tpu.memory_space<vmem>>) offsets(%dma_start3A_167 : memref<128xi32, #tpu.memory_space<vmem>>) semaphore(%arg21 : memref<!tpu.dma_semaphore, #tpu.memory_space<semaphore_mem>>)
    %scan3A = arith.constant 0 : i32
    %scan3A_171 = arith.constant 0 : i32
    %scan3A_172 = arith.constant 13 : i32
    %scan3A_173 = arith.addi %scan3A_171, %scan3A_172 : i32
    %scan3A_174 = arith.constant 1 : i32
    scf.for %scan3A_242 = %scan3A_171 to %scan3A_173 step %scan3A_174  : i32 {
      %mul3A_243 = arith.constant 6 : i32
      %mul3A_244 = arith.muli %scan3A_242, %mul3A_243 : i32
      %add3A_245 = arith.constant 0 : i32
      %add3A_246 = arith.addi %mul3A_244, %add3A_245 : i32
      %dma_wait3A_247 = arith.constant 0 : i32
      %dma_wait3A_248 = tpu.memref_slice %arg6[%add3A_246, %dma_wait3A_247] : memref<79x128xi32, #tpu.memory_space<vmem>> -> memref<1x128xi32, #tpu.memory_space<vmem>>
      %dma_wait3A_249 = tpu.memref_squeeze %dma_wait3A_248 : memref<1x128xi32, #tpu.memory_space<vmem>> -> memref<128xi32, #tpu.memory_space<vmem>>
      %dma_wait3A_250 = arith.constant 0 : i32
      %dma_wait3A_251 = arith.constant 0 : i32
      %dma_wait3A_252 = tpu.memref_slice %arg15[%dma_wait3A_250, %dma_wait3A_251] : memref<10240x32xbf16, #tpu.memory_space<vmem_shared>> -> memref<10240x32xbf16, #tpu.memory_space<vmem_shared>>
      tpu.wait_indirect_dma semaphore(%arg16 : memref<!tpu.dma_semaphore, #tpu.memory_space<semaphore_mem>>) src(%dma_wait3A_252 : memref<10240x32xbf16, #tpu.memory_space<vmem_shared>>) dst(%arg8 : memref<128x32xbf16, #tpu.memory_space<vmem>>)
      %add3A_253 = arith.constant 0 : i32
      %add3A_254 = arith.addi %mul3A_244, %add3A_253 : i32
      %dma_start3A_255 = arith.constant 0 : i32
      %dma_start3A_256 = tpu.memref_slice %arg7[%add3A_254, %dma_start3A_255] : memref<79x128xi32, #tpu.memory_space<vmem>> -> memref<1x128xi32, #tpu.memory_space<vmem>>
      %dma_start3A_257 = tpu.memref_squeeze %dma_start3A_256 : memref<1x128xi32, #tpu.memory_space<vmem>> -> memref<128xi32, #tpu.memory_space<vmem>>
      %dma_start3A_258 = arith.constant 0 : i32
      %dma_start3A_259 = arith.constant 0 : i32
      %dma_start3A_260 = tpu.memref_slice %arg14[%dma_start3A_258, %dma_start3A_259] : memref<10240x32xbf16, #tpu.memory_space<vmem_shared>> -> memref<10240x32xbf16, #tpu.memory_space<vmem_shared>>
      tpu.enqueue_indirect_dma source(%arg8 : memref<128x32xbf16, #tpu.memory_space<vmem>>) target(%dma_start3A_260 : memref<10240x32xbf16, #tpu.memory_space<vmem_shared>>) offsets(%dma_start3A_257 : memref<128xi32, #tpu.memory_space<vmem>>) semaphore(%arg22 : memref<!tpu.dma_semaphore, #tpu.memory_space<semaphore_mem>>) {add = true}
      %add3A_261 = arith.constant 1 : i32
      %add3A_262 = arith.addi %mul3A_244, %add3A_261 : i32
      %dma_wait3A_263 = arith.constant 0 : i32
      %dma_wait3A_264 = tpu.memref_slice %arg6[%add3A_262, %dma_wait3A_263] : memref<79x128xi32, #tpu.memory_space<vmem>> -> memref<1x128xi32, #tpu.memory_space<vmem>>
      %dma_wait3A_265 = tpu.memref_squeeze %dma_wait3A_264 : memref<1x128xi32, #tpu.memory_space<vmem>> -> memref<128xi32, #tpu.memory_space<vmem>>
      %dma_wait3A_266 = arith.constant 0 : i32
      %dma_wait3A_267 = arith.constant 0 : i32
      %dma_wait3A_268 = tpu.memref_slice %arg15[%dma_wait3A_266, %dma_wait3A_267] : memref<10240x32xbf16, #tpu.memory_space<vmem_shared>> -> memref<10240x32xbf16, #tpu.memory_space<vmem_shared>>
      tpu.wait_indirect_dma semaphore(%arg17 : memref<!tpu.dma_semaphore, #tpu.memory_space<semaphore_mem>>) src(%dma_wait3A_268 : memref<10240x32xbf16, #tpu.memory_space<vmem_shared>>) dst(%arg9 : memref<128x32xbf16, #tpu.memory_space<vmem>>)
      %add3A_269 = arith.constant 1 : i32
      %add3A_270 = arith.addi %mul3A_244, %add3A_269 : i32
      %dma_start3A_271 = arith.constant 0 : i32
      %dma_start3A_272 = tpu.memref_slice %arg7[%add3A_270, %dma_start3A_271] : memref<79x128xi32, #tpu.memory_space<vmem>> -> memref<1x128xi32, #tpu.memory_space<vmem>>
      %dma_start3A_273 = tpu.memref_squeeze %dma_start3A_272 : memref<1x128xi32, #tpu.memory_space<vmem>> -> memref<128xi32, #tpu.memory_space<vmem>>
      %dma_start3A_274 = arith.constant 0 : i32
      %dma_start3A_275 = arith.constant 0 : i32
      %dma_start3A_276 = tpu.memref_slice %arg14[%dma_start3A_274, %dma_start3A_275] : memref<10240x32xbf16, #tpu.memory_space<vmem_shared>> -> memref<10240x32xbf16, #tpu.memory_space<vmem_shared>>
      tpu.enqueue_indirect_dma source(%arg9 : memref<128x32xbf16, #tpu.memory_space<vmem>>) target(%dma_start3A_276 : memref<10240x32xbf16, #tpu.memory_space<vmem_shared>>) offsets(%dma_start3A_273 : memref<128xi32, #tpu.memory_space<vmem>>) semaphore(%arg23 : memref<!tpu.dma_semaphore, #tpu.memory_space<semaphore_mem>>) {add = true}
      %add3A_277 = arith.constant 2 : i32
      %add3A_278 = arith.addi %mul3A_244, %add3A_277 : i32
      %dma_wait3A_279 = arith.constant 0 : i32
      %dma_wait3A_280 = tpu.memref_slice %arg6[%add3A_278, %dma_wait3A_279] : memref<79x128xi32, #tpu.memory_space<vmem>> -> memref<1x128xi32, #tpu.memory_space<vmem>>
      %dma_wait3A_281 = tpu.memref_squeeze %dma_wait3A_280 : memref<1x128xi32, #tpu.memory_space<vmem>> -> memref<128xi32, #tpu.memory_space<vmem>>
      %dma_wait3A_282 = arith.constant 0 : i32
      %dma_wait3A_283 = arith.constant 0 : i32
      %dma_wait3A_284 = tpu.memref_slice %arg15[%dma_wait3A_282, %dma_wait3A_283] : memref<10240x32xbf16, #tpu.memory_space<vmem_shared>> -> memref<10240x32xbf16, #tpu.memory_space<vmem_shared>>
      tpu.wait_indirect_dma semaphore(%arg18 : memref<!tpu.dma_semaphore, #tpu.memory_space<semaphore_mem>>) src(%dma_wait3A_284 : memref<10240x32xbf16, #tpu.memory_space<vmem_shared>>) dst(%arg10 : memref<128x32xbf16, #tpu.memory_space<vmem>>)
      %add3A_285 = arith.constant 2 : i32
      %add3A_286 = arith.addi %mul3A_244, %add3A_285 : i32
      %dma_start3A_287 = arith.constant 0 : i32
      %dma_start3A_288 = tpu.memref_slice %arg7[%add3A_286, %dma_start3A_287] : memref<79x128xi32, #tpu.memory_space<vmem>> -> memref<1x128xi32, #tpu.memory_space<vmem>>
      %dma_start3A_289 = tpu.memref_squeeze %dma_start3A_288 : memref<1x128xi32, #tpu.memory_space<vmem>> -> memref<128xi32, #tpu.memory_space<vmem>>
      %dma_start3A_290 = arith.constant 0 : i32
      %dma_start3A_291 = arith.constant 0 : i32
      %dma_start3A_292 = tpu.memref_slice %arg14[%dma_start3A_290, %dma_start3A_291] : memref<10240x32xbf16, #tpu.memory_space<vmem_shared>> -> memref<10240x32xbf16, #tpu.memory_space<vmem_shared>>
      tpu.enqueue_indirect_dma source(%arg10 : memref<128x32xbf16, #tpu.memory_space<vmem>>) target(%dma_start3A_292 : memref<10240x32xbf16, #tpu.memory_space<vmem_shared>>) offsets(%dma_start3A_289 : memref<128xi32, #tpu.memory_space<vmem>>) semaphore(%arg24 : memref<!tpu.dma_semaphore, #tpu.memory_space<semaphore_mem>>) {add = true}
      %add3A_293 = arith.constant 3 : i32
      %add3A_294 = arith.addi %mul3A_244, %add3A_293 : i32
      %dma_wait3A_295 = arith.constant 0 : i32
      %dma_wait3A_296 = tpu.memref_slice %arg6[%add3A_294, %dma_wait3A_295] : memref<79x128xi32, #tpu.memory_space<vmem>> -> memref<1x128xi32, #tpu.memory_space<vmem>>
      %dma_wait3A_297 = tpu.memref_squeeze %dma_wait3A_296 : memref<1x128xi32, #tpu.memory_space<vmem>> -> memref<128xi32, #tpu.memory_space<vmem>>
      %dma_wait3A_298 = arith.constant 0 : i32
      %dma_wait3A_299 = arith.constant 0 : i32
      %dma_wait3A_300 = tpu.memref_slice %arg15[%dma_wait3A_298, %dma_wait3A_299] : memref<10240x32xbf16, #tpu.memory_space<vmem_shared>> -> memref<10240x32xbf16, #tpu.memory_space<vmem_shared>>
      tpu.wait_indirect_dma semaphore(%arg19 : memref<!tpu.dma_semaphore, #tpu.memory_space<semaphore_mem>>) src(%dma_wait3A_300 : memref<10240x32xbf16, #tpu.memory_space<vmem_shared>>) dst(%arg11 : memref<128x32xbf16, #tpu.memory_space<vmem>>)
      %add3A_301 = arith.constant 3 : i32
      %add3A_302 = arith.addi %mul3A_244, %add3A_301 : i32
      %dma_start3A_303 = arith.constant 0 : i32
      %dma_start3A_304 = tpu.memref_slice %arg7[%add3A_302, %dma_start3A_303] : memref<79x128xi32, #tpu.memory_space<vmem>> -> memref<1x128xi32, #tpu.memory_space<vmem>>
      %dma_start3A_305 = tpu.memref_squeeze %dma_start3A_304 : memref<1x128xi32, #tpu.memory_space<vmem>> -> memref<128xi32, #tpu.memory_space<vmem>>
      %dma_start3A_306 = arith.constant 0 : i32
      %dma_start3A_307 = arith.constant 0 : i32
      %dma_start3A_308 = tpu.memref_slice %arg14[%dma_start3A_306, %dma_start3A_307] : memref<10240x32xbf16, #tpu.memory_space<vmem_shared>> -> memref<10240x32xbf16, #tpu.memory_space<vmem_shared>>
      tpu.enqueue_indirect_dma source(%arg11 : memref<128x32xbf16, #tpu.memory_space<vmem>>) target(%dma_start3A_308 : memref<10240x32xbf16, #tpu.memory_space<vmem_shared>>) offsets(%dma_start3A_305 : memref<128xi32, #tpu.memory_space<vmem>>) semaphore(%arg25 : memref<!tpu.dma_semaphore, #tpu.memory_space<semaphore_mem>>) {add = true}
      %add3A_309 = arith.constant 4 : i32
      %add3A_310 = arith.addi %mul3A_244, %add3A_309 : i32
      %dma_wait3A_311 = arith.constant 0 : i32
      %dma_wait3A_312 = tpu.memref_slice %arg6[%add3A_310, %dma_wait3A_311] : memref<79x128xi32, #tpu.memory_space<vmem>> -> memref<1x128xi32, #tpu.memory_space<vmem>>
      %dma_wait3A_313 = tpu.memref_squeeze %dma_wait3A_312 : memref<1x128xi32, #tpu.memory_space<vmem>> -> memref<128xi32, #tpu.memory_space<vmem>>
      %dma_wait3A_314 = arith.constant 0 : i32
      %dma_wait3A_315 = arith.constant 0 : i32
      %dma_wait3A_316 = tpu.memref_slice %arg15[%dma_wait3A_314, %dma_wait3A_315] : memref<10240x32xbf16, #tpu.memory_space<vmem_shared>> -> memref<10240x32xbf16, #tpu.memory_space<vmem_shared>>
      tpu.wait_indirect_dma semaphore(%arg20 : memref<!tpu.dma_semaphore, #tpu.memory_space<semaphore_mem>>) src(%dma_wait3A_316 : memref<10240x32xbf16, #tpu.memory_space<vmem_shared>>) dst(%arg12 : memref<128x32xbf16, #tpu.memory_space<vmem>>)
      %add3A_317 = arith.constant 4 : i32
      %add3A_318 = arith.addi %mul3A_244, %add3A_317 : i32
      %dma_start3A_319 = arith.constant 0 : i32
      %dma_start3A_320 = tpu.memref_slice %arg7[%add3A_318, %dma_start3A_319] : memref<79x128xi32, #tpu.memory_space<vmem>> -> memref<1x128xi32, #tpu.memory_space<vmem>>
      %dma_start3A_321 = tpu.memref_squeeze %dma_start3A_320 : memref<1x128xi32, #tpu.memory_space<vmem>> -> memref<128xi32, #tpu.memory_space<vmem>>
      %dma_start3A_322 = arith.constant 0 : i32
      %dma_start3A_323 = arith.constant 0 : i32
      %dma_start3A_324 = tpu.memref_slice %arg14[%dma_start3A_322, %dma_start3A_323] : memref<10240x32xbf16, #tpu.memory_space<vmem_shared>> -> memref<10240x32xbf16, #tpu.memory_space<vmem_shared>>
      tpu.enqueue_indirect_dma source(%arg12 : memref<128x32xbf16, #tpu.memory_space<vmem>>) target(%dma_start3A_324 : memref<10240x32xbf16, #tpu.memory_space<vmem_shared>>) offsets(%dma_start3A_321 : memref<128xi32, #tpu.memory_space<vmem>>) semaphore(%arg26 : memref<!tpu.dma_semaphore, #tpu.memory_space<semaphore_mem>>) {add = true}
      %add3A_325 = arith.constant 5 : i32
      %add3A_326 = arith.addi %mul3A_244, %add3A_325 : i32
      %dma_wait3A_327 = arith.constant 0 : i32
      %dma_wait3A_328 = tpu.memref_slice %arg6[%add3A_326, %dma_wait3A_327] : memref<79x128xi32, #tpu.memory_space<vmem>> -> memref<1x128xi32, #tpu.memory_space<vmem>>
      %dma_wait3A_329 = tpu.memref_squeeze %dma_wait3A_328 : memref<1x128xi32, #tpu.memory_space<vmem>> -> memref<128xi32, #tpu.memory_space<vmem>>
      %dma_wait3A_330 = arith.constant 0 : i32
      %dma_wait3A_331 = arith.constant 0 : i32
      %dma_wait3A_332 = tpu.memref_slice %arg15[%dma_wait3A_330, %dma_wait3A_331] : memref<10240x32xbf16, #tpu.memory_space<vmem_shared>> -> memref<10240x32xbf16, #tpu.memory_space<vmem_shared>>
      tpu.wait_indirect_dma semaphore(%arg21 : memref<!tpu.dma_semaphore, #tpu.memory_space<semaphore_mem>>) src(%dma_wait3A_332 : memref<10240x32xbf16, #tpu.memory_space<vmem_shared>>) dst(%arg13 : memref<128x32xbf16, #tpu.memory_space<vmem>>)
      %add3A_333 = arith.constant 5 : i32
      %add3A_334 = arith.addi %mul3A_244, %add3A_333 : i32
      %dma_start3A_335 = arith.constant 0 : i32
      %dma_start3A_336 = tpu.memref_slice %arg7[%add3A_334, %dma_start3A_335] : memref<79x128xi32, #tpu.memory_space<vmem>> -> memref<1x128xi32, #tpu.memory_space<vmem>>
      %dma_start3A_337 = tpu.memref_squeeze %dma_start3A_336 : memref<1x128xi32, #tpu.memory_space<vmem>> -> memref<128xi32, #tpu.memory_space<vmem>>
      %dma_start3A_338 = arith.constant 0 : i32
      %dma_start3A_339 = arith.constant 0 : i32
      %dma_start3A_340 = tpu.memref_slice %arg14[%dma_start3A_338, %dma_start3A_339] : memref<10240x32xbf16, #tpu.memory_space<vmem_shared>> -> memref<10240x32xbf16, #tpu.memory_space<vmem_shared>>
      tpu.enqueue_indirect_dma source(%arg13 : memref<128x32xbf16, #tpu.memory_space<vmem>>) target(%dma_start3A_340 : memref<10240x32xbf16, #tpu.memory_space<vmem_shared>>) offsets(%dma_start3A_337 : memref<128xi32, #tpu.memory_space<vmem>>) semaphore(%arg27 : memref<!tpu.dma_semaphore, #tpu.memory_space<semaphore_mem>>) {add = true}
      %dma_wait3A_341 = arith.constant 0 : i32
      %dma_wait3A_342 = tpu.memref_slice %arg7[%add3A_254, %dma_wait3A_341] : memref<79x128xi32, #tpu.memory_space<vmem>> -> memref<1x128xi32, #tpu.memory_space<vmem>>
      %dma_wait3A_343 = tpu.memref_squeeze %dma_wait3A_342 : memref<1x128xi32, #tpu.memory_space<vmem>> -> memref<128xi32, #tpu.memory_space<vmem>>
      %dma_wait3A_344 = arith.constant 0 : i32
      %dma_wait3A_345 = arith.constant 0 : i32
      %dma_wait3A_346 = tpu.memref_slice %arg14[%dma_wait3A_344, %dma_wait3A_345] : memref<10240x32xbf16, #tpu.memory_space<vmem_shared>> -> memref<10240x32xbf16, #tpu.memory_space<vmem_shared>>
      tpu.wait_indirect_dma semaphore(%arg22 : memref<!tpu.dma_semaphore, #tpu.memory_space<semaphore_mem>>) src(%arg8 : memref<128x32xbf16, #tpu.memory_space<vmem>>) dst(%dma_wait3A_346 : memref<10240x32xbf16, #tpu.memory_space<vmem_shared>>)
      %lt3A_347 = arith.constant 12 : i32
      %lt3A_348 = arith.cmpi slt, %scan3A_242, %lt3A_347 : i32
      %convert_element_type3A_349 = arith.extui %lt3A_348 : i1 to i32
      %cond3A_350 = arith.constant 0 : i32
      %cond3A_351 = arith.cmpi ne, %convert_element_type3A_349, %cond3A_350 : i32
      scf.if %cond3A_351 {
        %add3A_407 = arith.constant 6 : i32
        %add3A_408 = arith.addi %mul3A_244, %add3A_407 : i32
        %add3A_409 = arith.constant 0 : i32
        %add3A_410 = arith.addi %add3A_408, %add3A_409 : i32
        %dma_start3A_411 = arith.constant 0 : i32
        %dma_start3A_412 = tpu.memref_slice %arg6[%add3A_410, %dma_start3A_411] : memref<79x128xi32, #tpu.memory_space<vmem>> -> memref<1x128xi32, #tpu.memory_space<vmem>>
        %dma_start3A_413 = tpu.memref_squeeze %dma_start3A_412 : memref<1x128xi32, #tpu.memory_space<vmem>> -> memref<128xi32, #tpu.memory_space<vmem>>
        %dma_start3A_414 = arith.constant 0 : i32
        %dma_start3A_415 = arith.constant 0 : i32
        %dma_start3A_416 = tpu.memref_slice %arg15[%dma_start3A_414, %dma_start3A_415] : memref<10240x32xbf16, #tpu.memory_space<vmem_shared>> -> memref<10240x32xbf16, #tpu.memory_space<vmem_shared>>
        tpu.enqueue_indirect_dma source(%dma_start3A_416 : memref<10240x32xbf16, #tpu.memory_space<vmem_shared>>) target(%arg8 : memref<128x32xbf16, #tpu.memory_space<vmem>>) offsets(%dma_start3A_413 : memref<128xi32, #tpu.memory_space<vmem>>) semaphore(%arg16 : memref<!tpu.dma_semaphore, #tpu.memory_space<semaphore_mem>>)
      } else {
      }
      %dma_wait3A_352 = arith.constant 0 : i32
      %dma_wait3A_353 = tpu.memref_slice %arg7[%add3A_270, %dma_wait3A_352] : memref<79x128xi32, #tpu.memory_space<vmem>> -> memref<1x128xi32, #tpu.memory_space<vmem>>
      %dma_wait3A_354 = tpu.memref_squeeze %dma_wait3A_353 : memref<1x128xi32, #tpu.memory_space<vmem>> -> memref<128xi32, #tpu.memory_space<vmem>>
      %dma_wait3A_355 = arith.constant 0 : i32
      %dma_wait3A_356 = arith.constant 0 : i32
      %dma_wait3A_357 = tpu.memref_slice %arg14[%dma_wait3A_355, %dma_wait3A_356] : memref<10240x32xbf16, #tpu.memory_space<vmem_shared>> -> memref<10240x32xbf16, #tpu.memory_space<vmem_shared>>
      tpu.wait_indirect_dma semaphore(%arg23 : memref<!tpu.dma_semaphore, #tpu.memory_space<semaphore_mem>>) src(%arg9 : memref<128x32xbf16, #tpu.memory_space<vmem>>) dst(%dma_wait3A_357 : memref<10240x32xbf16, #tpu.memory_space<vmem_shared>>)
      %lt3A_358 = arith.constant 12 : i32
      %lt3A_359 = arith.cmpi slt, %scan3A_242, %lt3A_358 : i32
      %convert_element_type3A_360 = arith.extui %lt3A_359 : i1 to i32
      %cond3A_361 = arith.constant 0 : i32
      %cond3A_362 = arith.cmpi ne, %convert_element_type3A_360, %cond3A_361 : i32
      scf.if %cond3A_362 {
        %add3A_407 = arith.constant 6 : i32
        %add3A_408 = arith.addi %mul3A_244, %add3A_407 : i32
        %add3A_409 = arith.constant 1 : i32
        %add3A_410 = arith.addi %add3A_408, %add3A_409 : i32
        %dma_start3A_411 = arith.constant 0 : i32
        %dma_start3A_412 = tpu.memref_slice %arg6[%add3A_410, %dma_start3A_411] : memref<79x128xi32, #tpu.memory_space<vmem>> -> memref<1x128xi32, #tpu.memory_space<vmem>>
        %dma_start3A_413 = tpu.memref_squeeze %dma_start3A_412 : memref<1x128xi32, #tpu.memory_space<vmem>> -> memref<128xi32, #tpu.memory_space<vmem>>
        %dma_start3A_414 = arith.constant 0 : i32
        %dma_start3A_415 = arith.constant 0 : i32
        %dma_start3A_416 = tpu.memref_slice %arg15[%dma_start3A_414, %dma_start3A_415] : memref<10240x32xbf16, #tpu.memory_space<vmem_shared>> -> memref<10240x32xbf16, #tpu.memory_space<vmem_shared>>
        tpu.enqueue_indirect_dma source(%dma_start3A_416 : memref<10240x32xbf16, #tpu.memory_space<vmem_shared>>) target(%arg9 : memref<128x32xbf16, #tpu.memory_space<vmem>>) offsets(%dma_start3A_413 : memref<128xi32, #tpu.memory_space<vmem>>) semaphore(%arg17 : memref<!tpu.dma_semaphore, #tpu.memory_space<semaphore_mem>>)
      } else {
      }
      %dma_wait3A_363 = arith.constant 0 : i32
      %dma_wait3A_364 = tpu.memref_slice %arg7[%add3A_286, %dma_wait3A_363] : memref<79x128xi32, #tpu.memory_space<vmem>> -> memref<1x128xi32, #tpu.memory_space<vmem>>
      %dma_wait3A_365 = tpu.memref_squeeze %dma_wait3A_364 : memref<1x128xi32, #tpu.memory_space<vmem>> -> memref<128xi32, #tpu.memory_space<vmem>>
      %dma_wait3A_366 = arith.constant 0 : i32
      %dma_wait3A_367 = arith.constant 0 : i32
      %dma_wait3A_368 = tpu.memref_slice %arg14[%dma_wait3A_366, %dma_wait3A_367] : memref<10240x32xbf16, #tpu.memory_space<vmem_shared>> -> memref<10240x32xbf16, #tpu.memory_space<vmem_shared>>
      tpu.wait_indirect_dma semaphore(%arg24 : memref<!tpu.dma_semaphore, #tpu.memory_space<semaphore_mem>>) src(%arg10 : memref<128x32xbf16, #tpu.memory_space<vmem>>) dst(%dma_wait3A_368 : memref<10240x32xbf16, #tpu.memory_space<vmem_shared>>)
      %lt3A_369 = arith.constant 12 : i32
      %lt3A_370 = arith.cmpi slt, %scan3A_242, %lt3A_369 : i32
      %convert_element_type3A_371 = arith.extui %lt3A_370 : i1 to i32
      %cond3A_372 = arith.constant 0 : i32
      %cond3A_373 = arith.cmpi ne, %convert_element_type3A_371, %cond3A_372 : i32
      scf.if %cond3A_373 {
        %add3A_407 = arith.constant 6 : i32
        %add3A_408 = arith.addi %mul3A_244, %add3A_407 : i32
        %add3A_409 = arith.constant 2 : i32
        %add3A_410 = arith.addi %add3A_408, %add3A_409 : i32
        %dma_start3A_411 = arith.constant 0 : i32
        %dma_start3A_412 = tpu.memref_slice %arg6[%add3A_410, %dma_start3A_411] : memref<79x128xi32, #tpu.memory_space<vmem>> -> memref<1x128xi32, #tpu.memory_space<vmem>>
        %dma_start3A_413 = tpu.memref_squeeze %dma_start3A_412 : memref<1x128xi32, #tpu.memory_space<vmem>> -> memref<128xi32, #tpu.memory_space<vmem>>
        %dma_start3A_414 = arith.constant 0 : i32
        %dma_start3A_415 = arith.constant 0 : i32
        %dma_start3A_416 = tpu.memref_slice %arg15[%dma_start3A_414, %dma_start3A_415] : memref<10240x32xbf16, #tpu.memory_space<vmem_shared>> -> memref<10240x32xbf16, #tpu.memory_space<vmem_shared>>
        tpu.enqueue_indirect_dma source(%dma_start3A_416 : memref<10240x32xbf16, #tpu.memory_space<vmem_shared>>) target(%arg10 : memref<128x32xbf16, #tpu.memory_space<vmem>>) offsets(%dma_start3A_413 : memref<128xi32, #tpu.memory_space<vmem>>) semaphore(%arg18 : memref<!tpu.dma_semaphore, #tpu.memory_space<semaphore_mem>>)
      } else {
      }
      %dma_wait3A_374 = arith.constant 0 : i32
      %dma_wait3A_375 = tpu.memref_slice %arg7[%add3A_302, %dma_wait3A_374] : memref<79x128xi32, #tpu.memory_space<vmem>> -> memref<1x128xi32, #tpu.memory_space<vmem>>
      %dma_wait3A_376 = tpu.memref_squeeze %dma_wait3A_375 : memref<1x128xi32, #tpu.memory_space<vmem>> -> memref<128xi32, #tpu.memory_space<vmem>>
      %dma_wait3A_377 = arith.constant 0 : i32
      %dma_wait3A_378 = arith.constant 0 : i32
      %dma_wait3A_379 = tpu.memref_slice %arg14[%dma_wait3A_377, %dma_wait3A_378] : memref<10240x32xbf16, #tpu.memory_space<vmem_shared>> -> memref<10240x32xbf16, #tpu.memory_space<vmem_shared>>
      tpu.wait_indirect_dma semaphore(%arg25 : memref<!tpu.dma_semaphore, #tpu.memory_space<semaphore_mem>>) src(%arg11 : memref<128x32xbf16, #tpu.memory_space<vmem>>) dst(%dma_wait3A_379 : memref<10240x32xbf16, #tpu.memory_space<vmem_shared>>)
      %lt3A_380 = arith.constant 12 : i32
      %lt3A_381 = arith.cmpi slt, %scan3A_242, %lt3A_380 : i32
      %convert_element_type3A_382 = arith.extui %lt3A_381 : i1 to i32
      %cond3A_383 = arith.constant 0 : i32
      %cond3A_384 = arith.cmpi ne, %convert_element_type3A_382, %cond3A_383 : i32
      scf.if %cond3A_384 {
        %add3A_407 = arith.constant 6 : i32
        %add3A_408 = arith.addi %mul3A_244, %add3A_407 : i32
        %add3A_409 = arith.constant 3 : i32
        %add3A_410 = arith.addi %add3A_408, %add3A_409 : i32
        %dma_start3A_411 = arith.constant 0 : i32
        %dma_start3A_412 = tpu.memref_slice %arg6[%add3A_410, %dma_start3A_411] : memref<79x128xi32, #tpu.memory_space<vmem>> -> memref<1x128xi32, #tpu.memory_space<vmem>>
        %dma_start3A_413 = tpu.memref_squeeze %dma_start3A_412 : memref<1x128xi32, #tpu.memory_space<vmem>> -> memref<128xi32, #tpu.memory_space<vmem>>
        %dma_start3A_414 = arith.constant 0 : i32
        %dma_start3A_415 = arith.constant 0 : i32
        %dma_start3A_416 = tpu.memref_slice %arg15[%dma_start3A_414, %dma_start3A_415] : memref<10240x32xbf16, #tpu.memory_space<vmem_shared>> -> memref<10240x32xbf16, #tpu.memory_space<vmem_shared>>
        tpu.enqueue_indirect_dma source(%dma_start3A_416 : memref<10240x32xbf16, #tpu.memory_space<vmem_shared>>) target(%arg11 : memref<128x32xbf16, #tpu.memory_space<vmem>>) offsets(%dma_start3A_413 : memref<128xi32, #tpu.memory_space<vmem>>) semaphore(%arg19 : memref<!tpu.dma_semaphore, #tpu.memory_space<semaphore_mem>>)
      } else {
      }
      %dma_wait3A_385 = arith.constant 0 : i32
      %dma_wait3A_386 = tpu.memref_slice %arg7[%add3A_318, %dma_wait3A_385] : memref<79x128xi32, #tpu.memory_space<vmem>> -> memref<1x128xi32, #tpu.memory_space<vmem>>
      %dma_wait3A_387 = tpu.memref_squeeze %dma_wait3A_386 : memref<1x128xi32, #tpu.memory_space<vmem>> -> memref<128xi32, #tpu.memory_space<vmem>>
      %dma_wait3A_388 = arith.constant 0 : i32
      %dma_wait3A_389 = arith.constant 0 : i32
      %dma_wait3A_390 = tpu.memref_slice %arg14[%dma_wait3A_388, %dma_wait3A_389] : memref<10240x32xbf16, #tpu.memory_space<vmem_shared>> -> memref<10240x32xbf16, #tpu.memory_space<vmem_shared>>
      tpu.wait_indirect_dma semaphore(%arg26 : memref<!tpu.dma_semaphore, #tpu.memory_space<semaphore_mem>>) src(%arg12 : memref<128x32xbf16, #tpu.memory_space<vmem>>) dst(%dma_wait3A_390 : memref<10240x32xbf16, #tpu.memory_space<vmem_shared>>)
      %lt3A_391 = arith.constant 12 : i32
      %lt3A_392 = arith.cmpi slt, %scan3A_242, %lt3A_391 : i32
      %convert_element_type3A_393 = arith.extui %lt3A_392 : i1 to i32
      %cond3A_394 = arith.constant 0 : i32
      %cond3A_395 = arith.cmpi ne, %convert_element_type3A_393, %cond3A_394 : i32
      scf.if %cond3A_395 {
        %add3A_407 = arith.constant 6 : i32
        %add3A_408 = arith.addi %mul3A_244, %add3A_407 : i32
        %add3A_409 = arith.constant 4 : i32
        %add3A_410 = arith.addi %add3A_408, %add3A_409 : i32
        %dma_start3A_411 = arith.constant 0 : i32
        %dma_start3A_412 = tpu.memref_slice %arg6[%add3A_410, %dma_start3A_411] : memref<79x128xi32, #tpu.memory_space<vmem>> -> memref<1x128xi32, #tpu.memory_space<vmem>>
        %dma_start3A_413 = tpu.memref_squeeze %dma_start3A_412 : memref<1x128xi32, #tpu.memory_space<vmem>> -> memref<128xi32, #tpu.memory_space<vmem>>
        %dma_start3A_414 = arith.constant 0 : i32
        %dma_start3A_415 = arith.constant 0 : i32
        %dma_start3A_416 = tpu.memref_slice %arg15[%dma_start3A_414, %dma_start3A_415] : memref<10240x32xbf16, #tpu.memory_space<vmem_shared>> -> memref<10240x32xbf16, #tpu.memory_space<vmem_shared>>
        tpu.enqueue_indirect_dma source(%dma_start3A_416 : memref<10240x32xbf16, #tpu.memory_space<vmem_shared>>) target(%arg12 : memref<128x32xbf16, #tpu.memory_space<vmem>>) offsets(%dma_start3A_413 : memref<128xi32, #tpu.memory_space<vmem>>) semaphore(%arg20 : memref<!tpu.dma_semaphore, #tpu.memory_space<semaphore_mem>>)
      } else {
      }
      %dma_wait3A_396 = arith.constant 0 : i32
      %dma_wait3A_397 = tpu.memref_slice %arg7[%add3A_334, %dma_wait3A_396] : memref<79x128xi32, #tpu.memory_space<vmem>> -> memref<1x128xi32, #tpu.memory_space<vmem>>
      %dma_wait3A_398 = tpu.memref_squeeze %dma_wait3A_397 : memref<1x128xi32, #tpu.memory_space<vmem>> -> memref<128xi32, #tpu.memory_space<vmem>>
      %dma_wait3A_399 = arith.constant 0 : i32
      %dma_wait3A_400 = arith.constant 0 : i32
      %dma_wait3A_401 = tpu.memref_slice %arg14[%dma_wait3A_399, %dma_wait3A_400] : memref<10240x32xbf16, #tpu.memory_space<vmem_shared>> -> memref<10240x32xbf16, #tpu.memory_space<vmem_shared>>
      tpu.wait_indirect_dma semaphore(%arg27 : memref<!tpu.dma_semaphore, #tpu.memory_space<semaphore_mem>>) src(%arg13 : memref<128x32xbf16, #tpu.memory_space<vmem>>) dst(%dma_wait3A_401 : memref<10240x32xbf16, #tpu.memory_space<vmem_shared>>)
      %lt3A_402 = arith.constant 12 : i32
      %lt3A_403 = arith.cmpi slt, %scan3A_242, %lt3A_402 : i32
      %convert_element_type3A_404 = arith.extui %lt3A_403 : i1 to i32
      %cond3A_405 = arith.constant 0 : i32
      %cond3A_406 = arith.cmpi ne, %convert_element_type3A_404, %cond3A_405 : i32
      scf.if %cond3A_406 {
        %add3A_407 = arith.constant 6 : i32
        %add3A_408 = arith.addi %mul3A_244, %add3A_407 : i32
        %add3A_409 = arith.constant 5 : i32
        %add3A_410 = arith.addi %add3A_408, %add3A_409 : i32
        %dma_start3A_411 = arith.constant 0 : i32
        %dma_start3A_412 = tpu.memref_slice %arg6[%add3A_410, %dma_start3A_411] : memref<79x128xi32, #tpu.memory_space<vmem>> -> memref<1x128xi32, #tpu.memory_space<vmem>>
        %dma_start3A_413 = tpu.memref_squeeze %dma_start3A_412 : memref<1x128xi32, #tpu.memory_space<vmem>> -> memref<128xi32, #tpu.memory_space<vmem>>
        %dma_start3A_414 = arith.constant 0 : i32
        %dma_start3A_415 = arith.constant 0 : i32
        %dma_start3A_416 = tpu.memref_slice %arg15[%dma_start3A_414, %dma_start3A_415] : memref<10240x32xbf16, #tpu.memory_space<vmem_shared>> -> memref<10240x32xbf16, #tpu.memory_space<vmem_shared>>
        tpu.enqueue_indirect_dma source(%dma_start3A_416 : memref<10240x32xbf16, #tpu.memory_space<vmem_shared>>) target(%arg13 : memref<128x32xbf16, #tpu.memory_space<vmem>>) offsets(%dma_start3A_413 : memref<128xi32, #tpu.memory_space<vmem>>) semaphore(%arg21 : memref<!tpu.dma_semaphore, #tpu.memory_space<semaphore_mem>>)
      } else {
      }
    }
    %scan3A_175 = arith.constant 13 : i32
    %lt3A_176 = arith.constant 4 : i32
    %lt3A_177 = arith.cmpi slt, %add3A, %lt3A_176 : i32
    %convert_element_type3A_178 = arith.extui %lt3A_177 : i1 to i32
    %cond3A_179 = arith.constant 0 : i32
    %cond3A_180 = arith.cmpi ne, %convert_element_type3A_178, %cond3A_179 : i32
    scf.if %cond3A_180 {
      %dma_start3A_242 = arith.constant 78 : i32
      %dma_start3A_243 = arith.constant 0 : i32
      %dma_start3A_244 = tpu.memref_slice %arg6[%dma_start3A_242, %dma_start3A_243] : memref<79x128xi32, #tpu.memory_space<vmem>> -> memref<1x128xi32, #tpu.memory_space<vmem>>
      %dma_start3A_245 = tpu.memref_squeeze %dma_start3A_244 : memref<1x128xi32, #tpu.memory_space<vmem>> -> memref<128xi32, #tpu.memory_space<vmem>>
      %dma_start3A_246 = arith.constant 0 : i32
      %dma_start3A_247 = arith.constant 0 : i32
      %dma_start3A_248 = tpu.memref_slice %arg15[%dma_start3A_246, %dma_start3A_247] : memref<10240x32xbf16, #tpu.memory_space<vmem_shared>> -> memref<10240x32xbf16, #tpu.memory_space<vmem_shared>>
      tpu.enqueue_indirect_dma source(%dma_start3A_248 : memref<10240x32xbf16, #tpu.memory_space<vmem_shared>>) target(%arg8 : memref<128x32xbf16, #tpu.memory_space<vmem>>) offsets(%dma_start3A_245 : memref<128xi32, #tpu.memory_space<vmem>>) semaphore(%arg16 : memref<!tpu.dma_semaphore, #tpu.memory_space<semaphore_mem>>)
      %dma_wait3A_249 = arith.constant 78 : i32
      %dma_wait3A_250 = arith.constant 0 : i32
      %dma_wait3A_251 = tpu.memref_slice %arg6[%dma_wait3A_249, %dma_wait3A_250] : memref<79x128xi32, #tpu.memory_space<vmem>> -> memref<1x128xi32, #tpu.memory_space<vmem>>
      %dma_wait3A_252 = tpu.memref_squeeze %dma_wait3A_251 : memref<1x128xi32, #tpu.memory_space<vmem>> -> memref<128xi32, #tpu.memory_space<vmem>>
      %dma_wait3A_253 = arith.constant 0 : i32
      %dma_wait3A_254 = arith.constant 0 : i32
      %dma_wait3A_255 = tpu.memref_slice %arg15[%dma_wait3A_253, %dma_wait3A_254] : memref<10240x32xbf16, #tpu.memory_space<vmem_shared>> -> memref<10240x32xbf16, #tpu.memory_space<vmem_shared>>
      tpu.wait_indirect_dma semaphore(%arg16 : memref<!tpu.dma_semaphore, #tpu.memory_space<semaphore_mem>>) src(%dma_wait3A_255 : memref<10240x32xbf16, #tpu.memory_space<vmem_shared>>) dst(%arg8 : memref<128x32xbf16, #tpu.memory_space<vmem>>)
      %run_scoped3A = arith.constant 78 : i32
      "tpu.region"() ({
        %run_scoped3A_256 = tpu.sem_alloc : memref<!tpu.dma_semaphore, #tpu.memory_space<semaphore_mem>>
        %dma_start3A_257 = arith.constant 0 : i32
        %dma_start3A_258 = tpu.memref_slice %arg7[%run_scoped3A, %dma_start3A_257] : memref<79x128xi32, #tpu.memory_space<vmem>> -> memref<1x128xi32, #tpu.memory_space<vmem>>
        %dma_start3A_259 = tpu.memref_squeeze %dma_start3A_258 : memref<1x128xi32, #tpu.memory_space<vmem>> -> memref<128xi32, #tpu.memory_space<vmem>>
        %dma_start3A_260 = arith.constant 0 : i32
        %dma_start3A_261 = arith.constant 0 : i32
        %dma_start3A_262 = tpu.memref_slice %arg14[%dma_start3A_260, %dma_start3A_261] : memref<10240x32xbf16, #tpu.memory_space<vmem_shared>> -> memref<10240x32xbf16, #tpu.memory_space<vmem_shared>>
        tpu.enqueue_indirect_dma source(%arg8 : memref<128x32xbf16, #tpu.memory_space<vmem>>) target(%dma_start3A_262 : memref<10240x32xbf16, #tpu.memory_space<vmem_shared>>) offsets(%dma_start3A_259 : memref<128xi32, #tpu.memory_space<vmem>>) semaphore(%run_scoped3A_256 : memref<!tpu.dma_semaphore, #tpu.memory_space<semaphore_mem>>) {add = true}
        %dma_wait3A_263 = arith.constant 0 : i32
        %dma_wait3A_264 = tpu.memref_slice %arg7[%run_scoped3A, %dma_wait3A_263] : memref<79x128xi32, #tpu.memory_space<vmem>> -> memref<1x128xi32, #tpu.memory_space<vmem>>
        %dma_wait3A_265 = tpu.memref_squeeze %dma_wait3A_264 : memref<1x128xi32, #tpu.memory_space<vmem>> -> memref<128xi32, #tpu.memory_space<vmem>>
        %dma_wait3A_266 = arith.constant 0 : i32
        %dma_wait3A_267 = arith.constant 0 : i32
        %dma_wait3A_268 = tpu.memref_slice %arg14[%dma_wait3A_266, %dma_wait3A_267] : memref<10240x32xbf16, #tpu.memory_space<vmem_shared>> -> memref<10240x32xbf16, #tpu.memory_space<vmem_shared>>
        tpu.wait_indirect_dma semaphore(%run_scoped3A_256 : memref<!tpu.dma_semaphore, #tpu.memory_space<semaphore_mem>>) src(%arg8 : memref<128x32xbf16, #tpu.memory_space<vmem>>) dst(%dma_wait3A_268 : memref<10240x32xbf16, #tpu.memory_space<vmem_shared>>)
        tpu.yield
      }) : () -> ()
    } else {
    }
    %barrier3A_181 = arith.constant 0 : index
    tpu.barrier barrier_id(%barrier3A_181)
    %add3A_182 = arith.constant 0 : i32
    %add3A_183 = arith.addi %mul3A_2, %add3A_182 : i32
    %dma_start3A_184 = arith.constant 0 : i32
    %dma_start3A_185 = tpu.memref_slice %arg5[%arg0, %add3A_183, %dma_start3A_184] : memref<2x10240x32xbf16, #tpu.memory_space<hbm>> -> memref<1x128x32xbf16, #tpu.memory_space<hbm>>
    %dma_start3A_186 = tpu.memref_squeeze %dma_start3A_185 : memref<1x128x32xbf16, #tpu.memory_space<hbm>> -> memref<128x32xbf16, #tpu.memory_space<hbm>>
    %dma_start3A_187 = arith.constant 0 : i32
    %dma_start3A_188 = tpu.memref_slice %arg14[%add3A_183, %dma_start3A_187] : memref<10240x32xbf16, #tpu.memory_space<vmem_shared>> -> memref<128x32xbf16, #tpu.memory_space<vmem_shared>>
    tpu.enqueue_dma source(%dma_start3A_188 : memref<128x32xbf16, #tpu.memory_space<vmem_shared>>) target(%dma_start3A_186 : memref<128x32xbf16, #tpu.memory_space<hbm>>) target_semaphore(%arg22 : memref<!tpu.dma_semaphore, #tpu.memory_space<semaphore_mem>>)
    %add3A_189 = arith.constant 128 : i32
    %add3A_190 = arith.addi %mul3A_2, %add3A_189 : i32
    %dma_start3A_191 = arith.constant 0 : i32
    %dma_start3A_192 = tpu.memref_slice %arg5[%arg0, %add3A_190, %dma_start3A_191] : memref<2x10240x32xbf16, #tpu.memory_space<hbm>> -> memref<1x128x32xbf16, #tpu.memory_space<hbm>>
    %dma_start3A_193 = tpu.memref_squeeze %dma_start3A_192 : memref<1x128x32xbf16, #tpu.memory_space<hbm>> -> memref<128x32xbf16, #tpu.memory_space<hbm>>
    %dma_start3A_194 = arith.constant 0 : i32
    %dma_start3A_195 = tpu.memref_slice %arg14[%add3A_190, %dma_start3A_194] : memref<10240x32xbf16, #tpu.memory_space<vmem_shared>> -> memref<128x32xbf16, #tpu.memory_space<vmem_shared>>
    tpu.enqueue_dma source(%dma_start3A_195 : memref<128x32xbf16, #tpu.memory_space<vmem_shared>>) target(%dma_start3A_193 : memref<128x32xbf16, #tpu.memory_space<hbm>>) target_semaphore(%arg22 : memref<!tpu.dma_semaphore, #tpu.memory_space<semaphore_mem>>)
    %add3A_196 = arith.constant 256 : i32
    %add3A_197 = arith.addi %mul3A_2, %add3A_196 : i32
    %dma_start3A_198 = arith.constant 0 : i32
    %dma_start3A_199 = tpu.memref_slice %arg5[%arg0, %add3A_197, %dma_start3A_198] : memref<2x10240x32xbf16, #tpu.memory_space<hbm>> -> memref<1x128x32xbf16, #tpu.memory_space<hbm>>
    %dma_start3A_200 = tpu.memref_squeeze %dma_start3A_199 : memref<1x128x32xbf16, #tpu.memory_space<hbm>> -> memref<128x32xbf16, #tpu.memory_space<hbm>>
    %dma_start3A_201 = arith.constant 0 : i32
    %dma_start3A_202 = tpu.memref_slice %arg14[%add3A_197, %dma_start3A_201] : memref<10240x32xbf16, #tpu.memory_space<vmem_shared>> -> memref<128x32xbf16, #tpu.memory_space<vmem_shared>>
    tpu.enqueue_dma source(%dma_start3A_202 : memref<128x32xbf16, #tpu.memory_space<vmem_shared>>) target(%dma_start3A_200 : memref<128x32xbf16, #tpu.memory_space<hbm>>) target_semaphore(%arg22 : memref<!tpu.dma_semaphore, #tpu.memory_space<semaphore_mem>>)
    %add3A_203 = arith.constant 384 : i32
    %add3A_204 = arith.addi %mul3A_2, %add3A_203 : i32
    %dma_start3A_205 = arith.constant 0 : i32
    %dma_start3A_206 = tpu.memref_slice %arg5[%arg0, %add3A_204, %dma_start3A_205] : memref<2x10240x32xbf16, #tpu.memory_space<hbm>> -> memref<1x128x32xbf16, #tpu.memory_space<hbm>>
    %dma_start3A_207 = tpu.memref_squeeze %dma_start3A_206 : memref<1x128x32xbf16, #tpu.memory_space<hbm>> -> memref<128x32xbf16, #tpu.memory_space<hbm>>
    %dma_start3A_208 = arith.constant 0 : i32
    %dma_start3A_209 = tpu.memref_slice %arg14[%add3A_204, %dma_start3A_208] : memref<10240x32xbf16, #tpu.memory_space<vmem_shared>> -> memref<128x32xbf16, #tpu.memory_space<vmem_shared>>
    tpu.enqueue_dma source(%dma_start3A_209 : memref<128x32xbf16, #tpu.memory_space<vmem_shared>>) target(%dma_start3A_207 : memref<128x32xbf16, #tpu.memory_space<hbm>>) target_semaphore(%arg22 : memref<!tpu.dma_semaphore, #tpu.memory_space<semaphore_mem>>)
    %add3A_210 = arith.constant 512 : i32
    %add3A_211 = arith.addi %mul3A_2, %add3A_210 : i32
    %dma_start3A_212 = arith.constant 0 : i32
    %dma_start3A_213 = tpu.memref_slice %arg5[%arg0, %add3A_211, %dma_start3A_212] : memref<2x10240x32xbf16, #tpu.memory_space<hbm>> -> memref<1x128x32xbf16, #tpu.memory_space<hbm>>
    %dma_start3A_214 = tpu.memref_squeeze %dma_start3A_213 : memref<1x128x32xbf16, #tpu.memory_space<hbm>> -> memref<128x32xbf16, #tpu.memory_space<hbm>>
    %dma_start3A_215 = arith.constant 0 : i32
    %dma_start3A_216 = tpu.memref_slice %arg14[%add3A_211, %dma_start3A_215] : memref<10240x32xbf16, #tpu.memory_space<vmem_shared>> -> memref<128x32xbf16, #tpu.memory_space<vmem_shared>>
    tpu.enqueue_dma source(%dma_start3A_216 : memref<128x32xbf16, #tpu.memory_space<vmem_shared>>) target(%dma_start3A_214 : memref<128x32xbf16, #tpu.memory_space<hbm>>) target_semaphore(%arg22 : memref<!tpu.dma_semaphore, #tpu.memory_space<semaphore_mem>>)
    %dma_wait3A_217 = arith.constant 0 : i32
    %dma_wait3A_218 = tpu.memref_slice %arg5[%arg0, %add3A_183, %dma_wait3A_217] : memref<2x10240x32xbf16, #tpu.memory_space<hbm>> -> memref<1x128x32xbf16, #tpu.memory_space<hbm>>
    %dma_wait3A_219 = tpu.memref_squeeze %dma_wait3A_218 : memref<1x128x32xbf16, #tpu.memory_space<hbm>> -> memref<128x32xbf16, #tpu.memory_space<hbm>>
    %dma_wait3A_220 = arith.constant 0 : i32
    %dma_wait3A_221 = tpu.memref_slice %arg14[%add3A_183, %dma_wait3A_220] : memref<10240x32xbf16, #tpu.memory_space<vmem_shared>> -> memref<128x32xbf16, #tpu.memory_space<vmem_shared>>
    tpu.wait_dma2 semaphore(%arg22 : memref<!tpu.dma_semaphore, #tpu.memory_space<semaphore_mem>>) src(%dma_wait3A_221 : memref<128x32xbf16, #tpu.memory_space<vmem_shared>>) dst(%dma_wait3A_219 : memref<128x32xbf16, #tpu.memory_space<hbm>>)
    %dma_wait3A_222 = arith.constant 0 : i32
    %dma_wait3A_223 = tpu.memref_slice %arg5[%arg0, %add3A_190, %dma_wait3A_222] : memref<2x10240x32xbf16, #tpu.memory_space<hbm>> -> memref<1x128x32xbf16, #tpu.memory_space<hbm>>
    %dma_wait3A_224 = tpu.memref_squeeze %dma_wait3A_223 : memref<1x128x32xbf16, #tpu.memory_space<hbm>> -> memref<128x32xbf16, #tpu.memory_space<hbm>>
    %dma_wait3A_225 = arith.constant 0 : i32
    %dma_wait3A_226 = tpu.memref_slice %arg14[%add3A_190, %dma_wait3A_225] : memref<10240x32xbf16, #tpu.memory_space<vmem_shared>> -> memref<128x32xbf16, #tpu.memory_space<vmem_shared>>
    tpu.wait_dma2 semaphore(%arg22 : memref<!tpu.dma_semaphore, #tpu.memory_space<semaphore_mem>>) src(%dma_wait3A_226 : memref<128x32xbf16, #tpu.memory_space<vmem_shared>>) dst(%dma_wait3A_224 : memref<128x32xbf16, #tpu.memory_space<hbm>>)
    %dma_wait3A_227 = arith.constant 0 : i32
    %dma_wait3A_228 = tpu.memref_slice %arg5[%arg0, %add3A_197, %dma_wait3A_227] : memref<2x10240x32xbf16, #tpu.memory_space<hbm>> -> memref<1x128x32xbf16, #tpu.memory_space<hbm>>
    %dma_wait3A_229 = tpu.memref_squeeze %dma_wait3A_228 : memref<1x128x32xbf16, #tpu.memory_space<hbm>> -> memref<128x32xbf16, #tpu.memory_space<hbm>>
    %dma_wait3A_230 = arith.constant 0 : i32
    %dma_wait3A_231 = tpu.memref_slice %arg14[%add3A_197, %dma_wait3A_230] : memref<10240x32xbf16, #tpu.memory_space<vmem_shared>> -> memref<128x32xbf16, #tpu.memory_space<vmem_shared>>
    tpu.wait_dma2 semaphore(%arg22 : memref<!tpu.dma_semaphore, #tpu.memory_space<semaphore_mem>>) src(%dma_wait3A_231 : memref<128x32xbf16, #tpu.memory_space<vmem_shared>>) dst(%dma_wait3A_229 : memref<128x32xbf16, #tpu.memory_space<hbm>>)
    %dma_wait3A_232 = arith.constant 0 : i32
    %dma_wait3A_233 = tpu.memref_slice %arg5[%arg0, %add3A_204, %dma_wait3A_232] : memref<2x10240x32xbf16, #tpu.memory_space<hbm>> -> memref<1x128x32xbf16, #tpu.memory_space<hbm>>
    %dma_wait3A_234 = tpu.memref_squeeze %dma_wait3A_233 : memref<1x128x32xbf16, #tpu.memory_space<hbm>> -> memref<128x32xbf16, #tpu.memory_space<hbm>>
    %dma_wait3A_235 = arith.constant 0 : i32
    %dma_wait3A_236 = tpu.memref_slice %arg14[%add3A_204, %dma_wait3A_235] : memref<10240x32xbf16, #tpu.memory_space<vmem_shared>> -> memref<128x32xbf16, #tpu.memory_space<vmem_shared>>
    tpu.wait_dma2 semaphore(%arg22 : memref<!tpu.dma_semaphore, #tpu.memory_space<semaphore_mem>>) src(%dma_wait3A_236 : memref<128x32xbf16, #tpu.memory_space<vmem_shared>>) dst(%dma_wait3A_234 : memref<128x32xbf16, #tpu.memory_space<hbm>>)
    %dma_wait3A_237 = arith.constant 0 : i32
    %dma_wait3A_238 = tpu.memref_slice %arg5[%arg0, %add3A_211, %dma_wait3A_237] : memref<2x10240x32xbf16, #tpu.memory_space<hbm>> -> memref<1x128x32xbf16, #tpu.memory_space<hbm>>
    %dma_wait3A_239 = tpu.memref_squeeze %dma_wait3A_238 : memref<1x128x32xbf16, #tpu.memory_space<hbm>> -> memref<128x32xbf16, #tpu.memory_space<hbm>>
    %dma_wait3A_240 = arith.constant 0 : i32
    %dma_wait3A_241 = tpu.memref_slice %arg14[%add3A_211, %dma_wait3A_240] : memref<10240x32xbf16, #tpu.memory_space<vmem_shared>> -> memref<128x32xbf16, #tpu.memory_space<vmem_shared>>
    tpu.wait_dma2 semaphore(%arg22 : memref<!tpu.dma_semaphore, #tpu.memory_space<semaphore_mem>>) src(%dma_wait3A_241 : memref<128x32xbf16, #tpu.memory_space<vmem_shared>>) dst(%dma_wait3A_239 : memref<128x32xbf16, #tpu.memory_space<hbm>>)
    return
  }
}

module attributes {stable_mosaic.version = 14 : i64} {
  func.func @_tc_xw_body(%arg0: i32, %arg1: memref<256x512xf32, #tpu.memory_space<vmem>>, %arg2: memref<512x128xf32, #tpu.memory_space<vmem>>, %arg3: memref<256x128xf32, #tpu.memory_space<vmem>>) attributes {dimension_semantics = [#tpu.dimension_semantics<arbitrary>], iteration_bounds = array<i64: 10>, scalar_prefetch = 0 : i64, scratch_operands = 0 : i64, tpu.core_type = #tpu.core_type<tc>, window_params = [{transform_indices = @transform_0, window_bounds = array<i64: 256, 512>}, {pipeline_mode = #tpu.pipeline_mode<synchronous>, transform_indices = @transform_1, window_bounds = array<i64: 512, 128>}, {transform_indices = @transform_2, window_bounds = array<i64: 256, 128>}]} {
    %get3A = arith.constant 0 : index
    %get3A_0 = arith.constant 0 : index
    %get3A_1 = vector.load %arg1[%get3A, %get3A_0] : memref<256x512xf32, #tpu.memory_space<vmem>>, vector<256x512xf32>
    %get3A_2 = arith.constant 0 : index
    %get3A_3 = arith.constant 0 : index
    %get3A_4 = vector.load %arg2[%get3A_2, %get3A_3] : memref<512x128xf32, #tpu.memory_space<vmem>>, vector<512x128xf32>
    %dot_general3A = arith.constant dense<0.000000e+00> : vector<256x128xf32>
    %dot_general3A_5 = tpu.matmul %get3A_1, %get3A_4, %dot_general3A {dimension_numbers = #tpu.dot_dimension_numbers<[1], [0], [0], [1], [0, 0, 1, 1], [], []>, transpose_lhs_hint = false} : vector<256x512xf32>, vector<512x128xf32>, vector<256x128xf32> -> vector<256x128xf32>
    %swap3A = arith.constant 0 : index
    %swap3A_6 = arith.constant 0 : index
    %swap3A_7 = vector.load %arg3[%swap3A, %swap3A_6] : memref<256x128xf32, #tpu.memory_space<vmem>>, vector<256x128xf32>
    tpu.vector_store %arg3[%swap3A, %swap3A_6], %dot_general3A_5 {strides = array<i32>} : memref<256x128xf32, #tpu.memory_space<vmem>>, vector<256x128xf32>,
    return
  }
  func.func @transform_0(%arg0: i32) -> (i32, i32) {
    %c0_i32 = arith.constant 0 : i32
    %c0_i32_0 = arith.constant 0 : i32
    return %arg0, %c0_i32 : i32, i32
  }
  func.func @transform_1(%arg0: i32) -> (i32, i32) {
    %c0_i32 = arith.constant 0 : i32
    %c0_i32_0 = arith.constant 0 : i32
    %c0_i32_1 = arith.constant 0 : i32
    return %c0_i32, %c0_i32_0 : i32, i32
  }
  func.func @transform_2(%arg0: i32) -> (i32, i32) {
    %c0_i32 = arith.constant 0 : i32
    %c0_i32_0 = arith.constant 0 : i32
    return %arg0, %c0_i32 : i32, i32
  }
}

module attributes {stable_mosaic.version = 14 : i64} {
  func.func @_tc_dinv_body(%arg0: i32, %arg1: memref<2x256x128xf32, #tpu.memory_space<vmem>>, %arg2: memref<256x128xf32, #tpu.memory_space<vmem>>, %arg3: memref<256x128xf32, #tpu.memory_space<vmem>>, %arg4: memref<256x128xbf16, #tpu.memory_space<vmem>>) attributes {dimension_semantics = [#tpu.dimension_semantics<arbitrary>], iteration_bounds = array<i64: 10>, scalar_prefetch = 0 : i64, scratch_operands = 0 : i64, tpu.core_type = #tpu.core_type<tc>, window_params = [{transform_indices = @transform_0, window_bounds = array<i64: 2, 256, 128>}, {transform_indices = @transform_1, window_bounds = array<i64: 256, 128>}, {transform_indices = @transform_2, window_bounds = array<i64: 256, 128>}, {transform_indices = @transform_3, window_bounds = array<i64: 256, 128>}]} {
    %get3A = arith.constant 0 : index
    %get3A_0 = arith.constant 0 : index
    %get3A_1 = arith.constant 0 : index
    %get3A_2 = vector.load %arg1[%get3A, %get3A_0, %get3A_1] : memref<2x256x128xf32, #tpu.memory_space<vmem>>, vector<1x256x128xf32>
    %get3A_3 = vector.shape_cast %get3A_2 : vector<1x256x128xf32> to vector<256x128xf32>
    %get3A_4 = arith.constant 1 : index
    %get3A_5 = arith.constant 0 : index
    %get3A_6 = arith.constant 0 : index
    %get3A_7 = vector.load %arg1[%get3A_4, %get3A_5, %get3A_6] : memref<2x256x128xf32, #tpu.memory_space<vmem>>, vector<1x256x128xf32>
    %get3A_8 = vector.shape_cast %get3A_7 : vector<1x256x128xf32> to vector<256x128xf32>
    %add3A = arith.addf %get3A_3, %get3A_8 : vector<256x128xf32>
    %add3A_9 = arith.constant 1.000000e+00 : f32
    %add3A_10 = vector.broadcast %add3A_9 : f32 to vector<256x128xf32>
    %add3A_11 = arith.addf %add3A, %add3A_10 : vector<256x128xf32>
    %rsqrt3A = math.rsqrt %add3A_11 : vector<256x128xf32>
    %swap3A = arith.constant 0 : index
    %swap3A_12 = arith.constant 0 : index
    %swap3A_13 = vector.load %arg3[%swap3A, %swap3A_12] : memref<256x128xf32, #tpu.memory_space<vmem>>, vector<256x128xf32>
    tpu.vector_store %arg3[%swap3A, %swap3A_12], %rsqrt3A {strides = array<i32>} : memref<256x128xf32, #tpu.memory_space<vmem>>, vector<256x128xf32>,
    %get3A_14 = arith.constant 0 : index
    %get3A_15 = arith.constant 0 : index
    %get3A_16 = vector.load %arg2[%get3A_14, %get3A_15] : memref<256x128xf32, #tpu.memory_space<vmem>>, vector<256x128xf32>
    %mul3A = arith.mulf %rsqrt3A, %get3A_16 : vector<256x128xf32>
    %convert_element_type3A = arith.truncf %mul3A : vector<256x128xf32> to vector<256x128xbf16>
    %swap3A_17 = arith.constant 0 : index
    %swap3A_18 = arith.constant 0 : index
    %swap3A_19 = vector.load %arg4[%swap3A_17, %swap3A_18] : memref<256x128xbf16, #tpu.memory_space<vmem>>, vector<256x128xbf16>
    tpu.vector_store %arg4[%swap3A_17, %swap3A_18], %convert_element_type3A {strides = array<i32>} : memref<256x128xbf16, #tpu.memory_space<vmem>>, vector<256x128xbf16>,
    return
  }
  func.func @transform_0(%arg0: i32) -> (i32, i32, i32) {
    %c0_i32 = arith.constant 0 : i32
    %c0_i32_0 = arith.constant 0 : i32
    %c0_i32_1 = arith.constant 0 : i32
    return %c0_i32, %arg0, %c0_i32_0 : i32, i32, i32
  }
  func.func @transform_1(%arg0: i32) -> (i32, i32) {
    %c0_i32 = arith.constant 0 : i32
    %c0_i32_0 = arith.constant 0 : i32
    return %arg0, %c0_i32 : i32, i32
  }
  func.func @transform_2(%arg0: i32) -> (i32, i32) {
    %c0_i32 = arith.constant 0 : i32
    %c0_i32_0 = arith.constant 0 : i32
    return %arg0, %c0_i32 : i32, i32
  }
  func.func @transform_3(%arg0: i32) -> (i32, i32) {
    %c0_i32 = arith.constant 0 : i32
    %c0_i32_0 = arith.constant 0 : i32
    return %arg0, %c0_i32 : i32, i32
  }
}

module attributes {stable_mosaic.version = 14 : i64} {
  func.func @_tc_layer_body(%arg0: i32, %arg1: memref<2x256x128xbf16, #tpu.memory_space<vmem>>, %arg2: memref<256x128xbf16, #tpu.memory_space<vmem>>, %arg3: memref<256x128xf32, #tpu.memory_space<vmem>>, %arg4: memref<1x128xf32, #tpu.memory_space<vmem>>, %arg5: memref<128x128xf32, #tpu.memory_space<vmem>>, %arg6: memref<256x128xf32, #tpu.memory_space<vmem>>, %arg7: memref<256x128xbf16, #tpu.memory_space<vmem>>) attributes {dimension_semantics = [#tpu.dimension_semantics<arbitrary>], iteration_bounds = array<i64: 10>, scalar_prefetch = 0 : i64, scratch_operands = 0 : i64, tpu.core_type = #tpu.core_type<tc>, window_params = [{transform_indices = @transform_0, window_bounds = array<i64: 2, 256, 128>}, {transform_indices = @transform_1, window_bounds = array<i64: 256, 128>}, {transform_indices = @transform_2, window_bounds = array<i64: 256, 128>}, {pipeline_mode = #tpu.pipeline_mode<synchronous>, transform_indices = @transform_3, window_bounds = array<i64: 1, 128>}, {pipeline_mode = #tpu.pipeline_mode<synchronous>, transform_indices = @transform_4, window_bounds = array<i64: 128, 128>}, {transform_indices = @transform_5, window_bounds = array<i64: 256, 128>}, {transform_indices = @transform_6, window_bounds = array<i64: 256, 128>}]} {
    %get3A = arith.constant 0 : index
    %get3A_0 = arith.constant 0 : index
    %get3A_1 = vector.load %arg3[%get3A, %get3A_0] : memref<256x128xf32, #tpu.memory_space<vmem>>, vector<256x128xf32>
    %get3A_2 = arith.constant 0 : index
    %get3A_3 = arith.constant 0 : index
    %get3A_4 = arith.constant 0 : index
    %get3A_5 = vector.load %arg1[%get3A_2, %get3A_3, %get3A_4] : memref<2x256x128xbf16, #tpu.memory_space<vmem>>, vector<1x256x128xbf16>
    %get3A_6 = vector.shape_cast %get3A_5 : vector<1x256x128xbf16> to vector<256x128xbf16>
    %convert_element_type3A = arith.extf %get3A_6 : vector<256x128xbf16> to vector<256x128xf32>
    %get3A_7 = arith.constant 1 : index
    %get3A_8 = arith.constant 0 : index
    %get3A_9 = arith.constant 0 : index
    %get3A_10 = vector.load %arg1[%get3A_7, %get3A_8, %get3A_9] : memref<2x256x128xbf16, #tpu.memory_space<vmem>>, vector<1x256x128xbf16>
    %get3A_11 = vector.shape_cast %get3A_10 : vector<1x256x128xbf16> to vector<256x128xbf16>
    %convert_element_type3A_12 = arith.extf %get3A_11 : vector<256x128xbf16> to vector<256x128xf32>
    %add3A = arith.addf %convert_element_type3A, %convert_element_type3A_12 : vector<256x128xf32>
    %get3A_13 = arith.constant 0 : index
    %get3A_14 = arith.constant 0 : index
    %get3A_15 = vector.load %arg2[%get3A_13, %get3A_14] : memref<256x128xbf16, #tpu.memory_space<vmem>>, vector<256x128xbf16>
    %convert_element_type3A_16 = arith.extf %get3A_15 : vector<256x128xbf16> to vector<256x128xf32>
    %add3A_17 = arith.addf %add3A, %convert_element_type3A_16 : vector<256x128xf32>
    %mul3A = arith.mulf %get3A_1, %add3A_17 : vector<256x128xf32>
    %get3A_18 = arith.constant 0 : index
    %get3A_19 = arith.constant 0 : index
    %get3A_20 = vector.load %arg4[%get3A_18, %get3A_19] : memref<1x128xf32, #tpu.memory_space<vmem>>, vector<1x128xf32>
    %add3A_21 = vector.broadcast %get3A_20 : vector<1x128xf32> to vector<256x128xf32>
    %add3A_22 = arith.addf %mul3A, %add3A_21 : vector<256x128xf32>
    %tanh3A = math.tanh %add3A_22 : vector<256x128xf32>
    %swap3A = arith.constant 0 : index
    %swap3A_23 = arith.constant 0 : index
    %swap3A_24 = vector.load %arg6[%swap3A, %swap3A_23] : memref<256x128xf32, #tpu.memory_space<vmem>>, vector<256x128xf32>
    tpu.vector_store %arg6[%swap3A, %swap3A_23], %tanh3A {strides = array<i32>} : memref<256x128xf32, #tpu.memory_space<vmem>>, vector<256x128xf32>,
    %get3A_25 = arith.constant 0 : index
    %get3A_26 = arith.constant 0 : index
    %get3A_27 = vector.load %arg5[%get3A_25, %get3A_26] : memref<128x128xf32, #tpu.memory_space<vmem>>, vector<128x128xf32>
    %dot_general3A = arith.constant dense<0.000000e+00> : vector<256x128xf32>
    %dot_general3A_28 = tpu.matmul %tanh3A, %get3A_27, %dot_general3A {dimension_numbers = #tpu.dot_dimension_numbers<[1], [0], [0], [1], [0, 0, 1, 1], [], []>, transpose_lhs_hint = false} : vector<256x128xf32>, vector<128x128xf32>, vector<256x128xf32> -> vector<256x128xf32>
    %mul3A_29 = arith.mulf %get3A_1, %dot_general3A_28 : vector<256x128xf32>
    %convert_element_type3A_30 = arith.truncf %mul3A_29 : vector<256x128xf32> to vector<256x128xbf16>
    %swap3A_31 = arith.constant 0 : index
    %swap3A_32 = arith.constant 0 : index
    %swap3A_33 = vector.load %arg7[%swap3A_31, %swap3A_32] : memref<256x128xbf16, #tpu.memory_space<vmem>>, vector<256x128xbf16>
    tpu.vector_store %arg7[%swap3A_31, %swap3A_32], %convert_element_type3A_30 {strides = array<i32>} : memref<256x128xbf16, #tpu.memory_space<vmem>>, vector<256x128xbf16>,
    return
  }
  func.func @transform_0(%arg0: i32) -> (i32, i32, i32) {
    %c0_i32 = arith.constant 0 : i32
    %c0_i32_0 = arith.constant 0 : i32
    %c0_i32_1 = arith.constant 0 : i32
    return %c0_i32, %arg0, %c0_i32_0 : i32, i32, i32
  }
  func.func @transform_1(%arg0: i32) -> (i32, i32) {
    %c0_i32 = arith.constant 0 : i32
    %c0_i32_0 = arith.constant 0 : i32
    return %arg0, %c0_i32 : i32, i32
  }
  func.func @transform_2(%arg0: i32) -> (i32, i32) {
    %c0_i32 = arith.constant 0 : i32
    %c0_i32_0 = arith.constant 0 : i32
    return %arg0, %c0_i32 : i32, i32
  }
  func.func @transform_3(%arg0: i32) -> (i32, i32) {
    %c0_i32 = arith.constant 0 : i32
    %c0_i32_0 = arith.constant 0 : i32
    %c0_i32_1 = arith.constant 0 : i32
    return %c0_i32, %c0_i32_0 : i32, i32
  }
  func.func @transform_4(%arg0: i32) -> (i32, i32) {
    %c0_i32 = arith.constant 0 : i32
    %c0_i32_0 = arith.constant 0 : i32
    %c0_i32_1 = arith.constant 0 : i32
    return %c0_i32, %c0_i32_0 : i32, i32
  }
  func.func @transform_5(%arg0: i32) -> (i32, i32) {
    %c0_i32 = arith.constant 0 : i32
    %c0_i32_0 = arith.constant 0 : i32
    return %arg0, %c0_i32 : i32, i32
  }
  func.func @transform_6(%arg0: i32) -> (i32, i32) {
    %c0_i32 = arith.constant 0 : i32
    %c0_i32_0 = arith.constant 0 : i32
    return %arg0, %c0_i32 : i32, i32
  }
}

module attributes {stable_mosaic.version = 14 : i64} {
  func.func @_tc_head_body(%arg0: i32, %arg1: memref<2x256x128xbf16, #tpu.memory_space<vmem>>, %arg2: memref<256x128xbf16, #tpu.memory_space<vmem>>, %arg3: memref<256x128xf32, #tpu.memory_space<vmem>>, %arg4: memref<1x128xf32, #tpu.memory_space<vmem>>, %arg5: memref<256x128xf32, #tpu.memory_space<vmem>>, %arg6: memref<256x128xf32, #tpu.memory_space<vmem>>, %arg7: memref<256x4xi32, #tpu.memory_space<vmem>>, %arg8: memref<256x4xi32, #tpu.memory_space<vmem>>, %arg9: memref<96x128xf32, #tpu.memory_space<vmem>>, %arg10: memref<1x128xf32, #tpu.memory_space<vmem>>, %arg11: memref<128x2xf32, #tpu.memory_space<vmem>>, %arg12: memref<1x2xf32, #tpu.memory_space<vmem>>, %arg13: memref<64x2xf32, #tpu.memory_space<vmem>>, %arg14: memref<64x96xf32, #tpu.memory_space<vmem>>) attributes {dimension_semantics = [#tpu.dimension_semantics<arbitrary>], iteration_bounds = array<i64: 10>, scalar_prefetch = 0 : i64, scratch_operands = 1 : i64, tpu.core_type = #tpu.core_type<tc>, window_params = [{transform_indices = @transform_0, window_bounds = array<i64: 2, 256, 128>}, {transform_indices = @transform_1, window_bounds = array<i64: 256, 128>}, {transform_indices = @transform_2, window_bounds = array<i64: 256, 128>}, {pipeline_mode = #tpu.pipeline_mode<synchronous>, transform_indices = @transform_3, window_bounds = array<i64: 1, 128>}, {transform_indices = @transform_4, window_bounds = array<i64: 256, 128>}, {transform_indices = @transform_5, window_bounds = array<i64: 256, 128>}, {transform_indices = @transform_6, window_bounds = array<i64: 256, 4>}, {transform_indices = @transform_7, window_bounds = array<i64: 256, 4>}, {pipeline_mode = #tpu.pipeline_mode<synchronous>, transform_indices = @transform_8, window_bounds = array<i64: 96, 128>}, {pipeline_mode = #tpu.pipeline_mode<synchronous>, transform_indices = @transform_9, window_bounds = array<i64: 1, 128>}, {pipeline_mode = #tpu.pipeline_mode<synchronous>, transform_indices = @transform_10, window_bounds = array<i64: 128, 2>}, {pipeline_mode = #tpu.pipeline_mode<synchronous>, transform_indices = @transform_11, window_bounds = array<i64: 1, 2>}, {pipeline_mode = #tpu.pipeline_mode<synchronous>, transform_indices = @transform_12, window_bounds = array<i64: 64, 2>}]} {
    %eq3A = arith.constant 0 : i32
    %eq3A_0 = arith.cmpi eq, %arg0, %eq3A : i32
    %convert_element_type3A = arith.extui %eq3A_0 : i1 to i32
    %cond3A = arith.constant 0 : i32
    %cond3A_1 = arith.cmpi ne, %convert_element_type3A, %cond3A : i32
    scf.if %cond3A_1 {
      %broadcast_in_dim3A_248 = arith.constant 0.000000e+00 : f32
      %broadcast_in_dim3A_249 = vector.broadcast %broadcast_in_dim3A_248 : f32 to vector<64x96xf32>
      %swap3A_250 = arith.constant 0 : index
      %swap3A_251 = arith.constant 0 : index
      %swap3A_252 = vector.load %arg14[%swap3A_250, %swap3A_251] : memref<64x96xf32, #tpu.memory_space<vmem>>, vector<64x96xf32>
      tpu.vector_store %arg14[%swap3A_250, %swap3A_251], %broadcast_in_dim3A_249 {strides = array<i32>} : memref<64x96xf32, #tpu.memory_space<vmem>>, vector<64x96xf32>,
    } else {
    }
    %get3A = arith.constant 0 : index
    %get3A_2 = arith.constant 0 : index
    %get3A_3 = vector.load %arg3[%get3A, %get3A_2] : memref<256x128xf32, #tpu.memory_space<vmem>>, vector<256x128xf32>
    %get3A_4 = arith.constant 0 : index
    %get3A_5 = arith.constant 0 : index
    %get3A_6 = arith.constant 0 : index
    %get3A_7 = vector.load %arg1[%get3A_4, %get3A_5, %get3A_6] : memref<2x256x128xbf16, #tpu.memory_space<vmem>>, vector<1x256x128xbf16>
    %get3A_8 = vector.shape_cast %get3A_7 : vector<1x256x128xbf16> to vector<256x128xbf16>
    %convert_element_type3A_9 = arith.extf %get3A_8 : vector<256x128xbf16> to vector<256x128xf32>
    %get3A_10 = arith.constant 1 : index
    %get3A_11 = arith.constant 0 : index
    %get3A_12 = arith.constant 0 : index
    %get3A_13 = vector.load %arg1[%get3A_10, %get3A_11, %get3A_12] : memref<2x256x128xbf16, #tpu.memory_space<vmem>>, vector<1x256x128xbf16>
    %get3A_14 = vector.shape_cast %get3A_13 : vector<1x256x128xbf16> to vector<256x128xbf16>
    %convert_element_type3A_15 = arith.extf %get3A_14 : vector<256x128xbf16> to vector<256x128xf32>
    %add3A = arith.addf %convert_element_type3A_9, %convert_element_type3A_15 : vector<256x128xf32>
    %get3A_16 = arith.constant 0 : index
    %get3A_17 = arith.constant 0 : index
    %get3A_18 = vector.load %arg2[%get3A_16, %get3A_17] : memref<256x128xbf16, #tpu.memory_space<vmem>>, vector<256x128xbf16>
    %convert_element_type3A_19 = arith.extf %get3A_18 : vector<256x128xbf16> to vector<256x128xf32>
    %add3A_20 = arith.addf %add3A, %convert_element_type3A_19 : vector<256x128xf32>
    %mul3A = arith.mulf %get3A_3, %add3A_20 : vector<256x128xf32>
    %get3A_21 = arith.constant 0 : index
    %get3A_22 = arith.constant 0 : index
    %get3A_23 = vector.load %arg4[%get3A_21, %get3A_22] : memref<1x128xf32, #tpu.memory_space<vmem>>, vector<1x128xf32>
    %add3A_24 = vector.broadcast %get3A_23 : vector<1x128xf32> to vector<256x128xf32>
    %add3A_25 = arith.addf %mul3A, %add3A_24 : vector<256x128xf32>
    %tanh3A = math.tanh %add3A_25 : vector<256x128xf32>
    %iota3A = tpu.iota {dimensions = array<i32: 1>} : vector<256x64xi32>
    %get3A_26 = arith.constant 0 : index
    %get3A_27 = arith.constant 0 : index
    %get3A_28 = vector.load %arg5[%get3A_26, %get3A_27] : memref<256x128xf32, #tpu.memory_space<vmem>>, vector<256x128xf32>
    %get3A_29 = arith.constant 0 : index
    %get3A_30 = arith.constant 0 : index
    %get3A_31 = vector.load %arg6[%get3A_29, %get3A_30] : memref<256x128xf32, #tpu.memory_space<vmem>>, vector<256x128xf32>
    %broadcast_in_dim3A = arith.constant 0.000000e+00 : f32
    %broadcast_in_dim3A_32 = vector.broadcast %broadcast_in_dim3A : f32 to vector<64x32xf32>
    %get3A_33 = arith.constant 0 : index
    %get3A_34 = arith.constant 0 : index
    %get3A_35 = vector.load %arg7[%get3A_33, %get3A_34] : memref<256x4xi32, #tpu.memory_space<vmem>>, vector<256x1xi32>
    %get3A_36 = arith.constant 0 : index
    %get3A_37 = arith.constant 0 : index
    %get3A_38 = vector.load %arg8[%get3A_36, %get3A_37] : memref<256x4xi32, #tpu.memory_space<vmem>>, vector<256x1xi32>
    %eq3A_39 = vector.broadcast %get3A_35 : vector<256x1xi32> to vector<256x64xi32>
    %eq3A_40 = arith.cmpi eq, %eq3A_39, %iota3A : vector<256x64xi32>
    %ne3A = vector.broadcast %get3A_38 : vector<256x1xi32> to vector<256x64xi32>
    %ne3A_41 = arith.cmpi ne, %ne3A, %iota3A : vector<256x64xi32>
    %and3A = arith.andi %eq3A_40, %ne3A_41 : vector<256x64xi1>
    %convert_element_type3A_42 = arith.extui %and3A : vector<256x64xi1> to vector<256x64xi32>
    %convert_element_type3A_43 = arith.sitofp %convert_element_type3A_42 : vector<256x64xi32> to vector<256x64xf32>
    %slice3A = vector.extract_strided_slice %get3A_28 {offsets = [0, 0], sizes = [256, 32], strides = [1, 1]} : vector<256x128xf32> to vector<256x32xf32>
    %dot_general3A = arith.constant dense<0.000000e+00> : vector<64x32xf32>
    %dot_general3A_44 = tpu.matmul %convert_element_type3A_43, %slice3A, %dot_general3A {dimension_numbers = #tpu.dot_dimension_numbers<[0], [0], [1], [1], [0, 1, 1, 1], [], []>, transpose_lhs_hint = false} : vector<256x64xf32>, vector<256x32xf32>, vector<64x32xf32> -> vector<64x32xf32>
    %add3A_45 = arith.addf %broadcast_in_dim3A_32, %dot_general3A_44 : vector<64x32xf32>
    %get3A_46 = arith.constant 0 : index
    %get3A_47 = arith.constant 1 : index
    %get3A_48 = vector.load %arg7[%get3A_46, %get3A_47] : memref<256x4xi32, #tpu.memory_space<vmem>>, vector<256x1xi32>
    %get3A_49 = arith.constant 0 : index
    %get3A_50 = arith.constant 1 : index
    %get3A_51 = vector.load %arg8[%get3A_49, %get3A_50] : memref<256x4xi32, #tpu.memory_space<vmem>>, vector<256x1xi32>
    %eq3A_52 = vector.broadcast %get3A_48 : vector<256x1xi32> to vector<256x64xi32>
    %eq3A_53 = arith.cmpi eq, %eq3A_52, %iota3A : vector<256x64xi32>
    %ne3A_54 = vector.broadcast %get3A_51 : vector<256x1xi32> to vector<256x64xi32>
    %ne3A_55 = arith.cmpi ne, %ne3A_54, %iota3A : vector<256x64xi32>
    %and3A_56 = arith.andi %eq3A_53, %ne3A_55 : vector<256x64xi1>
    %convert_element_type3A_57 = arith.extui %and3A_56 : vector<256x64xi1> to vector<256x64xi32>
    %convert_element_type3A_58 = arith.sitofp %convert_element_type3A_57 : vector<256x64xi32> to vector<256x64xf32>
    %slice3A_59 = vector.extract_strided_slice %get3A_28 {offsets = [0, 32], sizes = [256, 32], strides = [1, 1]} : vector<256x128xf32> to vector<256x32xf32>
    %dot_general3A_60 = arith.constant dense<0.000000e+00> : vector<64x32xf32>
    %dot_general3A_61 = tpu.matmul %convert_element_type3A_58, %slice3A_59, %dot_general3A_60 {dimension_numbers = #tpu.dot_dimension_numbers<[0], [0], [1], [1], [0, 1, 1, 1], [], []>, transpose_lhs_hint = false} : vector<256x64xf32>, vector<256x32xf32>, vector<64x32xf32> -> vector<64x32xf32>
    %add3A_62 = arith.addf %add3A_45, %dot_general3A_61 : vector<64x32xf32>
    %get3A_63 = arith.constant 0 : index
    %get3A_64 = arith.constant 2 : index
    %get3A_65 = vector.load %arg7[%get3A_63, %get3A_64] : memref<256x4xi32, #tpu.memory_space<vmem>>, vector<256x1xi32>
    %get3A_66 = arith.constant 0 : index
    %get3A_67 = arith.constant 2 : index
    %get3A_68 = vector.load %arg8[%get3A_66, %get3A_67] : memref<256x4xi32, #tpu.memory_space<vmem>>, vector<256x1xi32>
    %eq3A_69 = vector.broadcast %get3A_65 : vector<256x1xi32> to vector<256x64xi32>
    %eq3A_70 = arith.cmpi eq, %eq3A_69, %iota3A : vector<256x64xi32>
    %ne3A_71 = vector.broadcast %get3A_68 : vector<256x1xi32> to vector<256x64xi32>
    %ne3A_72 = arith.cmpi ne, %ne3A_71, %iota3A : vector<256x64xi32>
    %and3A_73 = arith.andi %eq3A_70, %ne3A_72 : vector<256x64xi1>
    %convert_element_type3A_74 = arith.extui %and3A_73 : vector<256x64xi1> to vector<256x64xi32>
    %convert_element_type3A_75 = arith.sitofp %convert_element_type3A_74 : vector<256x64xi32> to vector<256x64xf32>
    %slice3A_76 = vector.extract_strided_slice %get3A_28 {offsets = [0, 64], sizes = [256, 32], strides = [1, 1]} : vector<256x128xf32> to vector<256x32xf32>
    %dot_general3A_77 = arith.constant dense<0.000000e+00> : vector<64x32xf32>
    %dot_general3A_78 = tpu.matmul %convert_element_type3A_75, %slice3A_76, %dot_general3A_77 {dimension_numbers = #tpu.dot_dimension_numbers<[0], [0], [1], [1], [0, 1, 1, 1], [], []>, transpose_lhs_hint = false} : vector<256x64xf32>, vector<256x32xf32>, vector<64x32xf32> -> vector<64x32xf32>
    %add3A_79 = arith.addf %add3A_62, %dot_general3A_78 : vector<64x32xf32>
    %get3A_80 = arith.constant 0 : index
    %get3A_81 = arith.constant 3 : index
    %get3A_82 = vector.load %arg7[%get3A_80, %get3A_81] : memref<256x4xi32, #tpu.memory_space<vmem>>, vector<256x1xi32>
    %get3A_83 = arith.constant 0 : index
    %get3A_84 = arith.constant 3 : index
    %get3A_85 = vector.load %arg8[%get3A_83, %get3A_84] : memref<256x4xi32, #tpu.memory_space<vmem>>, vector<256x1xi32>
    %eq3A_86 = vector.broadcast %get3A_82 : vector<256x1xi32> to vector<256x64xi32>
    %eq3A_87 = arith.cmpi eq, %eq3A_86, %iota3A : vector<256x64xi32>
    %ne3A_88 = vector.broadcast %get3A_85 : vector<256x1xi32> to vector<256x64xi32>
    %ne3A_89 = arith.cmpi ne, %ne3A_88, %iota3A : vector<256x64xi32>
    %and3A_90 = arith.andi %eq3A_87, %ne3A_89 : vector<256x64xi1>
    %convert_element_type3A_91 = arith.extui %and3A_90 : vector<256x64xi1> to vector<256x64xi32>
    %convert_element_type3A_92 = arith.sitofp %convert_element_type3A_91 : vector<256x64xi32> to vector<256x64xf32>
    %slice3A_93 = vector.extract_strided_slice %get3A_28 {offsets = [0, 96], sizes = [256, 32], strides = [1, 1]} : vector<256x128xf32> to vector<256x32xf32>
    %dot_general3A_94 = arith.constant dense<0.000000e+00> : vector<64x32xf32>
    %dot_general3A_95 = tpu.matmul %convert_element_type3A_92, %slice3A_93, %dot_general3A_94 {dimension_numbers = #tpu.dot_dimension_numbers<[0], [0], [1], [1], [0, 1, 1, 1], [], []>, transpose_lhs_hint = false} : vector<256x64xf32>, vector<256x32xf32>, vector<64x32xf32> -> vector<64x32xf32>
    %add3A_96 = arith.addf %add3A_79, %dot_general3A_95 : vector<64x32xf32>
    %broadcast_in_dim3A_97 = arith.constant 0.000000e+00 : f32
    %broadcast_in_dim3A_98 = vector.broadcast %broadcast_in_dim3A_97 : f32 to vector<64x32xf32>
    %get3A_99 = arith.constant 0 : index
    %get3A_100 = arith.constant 0 : index
    %get3A_101 = vector.load %arg7[%get3A_99, %get3A_100] : memref<256x4xi32, #tpu.memory_space<vmem>>, vector<256x1xi32>
    %get3A_102 = arith.constant 0 : index
    %get3A_103 = arith.constant 0 : index
    %get3A_104 = vector.load %arg8[%get3A_102, %get3A_103] : memref<256x4xi32, #tpu.memory_space<vmem>>, vector<256x1xi32>
    %eq3A_105 = vector.broadcast %get3A_101 : vector<256x1xi32> to vector<256x64xi32>
    %eq3A_106 = arith.cmpi eq, %eq3A_105, %iota3A : vector<256x64xi32>
    %ne3A_107 = vector.broadcast %get3A_104 : vector<256x1xi32> to vector<256x64xi32>
    %ne3A_108 = arith.cmpi ne, %ne3A_107, %iota3A : vector<256x64xi32>
    %and3A_109 = arith.andi %eq3A_106, %ne3A_108 : vector<256x64xi1>
    %convert_element_type3A_110 = arith.extui %and3A_109 : vector<256x64xi1> to vector<256x64xi32>
    %convert_element_type3A_111 = arith.sitofp %convert_element_type3A_110 : vector<256x64xi32> to vector<256x64xf32>
    %slice3A_112 = vector.extract_strided_slice %get3A_31 {offsets = [0, 0], sizes = [256, 32], strides = [1, 1]} : vector<256x128xf32> to vector<256x32xf32>
    %dot_general3A_113 = arith.constant dense<0.000000e+00> : vector<64x32xf32>
    %dot_general3A_114 = tpu.matmul %convert_element_type3A_111, %slice3A_112, %dot_general3A_113 {dimension_numbers = #tpu.dot_dimension_numbers<[0], [0], [1], [1], [0, 1, 1, 1], [], []>, transpose_lhs_hint = false} : vector<256x64xf32>, vector<256x32xf32>, vector<64x32xf32> -> vector<64x32xf32>
    %add3A_115 = arith.addf %broadcast_in_dim3A_98, %dot_general3A_114 : vector<64x32xf32>
    %get3A_116 = arith.constant 0 : index
    %get3A_117 = arith.constant 1 : index
    %get3A_118 = vector.load %arg7[%get3A_116, %get3A_117] : memref<256x4xi32, #tpu.memory_space<vmem>>, vector<256x1xi32>
    %get3A_119 = arith.constant 0 : index
    %get3A_120 = arith.constant 1 : index
    %get3A_121 = vector.load %arg8[%get3A_119, %get3A_120] : memref<256x4xi32, #tpu.memory_space<vmem>>, vector<256x1xi32>
    %eq3A_122 = vector.broadcast %get3A_118 : vector<256x1xi32> to vector<256x64xi32>
    %eq3A_123 = arith.cmpi eq, %eq3A_122, %iota3A : vector<256x64xi32>
    %ne3A_124 = vector.broadcast %get3A_121 : vector<256x1xi32> to vector<256x64xi32>
    %ne3A_125 = arith.cmpi ne, %ne3A_124, %iota3A : vector<256x64xi32>
    %and3A_126 = arith.andi %eq3A_123, %ne3A_125 : vector<256x64xi1>
    %convert_element_type3A_127 = arith.extui %and3A_126 : vector<256x64xi1> to vector<256x64xi32>
    %convert_element_type3A_128 = arith.sitofp %convert_element_type3A_127 : vector<256x64xi32> to vector<256x64xf32>
    %slice3A_129 = vector.extract_strided_slice %get3A_31 {offsets = [0, 32], sizes = [256, 32], strides = [1, 1]} : vector<256x128xf32> to vector<256x32xf32>
    %dot_general3A_130 = arith.constant dense<0.000000e+00> : vector<64x32xf32>
    %dot_general3A_131 = tpu.matmul %convert_element_type3A_128, %slice3A_129, %dot_general3A_130 {dimension_numbers = #tpu.dot_dimension_numbers<[0], [0], [1], [1], [0, 1, 1, 1], [], []>, transpose_lhs_hint = false} : vector<256x64xf32>, vector<256x32xf32>, vector<64x32xf32> -> vector<64x32xf32>
    %add3A_132 = arith.addf %add3A_115, %dot_general3A_131 : vector<64x32xf32>
    %get3A_133 = arith.constant 0 : index
    %get3A_134 = arith.constant 2 : index
    %get3A_135 = vector.load %arg7[%get3A_133, %get3A_134] : memref<256x4xi32, #tpu.memory_space<vmem>>, vector<256x1xi32>
    %get3A_136 = arith.constant 0 : index
    %get3A_137 = arith.constant 2 : index
    %get3A_138 = vector.load %arg8[%get3A_136, %get3A_137] : memref<256x4xi32, #tpu.memory_space<vmem>>, vector<256x1xi32>
    %eq3A_139 = vector.broadcast %get3A_135 : vector<256x1xi32> to vector<256x64xi32>
    %eq3A_140 = arith.cmpi eq, %eq3A_139, %iota3A : vector<256x64xi32>
    %ne3A_141 = vector.broadcast %get3A_138 : vector<256x1xi32> to vector<256x64xi32>
    %ne3A_142 = arith.cmpi ne, %ne3A_141, %iota3A : vector<256x64xi32>
    %and3A_143 = arith.andi %eq3A_140, %ne3A_142 : vector<256x64xi1>
    %convert_element_type3A_144 = arith.extui %and3A_143 : vector<256x64xi1> to vector<256x64xi32>
    %convert_element_type3A_145 = arith.sitofp %convert_element_type3A_144 : vector<256x64xi32> to vector<256x64xf32>
    %slice3A_146 = vector.extract_strided_slice %get3A_31 {offsets = [0, 64], sizes = [256, 32], strides = [1, 1]} : vector<256x128xf32> to vector<256x32xf32>
    %dot_general3A_147 = arith.constant dense<0.000000e+00> : vector<64x32xf32>
    %dot_general3A_148 = tpu.matmul %convert_element_type3A_145, %slice3A_146, %dot_general3A_147 {dimension_numbers = #tpu.dot_dimension_numbers<[0], [0], [1], [1], [0, 1, 1, 1], [], []>, transpose_lhs_hint = false} : vector<256x64xf32>, vector<256x32xf32>, vector<64x32xf32> -> vector<64x32xf32>
    %add3A_149 = arith.addf %add3A_132, %dot_general3A_148 : vector<64x32xf32>
    %get3A_150 = arith.constant 0 : index
    %get3A_151 = arith.constant 3 : index
    %get3A_152 = vector.load %arg7[%get3A_150, %get3A_151] : memref<256x4xi32, #tpu.memory_space<vmem>>, vector<256x1xi32>
    %get3A_153 = arith.constant 0 : index
    %get3A_154 = arith.constant 3 : index
    %get3A_155 = vector.load %arg8[%get3A_153, %get3A_154] : memref<256x4xi32, #tpu.memory_space<vmem>>, vector<256x1xi32>
    %eq3A_156 = vector.broadcast %get3A_152 : vector<256x1xi32> to vector<256x64xi32>
    %eq3A_157 = arith.cmpi eq, %eq3A_156, %iota3A : vector<256x64xi32>
    %ne3A_158 = vector.broadcast %get3A_155 : vector<256x1xi32> to vector<256x64xi32>
    %ne3A_159 = arith.cmpi ne, %ne3A_158, %iota3A : vector<256x64xi32>
    %and3A_160 = arith.andi %eq3A_157, %ne3A_159 : vector<256x64xi1>
    %convert_element_type3A_161 = arith.extui %and3A_160 : vector<256x64xi1> to vector<256x64xi32>
    %convert_element_type3A_162 = arith.sitofp %convert_element_type3A_161 : vector<256x64xi32> to vector<256x64xf32>
    %slice3A_163 = vector.extract_strided_slice %get3A_31 {offsets = [0, 96], sizes = [256, 32], strides = [1, 1]} : vector<256x128xf32> to vector<256x32xf32>
    %dot_general3A_164 = arith.constant dense<0.000000e+00> : vector<64x32xf32>
    %dot_general3A_165 = tpu.matmul %convert_element_type3A_162, %slice3A_163, %dot_general3A_164 {dimension_numbers = #tpu.dot_dimension_numbers<[0], [0], [1], [1], [0, 1, 1, 1], [], []>, transpose_lhs_hint = false} : vector<256x64xf32>, vector<256x32xf32>, vector<64x32xf32> -> vector<64x32xf32>
    %add3A_166 = arith.addf %add3A_149, %dot_general3A_165 : vector<64x32xf32>
    %broadcast_in_dim3A_167 = arith.constant 0.000000e+00 : f32
    %broadcast_in_dim3A_168 = vector.broadcast %broadcast_in_dim3A_167 : f32 to vector<64x32xf32>
    %get3A_169 = arith.constant 0 : index
    %get3A_170 = arith.constant 0 : index
    %get3A_171 = vector.load %arg7[%get3A_169, %get3A_170] : memref<256x4xi32, #tpu.memory_space<vmem>>, vector<256x1xi32>
    %get3A_172 = arith.constant 0 : index
    %get3A_173 = arith.constant 0 : index
    %get3A_174 = vector.load %arg8[%get3A_172, %get3A_173] : memref<256x4xi32, #tpu.memory_space<vmem>>, vector<256x1xi32>
    %eq3A_175 = vector.broadcast %get3A_171 : vector<256x1xi32> to vector<256x64xi32>
    %eq3A_176 = arith.cmpi eq, %eq3A_175, %iota3A : vector<256x64xi32>
    %ne3A_177 = vector.broadcast %get3A_174 : vector<256x1xi32> to vector<256x64xi32>
    %ne3A_178 = arith.cmpi ne, %ne3A_177, %iota3A : vector<256x64xi32>
    %and3A_179 = arith.andi %eq3A_176, %ne3A_178 : vector<256x64xi1>
    %convert_element_type3A_180 = arith.extui %and3A_179 : vector<256x64xi1> to vector<256x64xi32>
    %convert_element_type3A_181 = arith.sitofp %convert_element_type3A_180 : vector<256x64xi32> to vector<256x64xf32>
    %slice3A_182 = vector.extract_strided_slice %tanh3A {offsets = [0, 0], sizes = [256, 32], strides = [1, 1]} : vector<256x128xf32> to vector<256x32xf32>
    %dot_general3A_183 = arith.constant dense<0.000000e+00> : vector<64x32xf32>
    %dot_general3A_184 = tpu.matmul %convert_element_type3A_181, %slice3A_182, %dot_general3A_183 {dimension_numbers = #tpu.dot_dimension_numbers<[0], [0], [1], [1], [0, 1, 1, 1], [], []>, transpose_lhs_hint = false} : vector<256x64xf32>, vector<256x32xf32>, vector<64x32xf32> -> vector<64x32xf32>
    %add3A_185 = arith.addf %broadcast_in_dim3A_168, %dot_general3A_184 : vector<64x32xf32>
    %get3A_186 = arith.constant 0 : index
    %get3A_187 = arith.constant 1 : index
    %get3A_188 = vector.load %arg7[%get3A_186, %get3A_187] : memref<256x4xi32, #tpu.memory_space<vmem>>, vector<256x1xi32>
    %get3A_189 = arith.constant 0 : index
    %get3A_190 = arith.constant 1 : index
    %get3A_191 = vector.load %arg8[%get3A_189, %get3A_190] : memref<256x4xi32, #tpu.memory_space<vmem>>, vector<256x1xi32>
    %eq3A_192 = vector.broadcast %get3A_188 : vector<256x1xi32> to vector<256x64xi32>
    %eq3A_193 = arith.cmpi eq, %eq3A_192, %iota3A : vector<256x64xi32>
    %ne3A_194 = vector.broadcast %get3A_191 : vector<256x1xi32> to vector<256x64xi32>
    %ne3A_195 = arith.cmpi ne, %ne3A_194, %iota3A : vector<256x64xi32>
    %and3A_196 = arith.andi %eq3A_193, %ne3A_195 : vector<256x64xi1>
    %convert_element_type3A_197 = arith.extui %and3A_196 : vector<256x64xi1> to vector<256x64xi32>
    %convert_element_type3A_198 = arith.sitofp %convert_element_type3A_197 : vector<256x64xi32> to vector<256x64xf32>
    %slice3A_199 = vector.extract_strided_slice %tanh3A {offsets = [0, 32], sizes = [256, 32], strides = [1, 1]} : vector<256x128xf32> to vector<256x32xf32>
    %dot_general3A_200 = arith.constant dense<0.000000e+00> : vector<64x32xf32>
    %dot_general3A_201 = tpu.matmul %convert_element_type3A_198, %slice3A_199, %dot_general3A_200 {dimension_numbers = #tpu.dot_dimension_numbers<[0], [0], [1], [1], [0, 1, 1, 1], [], []>, transpose_lhs_hint = false} : vector<256x64xf32>, vector<256x32xf32>, vector<64x32xf32> -> vector<64x32xf32>
    %add3A_202 = arith.addf %add3A_185, %dot_general3A_201 : vector<64x32xf32>
    %get3A_203 = arith.constant 0 : index
    %get3A_204 = arith.constant 2 : index
    %get3A_205 = vector.load %arg7[%get3A_203, %get3A_204] : memref<256x4xi32, #tpu.memory_space<vmem>>, vector<256x1xi32>
    %get3A_206 = arith.constant 0 : index
    %get3A_207 = arith.constant 2 : index
    %get3A_208 = vector.load %arg8[%get3A_206, %get3A_207] : memref<256x4xi32, #tpu.memory_space<vmem>>, vector<256x1xi32>
    %eq3A_209 = vector.broadcast %get3A_205 : vector<256x1xi32> to vector<256x64xi32>
    %eq3A_210 = arith.cmpi eq, %eq3A_209, %iota3A : vector<256x64xi32>
    %ne3A_211 = vector.broadcast %get3A_208 : vector<256x1xi32> to vector<256x64xi32>
    %ne3A_212 = arith.cmpi ne, %ne3A_211, %iota3A : vector<256x64xi32>
    %and3A_213 = arith.andi %eq3A_210, %ne3A_212 : vector<256x64xi1>
    %convert_element_type3A_214 = arith.extui %and3A_213 : vector<256x64xi1> to vector<256x64xi32>
    %convert_element_type3A_215 = arith.sitofp %convert_element_type3A_214 : vector<256x64xi32> to vector<256x64xf32>
    %slice3A_216 = vector.extract_strided_slice %tanh3A {offsets = [0, 64], sizes = [256, 32], strides = [1, 1]} : vector<256x128xf32> to vector<256x32xf32>
    %dot_general3A_217 = arith.constant dense<0.000000e+00> : vector<64x32xf32>
    %dot_general3A_218 = tpu.matmul %convert_element_type3A_215, %slice3A_216, %dot_general3A_217 {dimension_numbers = #tpu.dot_dimension_numbers<[0], [0], [1], [1], [0, 1, 1, 1], [], []>, transpose_lhs_hint = false} : vector<256x64xf32>, vector<256x32xf32>, vector<64x32xf32> -> vector<64x32xf32>
    %add3A_219 = arith.addf %add3A_202, %dot_general3A_218 : vector<64x32xf32>
    %get3A_220 = arith.constant 0 : index
    %get3A_221 = arith.constant 3 : index
    %get3A_222 = vector.load %arg7[%get3A_220, %get3A_221] : memref<256x4xi32, #tpu.memory_space<vmem>>, vector<256x1xi32>
    %get3A_223 = arith.constant 0 : index
    %get3A_224 = arith.constant 3 : index
    %get3A_225 = vector.load %arg8[%get3A_223, %get3A_224] : memref<256x4xi32, #tpu.memory_space<vmem>>, vector<256x1xi32>
    %eq3A_226 = vector.broadcast %get3A_222 : vector<256x1xi32> to vector<256x64xi32>
    %eq3A_227 = arith.cmpi eq, %eq3A_226, %iota3A : vector<256x64xi32>
    %ne3A_228 = vector.broadcast %get3A_225 : vector<256x1xi32> to vector<256x64xi32>
    %ne3A_229 = arith.cmpi ne, %ne3A_228, %iota3A : vector<256x64xi32>
    %and3A_230 = arith.andi %eq3A_227, %ne3A_229 : vector<256x64xi1>
    %convert_element_type3A_231 = arith.extui %and3A_230 : vector<256x64xi1> to vector<256x64xi32>
    %convert_element_type3A_232 = arith.sitofp %convert_element_type3A_231 : vector<256x64xi32> to vector<256x64xf32>
    %slice3A_233 = vector.extract_strided_slice %tanh3A {offsets = [0, 96], sizes = [256, 32], strides = [1, 1]} : vector<256x128xf32> to vector<256x32xf32>
    %dot_general3A_234 = arith.constant dense<0.000000e+00> : vector<64x32xf32>
    %dot_general3A_235 = tpu.matmul %convert_element_type3A_232, %slice3A_233, %dot_general3A_234 {dimension_numbers = #tpu.dot_dimension_numbers<[0], [0], [1], [1], [0, 1, 1, 1], [], []>, transpose_lhs_hint = false} : vector<256x64xf32>, vector<256x32xf32>, vector<64x32xf32> -> vector<64x32xf32>
    %add3A_236 = arith.addf %add3A_219, %dot_general3A_235 : vector<64x32xf32>
    %get3A_237 = arith.constant 0 : index
    %get3A_238 = arith.constant 0 : index
    %get3A_239 = vector.load %arg14[%get3A_237, %get3A_238] : memref<64x96xf32, #tpu.memory_space<vmem>>, vector<64x96xf32>
    %concatenate3A = tpu.concatenate %add3A_96, %add3A_166, %add3A_236 in 1 : vector<64x32xf32>, vector<64x32xf32>, vector<64x32xf32> -> vector<64x96xf32>
    %add3A_240 = arith.addf %get3A_239, %concatenate3A : vector<64x96xf32>
    %swap3A = arith.constant 0 : index
    %swap3A_241 = arith.constant 0 : index
    %swap3A_242 = vector.load %arg14[%swap3A, %swap3A_241] : memref<64x96xf32, #tpu.memory_space<vmem>>, vector<64x96xf32>
    tpu.vector_store %arg14[%swap3A, %swap3A_241], %add3A_240 {strides = array<i32>} : memref<64x96xf32, #tpu.memory_space<vmem>>, vector<64x96xf32>,
    %eq3A_243 = arith.constant 9 : i32
    %eq3A_244 = arith.cmpi eq, %arg0, %eq3A_243 : i32
    %convert_element_type3A_245 = arith.extui %eq3A_244 : i1 to i32
    %cond3A_246 = arith.constant 0 : i32
    %cond3A_247 = arith.cmpi ne, %convert_element_type3A_245, %cond3A_246 : i32
    scf.if %cond3A_247 {
      %get3A_248 = arith.constant 0 : index
      %get3A_249 = arith.constant 0 : index
      %get3A_250 = vector.load %arg14[%get3A_248, %get3A_249] : memref<64x96xf32, #tpu.memory_space<vmem>>, vector<64x96xf32>
      %get3A_251 = arith.constant 0 : index
      %get3A_252 = arith.constant 0 : index
      %get3A_253 = vector.load %arg9[%get3A_251, %get3A_252] : memref<96x128xf32, #tpu.memory_space<vmem>>, vector<96x128xf32>
      %dot_general3A_254 = arith.constant dense<0.000000e+00> : vector<64x128xf32>
      %dot_general3A_255 = tpu.matmul %get3A_250, %get3A_253, %dot_general3A_254 {dimension_numbers = #tpu.dot_dimension_numbers<[1], [0], [0], [1], [0, 0, 1, 1], [], []>, transpose_lhs_hint = false} : vector<64x96xf32>, vector<96x128xf32>, vector<64x128xf32> -> vector<64x128xf32>
      %get3A_256 = arith.constant 0 : index
      %get3A_257 = arith.constant 0 : index
      %get3A_258 = vector.load %arg10[%get3A_256, %get3A_257] : memref<1x128xf32, #tpu.memory_space<vmem>>, vector<1x128xf32>
      %add3A_259 = vector.broadcast %get3A_258 : vector<1x128xf32> to vector<64x128xf32>
      %add3A_260 = arith.addf %dot_general3A_255, %add3A_259 : vector<64x128xf32>
      %max3A = arith.constant 0.000000e+00 : f32
      %max3A_261 = vector.broadcast %max3A : f32 to vector<64x128xf32>
      %max3A_262 = arith.maximumf %add3A_260, %max3A_261 : vector<64x128xf32>
      %get3A_263 = arith.constant 0 : index
      %get3A_264 = arith.constant 0 : index
      %get3A_265 = vector.load %arg11[%get3A_263, %get3A_264] : memref<128x2xf32, #tpu.memory_space<vmem>>, vector<128x2xf32>
      %dot_general3A_266 = arith.constant dense<0.000000e+00> : vector<64x2xf32>
      %dot_general3A_267 = tpu.matmul %max3A_262, %get3A_265, %dot_general3A_266 {dimension_numbers = #tpu.dot_dimension_numbers<[1], [0], [0], [1], [0, 0, 1, 1], [], []>, transpose_lhs_hint = false} : vector<64x128xf32>, vector<128x2xf32>, vector<64x2xf32> -> vector<64x2xf32>
      %get3A_268 = arith.constant 0 : index
      %get3A_269 = arith.constant 0 : index
      %get3A_270 = vector.load %arg12[%get3A_268, %get3A_269] : memref<1x2xf32, #tpu.memory_space<vmem>>, vector<1x2xf32>
      %add3A_271 = vector.broadcast %get3A_270 : vector<1x2xf32> to vector<64x2xf32>
      %add3A_272 = arith.addf %dot_general3A_267, %add3A_271 : vector<64x2xf32>
      %reduce_max3A = arith.constant dense<0xFF800000> : vector<64xf32>
      %reduce_max3A_273 = vector.multi_reduction <maximumf>, %add3A_272, %reduce_max3A [1] : vector<64x2xf32> to vector<64xf32>
      %broadcast_in_dim3A_274 = vector.shape_cast %reduce_max3A_273 : vector<64xf32> to vector<64x1xf32>
      %sub3A = vector.broadcast %broadcast_in_dim3A_274 : vector<64x1xf32> to vector<64x2xf32>
      %sub3A_275 = arith.subf %add3A_272, %sub3A : vector<64x2xf32>
      %exp3A = math.exp %sub3A_275 : vector<64x2xf32>
      %reduce_sum3A = arith.constant dense<0.000000e+00> : vector<64xf32>
      %reduce_sum3A_276 = vector.multi_reduction <add>, %exp3A, %reduce_sum3A [1] : vector<64x2xf32> to vector<64xf32>
      %broadcast_in_dim3A_277 = vector.shape_cast %reduce_sum3A_276 : vector<64xf32> to vector<64x1xf32>
      %log3A = math.log %broadcast_in_dim3A_277 : vector<64x1xf32>
      %add3A_278 = arith.addf %broadcast_in_dim3A_274, %log3A : vector<64x1xf32>
      %sub3A_279 = vector.broadcast %add3A_278 : vector<64x1xf32> to vector<64x2xf32>
      %sub3A_280 = arith.subf %add3A_272, %sub3A_279 : vector<64x2xf32>
      %swap3A_281 = arith.constant 0 : index
      %swap3A_282 = arith.constant 0 : index
      %swap3A_283 = vector.load %arg13[%swap3A_281, %swap3A_282] : memref<64x2xf32, #tpu.memory_space<vmem>>, vector<64x2xf32>
      tpu.vector_store %arg13[%swap3A_281, %swap3A_282], %sub3A_280 {strides = array<i32>} : memref<64x2xf32, #tpu.memory_space<vmem>>, vector<64x2xf32>,
    } else {
    }
    return
  }
  func.func @transform_0(%arg0: i32) -> (i32, i32, i32) {
    %c0_i32 = arith.constant 0 : i32
    %c0_i32_0 = arith.constant 0 : i32
    %c0_i32_1 = arith.constant 0 : i32
    return %c0_i32, %arg0, %c0_i32_0 : i32, i32, i32
  }
  func.func @transform_1(%arg0: i32) -> (i32, i32) {
    %c0_i32 = arith.constant 0 : i32
    %c0_i32_0 = arith.constant 0 : i32
    return %arg0, %c0_i32 : i32, i32
  }
  func.func @transform_2(%arg0: i32) -> (i32, i32) {
    %c0_i32 = arith.constant 0 : i32
    %c0_i32_0 = arith.constant 0 : i32
    return %arg0, %c0_i32 : i32, i32
  }
  func.func @transform_3(%arg0: i32) -> (i32, i32) {
    %c0_i32 = arith.constant 0 : i32
    %c0_i32_0 = arith.constant 0 : i32
    %c0_i32_1 = arith.constant 0 : i32
    return %c0_i32, %c0_i32_0 : i32, i32
  }
  func.func @transform_4(%arg0: i32) -> (i32, i32) {
    %c0_i32 = arith.constant 0 : i32
    %c0_i32_0 = arith.constant 0 : i32
    return %arg0, %c0_i32 : i32, i32
  }
  func.func @transform_5(%arg0: i32) -> (i32, i32) {
    %c0_i32 = arith.constant 0 : i32
    %c0_i32_0 = arith.constant 0 : i32
    return %arg0, %c0_i32 : i32, i32
  }
  func.func @transform_6(%arg0: i32) -> (i32, i32) {
    %c0_i32 = arith.constant 0 : i32
    %c0_i32_0 = arith.constant 0 : i32
    return %arg0, %c0_i32 : i32, i32
  }
  func.func @transform_7(%arg0: i32) -> (i32, i32) {
    %c0_i32 = arith.constant 0 : i32
    %c0_i32_0 = arith.constant 0 : i32
    return %arg0, %c0_i32 : i32, i32
  }
  func.func @transform_8(%arg0: i32) -> (i32, i32) {
    %c0_i32 = arith.constant 0 : i32
    %c0_i32_0 = arith.constant 0 : i32
    %c0_i32_1 = arith.constant 0 : i32
    return %c0_i32, %c0_i32_0 : i32, i32
  }
  func.func @transform_9(%arg0: i32) -> (i32, i32) {
    %c0_i32 = arith.constant 0 : i32
    %c0_i32_0 = arith.constant 0 : i32
    %c0_i32_1 = arith.constant 0 : i32
    return %c0_i32, %c0_i32_0 : i32, i32
  }
  func.func @transform_10(%arg0: i32) -> (i32, i32) {
    %c0_i32 = arith.constant 0 : i32
    %c0_i32_0 = arith.constant 0 : i32
    %c0_i32_1 = arith.constant 0 : i32
    return %c0_i32, %c0_i32_0 : i32, i32
  }
  func.func @transform_11(%arg0: i32) -> (i32, i32) {
    %c0_i32 = arith.constant 0 : i32
    %c0_i32_0 = arith.constant 0 : i32
    %c0_i32_1 = arith.constant 0 : i32
    return %c0_i32, %c0_i32_0 : i32, i32
  }
  func.func @transform_12(%arg0: i32) -> (i32, i32) {
    %c0_i32 = arith.constant 0 : i32
    %c0_i32_0 = arith.constant 0 : i32
    %c0_i32_1 = arith.constant 0 : i32
    return %c0_i32, %c0_i32_0 : i32, i32
  }
}

</mosaic_0001>

<sc_bundles>
// kernel: kernel.11.cloned.1.call-start
scs
__scs_entry_jumppad:
0x0: {  	(pc) =	sbr.rel $0x88, $3  }
0x1: {  	(tag) =	ssettag $0x0;
	lr =	simm.s32 $0x1  }
0x2: {  	[smem:$0x3F94] =	sst lr;
	_ =	strace $0xD0000000  }
0x3: {  	_ = 	snop  }
0x4: {  	_ = 	snop  }
0x5: {  	_ = 	snop  }
0x6: {  	_ = 	snop  }
0x7: {  	_ = 	snop  }
__scs_overlays_trampoline_lowered:
0x8: {  	[smem:$0x3FA3] =	sst s0  }
0x9: {  	[smem:$0x3FA4] =	sst s1  }
0xa: {  	[smem:$0x3FA5] =	sst s2  }
0xb: {  	[smem:$0x3FA6] =	sst s3  }
0xc: {  	[smem:$0x3FA7] =	sst s4  }
0xd: {  	[smem:$0x3FA8] =	sst s5  }
0xe: {  	[smem:$0x3FA9] =	sst s6  }
0xf: {  	[smem:$0x3FAA] =	sst s7  }
0x10: {  	[smem:$0x3FAB] =	sst s8  }
0x11: {  	[smem:$0x3FAC] =	sst s9;
	s0 =	simm.s32 @!p0 $0x0  }
0x12: {  	s1 =	sld [smem:$0x3F92];
	s0 =	simm.s32 @p0 $0x1  }
0x13: {  	[smem:$0x3FAD] =	sst s0;
	s0 =	simm.s32 @!p1 $0x0  }
0x14: {  	s2 =	sld [smem:$0x3F91];
	s0 =	simm.s32 @p1 $0x1  }
0x15: {  	[smem:$0x3FAE] =	sst s0;
	s0 =	simm.s32 @!p2 $0x0  }
0x16: {  	s3 =	sld [smem:$0x3FDB];
	s0 =	simm.s32 @p2 $0x1  }
0x17: {  	s4 =	simm.s32 $0x1BF5;
	[smem:$0x3FB0] =	sst s0  }
0x18: {  	s0 =	sld [smem:$0x3F93];
	_ =	swait.ge [sflag:s4], $0x0  }
0x19: {  	s7 =	sld [smem:$0x3F94]  }
0x1a: {  	s8 =	sadd.s32 $0xFFFFE003, lr  }
0x1b: {  	s9 =	sadd.s32 $0xFFFFFEF7, lr;
	s5 =	simm.s32 $0xFFFFFFFF;
	p2 =	slt.u32 s8, $0xFFFFF086  }
0x1c: {  	p1 =	slt.u32 s9, $0xF7A;
	s5 =	simm.s32 @!p2 $0x0  }
0x1d: {  	s5 =	simm.s32 @p1 $0x1;
	p0 =	seq.s32 s7, s2  }
0x1e: {  	s7 =	smul.u32 @!p0 $0xF7A, s2;
	p2 =	seq.s32 @!p0 s5, $0x0  }
0x1f: {  	s9 =	smul.u32 $0xF7A, s1;
	s8 =	simm.s32 @!p0 $0x1BF5;
	p2 =	por !p2, p0  }
0x20: {  	[sflag:s8] =	ssyncset.s32 @!p0 $0xFFFFF086;
	s6 =	sadd.s32 @!p0 s3, s7;
	s7 =	simm.s32 @!p0 $0x108  }
0x21: {  	s3 =	sadd.s32 s3, s9;
	s6 =	sadd.s32 @!p0 $0x88, s6;
	s7 =	simm.s32 @p2 $0x1082  }
0x22: {  	[simem:s7], [sflag:s8] =	dma.local @!p0 [hbm:s6], $0xF7A  }
0x23: {  	s9 =	sor.u32 $0xD0000000, s2;
	s6 =	simm.s32 $0x108;
	_ =	swait.ge @!p0 [sflag:s8], $0x0  }
0x24: {  	s3 =	sadd.s32 $0x88, s3;
	s6 =	simm.s32 @!p1 $0x1082;
	[sflag:s4] =	ssyncset.s32 $0xFFFFF086  }
0x25: {  	[simem:s6], [sflag:s4] =	dma.local [hbm:s3], $0xF7A  }
0x26: {  	[smem:$0x3F94] =	sst s1;
	(tag) =	ssettag s2;
	_ =	strace s9  }
0x27: {  	s1 =	sld [smem:$0x3FA4]  }
0x28: {  	s2 =	sld [smem:$0x3FA5]  }
0x29: {  	s4 =	sld [smem:$0x3FA7]  }
0x2a: {  	p0 =	seq.s32 s5, $0x0;
	s5 =	sld [smem:$0x3FA8]  }
0x2b: {  	s6 =	sld [smem:$0x3FA9]  }
0x2c: {  	s7 =	sld [smem:$0x3FAA]  }
0x2d: {  	s3 =	simm.s32 $0x108;
	s8 =	sld [smem:$0x3FAB]  }
0x2e: {  	s3 =	simm.s32 @!p0 $0x1082;
	s9 =	sld [smem:$0x3FAC]  }
0x2f: {  	lr =	sadd.s32 s0, s3;
	s0 =	sld [smem:$0x3FA3]  }
0x30: {  	s3 =	sld [smem:$0x3FA6]  }
0x31: {  	[smem:$0x3FAF] =	sst s10  }
0x32: {  	s10 =	sld [smem:$0x3FAD];
	_ =	sdelay $0x3  }
0x33: {  	p0 =	seq.s32 s10, $0x1;
	s10 =	sld [smem:$0x3FAF];
	_ =	sdelay $0x3  }
0x34: {  	[smem:$0x3FAF] =	sst s10  }
0x35: {  	s10 =	sld [smem:$0x3FAE];
	_ =	sdelay $0x3  }
0x36: {  	p1 =	seq.s32 s10, $0x1;
	s10 =	sld [smem:$0x3FAF];
	_ =	sdelay $0x3  }
0x37: {  	[smem:$0x3FAF] =	sst s10  }
0x38: {  	s10 =	sld [smem:$0x3FB0]  }
0x39: {  	_ = 	snop;
	(pc) =	sbr.ind lr, $3  }
0x3a: {  	_ = 	snop  }
0x3b: {  	_ = 	snop  }
0x3c: {  	p2 =	seq.s32 s10, $0x1;
	s10 =	sld [smem:$0x3FAF]  }
0x3d: {  	_ =	shalt  }
0x3e: {  	_ =	shalt  }
0x3f: {  	_ =	shalt  }
0x40: {  	_ =	shalt  }
0x41: {  	_ =	shalt  }
0x42: {  	_ =	shalt  }
0x43: {  	_ =	shalt  }
0x44: {  	_ =	shalt  }
0x45: {  	_ =	shalt  }
0x46: {  	_ =	shalt  }
0x47: {  	_ =	shalt  }
0x48: {  	_ =	shalt  }
0x49: {  	_ =	shalt  }
0x4a: {  	_ =	shalt  }
0x4b: {  	_ =	shalt  }
0x4c: {  	_ =	shalt  }
0x4d: {  	_ =	shalt  }
0x4e: {  	_ =	shalt  }
0x4f: {  	_ =	shalt  }
0x50: {  	_ =	shalt  }
0x51: {  	_ =	shalt  }
0x52: {  	_ =	shalt  }
0x53: {  	_ =	shalt  }
0x54: {  	_ =	shalt  }
0x55: {  	_ =	shalt  }
0x56: {  	_ =	shalt  }
0x57: {  	_ =	shalt  }
0x58: {  	_ =	shalt  }
0x59: {  	_ =	shalt  }
0x5a: {  	_ =	shalt  }
0x5b: {  	_ =	shalt  }
0x5c: {  	_ =	shalt  }
0x5d: {  	_ =	shalt  }
0x5e: {  	_ =	shalt  }
0x5f: {  	_ =	shalt  }
0x60: {  	_ =	shalt  }
0x61: {  	_ =	shalt  }
0x62: {  	_ =	shalt  }
0x63: {  	_ =	shalt  }
0x64: {  	_ =	shalt  }
0x65: {  	_ =	shalt  }
0x66: {  	_ =	shalt  }
0x67: {  	_ =	shalt  }
0x68: {  	_ =	shalt  }
0x69: {  	_ =	shalt  }
0x6a: {  	_ =	shalt  }
0x6b: {  	_ =	shalt  }
0x6c: {  	_ =	shalt  }
0x6d: {  	_ =	shalt  }
0x6e: {  	_ =	shalt  }
0x6f: {  	_ =	shalt  }
0x70: {  	_ =	shalt  }
0x71: {  	_ =	shalt  }
0x72: {  	_ =	shalt  }
0x73: {  	_ =	shalt  }
0x74: {  	_ =	shalt  }
0x75: {  	_ =	shalt  }
0x76: {  	_ =	shalt  }
0x77: {  	_ =	shalt  }
0x78: {  	_ =	shalt  }
0x79: {  	_ =	shalt  }
0x7a: {  	_ =	shalt  }
0x7b: {  	_ =	shalt  }
0x7c: {  	_ =	shalt  }
0x7d: {  	_ =	shalt  }
0x7e: {  	_ =	shalt  }
0x7f: {  	_ =	shalt  }
0x80: {  	_ =	shalt  }
0x81: {  	_ =	shalt  }
0x82: {  	_ =	shalt  }
0x83: {  	_ =	shalt  }
0x84: {  	_ =	shalt  }
0x85: {  	_ =	shalt  }
0x86: {  	_ =	shalt  }
0x87: {  	_ =	shalt  }
.Lfunc_end0:
.L_simem_size_0:
called_computation_lowered:
.L_overlay_start_0:
0x88: {  	s2 =	sld [smem:$0x3FD9]  }
0x89: {  	s3 =	sld [smem:$0x3FFE];
	_ =	sdelay $0x1  }
0x8a: {  	s1 =	srdreg.scid  }
0x8b: {  	s0 =	sand.u32 $0x1, s1  }
0x8c: {  	s16 =	sshll.u32 s0, $0xA;
	s2 =	sadd.s32 s3, s2  }
0x8d: {  	s2 =	sadd.s32 s2, s16  }
0x8e: {  	[smem:$0x3FBB] =	sst s2  }
0x8f: {  	_ = 	snop  }
0x90: {  	(tm) =	ssettm $0x1  }
0x91: {  	s17 =	sld [smem:$0x3FFB];
	_ =	sdelay $0x3  }
0x92: {  	_ =	strace s17  }
0x93: {  	s2 =	sld [smem:$0x3FFC];
	_ =	sdelay $0x3  }
0x94: {  	_ =	strace s2  }
0x95: {  	s2 =	sld [smem:$0x3FFD];
	_ =	sdelay $0x3  }
0x96: {  	_ =	strace s2  }
0x97: {  	_ =	strace $0x8FFFFFFF  }
0x98: {  	s18 =	sld [smem:$0x3FDB];
	_ =	sdelay $0x1  }
0x99: {  	s19 =	simm.s32 $_scs_section_size  }
0x9a: {  	s4 =	simm.s32 $_size__tile_overlayer_lowered;
	s5 =	simm.s32 $_tile_overlayer_lowered  }
0x9b: {  	s22 =	simm.s32 $0x1BFF;
	s21 =	sshll.u32 s5, $0x1;
	s2 =	sadd.s32 s19, s18  }
0x9c: {  	s6 =	simm.s32 $0x0;
	s20 =	sshll.u32 s4, $0x1;
	s4 =	sadd.s32 s21, s2  }
0x9d: {  	[timem:s6], [sflag:s22] =	dma.local [hbm:s4], s20  }
0x9e: {  	_ =	swait.ge [sflag:s22], s20  }
0x9f: {  	s3 =	ssub.s32 $0x0, s20;
	[sflag:s22] =	ssyncset.done $0x0  }
0xa0: {  	[sflag:s22] =	ssyncadd.s32 s3;
	_ =	sdelay $0x1  }
0xa1: {  	s23 =	simm.s32 $0x1B8B  }
0xa2: {  	_ =	swait.ge [sflag:s23], $0x1  }
0xa3: {  	[sflag:s23] =	ssyncset.done $0x0  }
0xa4: {  	s25 =	simm.s32 $0x1B8E;
	s24 =	sld [smem:$0x3FFE];
	[sflag:s23] =	ssyncadd.s32 $0xFFFFFFFF  }
0xa5: {  	s26 =	simm.s32 $execute0_lowered;
	[smem:$0x3FD2] =	sst s25  }
0xa6: {  	s4 =	sshll.u32 s26, $0x1;
	_ =	strace $0x80000046;
	[dreg:$0x1] =	wrdreg $0xFFFFFFFF  }
0xa7: {  	s28 =	simm.s32 $_size_execute0_lowered;
	s2 =	sadd.s32 s2, s4;
	[dreg:$0x0] =	wrdreg $0x0  }
0xa8: {  	s4 =	sshll.u32 s28, $0x1;
	[dreg:$0x2] =	wrdreg s2  }
0xa9: {  	[dreg:$0x3] =	wrdreg s4  }
0xaa: {  	[dreg:$0x4] =	wrdreg $0xC0  }
0xab: {  	_ =	task [dreg:s6], $0x5FFFF  }
0xac: {  	[dreg:$0x1] =	wrdreg $0xFFFFFFFF  }
0xad: {  	[dreg:$0x0] =	wrdreg $0x60  }
0xae: {  	[dreg:$0x2] =	wrdreg s24  }
0xaf: {  	[dreg:$0x3] =	wrdreg $0x37800  }
0xb0: {  	[dreg:$0x4] =	wrdreg $0x9  }
0xb1: {  	_ =	task.clear_ibuf [dreg:s6], $0x5FFFF;
	_ =	strace $0x90000046  }
0xb2: {  	s29 =	simm.s32 $0x9;
	_ =	strace $0x80000048  }
0xb3: {  	_ =	swait.ge [sflag:s29], $0x1  }
0xb4: {  	[sflag:s29] =	ssyncadd.s32 $0xFFFFFFFF  }
0xb5: {  	_ =	strace $0x90000048  }
0xb6: {  	_ =	sfence  }
0xb7: {  	s30 =	sld [smem:$0x0];
	_ =	sdelay $0x2  }
0xb8: {  	s31 =	sshll.u32 s1, $0xD;
	s1 =	sshrl.u32 s1, $0x2  }
0xb9: {  	s3 =	sand.u32 $0x4000, s31;
	s1 =	sadd.s32 s1, s30  }
0xba: {  	s0 =	sor.u32 s3, s0;
	s1 =	sshll.u32 s1, $0x11  }
0xbb: {  	s0 =	sor.u32 s1, s0  }
0xbc: {  	s0 =	sadd.s32 $0x8F2B, s0  }
0xbd: {  	[sflag:s0] =	ssyncadd.remote.s32 $0x1  }
0xbe: {  	_ =	sfence.sel $0xFFFF  }
0xbf: {  	[dreg:$0x0] =	wrdreg $0xFFFFFFFF;
	(pc) =	sbr.abs _section_cstart, $3  }
0xc0: {  	[dreg:$0x1] =	wrdreg $0xFFFFFFFF  }
0xc1: {  	_ =	task.clear_ibuf [dreg:s6], $0x2FFFF;
	_ =	strace $0x9FFFFFFF  }
0xc2: {  	(tm) =	ssettm $0x7FFFFFFF  }
0xc3: {  	_ =	shalt  }
tec
execute0_lowered:
.L_overlay_start_1:
0x0: {  	(tag) =	ssettag $0x1  }
0x1: {  	s0 =	srdreg.scid  }
0x2: {  	s3 =	stileid.u32;
	s6 =	rddreg [dreg:$0x0]  }
0x3: {  	s2 =	rddreg [dreg:$0x1];
	s5 =	simm.s32 $0x0;
	s21 =	simm.s32 $0x3  }
0x4: {  	s22 =	simm.s32 $0x2;
	s23 =	simm.s32 $0x1;
	s24 =	simm.s32 $0x80  }
0x5: {  	s25 =	simm.s32 $0x0;
	s0 =	sand.u32 $0x1, s0;
	s1 =	sshll.u32 s3, $0x1  }
0x6: {  	[smem:$0x7FF] =	sst s5;
	s26 =	sadd.s32 $0x17000, s6;
	s12 =	smul.u32 $0x5000, s3  }
0x7: {  	s18 =	sadd.s32 $0x17400, s6;
	s28 =	sshll.u32 s3, $0x6;
	p0 =	sgt.u32 s3, $0x1  }
0x8: {  	s1 =	sor.u32 s0, s1;
	s7 =	ssub.s32 $0x2, s0;
	s0 =	smul.u32 $0x50000, s0  }
0x9: {  	_ =	strace $0x80000047;
	[dreg:$0x3] =	wrdreg s26;
	s4 =	smul.u32 $0x4E, s1  }
0xa: {  	s1 =	smin.u32 s1, $0x4;
	s8 =	sshrl.u32 s7, $0x1;
	s13 =	sadd.s32 $0x1000, s12  }
0xb: {  	s16 =	sadd.s32 $0x2000, s12;
	s17 =	sadd.s32 $0x3000, s12;
	s20 =	sadd.s32 $0x4000, s12  }
0xc: {  	s19 =	ssub.s32 s7, s8;
	s7 =	sor.u32 $0x1C02, s28;
	s8 =	sadd.s32 s13, s2  }
0xd: {  	s9 =	sadd.s32 s16, s2;
	s10 =	sadd.s32 s17, s2;
	s11 =	sadd.s32 s20, s2  }
0xe: {  	s14 =	sadd.s32 s12, s0;
	s15 =	sadd.s32 s0, s13;
	s30 =	sadd.s32 s0, s16  }
0xf: {  	s31 =	sadd.s32 s0, s17;
	s0 =	sadd.s32 s0, s20;
	s20 =	simm.s32 $0x2780  }
0x10: {  	s1 =	sadd.s32 s1, s4;
	s4 =	sadd.s32 $0x17200, s6;
	s14 =	sshrl.u32 s14, $0x3  }
0x11: {  	s29 =	sshrl.u32 s15, $0x3;
	s17 =	sshrl.u32 s31, $0x3;
	s0 =	sshrl.u32 s0, $0x3  }
0x12: {  	s19 =	smax.u32 s19, $0x1;
	s1 =	sshll.u32 s1, $0x4;
	s14 =	sadd.s32 s18, s14  }
0x13: {  	s15 =	sadd.s32 s18, s29;
	s1 =	sadd.s32 s1, s6;
	s6 =	sadd.s32 s12, s2  }
0x14: {  	s12 =	sadd.s32 $0xD240, s1;
	s13 =	sadd.s32 $0xD720, s1;
	s1 =	sshrl.u32 s30, $0x3  }
0x15: {  	s17 =	sadd.s32 s18, s17;
	s16 =	sadd.s32 s18, s1;
	s18 =	sadd.s32 s18, s0  }
.LBB2_1:
0x16: {  	s26 =	sshrl.u32 s6, $0x3;
	s28 =	sshrl.u32 s8, $0x3;
	s29 =	sshrl.u32 s9, $0x3  }
0x17: {  	s30 =	sshrl.u32 s10, $0x3;
	s31 =	sshrl.u32 s11, $0x3;
	s0 =	simm.s32 $0x0  }
0x18: {  	[spmem:s26], [sflag:s7] =	dma.local [hbm:s4], $0x200  }
0x19: {  	[spmem:s28], [sflag:s7] =	dma.local [hbm:s4], $0x200  }
0x1a: {  	[spmem:s29], [sflag:s7] =	dma.local [hbm:s4], $0x200  }
0x1b: {  	[spmem:s30], [sflag:s7] =	dma.local [hbm:s4], $0x200  }
0x1c: {  	[spmem:s31], [sflag:s7] =	dma.local [hbm:s4], $0x200  }
0x1d: {  	[tilespmem:s0], [sflag:$0x1] =	stream.linear.gather [hbm4b:s12+s0], $0x2700, $0x38;
	[tilespmem:$0x8780] =	vst v63  }
0x1e: {  	s1 =	rddreg [dreg:$0x3]  }
0x1f: {  	[tilespmem:s20], [sflag:$0x3] =	stream.linear.gather [hbm4b:s1+s0], $0x1000, $0x38;
	[tilespmem:$0x8780] =	vst v63  }
0x20: {  	_ =	swait.ge [sflag:s21], $0x1000  }
0x21: {  	[sflag:s21] =	ssyncset.done $0x0  }
0x22: {  	[sflag:s21] =	ssyncadd.s32 $0xFFFFF000  }
0x23: {  	_ =	swait.ge [sflag:s22], $0x200  }
0x24: {  	[sflag:s22] =	ssyncset.done $0x0  }
0x25: {  	[sflag:s22] =	ssyncadd.s32 $0xFFFFFE00  }
0x26: {  	_ =	swait.ge [sflag:s22], $0x200  }
0x27: {  	[sflag:s22] =	ssyncset.done $0x0  }
0x28: {  	[sflag:s22] =	ssyncadd.s32 $0xFFFFFE00  }
0x29: {  	_ =	swait.ge [sflag:s22], $0x200  }
0x2a: {  	[sflag:s22] =	ssyncset.done $0x0  }
0x2b: {  	[sflag:s22] =	ssyncadd.s32 $0xFFFFFE00  }
0x2c: {  	_ =	swait.ge [sflag:s22], $0x200  }
0x2d: {  	[sflag:s22] =	ssyncset.done $0x0  }
0x2e: {  	[sflag:s22] =	ssyncadd.s32 $0xFFFFFE00  }
0x2f: {  	_ =	swait.ge [sflag:s22], $0x200  }
0x30: {  	[sflag:s22] =	ssyncset.done $0x0  }
0x31: {  	[sflag:s22] =	ssyncadd.s32 $0xFFFFFE00  }
0x32: {  	_ =	swait.ge [sflag:s23], $0x2700  }
0x33: {  	[sflag:s23] =	ssyncset.done $0x0  }
0x34: {  	s0 =	simm.s32 @!p0 $0x0;
	s1 =	simm.s32 @!p0 $0x2700;
	[sflag:s23] =	ssyncadd.s32 $0xFFFFD900  }
0x35: {  	[tilespmem:s1], [sflag:$0x3] =	stream.linear.gather @!p0 [hbm4b:s13+s0], $0x80, $0x38;
	[tilespmem:$0x8780] =	vst v63  }
0x36: {  	s0 =	simm.s32 @!p0 $0x3  }
0x37: {  	_ =	swait.ge @!p0 [sflag:s0], $0x80  }
0x38: {  	[sflag:s0] =	ssyncset.done @!p0 $0x0  }
0x39: {  	[sflag:s0] =	ssyncadd.s32 @!p0 $0xFFFFFF80  }
0x3a: {  	s1 =	simm.s32 $0x0;
	[bflag:$0x0] =	sbarrier.arrive $0xFFFF  }
0x3b: {  	[spmem:s2] =	stream.indirect.scatter.add.f32 [tilespmem:s20], [sflag:$0x1], $0x20, s1, s24, $0xb8;
	[tilespmem:$0x8780] =	vst v63  }
0x3c: {  	s3 =	simm.s32 $0x80  }
0x3d: {  	[spmem:s2] =	stream.indirect.scatter.add.f32 [tilespmem:s20], [sflag:$0x1], $0x20, s3, s24, $0xb8;
	[tilespmem:$0x8780] =	vst v63  }
0x3e: {  	s5 =	simm.s32 $0x100  }
0x3f: {  	[spmem:s2] =	stream.indirect.scatter.add.f32 [tilespmem:s20], [sflag:$0x1], $0x20, s5, s24, $0xb8;
	[tilespmem:$0x8780] =	vst v63  }
0x40: {  	s1 =	simm.s32 $0x180  }
0x41: {  	[spmem:s2] =	stream.indirect.scatter.add.f32 [tilespmem:s20], [sflag:$0x1], $0x20, s1, s24, $0xb8;
	[tilespmem:$0x8780] =	vst v63  }
0x42: {  	s3 =	simm.s32 $0x200  }
0x43: {  	[spmem:s2] =	stream.indirect.scatter.add.f32 [tilespmem:s20], [sflag:$0x1], $0x20, s3, s24, $0xb8;
	[tilespmem:$0x8780] =	vst v63  }
0x44: {  	s5 =	simm.s32 $0x280  }
0x45: {  	[spmem:s2] =	stream.indirect.scatter.add.f32 [tilespmem:s20], [sflag:$0x1], $0x20, s5, s24, $0xb8;
	[tilespmem:$0x8780] =	vst v63  }
0x46: {  	_ =	swait.ge [sflag:s23], $0x1000  }
0x47: {  	[sflag:s23] =	ssyncset.done $0x0  }
0x48: {  	[sflag:s23] =	ssyncadd.s32 $0xFFFFF000  }
0x49: {  	_ =	swait.ge [sflag:s23], $0x1000  }
0x4a: {  	[sflag:s23] =	ssyncset.done $0x0  }
0x4b: {  	[sflag:s23] =	ssyncadd.s32 $0xFFFFF000  }
0x4c: {  	_ =	swait.ge [sflag:s23], $0x1000  }
0x4d: {  	[sflag:s23] =	ssyncset.done $0x0  }
0x4e: {  	[sflag:s23] =	ssyncadd.s32 $0xFFFFF000  }
0x4f: {  	_ =	swait.ge [sflag:s23], $0x1000  }
0x50: {  	[sflag:s23] =	ssyncset.done $0x0  }
0x51: {  	[sflag:s23] =	ssyncadd.s32 $0xFFFFF000  }
0x52: {  	_ =	swait.ge [sflag:s23], $0x1000  }
0x53: {  	[sflag:s23] =	ssyncset.done $0x0  }
0x54: {  	[sflag:s23] =	ssyncadd.s32 $0xFFFFF000  }
0x55: {  	_ =	swait.ge [sflag:s23], $0x1000  }
0x56: {  	s0 =	simm.s32 $0x1800;
	s1 =	simm.s32 $0xC00;
	[sflag:s23] =	ssyncset.done $0x0  }
.LBB2_2:
0x57: {  	s3 =	sshra.s32 s1, $0x2  }
0x58: {  	[sflag:s23] =	ssyncadd.s32 $0xFFFFF000;
	s1 =	smov.u32 s0;
	s5 =	sadd.s32 $0xC00, s0  }
0x59: {  	[spmem:s2] =	stream.indirect.scatter.add.f32 [tilespmem:s20], [sflag:$0x1], $0x20, s3, s24, $0xb8;
	[tilespmem:$0x8780] =	vst v63  }
0x5a: {  	p1 =	sne.s32 s0, $0x9000;
	s0 =	sadd.s32 $0x80, s3  }
0x5b: {  	[spmem:s2] =	stream.indirect.scatter.add.f32 [tilespmem:s20], [sflag:$0x1], $0x20, s0, s24, $0xb8;
	[tilespmem:$0x8780] =	vst v63  }
0x5c: {  	s0 =	sadd.s32 $0x100, s3  }
0x5d: {  	[spmem:s2] =	stream.indirect.scatter.add.f32 [tilespmem:s20], [sflag:$0x1], $0x20, s0, s24, $0xb8;
	[tilespmem:$0x8780] =	vst v63  }
0x5e: {  	s0 =	sadd.s32 $0x180, s3  }
0x5f: {  	[spmem:s2] =	stream.indirect.scatter.add.f32 [tilespmem:s20], [sflag:$0x1], $0x20, s0, s24, $0xb8;
	[tilespmem:$0x8780] =	vst v63  }
0x60: {  	s0 =	sadd.s32 $0x200, s3  }
0x61: {  	[spmem:s2] =	stream.indirect.scatter.add.f32 [tilespmem:s20], [sflag:$0x1], $0x20, s0, s24, $0xb8;
	[tilespmem:$0x8780] =	vst v63  }
0x62: {  	s0 =	sadd.s32 $0x280, s3  }
0x63: {  	[spmem:s2] =	stream.indirect.scatter.add.f32 [tilespmem:s20], [sflag:$0x1], $0x20, s0, s24, $0xb8;
	[tilespmem:$0x8780] =	vst v63  }
0x64: {  	_ =	swait.ge [sflag:s23], $0x1000  }
0x65: {  	[sflag:s23] =	ssyncset.done $0x0  }
0x66: {  	[sflag:s23] =	ssyncadd.s32 $0xFFFFF000  }
0x67: {  	_ =	swait.ge [sflag:s23], $0x1000  }
0x68: {  	[sflag:s23] =	ssyncset.done $0x0  }
0x69: {  	[sflag:s23] =	ssyncadd.s32 $0xFFFFF000  }
0x6a: {  	_ =	swait.ge [sflag:s23], $0x1000  }
0x6b: {  	[sflag:s23] =	ssyncset.done $0x0  }
0x6c: {  	[sflag:s23] =	ssyncadd.s32 $0xFFFFF000  }
0x6d: {  	_ =	swait.ge [sflag:s23], $0x1000  }
0x6e: {  	[sflag:s23] =	ssyncset.done $0x0  }
0x6f: {  	[sflag:s23] =	ssyncadd.s32 $0xFFFFF000  }
.Ltmp0:
0x70: {  	_ =	swait.ge [sflag:s23], $0x1000;
	(pc) =	sbr.rel @p1 .LBB2_2-.Ltmp0, $4  }
0x71: {  	[sflag:s23] =	ssyncset.done $0x0  }
0x72: {  	[sflag:s23] =	ssyncadd.s32 $0xFFFFF000  }
0x73: {  	_ =	swait.ge [sflag:s23], $0x1000  }
0x74: {  	s0 =	smov.u32 s5;
	[sflag:s23] =	ssyncset.done $0x0  }
0x75: {  	s0 =	sshra.s32 s1, $0x2;
	[sflag:s23] =	ssyncadd.s32 $0xFFFFF000  }
0x76: {  	[spmem:s2] =	stream.indirect.scatter.add.f32 [tilespmem:s20], [sflag:$0x1], $0x20, s0, s24, $0xb8;
	[tilespmem:$0x8780] =	vst v63  }
0x77: {  	s1 =	sadd.s32 $0x80, s0  }
0x78: {  	[spmem:s2] =	stream.indirect.scatter.add.f32 [tilespmem:s20], [sflag:$0x1], $0x20, s1, s24, $0xb8;
	[tilespmem:$0x8780] =	vst v63  }
0x79: {  	s5 =	sadd.s32 $0x100, s0  }
0x7a: {  	[spmem:s2] =	stream.indirect.scatter.add.f32 [tilespmem:s20], [sflag:$0x1], $0x20, s5, s24, $0xb8;
	[tilespmem:$0x8780] =	vst v63  }
0x7b: {  	s3 =	sadd.s32 $0x180, s0  }
0x7c: {  	[spmem:s2] =	stream.indirect.scatter.add.f32 [tilespmem:s20], [sflag:$0x1], $0x20, s3, s24, $0xb8;
	[tilespmem:$0x8780] =	vst v63  }
0x7d: {  	s5 =	sadd.s32 $0x200, s0  }
0x7e: {  	[spmem:s2] =	stream.indirect.scatter.add.f32 [tilespmem:s20], [sflag:$0x1], $0x20, s5, s24, $0xb8;
	[tilespmem:$0x8780] =	vst v63  }
0x7f: {  	s0 =	sadd.s32 $0x280, s0  }
0x80: {  	[spmem:s2] =	stream.indirect.scatter.add.f32 [tilespmem:s20], [sflag:$0x1], $0x20, s0, s24, $0xb8;
	[tilespmem:$0x8780] =	vst v63  }
0x81: {  	_ =	swait.ge [sflag:s23], $0x1000  }
0x82: {  	[sflag:s23] =	ssyncset.done $0x0  }
0x83: {  	[sflag:s23] =	ssyncadd.s32 $0xFFFFF000  }
0x84: {  	_ =	swait.ge [sflag:s23], $0x1000  }
0x85: {  	[sflag:s23] =	ssyncset.done $0x0  }
0x86: {  	[sflag:s23] =	ssyncadd.s32 $0xFFFFF000  }
0x87: {  	_ =	swait.ge [sflag:s23], $0x1000  }
0x88: {  	[sflag:s23] =	ssyncset.done $0x0  }
0x89: {  	[sflag:s23] =	ssyncadd.s32 $0xFFFFF000  }
0x8a: {  	_ =	swait.ge [sflag:s23], $0x1000  }
0x8b: {  	[sflag:s23] =	ssyncset.done $0x0  }
0x8c: {  	[sflag:s23] =	ssyncadd.s32 $0xFFFFF000  }
0x8d: {  	_ =	swait.ge [sflag:s23], $0x1000  }
0x8e: {  	[sflag:s23] =	ssyncset.done $0x0  }
0x8f: {  	[sflag:s23] =	ssyncadd.s32 $0xFFFFF000  }
0x90: {  	_ =	swait.ge [sflag:s23], $0x1000  }
0x91: {  	s1 =	simm.s32 @!p0 $0x2700;
	[sflag:s23] =	ssyncset.done $0x0  }
0x92: {  	s3 =	simm.s32 @!p0 $0x2780;
	s0 =	simm.s32 @!p0 $0x80;
	[sflag:s23] =	ssyncadd.s32 $0xFFFFF000  }
0x93: {  	[spmem:s2] =	stream.indirect.scatter.add.f32 @!p0 [tilespmem:s3], [sflag:$0x3], $0x20, s1, s0, $0xb8;
	[tilespmem:$0x8780] =	vst v63  }
0x94: {  	s0 =	simm.s32 @!p0 $0x3  }
0x95: {  	_ =	swait.ge @!p0 [sflag:s0], $0x1000  }
0x96: {  	[sflag:s0] =	ssyncset.done @!p0 $0x0  }
0x97: {  	[sflag:s0] =	ssyncadd.s32 @!p0 $0xFFFFF000  }
0x98: {  	[bflag:$0x0] =	sbarrier.arrive $0xFFFF  }
0x99: {  	[hbm:s14], [sflag:s7] =	dma.local [spmem:s26], $0x200  }
0x9a: {  	[hbm:s15], [sflag:s7] =	dma.local [spmem:s28], $0x200  }
0x9b: {  	[hbm:s16], [sflag:s7] =	dma.local [spmem:s29], $0x200  }
0x9c: {  	[hbm:s17], [sflag:s7] =	dma.local [spmem:s30], $0x200  }
0x9d: {  	[hbm:s18], [sflag:s7] =	dma.local [spmem:s31], $0x200  }
0x9e: {  	_ =	swait.ge [sflag:s22], $0x200  }
0x9f: {  	[sflag:s22] =	ssyncset.done $0x0  }
0xa0: {  	[sflag:s22] =	ssyncadd.s32 $0xFFFFFE00  }
0xa1: {  	_ =	swait.ge [sflag:s22], $0x200  }
0xa2: {  	[sflag:s22] =	ssyncset.done $0x0  }
0xa3: {  	[sflag:s22] =	ssyncadd.s32 $0xFFFFFE00  }
0xa4: {  	_ =	swait.ge [sflag:s22], $0x200  }
0xa5: {  	[sflag:s22] =	ssyncset.done $0x0  }
0xa6: {  	s25 =	sadd.s32 $0x1, s25;
	[sflag:s22] =	ssyncadd.s32 $0xFFFFFE00  }
0xa7: {  	p1 =	sne.s32 s25, s19;
	_ =	swait.ge [sflag:s22], $0x200  }
.Ltmp1:
0xa8: {  	[sflag:s22] =	ssyncset.done $0x0;
	(pc) =	sbr.rel @p1 .LBB2_1-.Ltmp1, $4  }
0xa9: {  	[sflag:s22] =	ssyncadd.s32 $0xFFFFFE00  }
0xaa: {  	_ =	swait.ge [sflag:s22], $0x200  }
0xab: {  	[sflag:s22] =	ssyncset.done $0x0  }
0xac: {  	[sflag:s22] =	ssyncadd.s32 $0xFFFFFE00  }
0xad: {  	_ =	sfence.sel $0x180000  }
0xae: {  	[bflag:$0x0] =	sbarrier.arrive $0xFFFF  }
0xaf: {  	_ =	strace $0x90000047  }
0xb0: {  	s0 =	stileid.u32;
	[bflag:$0x2] =	sbarrier.arrive $0xFFFF  }
0xb1: {  	p0 =	sne.s32 s0, $0x0;
	s0 =	rddreg [dreg:$0x2]  }
0xb2: {  	s0 =	sadd.s32 @!p0 $0x100000, s0  }
0xb3: {  	[sflag:s0] =	ssyncadd.tile.s32 @!p0 $0x1;
	_ =	shalt  }
.Lfunc_end2:
_tile_overlayer_lowered:
.L_overlay_start_2:
0xb4: {  	(tag) =	ssettag $0x2  }
0xb5: {  	s0 =	rddreg [dreg:$0x0];
	s2 =	stileid.u32  }
0xb6: {  	s1 =	rddreg [dreg:$0x1];
	p0 =	sne.s32 s2, $0x0  }
0xb7: {  	s3 =	rddreg [dreg:$0x2];
	[bflag:$0x3] =	sbarrier.arrive $0xFFFF;
	s2 =	simm.s32 @!p0 $0x1C03  }
0xb8: {  	[timem:s3], [sflag:s2] =	dma.local @!p0 [hbm:s0], s1  }
0xb9: {  	s0 =	simm.s32 @!p0 $0x3  }
0xba: {  	_ =	swait.ge @!p0 [sflag:s0], s1  }
0xbb: {  	s1 =	ssub.s32 @!p0 $0x0, s1;
	[sflag:s0] =	ssyncset.done @!p0 $0x0  }
0xbc: {  	[sflag:s0] =	ssyncadd.s32 @!p0 s1  }
0xbd: {  	[bflag:$0x3] =	sbarrier.arrive $0xFFFF  }
0xbe: {  	_ =	shalt  }

// kernel: kernel.14.cloned.1.call-start
scs
__scs_entry_jumppad:
0x0: {  	(pc) =	sbr.rel $0x88, $3  }
0x1: {  	(tag) =	ssettag $0x0;
	lr =	simm.s32 $0x1  }
0x2: {  	[smem:$0x3F94] =	sst lr;
	_ =	strace $0xD0000000  }
0x3: {  	_ = 	snop  }
0x4: {  	_ = 	snop  }
0x5: {  	_ = 	snop  }
0x6: {  	_ = 	snop  }
0x7: {  	_ = 	snop  }
__scs_overlays_trampoline_lowered:
0x8: {  	[smem:$0x3FA3] =	sst s0  }
0x9: {  	[smem:$0x3FA4] =	sst s1  }
0xa: {  	[smem:$0x3FA5] =	sst s2  }
0xb: {  	[smem:$0x3FA6] =	sst s3  }
0xc: {  	[smem:$0x3FA7] =	sst s4  }
0xd: {  	[smem:$0x3FA8] =	sst s5  }
0xe: {  	[smem:$0x3FA9] =	sst s6  }
0xf: {  	[smem:$0x3FAA] =	sst s7  }
0x10: {  	[smem:$0x3FAB] =	sst s8  }
0x11: {  	[smem:$0x3FAC] =	sst s9;
	s0 =	simm.s32 @!p0 $0x0  }
0x12: {  	s1 =	sld [smem:$0x3F92];
	s0 =	simm.s32 @p0 $0x1  }
0x13: {  	[smem:$0x3FAD] =	sst s0;
	s0 =	simm.s32 @!p1 $0x0  }
0x14: {  	s2 =	sld [smem:$0x3F91];
	s0 =	simm.s32 @p1 $0x1  }
0x15: {  	[smem:$0x3FAE] =	sst s0;
	s0 =	simm.s32 @!p2 $0x0  }
0x16: {  	s3 =	sld [smem:$0x3FDB];
	s0 =	simm.s32 @p2 $0x1  }
0x17: {  	s4 =	simm.s32 $0x1BF5;
	[smem:$0x3FB0] =	sst s0  }
0x18: {  	s0 =	sld [smem:$0x3F93];
	_ =	swait.ge [sflag:s4], $0x0  }
0x19: {  	s7 =	sld [smem:$0x3F94]  }
0x1a: {  	s8 =	sadd.s32 $0xFFFFE003, lr  }
0x1b: {  	s9 =	sadd.s32 $0xFFFFFEF7, lr;
	s5 =	simm.s32 $0xFFFFFFFF;
	p2 =	slt.u32 s8, $0xFFFFF086  }
0x1c: {  	p1 =	slt.u32 s9, $0xF7A;
	s5 =	simm.s32 @!p2 $0x0  }
0x1d: {  	s5 =	simm.s32 @p1 $0x1;
	p0 =	seq.s32 s7, s2  }
0x1e: {  	s7 =	smul.u32 @!p0 $0xF7A, s2;
	p2 =	seq.s32 @!p0 s5, $0x0  }
0x1f: {  	s9 =	smul.u32 $0xF7A, s1;
	s8 =	simm.s32 @!p0 $0x1BF5;
	p2 =	por !p2, p0  }
0x20: {  	[sflag:s8] =	ssyncset.s32 @!p0 $0xFFFFF086;
	s6 =	sadd.s32 @!p0 s3, s7;
	s7 =	simm.s32 @!p0 $0x108  }
0x21: {  	s3 =	sadd.s32 s3, s9;
	s6 =	sadd.s32 @!p0 $0x88, s6;
	s7 =	simm.s32 @p2 $0x1082  }
0x22: {  	[simem:s7], [sflag:s8] =	dma.local @!p0 [hbm:s6], $0xF7A  }
0x23: {  	s9 =	sor.u32 $0xD0000000, s2;
	s6 =	simm.s32 $0x108;
	_ =	swait.ge @!p0 [sflag:s8], $0x0  }
0x24: {  	s3 =	sadd.s32 $0x88, s3;
	s6 =	simm.s32 @!p1 $0x1082;
	[sflag:s4] =	ssyncset.s32 $0xFFFFF086  }
0x25: {  	[simem:s6], [sflag:s4] =	dma.local [hbm:s3], $0xF7A  }
0x26: {  	[smem:$0x3F94] =	sst s1;
	(tag) =	ssettag s2;
	_ =	strace s9  }
0x27: {  	s1 =	sld [smem:$0x3FA4]  }
0x28: {  	s2 =	sld [smem:$0x3FA5]  }
0x29: {  	s4 =	sld [smem:$0x3FA7]  }
0x2a: {  	p0 =	seq.s32 s5, $0x0;
	s5 =	sld [smem:$0x3FA8]  }
0x2b: {  	s6 =	sld [smem:$0x3FA9]  }
0x2c: {  	s7 =	sld [smem:$0x3FAA]  }
0x2d: {  	s3 =	simm.s32 $0x108;
	s8 =	sld [smem:$0x3FAB]  }
0x2e: {  	s3 =	simm.s32 @!p0 $0x1082;
	s9 =	sld [smem:$0x3FAC]  }
0x2f: {  	lr =	sadd.s32 s0, s3;
	s0 =	sld [smem:$0x3FA3]  }
0x30: {  	s3 =	sld [smem:$0x3FA6]  }
0x31: {  	[smem:$0x3FAF] =	sst s10  }
0x32: {  	s10 =	sld [smem:$0x3FAD];
	_ =	sdelay $0x3  }
0x33: {  	p0 =	seq.s32 s10, $0x1;
	s10 =	sld [smem:$0x3FAF];
	_ =	sdelay $0x3  }
0x34: {  	[smem:$0x3FAF] =	sst s10  }
0x35: {  	s10 =	sld [smem:$0x3FAE];
	_ =	sdelay $0x3  }
0x36: {  	p1 =	seq.s32 s10, $0x1;
	s10 =	sld [smem:$0x3FAF];
	_ =	sdelay $0x3  }
0x37: {  	[smem:$0x3FAF] =	sst s10  }
0x38: {  	s10 =	sld [smem:$0x3FB0]  }
0x39: {  	_ = 	snop;
	(pc) =	sbr.ind lr, $3  }
0x3a: {  	_ = 	snop  }
0x3b: {  	_ = 	snop  }
0x3c: {  	p2 =	seq.s32 s10, $0x1;
	s10 =	sld [smem:$0x3FAF]  }
0x3d: {  	_ =	shalt  }
0x3e: {  	_ =	shalt  }
0x3f: {  	_ =	shalt  }
0x40: {  	_ =	shalt  }
0x41: {  	_ =	shalt  }
0x42: {  	_ =	shalt  }
0x43: {  	_ =	shalt  }
0x44: {  	_ =	shalt  }
0x45: {  	_ =	shalt  }
0x46: {  	_ =	shalt  }
0x47: {  	_ =	shalt  }
0x48: {  	_ =	shalt  }
0x49: {  	_ =	shalt  }
0x4a: {  	_ =	shalt  }
0x4b: {  	_ =	shalt  }
0x4c: {  	_ =	shalt  }
0x4d: {  	_ =	shalt  }
0x4e: {  	_ =	shalt  }
0x4f: {  	_ =	shalt  }
0x50: {  	_ =	shalt  }
0x51: {  	_ =	shalt  }
0x52: {  	_ =	shalt  }
0x53: {  	_ =	shalt  }
0x54: {  	_ =	shalt  }
0x55: {  	_ =	shalt  }
0x56: {  	_ =	shalt  }
0x57: {  	_ =	shalt  }
0x58: {  	_ =	shalt  }
0x59: {  	_ =	shalt  }
0x5a: {  	_ =	shalt  }
0x5b: {  	_ =	shalt  }
0x5c: {  	_ =	shalt  }
0x5d: {  	_ =	shalt  }
0x5e: {  	_ =	shalt  }
0x5f: {  	_ =	shalt  }
0x60: {  	_ =	shalt  }
0x61: {  	_ =	shalt  }
0x62: {  	_ =	shalt  }
0x63: {  	_ =	shalt  }
0x64: {  	_ =	shalt  }
0x65: {  	_ =	shalt  }
0x66: {  	_ =	shalt  }
0x67: {  	_ =	shalt  }
0x68: {  	_ =	shalt  }
0x69: {  	_ =	shalt  }
0x6a: {  	_ =	shalt  }
0x6b: {  	_ =	shalt  }
0x6c: {  	_ =	shalt  }
0x6d: {  	_ =	shalt  }
0x6e: {  	_ =	shalt  }
0x6f: {  	_ =	shalt  }
0x70: {  	_ =	shalt  }
0x71: {  	_ =	shalt  }
0x72: {  	_ =	shalt  }
0x73: {  	_ =	shalt  }
0x74: {  	_ =	shalt  }
0x75: {  	_ =	shalt  }
0x76: {  	_ =	shalt  }
0x77: {  	_ =	shalt  }
0x78: {  	_ =	shalt  }
0x79: {  	_ =	shalt  }
0x7a: {  	_ =	shalt  }
0x7b: {  	_ =	shalt  }
0x7c: {  	_ =	shalt  }
0x7d: {  	_ =	shalt  }
0x7e: {  	_ =	shalt  }
0x7f: {  	_ =	shalt  }
0x80: {  	_ =	shalt  }
0x81: {  	_ =	shalt  }
0x82: {  	_ =	shalt  }
0x83: {  	_ =	shalt  }
0x84: {  	_ =	shalt  }
0x85: {  	_ =	shalt  }
0x86: {  	_ =	shalt  }
0x87: {  	_ =	shalt  }
.Lfunc_end0:
.L_simem_size_0:
called_computation.1_lowered:
.L_overlay_start_0:
0x88: {  	s2 =	sld [smem:$0x3FD9]  }
0x89: {  	s3 =	sld [smem:$0x3FFE];
	_ =	sdelay $0x1  }
0x8a: {  	s1 =	srdreg.scid  }
0x8b: {  	s0 =	sand.u32 $0x1, s1  }
0x8c: {  	s16 =	sshll.u32 s0, $0xA;
	s2 =	sadd.s32 s3, s2  }
0x8d: {  	s2 =	sadd.s32 s2, s16  }
0x8e: {  	[smem:$0x3FBB] =	sst s2  }
0x8f: {  	_ = 	snop  }
0x90: {  	(tm) =	ssettm $0x1  }
0x91: {  	s17 =	sld [smem:$0x3FFB];
	_ =	sdelay $0x3  }
0x92: {  	_ =	strace s17  }
0x93: {  	s2 =	sld [smem:$0x3FFC];
	_ =	sdelay $0x3  }
0x94: {  	_ =	strace s2  }
0x95: {  	s2 =	sld [smem:$0x3FFD];
	_ =	sdelay $0x3  }
0x96: {  	_ =	strace s2  }
0x97: {  	_ =	strace $0x8FFFFFFF  }
0x98: {  	s18 =	sld [smem:$0x3FDB];
	_ =	sdelay $0x1  }
0x99: {  	s19 =	simm.s32 $_scs_section_size  }
0x9a: {  	s4 =	simm.s32 $_size__tile_overlayer_lowered;
	s5 =	simm.s32 $_tile_overlayer_lowered  }
0x9b: {  	s22 =	simm.s32 $0x1BFF;
	s21 =	sshll.u32 s5, $0x1;
	s2 =	sadd.s32 s19, s18  }
0x9c: {  	s6 =	simm.s32 $0x0;
	s20 =	sshll.u32 s4, $0x1;
	s4 =	sadd.s32 s21, s2  }
0x9d: {  	[timem:s6], [sflag:s22] =	dma.local [hbm:s4], s20  }
0x9e: {  	_ =	swait.ge [sflag:s22], s20  }
0x9f: {  	s3 =	ssub.s32 $0x0, s20;
	[sflag:s22] =	ssyncset.done $0x0  }
0xa0: {  	[sflag:s22] =	ssyncadd.s32 s3;
	_ =	sdelay $0x1  }
0xa1: {  	s23 =	simm.s32 $0x1B8B  }
0xa2: {  	_ =	swait.ge [sflag:s23], $0x1  }
0xa3: {  	[sflag:s23] =	ssyncset.done $0x0  }
0xa4: {  	s25 =	simm.s32 $0x1B8E;
	s24 =	sld [smem:$0x3FFE];
	[sflag:s23] =	ssyncadd.s32 $0xFFFFFFFF  }
0xa5: {  	s26 =	simm.s32 $execute0_lowered;
	[smem:$0x3FD2] =	sst s25  }
0xa6: {  	s4 =	sshll.u32 s26, $0x1;
	_ =	strace $0x80000049;
	[dreg:$0x1] =	wrdreg $0xFFFFFFFF  }
0xa7: {  	s28 =	simm.s32 $_size_execute0_lowered;
	s2 =	sadd.s32 s2, s4;
	[dreg:$0x0] =	wrdreg $0x0  }
0xa8: {  	s4 =	sshll.u32 s28, $0x1;
	[dreg:$0x2] =	wrdreg s2  }
0xa9: {  	[dreg:$0x3] =	wrdreg s4  }
0xaa: {  	[dreg:$0x4] =	wrdreg $0xC0  }
0xab: {  	_ =	task [dreg:s6], $0x5FFFF  }
0xac: {  	[dreg:$0x1] =	wrdreg $0xFFFFFFFF  }
0xad: {  	[dreg:$0x0] =	wrdreg $0x60  }
0xae: {  	[dreg:$0x2] =	wrdreg s24  }
0xaf: {  	[dreg:$0x3] =	wrdreg $0xA7000  }
0xb0: {  	[dreg:$0x4] =	wrdreg $0x7F000  }
0xb1: {  	[dreg:$0x5] =	wrdreg $0x9  }
0xb2: {  	_ =	task.clear_ibuf [dreg:s6], $0x6FFFF;
	_ =	strace $0x90000049  }
0xb3: {  	s29 =	simm.s32 $0x9;
	_ =	strace $0x8000004B  }
0xb4: {  	_ =	swait.ge [sflag:s29], $0x1  }
0xb5: {  	[sflag:s29] =	ssyncadd.s32 $0xFFFFFFFF  }
0xb6: {  	_ =	strace $0x9000004B  }
0xb7: {  	_ =	sfence  }
0xb8: {  	s30 =	sld [smem:$0x0];
	_ =	sdelay $0x2  }
0xb9: {  	s31 =	sshll.u32 s1, $0xD;
	s1 =	sshrl.u32 s1, $0x2  }
0xba: {  	s3 =	sand.u32 $0x4000, s31;
	s1 =	sadd.s32 s1, s30  }
0xbb: {  	s0 =	sor.u32 s3, s0;
	s1 =	sshll.u32 s1, $0x11  }
0xbc: {  	s0 =	sor.u32 s1, s0  }
0xbd: {  	s0 =	sadd.s32 $0x8F2B, s0  }
0xbe: {  	[sflag:s0] =	ssyncadd.remote.s32 $0x1  }
0xbf: {  	_ =	sfence.sel $0xFFFF  }
0xc0: {  	[dreg:$0x0] =	wrdreg $0xFFFFFFFF;
	(pc) =	sbr.abs _section_cstart, $3  }
0xc1: {  	[dreg:$0x1] =	wrdreg $0xFFFFFFFF  }
0xc2: {  	_ =	task.clear_ibuf [dreg:s6], $0x2FFFF;
	_ =	strace $0x9FFFFFFF  }
0xc3: {  	(tm) =	ssettm $0x7FFFFFFF  }
tec
execute0_lowered:
.L_overlay_start_1:
0x0: {  	(tag) =	ssettag $0x1  }
0x1: {  	s0 =	srdreg.scid;
	s4 =	rddreg [dreg:$0x0]  }
0x2: {  	s17 =	stileid.u32;
	s2 =	rddreg [dreg:$0x1]  }
0x3: {  	s3 =	rddreg [dreg:$0x2];
	s6 =	simm.s32 $0x0;
	s0 =	sand.u32 $0x1, s0  }
0x4: {  	s1 =	sshll.u32 s17, $0x1;
	[smem:$0x7FF] =	sst s6;
	s31 =	sadd.s32 $0x17000, s4  }
0x5: {  	s8 =	smul.u32 $0x5000, s17;
	p0 =	sgt.u32 s17, $0x1;
	s28 =	sshll.u32 s17, $0x6  }
0x6: {  	s17 =	simm.s32 $0x5;
	s1 =	sor.u32 s0, s1;
	_ =	strace $0x8000004A  }
0x7: {  	s7 =	ssub.s32 $0x2, s0;
	s0 =	smul.u32 $0x50000, s0;
	[dreg:$0x1c] =	wrdreg s28  }
0x8: {  	s5 =	smul.u32 $0x4E, s1;
	s1 =	smin.u32 s1, $0x4;
	s9 =	sshrl.u32 s7, $0x1  }
0x9: {  	s16 =	sshrl.u32 s8, $0x1;
	s10 =	sshrl.u32 s8, $0x4;
	s18 =	sadd.s32 $0x1000, s8  }
0xa: {  	s20 =	sadd.s32 $0x2000, s8;
	s14 =	sadd.s32 $0x3000, s8;
	s23 =	sadd.s32 $0x4000, s8  }
0xb: {  	s7 =	ssub.s32 s7, s9;
	s11 =	sadd.s32 s16, s2;
	s10 =	sadd.s32 s31, s10  }
0xc: {  	s9 =	sadd.s32 s16, s3;
	s19 =	sshrl.u32 s18, $0x1;
	s12 =	sshrl.u32 s18, $0x4  }
0xd: {  	s21 =	sshrl.u32 s20, $0x1;
	s15 =	sshrl.u32 s20, $0x4;
	s16 =	sshrl.u32 s14, $0x4  }
0xe: {  	s24 =	sshrl.u32 s23, $0x4;
	s8 =	sadd.s32 s8, s0;
	s30 =	sadd.s32 s0, s20  }
0xf: {  	s1 =	sadd.s32 s1, s5;
	s5 =	sadd.s32 $0x2B400, s4;
	[dreg:$0x4] =	wrdreg s10  }
0x10: {  	[dreg:$0x5] =	wrdreg s9;
	s13 =	sadd.s32 s19, s2;
	s12 =	sadd.s32 s31, s12  }
0x11: {  	s9 =	sadd.s32 s19, s3;
	s15 =	sadd.s32 s31, s15;
	s22 =	sadd.s32 s31, s16  }
0x12: {  	s10 =	sadd.s32 s0, s18;
	s6 =	sadd.s32 s31, s24;
	s25 =	sshrl.u32 s8, $0x4  }
0x13: {  	s31 =	sadd.s32 s0, s14;
	s0 =	sadd.s32 s0, s23;
	[dreg:$0x6] =	wrdreg s12  }
0x14: {  	s16 =	sadd.s32 s21, s3;
	s18 =	sshrl.u32 s14, $0x1;
	[dreg:$0x7] =	wrdreg s9  }
0x15: {  	s19 =	sshrl.u32 s23, $0x1;
	s8 =	simm.s32 $0x3;
	[dreg:$0x8] =	wrdreg s15  }
0x16: {  	s14 =	simm.s32 $0x6F00;
	s1 =	sshll.u32 s1, $0x4;
	[dreg:$0x9] =	wrdreg s22  }
0x17: {  	[dreg:$0xa] =	wrdreg s6;
	s26 =	sshrl.u32 s10, $0x4;
	s10 =	sshrl.u32 s31, $0x4  }
0x18: {  	s12 =	sadd.s32 s21, s2;
	[dreg:$0x10] =	wrdreg s16;
	s21 =	sadd.s32 s19, s2  }
0x19: {  	s1 =	sadd.s32 s1, s4;
	s4 =	sadd.s32 $0x1C000, s4;
	s31 =	sshrl.u32 s21, $0x3  }
0x1a: {  	s0 =	sshrl.u32 s0, $0x4;
	s6 =	sadd.s32 s4, s25;
	[dreg:$0x1d] =	wrdreg s31  }
0x1b: {  	s20 =	sadd.s32 s18, s2;
	s29 =	sadd.s32 s4, s26;
	[dreg:$0xb] =	wrdreg s6  }
0x1c: {  	s9 =	simm.s32 $0x80;
	s0 =	sadd.s32 s4, s0;
	[dreg:$0xc] =	wrdreg s29  }
0x1d: {  	s15 =	simm.s32 $0x7700;
	s22 =	sadd.s32 $0x3600, s1;
	[dreg:$0xf] =	wrdreg s0  }
0x1e: {  	s16 =	simm.s32 $0x4;
	s23 =	sadd.s32 $0xD240, s1;
	[dreg:$0x13] =	wrdreg s22  }
0x1f: {  	s21 =	simm.s32 $0x9;
	s24 =	sadd.s32 $0x3AE0, s1;
	[dreg:$0x14] =	wrdreg s23  }
0x20: {  	s1 =	sadd.s32 $0xD720, s1;
	s25 =	smax.u32 s7, $0x1;
	[dreg:$0x15] =	wrdreg s24  }
0x21: {  	s26 =	sshrl.u32 s11, $0x3;
	s7 =	simm.s32 $0x2;
	[dreg:$0x16] =	wrdreg s1  }
0x22: {  	s11 =	simm.s32 $0x5700;
	s6 =	sshrl.u32 s30, $0x4;
	[dreg:$0x17] =	wrdreg s25  }
0x23: {  	[dreg:$0x18] =	wrdreg s26;
	s29 =	sshrl.u32 s13, $0x3;
	s0 =	sshrl.u32 s12, $0x3  }
0x24: {  	s30 =	sshrl.u32 s20, $0x3;
	s12 =	simm.s32 $0x5F00;
	s13 =	simm.s32 $0x6700  }
0x25: {  	s20 =	simm.s32 $0x8;
	s22 =	simm.s32 $0xA;
	[dreg:$0x19] =	wrdreg s29  }
0x26: {  	s23 =	simm.s32 $0xB;
	s24 =	simm.s32 $0xC;
	[dreg:$0x1a] =	wrdreg s0  }
0x27: {  	s25 =	simm.s32 $0x0;
	s6 =	sadd.s32 s4, s6;
	[dreg:$0x1b] =	wrdreg s30  }
0x28: {  	s0 =	sor.u32 $0x1C01, s28;
	[dreg:$0xd] =	wrdreg s6;
	s6 =	sadd.s32 s4, s10  }
0x29: {  	s4 =	sadd.s32 s18, s3;
	s10 =	simm.s32 $0x4F00;
	[dreg:$0xe] =	wrdreg s6  }
0x2a: {  	s18 =	simm.s32 $0x6;
	[dreg:$0x11] =	wrdreg s4;
	s6 =	sadd.s32 s19, s3  }
0x2b: {  	s19 =	simm.s32 $0x7;
	[dreg:$0x12] =	wrdreg s6;
	s6 =	simm.s32 $0x1  }
.LBB2_1:
0x2c: {  	s1 =	rddreg [dreg:$0x4]  }
0x2d: {  	s4 =	rddreg [dreg:$0x18]  }
0x2e: {  	[spmem:s4], [sflag:s0] =	dma.local [hbm:s1], $0x100  }
0x2f: {  	s1 =	rddreg [dreg:$0x5]  }
0x30: {  	s1 =	sshrl.u32 s1, $0x3  }
0x31: {  	s4 =	sor.u32 $0x1C02, s28;
	[dreg:$0x1e] =	wrdreg s1  }
0x32: {  	[spmem:s1], [sflag:s4] =	dma.local [hbm:s5], $0x100  }
0x33: {  	s1 =	rddreg [dreg:$0x6]  }
0x34: {  	s26 =	rddreg [dreg:$0x19]  }
0x35: {  	[spmem:s26], [sflag:s0] =	dma.local [hbm:s1], $0x100  }
0x36: {  	s1 =	rddreg [dreg:$0x7]  }
0x37: {  	s1 =	sshrl.u32 s1, $0x3  }
0x38: {  	[dreg:$0x1f] =	wrdreg s1  }
0x39: {  	[spmem:s1], [sflag:s4] =	dma.local [hbm:s5], $0x100  }
0x3a: {  	s1 =	rddreg [dreg:$0x8]  }
0x3b: {  	s28 =	rddreg [dreg:$0x1a]  }
0x3c: {  	[spmem:s28], [sflag:s0] =	dma.local [hbm:s1], $0x100  }
0x3d: {  	s1 =	rddreg [dreg:$0x10]  }
0x3e: {  	s1 =	sshrl.u32 s1, $0x3  }
0x3f: {  	[smem:$0x7FD] =	sst s1  }
0x40: {  	[spmem:s1], [sflag:s4] =	dma.local [hbm:s5], $0x100  }
0x41: {  	s1 =	rddreg [dreg:$0x9]  }
0x42: {  	s29 =	rddreg [dreg:$0x1b]  }
0x43: {  	[spmem:s29], [sflag:s0] =	dma.local [hbm:s1], $0x100  }
0x44: {  	s1 =	rddreg [dreg:$0x11]  }
0x45: {  	s30 =	sshrl.u32 s1, $0x3  }
0x46: {  	[spmem:s30], [sflag:s4] =	dma.local [hbm:s5], $0x100  }
0x47: {  	s28 =	rddreg [dreg:$0xa]  }
0x48: {  	s29 =	rddreg [dreg:$0x1d]  }
0x49: {  	[spmem:s29], [sflag:s0] =	dma.local [hbm:s28], $0x100  }
0x4a: {  	s1 =	rddreg [dreg:$0x12]  }
0x4b: {  	s1 =	sshrl.u32 s1, $0x3  }
0x4c: {  	[spmem:s1], [sflag:s4] =	dma.local [hbm:s5], $0x100  }
0x4d: {  	s28 =	simm.s32 $0x0;
	s4 =	rddreg [dreg:$0x13]  }
0x4e: {  	[tilespmem:s28], [sflag:$0x3] =	stream.linear.gather [hbm4b:s4+s28], $0x2700, $0x38;
	[tilespmem:$0xCF00] =	vst v63  }
0x4f: {  	s29 =	simm.s32 $0x2780;
	s26 =	rddreg [dreg:$0x14]  }
0x50: {  	[tilespmem:s29], [sflag:$0x3] =	stream.linear.gather [hbm4b:s26+s28], $0x2700, $0x38;
	[tilespmem:$0xCF00] =	vst v63  }
0x51: {  	_ =	swait.ge [sflag:s6], $0x100  }
0x52: {  	[sflag:s6] =	ssyncset.done $0x0  }
0x53: {  	[sflag:s6] =	ssyncadd.s32 $0xFFFFFF00  }
0x54: {  	_ =	swait.ge [sflag:s7], $0x100  }
0x55: {  	[sflag:s7] =	ssyncset.done $0x0  }
0x56: {  	[sflag:s7] =	ssyncadd.s32 $0xFFFFFF00  }
0x57: {  	_ =	swait.ge [sflag:s6], $0x100  }
0x58: {  	[sflag:s6] =	ssyncset.done $0x0  }
0x59: {  	[sflag:s6] =	ssyncadd.s32 $0xFFFFFF00  }
0x5a: {  	_ =	swait.ge [sflag:s7], $0x100  }
0x5b: {  	[sflag:s7] =	ssyncset.done $0x0  }
0x5c: {  	[sflag:s7] =	ssyncadd.s32 $0xFFFFFF00  }
0x5d: {  	_ =	swait.ge [sflag:s6], $0x100  }
0x5e: {  	[sflag:s6] =	ssyncset.done $0x0  }
0x5f: {  	[sflag:s6] =	ssyncadd.s32 $0xFFFFFF00  }
0x60: {  	_ =	swait.ge [sflag:s7], $0x100  }
0x61: {  	[sflag:s7] =	ssyncset.done $0x0  }
0x62: {  	[sflag:s7] =	ssyncadd.s32 $0xFFFFFF00  }
0x63: {  	_ =	swait.ge [sflag:s6], $0x100  }
0x64: {  	[sflag:s6] =	ssyncset.done $0x0  }
0x65: {  	[sflag:s6] =	ssyncadd.s32 $0xFFFFFF00  }
0x66: {  	_ =	swait.ge [sflag:s7], $0x100  }
0x67: {  	[sflag:s7] =	ssyncset.done $0x0  }
0x68: {  	[sflag:s7] =	ssyncadd.s32 $0xFFFFFF00  }
0x69: {  	_ =	swait.ge [sflag:s6], $0x100  }
0x6a: {  	[sflag:s6] =	ssyncset.done $0x0  }
0x6b: {  	[sflag:s6] =	ssyncadd.s32 $0xFFFFFF00  }
0x6c: {  	_ =	swait.ge [sflag:s7], $0x100  }
0x6d: {  	[sflag:s7] =	ssyncset.done $0x0  }
0x6e: {  	[sflag:s7] =	ssyncadd.s32 $0xFFFFFF00  }
0x6f: {  	_ =	swait.ge [sflag:s8], $0x2700  }
0x70: {  	[sflag:s8] =	ssyncset.done $0x0  }
0x71: {  	[sflag:s8] =	ssyncadd.s32 $0xFFFFD900  }
0x72: {  	_ =	swait.ge [sflag:s8], $0x2700  }
0x73: {  	s31 =	simm.s32 @!p0 $0x2700;
	[sflag:s8] =	ssyncset.done $0x0  }
0x74: {  	s4 =	simm.s32 @!p0 $0x0;
	s26 =	rddreg [dreg:$0x15];
	[sflag:s8] =	ssyncadd.s32 $0xFFFFD900  }
0x75: {  	[tilespmem:s31], [sflag:$0xD] =	stream.linear.gather @!p0 [hbm4b:s26+s4], $0x80, $0x38;
	[tilespmem:$0xCF00] =	vst v63  }
0x76: {  	s31 =	simm.s32 @!p0 $0xD  }
0x77: {  	_ =	swait.ge @!p0 [sflag:s31], $0x80  }
0x78: {  	[sflag:s31] =	ssyncset.done @!p0 $0x0  }
0x79: {  	s26 =	simm.s32 @!p0 $0x4E80;
	s29 =	rddreg [dreg:$0x16];
	[sflag:s31] =	ssyncadd.s32 @!p0 $0xFFFFFF80  }
0x7a: {  	[tilespmem:s26], [sflag:$0xD] =	stream.linear.gather @!p0 [hbm4b:s29+s4], $0x80, $0x38;
	[tilespmem:$0xCF00] =	vst v63  }
0x7b: {  	_ =	swait.ge @!p0 [sflag:s31], $0x80  }
0x7c: {  	[sflag:s31] =	ssyncset.done @!p0 $0x0  }
0x7d: {  	[sflag:s31] =	ssyncadd.s32 @!p0 $0xFFFFFF80  }
0x7e: {  	[bflag:$0x0] =	sbarrier.arrive $0xFFFF  }
0x7f: {  	[tilespmem:s10], [sflag:$0x1] =	stream.indirect.gather [spmem:s2], $0x10, s28, s9, $0xb8;
	[tilespmem:$0xCF00] =	vst v63  }
0x80: {  	_ = 	snop  }
0x81: {  	[tilespmem:s11], [sflag:$0x2] =	stream.indirect.gather [spmem:s2], $0x10, s9, s9, $0xb8;
	[tilespmem:$0xCF00] =	vst v63  }
0x82: {  	s26 =	simm.s32 $0x100  }
0x83: {  	[tilespmem:s12], [sflag:$0x3] =	stream.indirect.gather [spmem:s2], $0x10, s26, s9, $0xb8;
	[tilespmem:$0xCF00] =	vst v63  }
0x84: {  	s28 =	simm.s32 $0x180  }
0x85: {  	[tilespmem:s13], [sflag:$0x4] =	stream.indirect.gather [spmem:s2], $0x10, s28, s9, $0xb8;
	[tilespmem:$0xCF00] =	vst v63  }
0x86: {  	s29 =	simm.s32 $0x200  }
0x87: {  	[tilespmem:s14], [sflag:$0x5] =	stream.indirect.gather [spmem:s2], $0x10, s29, s9, $0xb8;
	[tilespmem:$0xCF00] =	vst v63  }
0x88: {  	s26 =	simm.s32 $0x280  }
0x89: {  	[tilespmem:s15], [sflag:$0x6] =	stream.indirect.gather [spmem:s2], $0x10, s26, s9, $0xb8;
	[tilespmem:$0xCF00] =	vst v63  }
0x8a: {  	_ =	swait.ge [sflag:s6], $0x800  }
0x8b: {  	[sflag:s6] =	ssyncset.done $0x0  }
0x8c: {  	s28 =	simm.s32 $0x2780;
	[sflag:s6] =	ssyncadd.s32 $0xFFFFF800  }
0x8d: {  	[spmem:s3] =	stream.indirect.scatter.add.bf16 [tilespmem:s10], [sflag:$0x7], $0x10, s28, s9, $0xb8;
	[tilespmem:$0xCF00] =	vst v63  }
0x8e: {  	_ =	swait.ge [sflag:s7], $0x800  }
0x8f: {  	[sflag:s7] =	ssyncset.done $0x0  }
0x90: {  	s29 =	simm.s32 $0x2800;
	[sflag:s7] =	ssyncadd.s32 $0xFFFFF800  }
0x91: {  	[spmem:s3] =	stream.indirect.scatter.add.bf16 [tilespmem:s11], [sflag:$0x8], $0x10, s29, s9, $0xb8;
	[tilespmem:$0xCF00] =	vst v63  }
0x92: {  	_ =	swait.ge [sflag:s8], $0x800  }
0x93: {  	[sflag:s8] =	ssyncset.done $0x0  }
0x94: {  	s26 =	simm.s32 $0x2880;
	[sflag:s8] =	ssyncadd.s32 $0xFFFFF800  }
0x95: {  	[spmem:s3] =	stream.indirect.scatter.add.bf16 [tilespmem:s12], [sflag:$0x9], $0x10, s26, s9, $0xb8;
	[tilespmem:$0xCF00] =	vst v63  }
0x96: {  	_ =	swait.ge [sflag:s16], $0x800  }
0x97: {  	[sflag:s16] =	ssyncset.done $0x0  }
0x98: {  	s28 =	simm.s32 $0x2900;
	[sflag:s16] =	ssyncadd.s32 $0xFFFFF800  }
0x99: {  	[spmem:s3] =	stream.indirect.scatter.add.bf16 [tilespmem:s13], [sflag:$0xA], $0x10, s28, s9, $0xb8;
	[tilespmem:$0xCF00] =	vst v63  }
0x9a: {  	_ =	swait.ge [sflag:s17], $0x800  }
0x9b: {  	[sflag:s17] =	ssyncset.done $0x0  }
0x9c: {  	s29 =	simm.s32 $0x2980;
	[sflag:s17] =	ssyncadd.s32 $0xFFFFF800  }
0x9d: {  	[spmem:s3] =	stream.indirect.scatter.add.bf16 [tilespmem:s14], [sflag:$0xB], $0x10, s29, s9, $0xb8;
	[tilespmem:$0xCF00] =	vst v63  }
0x9e: {  	_ =	swait.ge [sflag:s18], $0x800  }
0x9f: {  	[sflag:s18] =	ssyncset.done $0x0  }
0xa0: {  	s26 =	simm.s32 $0x2A00;
	[sflag:s18] =	ssyncadd.s32 $0xFFFFF800  }
0xa1: {  	[spmem:s3] =	stream.indirect.scatter.add.bf16 [tilespmem:s15], [sflag:$0xC], $0x10, s26, s9, $0xb8;
	[tilespmem:$0xCF00] =	vst v63  }
0xa2: {  	_ =	swait.ge [sflag:s19], $0x800  }
0xa3: {  	[sflag:s19] =	ssyncset.done $0x0  }
0xa4: {  	s28 =	simm.s32 $0x300;
	[sflag:s19] =	ssyncadd.s32 $0xFFFFF800  }
0xa5: {  	[tilespmem:s10], [sflag:$0x1] =	stream.indirect.gather [spmem:s2], $0x10, s28, s9, $0xb8;
	[tilespmem:$0xCF00] =	vst v63  }
0xa6: {  	_ =	swait.ge [sflag:s20], $0x800  }
0xa7: {  	[sflag:s20] =	ssyncset.done $0x0  }
0xa8: {  	s29 =	simm.s32 $0x380;
	[sflag:s20] =	ssyncadd.s32 $0xFFFFF800  }
0xa9: {  	[tilespmem:s11], [sflag:$0x2] =	stream.indirect.gather [spmem:s2], $0x10, s29, s9, $0xb8;
	[tilespmem:$0xCF00] =	vst v63  }
0xaa: {  	_ =	swait.ge [sflag:s21], $0x800  }
0xab: {  	[sflag:s21] =	ssyncset.done $0x0  }
0xac: {  	s26 =	simm.s32 $0x400;
	[sflag:s21] =	ssyncadd.s32 $0xFFFFF800  }
0xad: {  	[tilespmem:s12], [sflag:$0x3] =	stream.indirect.gather [spmem:s2], $0x10, s26, s9, $0xb8;
	[tilespmem:$0xCF00] =	vst v63  }
0xae: {  	_ =	swait.ge [sflag:s22], $0x800  }
0xaf: {  	[sflag:s22] =	ssyncset.done $0x0  }
0xb0: {  	s28 =	simm.s32 $0x480;
	[sflag:s22] =	ssyncadd.s32 $0xFFFFF800  }
0xb1: {  	[tilespmem:s13], [sflag:$0x4] =	stream.indirect.gather [spmem:s2], $0x10, s28, s9, $0xb8;
	[tilespmem:$0xCF00] =	vst v63  }
0xb2: {  	_ =	swait.ge [sflag:s23], $0x800  }
0xb3: {  	[sflag:s23] =	ssyncset.done $0x0  }
0xb4: {  	s29 =	simm.s32 $0x500;
	[sflag:s23] =	ssyncadd.s32 $0xFFFFF800  }
0xb5: {  	[tilespmem:s14], [sflag:$0x5] =	stream.indirect.gather [spmem:s2], $0x10, s29, s9, $0xb8;
	[tilespmem:$0xCF00] =	vst v63  }
0xb6: {  	_ =	swait.ge [sflag:s24], $0x800  }
0xb7: {  	[sflag:s24] =	ssyncset.done $0x0  }
0xb8: {  	s4 =	simm.s32 $0xC00;
	s31 =	simm.s32 $0x580;
	[sflag:s24] =	ssyncadd.s32 $0xFFFFF800  }
.LBB2_2:
0xb9: {  	[tilespmem:s15], [sflag:$0x6] =	stream.indirect.gather [spmem:s2], $0x10, s31, s9, $0xb8;
	[tilespmem:$0xCF00] =	vst v63  }
0xba: {  	s26 =	smov.u32 s4  }
0xbb: {  	p1 =	sne.s32 s4, $0x8400;
	s4 =	sadd.s32 $0xC00, s4;
	_ =	swait.ge [sflag:s6], $0x800  }
0xbc: {  	s31 =	sshra.s32 s26, $0x2;
	[sflag:s6] =	ssyncset.done $0x0  }
0xbd: {  	s26 =	sadd.s32 $0x2780, s31;
	[sflag:s6] =	ssyncadd.s32 $0xFFFFF800  }
0xbe: {  	[spmem:s3] =	stream.indirect.scatter.add.bf16 [tilespmem:s10], [sflag:$0x7], $0x10, s26, s9, $0xb8;
	[tilespmem:$0xCF00] =	vst v63  }
0xbf: {  	_ =	swait.ge [sflag:s7], $0x800  }
0xc0: {  	[sflag:s7] =	ssyncset.done $0x0  }
0xc1: {  	s26 =	sadd.s32 $0x2800, s31;
	[sflag:s7] =	ssyncadd.s32 $0xFFFFF800  }
0xc2: {  	[spmem:s3] =	stream.indirect.scatter.add.bf16 [tilespmem:s11], [sflag:$0x8], $0x10, s26, s9, $0xb8;
	[tilespmem:$0xCF00] =	vst v63  }
0xc3: {  	_ =	swait.ge [sflag:s8], $0x800  }
0xc4: {  	[sflag:s8] =	ssyncset.done $0x0  }
0xc5: {  	s26 =	sadd.s32 $0x2880, s31;
	[sflag:s8] =	ssyncadd.s32 $0xFFFFF800  }
0xc6: {  	[spmem:s3] =	stream.indirect.scatter.add.bf16 [tilespmem:s12], [sflag:$0x9], $0x10, s26, s9, $0xb8;
	[tilespmem:$0xCF00] =	vst v63  }
0xc7: {  	_ =	swait.ge [sflag:s16], $0x800  }
0xc8: {  	[sflag:s16] =	ssyncset.done $0x0  }
0xc9: {  	s26 =	sadd.s32 $0x2900, s31;
	[sflag:s16] =	ssyncadd.s32 $0xFFFFF800  }
0xca: {  	[spmem:s3] =	stream.indirect.scatter.add.bf16 [tilespmem:s13], [sflag:$0xA], $0x10, s26, s9, $0xb8;
	[tilespmem:$0xCF00] =	vst v63  }
0xcb: {  	_ =	swait.ge [sflag:s17], $0x800  }
0xcc: {  	[sflag:s17] =	ssyncset.done $0x0  }
0xcd: {  	s26 =	sadd.s32 $0x2980, s31;
	[sflag:s17] =	ssyncadd.s32 $0xFFFFF800  }
0xce: {  	[spmem:s3] =	stream.indirect.scatter.add.bf16 [tilespmem:s14], [sflag:$0xB], $0x10, s26, s9, $0xb8;
	[tilespmem:$0xCF00] =	vst v63  }
0xcf: {  	_ =	swait.ge [sflag:s18], $0x800  }
0xd0: {  	[sflag:s18] =	ssyncset.done $0x0  }
0xd1: {  	s26 =	sadd.s32 $0x2A00, s31;
	[sflag:s18] =	ssyncadd.s32 $0xFFFFF800  }
0xd2: {  	[spmem:s3] =	stream.indirect.scatter.add.bf16 [tilespmem:s15], [sflag:$0xC], $0x10, s26, s9, $0xb8;
	[tilespmem:$0xCF00] =	vst v63  }
0xd3: {  	_ =	swait.ge [sflag:s19], $0x800  }
0xd4: {  	[sflag:s19] =	ssyncset.done $0x0  }
0xd5: {  	s26 =	sadd.s32 $0x300, s31;
	[sflag:s19] =	ssyncadd.s32 $0xFFFFF800  }
0xd6: {  	[tilespmem:s10], [sflag:$0x1] =	stream.indirect.gather [spmem:s2], $0x10, s26, s9, $0xb8;
	[tilespmem:$0xCF00] =	vst v63  }
0xd7: {  	_ =	swait.ge [sflag:s20], $0x800  }
0xd8: {  	[sflag:s20] =	ssyncset.done $0x0  }
0xd9: {  	s26 =	sadd.s32 $0x380, s31;
	[sflag:s20] =	ssyncadd.s32 $0xFFFFF800  }
0xda: {  	[tilespmem:s11], [sflag:$0x2] =	stream.indirect.gather [spmem:s2], $0x10, s26, s9, $0xb8;
	[tilespmem:$0xCF00] =	vst v63  }
0xdb: {  	_ =	swait.ge [sflag:s21], $0x800  }
0xdc: {  	[sflag:s21] =	ssyncset.done $0x0  }
0xdd: {  	s26 =	sadd.s32 $0x400, s31;
	[sflag:s21] =	ssyncadd.s32 $0xFFFFF800  }
0xde: {  	[tilespmem:s12], [sflag:$0x3] =	stream.indirect.gather [spmem:s2], $0x10, s26, s9, $0xb8;
	[tilespmem:$0xCF00] =	vst v63  }
0xdf: {  	_ =	swait.ge [sflag:s22], $0x800  }
0xe0: {  	[sflag:s22] =	ssyncset.done $0x0  }
0xe1: {  	s26 =	sadd.s32 $0x480, s31;
	[sflag:s22] =	ssyncadd.s32 $0xFFFFF800  }
0xe2: {  	[tilespmem:s13], [sflag:$0x4] =	stream.indirect.gather [spmem:s2], $0x10, s26, s9, $0xb8;
	[tilespmem:$0xCF00] =	vst v63  }
0xe3: {  	_ =	swait.ge [sflag:s23], $0x800  }
0xe4: {  	[sflag:s23] =	ssyncset.done $0x0  }
.Ltmp0:
0xe5: {  	s26 =	sadd.s32 $0x500, s31;
	[sflag:s23] =	ssyncadd.s32 $0xFFFFF800;
	(pc) =	sbr.rel @p1 .LBB2_2-.Ltmp0, $4  }
0xe6: {  	[tilespmem:s14], [sflag:$0x5] =	stream.indirect.gather [spmem:s2], $0x10, s26, s9, $0xb8;
	[tilespmem:$0xCF00] =	vst v63  }
0xe7: {  	_ =	swait.ge [sflag:s24], $0x800  }
0xe8: {  	[sflag:s24] =	ssyncset.done $0x0  }
0xe9: {  	s31 =	sadd.s32 $0x580, s31;
	[sflag:s24] =	ssyncadd.s32 $0xFFFFF800  }
0xea: {  	[tilespmem:s15], [sflag:$0x6] =	stream.indirect.gather [spmem:s2], $0x10, s31, s9, $0xb8;
	[tilespmem:$0xCF00] =	vst v63  }
0xeb: {  	_ =	swait.ge [sflag:s6], $0x800  }
0xec: {  	[sflag:s6] =	ssyncset.done $0x0  }
0xed: {  	s4 =	simm.s32 $0x4B80;
	[sflag:s6] =	ssyncadd.s32 $0xFFFFF800  }
0xee: {  	[spmem:s3] =	stream.indirect.scatter.add.bf16 [tilespmem:s10], [sflag:$0x7], $0x10, s4, s9, $0xb8;
	[tilespmem:$0xCF00] =	vst v63  }
0xef: {  	_ =	swait.ge [sflag:s7], $0x800  }
0xf0: {  	[sflag:s7] =	ssyncset.done $0x0  }
0xf1: {  	s26 =	simm.s32 $0x4C00;
	[sflag:s7] =	ssyncadd.s32 $0xFFFFF800  }
0xf2: {  	[spmem:s3] =	stream.indirect.scatter.add.bf16 [tilespmem:s11], [sflag:$0x8], $0x10, s26, s9, $0xb8;
	[tilespmem:$0xCF00] =	vst v63  }
0xf3: {  	_ =	swait.ge [sflag:s8], $0x800  }
0xf4: {  	[sflag:s8] =	ssyncset.done $0x0  }
0xf5: {  	s29 =	simm.s32 $0x4C80;
	[sflag:s8] =	ssyncadd.s32 $0xFFFFF800  }
0xf6: {  	[spmem:s3] =	stream.indirect.scatter.add.bf16 [tilespmem:s12], [sflag:$0x9], $0x10, s29, s9, $0xb8;
	[tilespmem:$0xCF00] =	vst v63  }
0xf7: {  	_ =	swait.ge [sflag:s16], $0x800  }
0xf8: {  	[sflag:s16] =	ssyncset.done $0x0  }
0xf9: {  	s31 =	simm.s32 $0x4D00;
	[sflag:s16] =	ssyncadd.s32 $0xFFFFF800  }
0xfa: {  	[spmem:s3] =	stream.indirect.scatter.add.bf16 [tilespmem:s13], [sflag:$0xA], $0x10, s31, s9, $0xb8;
	[tilespmem:$0xCF00] =	vst v63  }
0xfb: {  	_ =	swait.ge [sflag:s17], $0x800  }
0xfc: {  	[sflag:s17] =	ssyncset.done $0x0  }
0xfd: {  	s26 =	simm.s32 $0x4D80;
	[sflag:s17] =	ssyncadd.s32 $0xFFFFF800  }
0xfe: {  	[spmem:s3] =	stream.indirect.scatter.add.bf16 [tilespmem:s14], [sflag:$0xB], $0x10, s26, s9, $0xb8;
	[tilespmem:$0xCF00] =	vst v63  }
0xff: {  	_ =	swait.ge [sflag:s18], $0x800  }
0x100: {  	[sflag:s18] =	ssyncset.done $0x0  }
0x101: {  	s29 =	simm.s32 $0x4E00;
	[sflag:s18] =	ssyncadd.s32 $0xFFFFF800  }
0x102: {  	[spmem:s3] =	stream.indirect.scatter.add.bf16 [tilespmem:s15], [sflag:$0xC], $0x10, s29, s9, $0xb8;
	[tilespmem:$0xCF00] =	vst v63  }
0x103: {  	_ =	swait.ge [sflag:s19], $0x800  }
0x104: {  	[sflag:s19] =	ssyncset.done $0x0  }
0x105: {  	[sflag:s19] =	ssyncadd.s32 $0xFFFFF800  }
0x106: {  	_ =	swait.ge [sflag:s20], $0x800  }
0x107: {  	[sflag:s20] =	ssyncset.done $0x0  }
0x108: {  	[sflag:s20] =	ssyncadd.s32 $0xFFFFF800  }
0x109: {  	_ =	swait.ge [sflag:s21], $0x800  }
0x10a: {  	[sflag:s21] =	ssyncset.done $0x0  }
0x10b: {  	[sflag:s21] =	ssyncadd.s32 $0xFFFFF800  }
0x10c: {  	_ =	swait.ge [sflag:s22], $0x800  }
0x10d: {  	[sflag:s22] =	ssyncset.done $0x0  }
0x10e: {  	[sflag:s22] =	ssyncadd.s32 $0xFFFFF800  }
0x10f: {  	_ =	swait.ge [sflag:s23], $0x800  }
0x110: {  	[sflag:s23] =	ssyncset.done $0x0  }
0x111: {  	[sflag:s23] =	ssyncadd.s32 $0xFFFFF800  }
0x112: {  	_ =	swait.ge [sflag:s24], $0x800  }
0x113: {  	s4 =	simm.s32 @!p0 $0x80;
	[sflag:s24] =	ssyncset.done $0x0  }
0x114: {  	s31 =	simm.s32 @!p0 $0x4F00;
	s26 =	simm.s32 @!p0 $0x2700;
	[sflag:s24] =	ssyncadd.s32 $0xFFFFF800  }
0x115: {  	[tilespmem:s31], [sflag:$0x1] =	stream.indirect.gather @!p0 [spmem:s2], $0x10, s26, s4, $0xb8;
	[tilespmem:$0xCF00] =	vst v63  }
0x116: {  	s26 =	simm.s32 @!p0 $0x1  }
0x117: {  	_ =	swait.ge @!p0 [sflag:s26], $0x800  }
0x118: {  	[sflag:s26] =	ssyncset.done @!p0 $0x0  }
0x119: {  	[sflag:s26] =	ssyncadd.s32 @!p0 $0xFFFFF800;
	s26 =	simm.s32 @!p0 $0x4E80  }
0x11a: {  	[spmem:s3] =	stream.indirect.scatter.add.bf16 @!p0 [tilespmem:s31], [sflag:$0xD], $0x10, s26, s4, $0xb8;
	[tilespmem:$0xCF00] =	vst v63  }
0x11b: {  	s4 =	simm.s32 @!p0 $0xD  }
0x11c: {  	_ =	swait.ge @!p0 [sflag:s4], $0x800  }
0x11d: {  	[sflag:s4] =	ssyncset.done @!p0 $0x0  }
0x11e: {  	[sflag:s4] =	ssyncadd.s32 @!p0 $0xFFFFF800  }
0x11f: {  	[bflag:$0x0] =	sbarrier.arrive $0xFFFF  }
0x120: {  	s28 =	rddreg [dreg:$0x1c]  }
0x121: {  	s31 =	rddreg [dreg:$0xb]  }
0x122: {  	s29 =	rddreg [dreg:$0x1e];
	s4 =	sor.u32 $0x1C07, s28  }
0x123: {  	[hbm:s31], [sflag:s4] =	dma.local [spmem:s29], $0x100  }
0x124: {  	s26 =	rddreg [dreg:$0xc]  }
0x125: {  	s29 =	rddreg [dreg:$0x1f]  }
0x126: {  	[hbm:s26], [sflag:s4] =	dma.local [spmem:s29], $0x100  }
0x127: {  	s29 =	sld [smem:$0x7FD];
	_ =	sdelay $0x1  }
0x128: {  	s26 =	rddreg [dreg:$0xd]  }
0x129: {  	[hbm:s26], [sflag:s4] =	dma.local [spmem:s29], $0x100  }
0x12a: {  	s26 =	rddreg [dreg:$0xe]  }
0x12b: {  	[hbm:s26], [sflag:s4] =	dma.local [spmem:s30], $0x100  }
0x12c: {  	s26 =	rddreg [dreg:$0xf]  }
0x12d: {  	[hbm:s26], [sflag:s4] =	dma.local [spmem:s1], $0x100  }
0x12e: {  	_ =	swait.ge [sflag:s19], $0x100  }
0x12f: {  	[sflag:s19] =	ssyncset.done $0x0  }
0x130: {  	[sflag:s19] =	ssyncadd.s32 $0xFFFFFF00  }
0x131: {  	_ =	swait.ge [sflag:s19], $0x100  }
0x132: {  	[sflag:s19] =	ssyncset.done $0x0  }
0x133: {  	[sflag:s19] =	ssyncadd.s32 $0xFFFFFF00  }
0x134: {  	_ =	swait.ge [sflag:s19], $0x100  }
0x135: {  	[sflag:s19] =	ssyncset.done $0x0  }
0x136: {  	[sflag:s19] =	ssyncadd.s32 $0xFFFFFF00  }
0x137: {  	_ =	swait.ge [sflag:s19], $0x100  }
0x138: {  	[sflag:s19] =	ssyncset.done $0x0  }
0x139: {  	[sflag:s19] =	ssyncadd.s32 $0xFFFFFF00  }
0x13a: {  	_ =	swait.ge [sflag:s19], $0x100  }
0x13b: {  	s25 =	sadd.s32 $0x1, s25;
	s31 =	rddreg [dreg:$0x17]  }
0x13c: {  	p1 =	sne.s32 s25, s31  }
.Ltmp1:
0x13d: {  	_ = 	snop;
	(pc) =	sbr.rel @p1 .LBB2_1-.Ltmp1, $3  }
0x13e: {  	_ =	sdelay $0x1  }
0x13f: {  	[sflag:s19] =	ssyncset.done $0x0  }
0x140: {  	[sflag:s19] =	ssyncadd.s32 $0xFFFFFF00  }
0x141: {  	_ =	sfence.sel $0x180000  }
0x142: {  	[bflag:$0x0] =	sbarrier.arrive $0xFFFF  }
0x143: {  	_ =	strace $0x9000004A  }
0x144: {  	s0 =	stileid.u32;
	[bflag:$0x2] =	sbarrier.arrive $0xFFFF  }
0x145: {  	p0 =	sne.s32 s0, $0x0;
	s0 =	rddreg [dreg:$0x3]  }
0x146: {  	s0 =	sadd.s32 @!p0 $0x100000, s0  }
0x147: {  	[sflag:s0] =	ssyncadd.tile.s32 @!p0 $0x1;
	_ =	shalt  }
.Lfunc_end2:
_tile_overlayer_lowered:
.L_overlay_start_2:
0x148: {  	(tag) =	ssettag $0x2  }
0x149: {  	s0 =	rddreg [dreg:$0x0];
	s2 =	stileid.u32  }
0x14a: {  	s1 =	rddreg [dreg:$0x1];
	p0 =	sne.s32 s2, $0x0  }
0x14b: {  	s3 =	rddreg [dreg:$0x2];
	[bflag:$0x3] =	sbarrier.arrive $0xFFFF;
	s2 =	simm.s32 @!p0 $0x1C0D  }
0x14c: {  	[timem:s3], [sflag:s2] =	dma.local @!p0 [hbm:s0], s1  }
0x14d: {  	s0 =	simm.s32 @!p0 $0xD  }
0x14e: {  	_ =	swait.ge @!p0 [sflag:s0], s1  }
0x14f: {  	s1 =	ssub.s32 @!p0 $0x0, s1;
	[sflag:s0] =	ssyncset.done @!p0 $0x0  }
0x150: {  	[sflag:s0] =	ssyncadd.s32 @!p0 s1  }
0x151: {  	[bflag:$0x3] =	sbarrier.arrive $0xFFFF  }
0x152: {  	_ =	shalt  }

// kernel: kernel.17.cloned.1.call-start
scs
__scs_entry_jumppad:
0x0: {  	(pc) =	sbr.rel $0x88, $3  }
0x1: {  	(tag) =	ssettag $0x0;
	lr =	simm.s32 $0x1  }
0x2: {  	[smem:$0x3F94] =	sst lr;
	_ =	strace $0xD0000000  }
0x3: {  	_ = 	snop  }
0x4: {  	_ = 	snop  }
0x5: {  	_ = 	snop  }
0x6: {  	_ = 	snop  }
0x7: {  	_ = 	snop  }
__scs_overlays_trampoline_lowered:
0x8: {  	[smem:$0x3FA3] =	sst s0  }
0x9: {  	[smem:$0x3FA4] =	sst s1  }
0xa: {  	[smem:$0x3FA5] =	sst s2  }
0xb: {  	[smem:$0x3FA6] =	sst s3  }
0xc: {  	[smem:$0x3FA7] =	sst s4  }
0xd: {  	[smem:$0x3FA8] =	sst s5  }
0xe: {  	[smem:$0x3FA9] =	sst s6  }
0xf: {  	[smem:$0x3FAA] =	sst s7  }
0x10: {  	[smem:$0x3FAB] =	sst s8  }
0x11: {  	[smem:$0x3FAC] =	sst s9;
	s0 =	simm.s32 @!p0 $0x0  }
0x12: {  	s1 =	sld [smem:$0x3F92];
	s0 =	simm.s32 @p0 $0x1  }
0x13: {  	[smem:$0x3FAD] =	sst s0;
	s0 =	simm.s32 @!p1 $0x0  }
0x14: {  	s2 =	sld [smem:$0x3F91];
	s0 =	simm.s32 @p1 $0x1  }
0x15: {  	[smem:$0x3FAE] =	sst s0;
	s0 =	simm.s32 @!p2 $0x0  }
0x16: {  	s3 =	sld [smem:$0x3FDB];
	s0 =	simm.s32 @p2 $0x1  }
0x17: {  	s4 =	simm.s32 $0x1BF5;
	[smem:$0x3FB0] =	sst s0  }
0x18: {  	s0 =	sld [smem:$0x3F93];
	_ =	swait.ge [sflag:s4], $0x0  }
0x19: {  	s7 =	sld [smem:$0x3F94]  }
0x1a: {  	s8 =	sadd.s32 $0xFFFFE003, lr  }
0x1b: {  	s9 =	sadd.s32 $0xFFFFFEF7, lr;
	s5 =	simm.s32 $0xFFFFFFFF;
	p2 =	slt.u32 s8, $0xFFFFF086  }
0x1c: {  	p1 =	slt.u32 s9, $0xF7A;
	s5 =	simm.s32 @!p2 $0x0  }
0x1d: {  	s5 =	simm.s32 @p1 $0x1;
	p0 =	seq.s32 s7, s2  }
0x1e: {  	s7 =	smul.u32 @!p0 $0xF7A, s2;
	p2 =	seq.s32 @!p0 s5, $0x0  }
0x1f: {  	s9 =	smul.u32 $0xF7A, s1;
	s8 =	simm.s32 @!p0 $0x1BF5;
	p2 =	por !p2, p0  }
0x20: {  	[sflag:s8] =	ssyncset.s32 @!p0 $0xFFFFF086;
	s6 =	sadd.s32 @!p0 s3, s7;
	s7 =	simm.s32 @!p0 $0x108  }
0x21: {  	s3 =	sadd.s32 s3, s9;
	s6 =	sadd.s32 @!p0 $0x88, s6;
	s7 =	simm.s32 @p2 $0x1082  }
0x22: {  	[simem:s7], [sflag:s8] =	dma.local @!p0 [hbm:s6], $0xF7A  }
0x23: {  	s9 =	sor.u32 $0xD0000000, s2;
	s6 =	simm.s32 $0x108;
	_ =	swait.ge @!p0 [sflag:s8], $0x0  }
0x24: {  	s3 =	sadd.s32 $0x88, s3;
	s6 =	simm.s32 @!p1 $0x1082;
	[sflag:s4] =	ssyncset.s32 $0xFFFFF086  }
0x25: {  	[simem:s6], [sflag:s4] =	dma.local [hbm:s3], $0xF7A  }
0x26: {  	[smem:$0x3F94] =	sst s1;
	(tag) =	ssettag s2;
	_ =	strace s9  }
0x27: {  	s1 =	sld [smem:$0x3FA4]  }
0x28: {  	s2 =	sld [smem:$0x3FA5]  }
0x29: {  	s4 =	sld [smem:$0x3FA7]  }
0x2a: {  	p0 =	seq.s32 s5, $0x0;
	s5 =	sld [smem:$0x3FA8]  }
0x2b: {  	s6 =	sld [smem:$0x3FA9]  }
0x2c: {  	s7 =	sld [smem:$0x3FAA]  }
0x2d: {  	s3 =	simm.s32 $0x108;
	s8 =	sld [smem:$0x3FAB]  }
0x2e: {  	s3 =	simm.s32 @!p0 $0x1082;
	s9 =	sld [smem:$0x3FAC]  }
0x2f: {  	lr =	sadd.s32 s0, s3;
	s0 =	sld [smem:$0x3FA3]  }
0x30: {  	s3 =	sld [smem:$0x3FA6]  }
0x31: {  	[smem:$0x3FAF] =	sst s10  }
0x32: {  	s10 =	sld [smem:$0x3FAD];
	_ =	sdelay $0x3  }
0x33: {  	p0 =	seq.s32 s10, $0x1;
	s10 =	sld [smem:$0x3FAF];
	_ =	sdelay $0x3  }
0x34: {  	[smem:$0x3FAF] =	sst s10  }
0x35: {  	s10 =	sld [smem:$0x3FAE];
	_ =	sdelay $0x3  }
0x36: {  	p1 =	seq.s32 s10, $0x1;
	s10 =	sld [smem:$0x3FAF];
	_ =	sdelay $0x3  }
0x37: {  	[smem:$0x3FAF] =	sst s10  }
0x38: {  	s10 =	sld [smem:$0x3FB0]  }
0x39: {  	_ = 	snop;
	(pc) =	sbr.ind lr, $3  }
0x3a: {  	_ = 	snop  }
0x3b: {  	_ = 	snop  }
0x3c: {  	p2 =	seq.s32 s10, $0x1;
	s10 =	sld [smem:$0x3FAF]  }
0x3d: {  	_ =	shalt  }
0x3e: {  	_ =	shalt  }
0x3f: {  	_ =	shalt  }
0x40: {  	_ =	shalt  }
0x41: {  	_ =	shalt  }
0x42: {  	_ =	shalt  }
0x43: {  	_ =	shalt  }
0x44: {  	_ =	shalt  }
0x45: {  	_ =	shalt  }
0x46: {  	_ =	shalt  }
0x47: {  	_ =	shalt  }
0x48: {  	_ =	shalt  }
0x49: {  	_ =	shalt  }
0x4a: {  	_ =	shalt  }
0x4b: {  	_ =	shalt  }
0x4c: {  	_ =	shalt  }
0x4d: {  	_ =	shalt  }
0x4e: {  	_ =	shalt  }
0x4f: {  	_ =	shalt  }
0x50: {  	_ =	shalt  }
0x51: {  	_ =	shalt  }
0x52: {  	_ =	shalt  }
0x53: {  	_ =	shalt  }
0x54: {  	_ =	shalt  }
0x55: {  	_ =	shalt  }
0x56: {  	_ =	shalt  }
0x57: {  	_ =	shalt  }
0x58: {  	_ =	shalt  }
0x59: {  	_ =	shalt  }
0x5a: {  	_ =	shalt  }
0x5b: {  	_ =	shalt  }
0x5c: {  	_ =	shalt  }
0x5d: {  	_ =	shalt  }
0x5e: {  	_ =	shalt  }
0x5f: {  	_ =	shalt  }
0x60: {  	_ =	shalt  }
0x61: {  	_ =	shalt  }
0x62: {  	_ =	shalt  }
0x63: {  	_ =	shalt  }
0x64: {  	_ =	shalt  }
0x65: {  	_ =	shalt  }
0x66: {  	_ =	shalt  }
0x67: {  	_ =	shalt  }
0x68: {  	_ =	shalt  }
0x69: {  	_ =	shalt  }
0x6a: {  	_ =	shalt  }
0x6b: {  	_ =	shalt  }
0x6c: {  	_ =	shalt  }
0x6d: {  	_ =	shalt  }
0x6e: {  	_ =	shalt  }
0x6f: {  	_ =	shalt  }
0x70: {  	_ =	shalt  }
0x71: {  	_ =	shalt  }
0x72: {  	_ =	shalt  }
0x73: {  	_ =	shalt  }
0x74: {  	_ =	shalt  }
0x75: {  	_ =	shalt  }
0x76: {  	_ =	shalt  }
0x77: {  	_ =	shalt  }
0x78: {  	_ =	shalt  }
0x79: {  	_ =	shalt  }
0x7a: {  	_ =	shalt  }
0x7b: {  	_ =	shalt  }
0x7c: {  	_ =	shalt  }
0x7d: {  	_ =	shalt  }
0x7e: {  	_ =	shalt  }
0x7f: {  	_ =	shalt  }
0x80: {  	_ =	shalt  }
0x81: {  	_ =	shalt  }
0x82: {  	_ =	shalt  }
0x83: {  	_ =	shalt  }
0x84: {  	_ =	shalt  }
0x85: {  	_ =	shalt  }
0x86: {  	_ =	shalt  }
0x87: {  	_ =	shalt  }
.Lfunc_end0:
.L_simem_size_0:
called_computation.2_lowered:
.L_overlay_start_0:
0x88: {  	s2 =	sld [smem:$0x3FD9]  }
0x89: {  	s3 =	sld [smem:$0x3FFE];
	_ =	sdelay $0x1  }
0x8a: {  	s1 =	srdreg.scid  }
0x8b: {  	s0 =	sand.u32 $0x1, s1  }
0x8c: {  	s16 =	sshll.u32 s0, $0xA;
	s2 =	sadd.s32 s3, s2  }
0x8d: {  	s2 =	sadd.s32 s2, s16  }
0x8e: {  	[smem:$0x3FBB] =	sst s2  }
0x8f: {  	_ = 	snop  }
0x90: {  	(tm) =	ssettm $0x1  }
0x91: {  	s17 =	sld [smem:$0x3FFB];
	_ =	sdelay $0x3  }
0x92: {  	_ =	strace s17  }
0x93: {  	s2 =	sld [smem:$0x3FFC];
	_ =	sdelay $0x3  }
0x94: {  	_ =	strace s2  }
0x95: {  	s2 =	sld [smem:$0x3FFD];
	_ =	sdelay $0x3  }
0x96: {  	_ =	strace s2  }
0x97: {  	_ =	strace $0x8FFFFFFF  }
0x98: {  	s18 =	sld [smem:$0x3FDB];
	_ =	sdelay $0x1  }
0x99: {  	s19 =	simm.s32 $_scs_section_size  }
0x9a: {  	s4 =	simm.s32 $_size__tile_overlayer_lowered;
	s5 =	simm.s32 $_tile_overlayer_lowered  }
0x9b: {  	s22 =	simm.s32 $0x1BFF;
	s21 =	sshll.u32 s5, $0x1;
	s2 =	sadd.s32 s19, s18  }
0x9c: {  	s6 =	simm.s32 $0x0;
	s20 =	sshll.u32 s4, $0x1;
	s4 =	sadd.s32 s21, s2  }
0x9d: {  	[timem:s6], [sflag:s22] =	dma.local [hbm:s4], s20  }
0x9e: {  	_ =	swait.ge [sflag:s22], s20  }
0x9f: {  	s3 =	ssub.s32 $0x0, s20;
	[sflag:s22] =	ssyncset.done $0x0  }
0xa0: {  	[sflag:s22] =	ssyncadd.s32 s3;
	_ =	sdelay $0x1  }
0xa1: {  	s23 =	simm.s32 $0x1B8B  }
0xa2: {  	_ =	swait.ge [sflag:s23], $0x1  }
0xa3: {  	[sflag:s23] =	ssyncset.done $0x0  }
0xa4: {  	s25 =	simm.s32 $0x1B8E;
	s24 =	sld [smem:$0x3FFE];
	[sflag:s23] =	ssyncadd.s32 $0xFFFFFFFF  }
0xa5: {  	s26 =	simm.s32 $execute0_lowered;
	[smem:$0x3FD2] =	sst s25  }
0xa6: {  	s4 =	sshll.u32 s26, $0x1;
	_ =	strace $0x8000004C;
	[dreg:$0x1] =	wrdreg $0xFFFFFFFF  }
0xa7: {  	s28 =	simm.s32 $_size_execute0_lowered;
	s2 =	sadd.s32 s2, s4;
	[dreg:$0x0] =	wrdreg $0x0  }
0xa8: {  	s4 =	sshll.u32 s28, $0x1;
	[dreg:$0x2] =	wrdreg s2  }
0xa9: {  	[dreg:$0x3] =	wrdreg s4  }
0xaa: {  	[dreg:$0x4] =	wrdreg $0xC0  }
0xab: {  	_ =	task [dreg:s6], $0x5FFFF  }
0xac: {  	[dreg:$0x1] =	wrdreg $0xFFFFFFFF  }
0xad: {  	[dreg:$0x0] =	wrdreg $0x60  }
0xae: {  	[dreg:$0x2] =	wrdreg s24  }
0xaf: {  	[dreg:$0x3] =	wrdreg $0xA7000  }
0xb0: {  	[dreg:$0x4] =	wrdreg $0x7F000  }
0xb1: {  	[dreg:$0x5] =	wrdreg $0x9  }
0xb2: {  	_ =	task.clear_ibuf [dreg:s6], $0x6FFFF;
	_ =	strace $0x9000004C  }
0xb3: {  	s29 =	simm.s32 $0x9;
	_ =	strace $0x8000004E  }
0xb4: {  	_ =	swait.ge [sflag:s29], $0x1  }
0xb5: {  	[sflag:s29] =	ssyncadd.s32 $0xFFFFFFFF  }
0xb6: {  	_ =	strace $0x9000004E  }
0xb7: {  	_ =	sfence  }
0xb8: {  	s30 =	sld [smem:$0x0];
	_ =	sdelay $0x2  }
0xb9: {  	s31 =	sshll.u32 s1, $0xD;
	s1 =	sshrl.u32 s1, $0x2  }
0xba: {  	s3 =	sand.u32 $0x4000, s31;
	s1 =	sadd.s32 s1, s30  }
0xbb: {  	s0 =	sor.u32 s3, s0;
	s1 =	sshll.u32 s1, $0x11  }
0xbc: {  	s0 =	sor.u32 s1, s0  }
0xbd: {  	s0 =	sadd.s32 $0x8F2B, s0  }
0xbe: {  	[sflag:s0] =	ssyncadd.remote.s32 $0x1  }
0xbf: {  	_ =	sfence.sel $0xFFFF  }
0xc0: {  	[dreg:$0x0] =	wrdreg $0xFFFFFFFF;
	(pc) =	sbr.abs _section_cstart, $3  }
0xc1: {  	[dreg:$0x1] =	wrdreg $0xFFFFFFFF  }
0xc2: {  	_ =	task.clear_ibuf [dreg:s6], $0x2FFFF;
	_ =	strace $0x9FFFFFFF  }
0xc3: {  	(tm) =	ssettm $0x7FFFFFFF  }
tec
execute0_lowered:
.L_overlay_start_1:
0x0: {  	(tag) =	ssettag $0x1  }
0x1: {  	s0 =	srdreg.scid;
	s4 =	rddreg [dreg:$0x0]  }
0x2: {  	s17 =	stileid.u32;
	s2 =	rddreg [dreg:$0x1]  }
0x3: {  	s3 =	rddreg [dreg:$0x2];
	s6 =	simm.s32 $0x0;
	s0 =	sand.u32 $0x1, s0  }
0x4: {  	s1 =	sshll.u32 s17, $0x1;
	[smem:$0x7FF] =	sst s6;
	s31 =	sadd.s32 $0x17000, s4  }
0x5: {  	s8 =	smul.u32 $0x5000, s17;
	p0 =	sgt.u32 s17, $0x1;
	s28 =	sshll.u32 s17, $0x6  }
0x6: {  	s17 =	simm.s32 $0x5;
	s1 =	sor.u32 s0, s1;
	_ =	strace $0x8000004D  }
0x7: {  	s7 =	ssub.s32 $0x2, s0;
	s0 =	smul.u32 $0x50000, s0;
	[dreg:$0x1c] =	wrdreg s28  }
0x8: {  	s5 =	smul.u32 $0x4E, s1;
	s1 =	smin.u32 s1, $0x4;
	s9 =	sshrl.u32 s7, $0x1  }
0x9: {  	s16 =	sshrl.u32 s8, $0x1;
	s10 =	sshrl.u32 s8, $0x4;
	s18 =	sadd.s32 $0x1000, s8  }
0xa: {  	s20 =	sadd.s32 $0x2000, s8;
	s14 =	sadd.s32 $0x3000, s8;
	s23 =	sadd.s32 $0x4000, s8  }
0xb: {  	s7 =	ssub.s32 s7, s9;
	s11 =	sadd.s32 s16, s2;
	s10 =	sadd.s32 s31, s10  }
0xc: {  	s9 =	sadd.s32 s16, s3;
	s19 =	sshrl.u32 s18, $0x1;
	s12 =	sshrl.u32 s18, $0x4  }
0xd: {  	s21 =	sshrl.u32 s20, $0x1;
	s15 =	sshrl.u32 s20, $0x4;
	s16 =	sshrl.u32 s14, $0x4  }
0xe: {  	s24 =	sshrl.u32 s23, $0x4;
	s8 =	sadd.s32 s8, s0;
	s30 =	sadd.s32 s0, s20  }
0xf: {  	s1 =	sadd.s32 s1, s5;
	s5 =	sadd.s32 $0x2B400, s4;
	[dreg:$0x4] =	wrdreg s10  }
0x10: {  	[dreg:$0x5] =	wrdreg s9;
	s13 =	sadd.s32 s19, s2;
	s12 =	sadd.s32 s31, s12  }
0x11: {  	s9 =	sadd.s32 s19, s3;
	s15 =	sadd.s32 s31, s15;
	s22 =	sadd.s32 s31, s16  }
0x12: {  	s10 =	sadd.s32 s0, s18;
	s6 =	sadd.s32 s31, s24;
	s25 =	sshrl.u32 s8, $0x4  }
0x13: {  	s31 =	sadd.s32 s0, s14;
	s0 =	sadd.s32 s0, s23;
	[dreg:$0x6] =	wrdreg s12  }
0x14: {  	s16 =	sadd.s32 s21, s3;
	s18 =	sshrl.u32 s14, $0x1;
	[dreg:$0x7] =	wrdreg s9  }
0x15: {  	s19 =	sshrl.u32 s23, $0x1;
	s8 =	simm.s32 $0x3;
	[dreg:$0x8] =	wrdreg s15  }
0x16: {  	s14 =	simm.s32 $0x6F00;
	s1 =	sshll.u32 s1, $0x4;
	[dreg:$0x9] =	wrdreg s22  }
0x17: {  	[dreg:$0xa] =	wrdreg s6;
	s26 =	sshrl.u32 s10, $0x4;
	s10 =	sshrl.u32 s31, $0x4  }
0x18: {  	s12 =	sadd.s32 s21, s2;
	[dreg:$0x10] =	wrdreg s16;
	s21 =	sadd.s32 s19, s2  }
0x19: {  	s1 =	sadd.s32 s1, s4;
	s4 =	sadd.s32 $0x1C000, s4;
	s31 =	sshrl.u32 s21, $0x3  }
0x1a: {  	s0 =	sshrl.u32 s0, $0x4;
	s6 =	sadd.s32 s4, s25;
	[dreg:$0x1d] =	wrdreg s31  }
0x1b: {  	s20 =	sadd.s32 s18, s2;
	s29 =	sadd.s32 s4, s26;
	[dreg:$0xb] =	wrdreg s6  }
0x1c: {  	s9 =	simm.s32 $0x80;
	s0 =	sadd.s32 s4, s0;
	[dreg:$0xc] =	wrdreg s29  }
0x1d: {  	s15 =	simm.s32 $0x7700;
	s22 =	sadd.s32 $0x3600, s1;
	[dreg:$0xf] =	wrdreg s0  }
0x1e: {  	s16 =	simm.s32 $0x4;
	s23 =	sadd.s32 $0xD240, s1;
	[dreg:$0x13] =	wrdreg s22  }
0x1f: {  	s21 =	simm.s32 $0x9;
	s24 =	sadd.s32 $0x3AE0, s1;
	[dreg:$0x14] =	wrdreg s23  }
0x20: {  	s1 =	sadd.s32 $0xD720, s1;
	s25 =	smax.u32 s7, $0x1;
	[dreg:$0x15] =	wrdreg s24  }
0x21: {  	s26 =	sshrl.u32 s11, $0x3;
	s7 =	simm.s32 $0x2;
	[dreg:$0x16] =	wrdreg s1  }
0x22: {  	s11 =	simm.s32 $0x5700;
	s6 =	sshrl.u32 s30, $0x4;
	[dreg:$0x17] =	wrdreg s25  }
0x23: {  	[dreg:$0x18] =	wrdreg s26;
	s29 =	sshrl.u32 s13, $0x3;
	s0 =	sshrl.u32 s12, $0x3  }
0x24: {  	s30 =	sshrl.u32 s20, $0x3;
	s12 =	simm.s32 $0x5F00;
	s13 =	simm.s32 $0x6700  }
0x25: {  	s20 =	simm.s32 $0x8;
	s22 =	simm.s32 $0xA;
	[dreg:$0x19] =	wrdreg s29  }
0x26: {  	s23 =	simm.s32 $0xB;
	s24 =	simm.s32 $0xC;
	[dreg:$0x1a] =	wrdreg s0  }
0x27: {  	s25 =	simm.s32 $0x0;
	s6 =	sadd.s32 s4, s6;
	[dreg:$0x1b] =	wrdreg s30  }
0x28: {  	s0 =	sor.u32 $0x1C01, s28;
	[dreg:$0xd] =	wrdreg s6;
	s6 =	sadd.s32 s4, s10  }
0x29: {  	s4 =	sadd.s32 s18, s3;
	s10 =	simm.s32 $0x4F00;
	[dreg:$0xe] =	wrdreg s6  }
0x2a: {  	s18 =	simm.s32 $0x6;
	[dreg:$0x11] =	wrdreg s4;
	s6 =	sadd.s32 s19, s3  }
0x2b: {  	s19 =	simm.s32 $0x7;
	[dreg:$0x12] =	wrdreg s6;
	s6 =	simm.s32 $0x1  }
.LBB2_1:
0x2c: {  	s1 =	rddreg [dreg:$0x4]  }
0x2d: {  	s4 =	rddreg [dreg:$0x18]  }
0x2e: {  	[spmem:s4], [sflag:s0] =	dma.local [hbm:s1], $0x100  }
0x2f: {  	s1 =	rddreg [dreg:$0x5]  }
0x30: {  	s1 =	sshrl.u32 s1, $0x3  }
0x31: {  	s4 =	sor.u32 $0x1C02, s28;
	[dreg:$0x1e] =	wrdreg s1  }
0x32: {  	[spmem:s1], [sflag:s4] =	dma.local [hbm:s5], $0x100  }
0x33: {  	s1 =	rddreg [dreg:$0x6]  }
0x34: {  	s26 =	rddreg [dreg:$0x19]  }
0x35: {  	[spmem:s26], [sflag:s0] =	dma.local [hbm:s1], $0x100  }
0x36: {  	s1 =	rddreg [dreg:$0x7]  }
0x37: {  	s1 =	sshrl.u32 s1, $0x3  }
0x38: {  	[dreg:$0x1f] =	wrdreg s1  }
0x39: {  	[spmem:s1], [sflag:s4] =	dma.local [hbm:s5], $0x100  }
0x3a: {  	s1 =	rddreg [dreg:$0x8]  }
0x3b: {  	s28 =	rddreg [dreg:$0x1a]  }
0x3c: {  	[spmem:s28], [sflag:s0] =	dma.local [hbm:s1], $0x100  }
0x3d: {  	s1 =	rddreg [dreg:$0x10]  }
0x3e: {  	s1 =	sshrl.u32 s1, $0x3  }
0x3f: {  	[smem:$0x7FD] =	sst s1  }
0x40: {  	[spmem:s1], [sflag:s4] =	dma.local [hbm:s5], $0x100  }
0x41: {  	s1 =	rddreg [dreg:$0x9]  }
0x42: {  	s29 =	rddreg [dreg:$0x1b]  }
0x43: {  	[spmem:s29], [sflag:s0] =	dma.local [hbm:s1], $0x100  }
0x44: {  	s1 =	rddreg [dreg:$0x11]  }
0x45: {  	s30 =	sshrl.u32 s1, $0x3  }
0x46: {  	[spmem:s30], [sflag:s4] =	dma.local [hbm:s5], $0x100  }
0x47: {  	s28 =	rddreg [dreg:$0xa]  }
0x48: {  	s29 =	rddreg [dreg:$0x1d]  }
0x49: {  	[spmem:s29], [sflag:s0] =	dma.local [hbm:s28], $0x100  }
0x4a: {  	s1 =	rddreg [dreg:$0x12]  }
0x4b: {  	s1 =	sshrl.u32 s1, $0x3  }
0x4c: {  	[spmem:s1], [sflag:s4] =	dma.local [hbm:s5], $0x100  }
0x4d: {  	s28 =	simm.s32 $0x0;
	s4 =	rddreg [dreg:$0x13]  }
0x4e: {  	[tilespmem:s28], [sflag:$0x3] =	stream.linear.gather [hbm4b:s4+s28], $0x2700, $0x38;
	[tilespmem:$0xCF00] =	vst v63  }
0x4f: {  	s29 =	simm.s32 $0x2780;
	s26 =	rddreg [dreg:$0x14]  }
0x50: {  	[tilespmem:s29], [sflag:$0x3] =	stream.linear.gather [hbm4b:s26+s28], $0x2700, $0x38;
	[tilespmem:$0xCF00] =	vst v63  }
0x51: {  	_ =	swait.ge [sflag:s6], $0x100  }
0x52: {  	[sflag:s6] =	ssyncset.done $0x0  }
0x53: {  	[sflag:s6] =	ssyncadd.s32 $0xFFFFFF00  }
0x54: {  	_ =	swait.ge [sflag:s7], $0x100  }
0x55: {  	[sflag:s7] =	ssyncset.done $0x0  }
0x56: {  	[sflag:s7] =	ssyncadd.s32 $0xFFFFFF00  }
0x57: {  	_ =	swait.ge [sflag:s6], $0x100  }
0x58: {  	[sflag:s6] =	ssyncset.done $0x0  }
0x59: {  	[sflag:s6] =	ssyncadd.s32 $0xFFFFFF00  }
0x5a: {  	_ =	swait.ge [sflag:s7], $0x100  }
0x5b: {  	[sflag:s7] =	ssyncset.done $0x0  }
0x5c: {  	[sflag:s7] =	ssyncadd.s32 $0xFFFFFF00  }
0x5d: {  	_ =	swait.ge [sflag:s6], $0x100  }
0x5e: {  	[sflag:s6] =	ssyncset.done $0x0  }
0x5f: {  	[sflag:s6] =	ssyncadd.s32 $0xFFFFFF00  }
0x60: {  	_ =	swait.ge [sflag:s7], $0x100  }
0x61: {  	[sflag:s7] =	ssyncset.done $0x0  }
0x62: {  	[sflag:s7] =	ssyncadd.s32 $0xFFFFFF00  }
0x63: {  	_ =	swait.ge [sflag:s6], $0x100  }
0x64: {  	[sflag:s6] =	ssyncset.done $0x0  }
0x65: {  	[sflag:s6] =	ssyncadd.s32 $0xFFFFFF00  }
0x66: {  	_ =	swait.ge [sflag:s7], $0x100  }
0x67: {  	[sflag:s7] =	ssyncset.done $0x0  }
0x68: {  	[sflag:s7] =	ssyncadd.s32 $0xFFFFFF00  }
0x69: {  	_ =	swait.ge [sflag:s6], $0x100  }
0x6a: {  	[sflag:s6] =	ssyncset.done $0x0  }
0x6b: {  	[sflag:s6] =	ssyncadd.s32 $0xFFFFFF00  }
0x6c: {  	_ =	swait.ge [sflag:s7], $0x100  }
0x6d: {  	[sflag:s7] =	ssyncset.done $0x0  }
0x6e: {  	[sflag:s7] =	ssyncadd.s32 $0xFFFFFF00  }
0x6f: {  	_ =	swait.ge [sflag:s8], $0x2700  }
0x70: {  	[sflag:s8] =	ssyncset.done $0x0  }
0x71: {  	[sflag:s8] =	ssyncadd.s32 $0xFFFFD900  }
0x72: {  	_ =	swait.ge [sflag:s8], $0x2700  }
0x73: {  	s31 =	simm.s32 @!p0 $0x2700;
	[sflag:s8] =	ssyncset.done $0x0  }
0x74: {  	s4 =	simm.s32 @!p0 $0x0;
	s26 =	rddreg [dreg:$0x15];
	[sflag:s8] =	ssyncadd.s32 $0xFFFFD900  }
0x75: {  	[tilespmem:s31], [sflag:$0xD] =	stream.linear.gather @!p0 [hbm4b:s26+s4], $0x80, $0x38;
	[tilespmem:$0xCF00] =	vst v63  }
0x76: {  	s31 =	simm.s32 @!p0 $0xD  }
0x77: {  	_ =	swait.ge @!p0 [sflag:s31], $0x80  }
0x78: {  	[sflag:s31] =	ssyncset.done @!p0 $0x0  }
0x79: {  	s26 =	simm.s32 @!p0 $0x4E80;
	s29 =	rddreg [dreg:$0x16];
	[sflag:s31] =	ssyncadd.s32 @!p0 $0xFFFFFF80  }
0x7a: {  	[tilespmem:s26], [sflag:$0xD] =	stream.linear.gather @!p0 [hbm4b:s29+s4], $0x80, $0x38;
	[tilespmem:$0xCF00] =	vst v63  }
0x7b: {  	_ =	swait.ge @!p0 [sflag:s31], $0x80  }
0x7c: {  	[sflag:s31] =	ssyncset.done @!p0 $0x0  }
0x7d: {  	[sflag:s31] =	ssyncadd.s32 @!p0 $0xFFFFFF80  }
0x7e: {  	[bflag:$0x0] =	sbarrier.arrive $0xFFFF  }
0x7f: {  	[tilespmem:s10], [sflag:$0x1] =	stream.indirect.gather [spmem:s2], $0x10, s28, s9, $0xb8;
	[tilespmem:$0xCF00] =	vst v63  }
0x80: {  	_ = 	snop  }
0x81: {  	[tilespmem:s11], [sflag:$0x2] =	stream.indirect.gather [spmem:s2], $0x10, s9, s9, $0xb8;
	[tilespmem:$0xCF00] =	vst v63  }
0x82: {  	s26 =	simm.s32 $0x100  }
0x83: {  	[tilespmem:s12], [sflag:$0x3] =	stream.indirect.gather [spmem:s2], $0x10, s26, s9, $0xb8;
	[tilespmem:$0xCF00] =	vst v63  }
0x84: {  	s28 =	simm.s32 $0x180  }
0x85: {  	[tilespmem:s13], [sflag:$0x4] =	stream.indirect.gather [spmem:s2], $0x10, s28, s9, $0xb8;
	[tilespmem:$0xCF00] =	vst v63  }
0x86: {  	s29 =	simm.s32 $0x200  }
0x87: {  	[tilespmem:s14], [sflag:$0x5] =	stream.indirect.gather [spmem:s2], $0x10, s29, s9, $0xb8;
	[tilespmem:$0xCF00] =	vst v63  }
0x88: {  	s26 =	simm.s32 $0x280  }
0x89: {  	[tilespmem:s15], [sflag:$0x6] =	stream.indirect.gather [spmem:s2], $0x10, s26, s9, $0xb8;
	[tilespmem:$0xCF00] =	vst v63  }
0x8a: {  	_ =	swait.ge [sflag:s6], $0x800  }
0x8b: {  	[sflag:s6] =	ssyncset.done $0x0  }
0x8c: {  	s28 =	simm.s32 $0x2780;
	[sflag:s6] =	ssyncadd.s32 $0xFFFFF800  }
0x8d: {  	[spmem:s3] =	stream.indirect.scatter.add.bf16 [tilespmem:s10], [sflag:$0x7], $0x10, s28, s9, $0xb8;
	[tilespmem:$0xCF00] =	vst v63  }
0x8e: {  	_ =	swait.ge [sflag:s7], $0x800  }
0x8f: {  	[sflag:s7] =	ssyncset.done $0x0  }
0x90: {  	s29 =	simm.s32 $0x2800;
	[sflag:s7] =	ssyncadd.s32 $0xFFFFF800  }
0x91: {  	[spmem:s3] =	stream.indirect.scatter.add.bf16 [tilespmem:s11], [sflag:$0x8], $0x10, s29, s9, $0xb8;
	[tilespmem:$0xCF00] =	vst v63  }
0x92: {  	_ =	swait.ge [sflag:s8], $0x800  }
0x93: {  	[sflag:s8] =	ssyncset.done $0x0  }
0x94: {  	s26 =	simm.s32 $0x2880;
	[sflag:s8] =	ssyncadd.s32 $0xFFFFF800  }
0x95: {  	[spmem:s3] =	stream.indirect.scatter.add.bf16 [tilespmem:s12], [sflag:$0x9], $0x10, s26, s9, $0xb8;
	[tilespmem:$0xCF00] =	vst v63  }
0x96: {  	_ =	swait.ge [sflag:s16], $0x800  }
0x97: {  	[sflag:s16] =	ssyncset.done $0x0  }
0x98: {  	s28 =	simm.s32 $0x2900;
	[sflag:s16] =	ssyncadd.s32 $0xFFFFF800  }
0x99: {  	[spmem:s3] =	stream.indirect.scatter.add.bf16 [tilespmem:s13], [sflag:$0xA], $0x10, s28, s9, $0xb8;
	[tilespmem:$0xCF00] =	vst v63  }
0x9a: {  	_ =	swait.ge [sflag:s17], $0x800  }
0x9b: {  	[sflag:s17] =	ssyncset.done $0x0  }
0x9c: {  	s29 =	simm.s32 $0x2980;
	[sflag:s17] =	ssyncadd.s32 $0xFFFFF800  }
0x9d: {  	[spmem:s3] =	stream.indirect.scatter.add.bf16 [tilespmem:s14], [sflag:$0xB], $0x10, s29, s9, $0xb8;
	[tilespmem:$0xCF00] =	vst v63  }
0x9e: {  	_ =	swait.ge [sflag:s18], $0x800  }
0x9f: {  	[sflag:s18] =	ssyncset.done $0x0  }
0xa0: {  	s26 =	simm.s32 $0x2A00;
	[sflag:s18] =	ssyncadd.s32 $0xFFFFF800  }
0xa1: {  	[spmem:s3] =	stream.indirect.scatter.add.bf16 [tilespmem:s15], [sflag:$0xC], $0x10, s26, s9, $0xb8;
	[tilespmem:$0xCF00] =	vst v63  }
0xa2: {  	_ =	swait.ge [sflag:s19], $0x800  }
0xa3: {  	[sflag:s19] =	ssyncset.done $0x0  }
0xa4: {  	s28 =	simm.s32 $0x300;
	[sflag:s19] =	ssyncadd.s32 $0xFFFFF800  }
0xa5: {  	[tilespmem:s10], [sflag:$0x1] =	stream.indirect.gather [spmem:s2], $0x10, s28, s9, $0xb8;
	[tilespmem:$0xCF00] =	vst v63  }
0xa6: {  	_ =	swait.ge [sflag:s20], $0x800  }
0xa7: {  	[sflag:s20] =	ssyncset.done $0x0  }
0xa8: {  	s29 =	simm.s32 $0x380;
	[sflag:s20] =	ssyncadd.s32 $0xFFFFF800  }
0xa9: {  	[tilespmem:s11], [sflag:$0x2] =	stream.indirect.gather [spmem:s2], $0x10, s29, s9, $0xb8;
	[tilespmem:$0xCF00] =	vst v63  }
0xaa: {  	_ =	swait.ge [sflag:s21], $0x800  }
0xab: {  	[sflag:s21] =	ssyncset.done $0x0  }
0xac: {  	s26 =	simm.s32 $0x400;
	[sflag:s21] =	ssyncadd.s32 $0xFFFFF800  }
0xad: {  	[tilespmem:s12], [sflag:$0x3] =	stream.indirect.gather [spmem:s2], $0x10, s26, s9, $0xb8;
	[tilespmem:$0xCF00] =	vst v63  }
0xae: {  	_ =	swait.ge [sflag:s22], $0x800  }
0xaf: {  	[sflag:s22] =	ssyncset.done $0x0  }
0xb0: {  	s28 =	simm.s32 $0x480;
	[sflag:s22] =	ssyncadd.s32 $0xFFFFF800  }
0xb1: {  	[tilespmem:s13], [sflag:$0x4] =	stream.indirect.gather [spmem:s2], $0x10, s28, s9, $0xb8;
	[tilespmem:$0xCF00] =	vst v63  }
0xb2: {  	_ =	swait.ge [sflag:s23], $0x800  }
0xb3: {  	[sflag:s23] =	ssyncset.done $0x0  }
0xb4: {  	s29 =	simm.s32 $0x500;
	[sflag:s23] =	ssyncadd.s32 $0xFFFFF800  }
0xb5: {  	[tilespmem:s14], [sflag:$0x5] =	stream.indirect.gather [spmem:s2], $0x10, s29, s9, $0xb8;
	[tilespmem:$0xCF00] =	vst v63  }
0xb6: {  	_ =	swait.ge [sflag:s24], $0x800  }
0xb7: {  	[sflag:s24] =	ssyncset.done $0x0  }
0xb8: {  	s4 =	simm.s32 $0xC00;
	s31 =	simm.s32 $0x580;
	[sflag:s24] =	ssyncadd.s32 $0xFFFFF800  }
.LBB2_2:
0xb9: {  	[tilespmem:s15], [sflag:$0x6] =	stream.indirect.gather [spmem:s2], $0x10, s31, s9, $0xb8;
	[tilespmem:$0xCF00] =	vst v63  }
0xba: {  	s26 =	smov.u32 s4  }
0xbb: {  	p1 =	sne.s32 s4, $0x8400;
	s4 =	sadd.s32 $0xC00, s4;
	_ =	swait.ge [sflag:s6], $0x800  }
0xbc: {  	s31 =	sshra.s32 s26, $0x2;
	[sflag:s6] =	ssyncset.done $0x0  }
0xbd: {  	s26 =	sadd.s32 $0x2780, s31;
	[sflag:s6] =	ssyncadd.s32 $0xFFFFF800  }
0xbe: {  	[spmem:s3] =	stream.indirect.scatter.add.bf16 [tilespmem:s10], [sflag:$0x7], $0x10, s26, s9, $0xb8;
	[tilespmem:$0xCF00] =	vst v63  }
0xbf: {  	_ =	swait.ge [sflag:s7], $0x800  }
0xc0: {  	[sflag:s7] =	ssyncset.done $0x0  }
0xc1: {  	s26 =	sadd.s32 $0x2800, s31;
	[sflag:s7] =	ssyncadd.s32 $0xFFFFF800  }
0xc2: {  	[spmem:s3] =	stream.indirect.scatter.add.bf16 [tilespmem:s11], [sflag:$0x8], $0x10, s26, s9, $0xb8;
	[tilespmem:$0xCF00] =	vst v63  }
0xc3: {  	_ =	swait.ge [sflag:s8], $0x800  }
0xc4: {  	[sflag:s8] =	ssyncset.done $0x0  }
0xc5: {  	s26 =	sadd.s32 $0x2880, s31;
	[sflag:s8] =	ssyncadd.s32 $0xFFFFF800  }
0xc6: {  	[spmem:s3] =	stream.indirect.scatter.add.bf16 [tilespmem:s12], [sflag:$0x9], $0x10, s26, s9, $0xb8;
	[tilespmem:$0xCF00] =	vst v63  }
0xc7: {  	_ =	swait.ge [sflag:s16], $0x800  }
0xc8: {  	[sflag:s16] =	ssyncset.done $0x0  }
0xc9: {  	s26 =	sadd.s32 $0x2900, s31;
	[sflag:s16] =	ssyncadd.s32 $0xFFFFF800  }
0xca: {  	[spmem:s3] =	stream.indirect.scatter.add.bf16 [tilespmem:s13], [sflag:$0xA], $0x10, s26, s9, $0xb8;
	[tilespmem:$0xCF00] =	vst v63  }
0xcb: {  	_ =	swait.ge [sflag:s17], $0x800  }
0xcc: {  	[sflag:s17] =	ssyncset.done $0x0  }
0xcd: {  	s26 =	sadd.s32 $0x2980, s31;
	[sflag:s17] =	ssyncadd.s32 $0xFFFFF800  }
0xce: {  	[spmem:s3] =	stream.indirect.scatter.add.bf16 [tilespmem:s14], [sflag:$0xB], $0x10, s26, s9, $0xb8;
	[tilespmem:$0xCF00] =	vst v63  }
0xcf: {  	_ =	swait.ge [sflag:s18], $0x800  }
0xd0: {  	[sflag:s18] =	ssyncset.done $0x0  }
0xd1: {  	s26 =	sadd.s32 $0x2A00, s31;
	[sflag:s18] =	ssyncadd.s32 $0xFFFFF800  }
0xd2: {  	[spmem:s3] =	stream.indirect.scatter.add.bf16 [tilespmem:s15], [sflag:$0xC], $0x10, s26, s9, $0xb8;
	[tilespmem:$0xCF00] =	vst v63  }
0xd3: {  	_ =	swait.ge [sflag:s19], $0x800  }
0xd4: {  	[sflag:s19] =	ssyncset.done $0x0  }
0xd5: {  	s26 =	sadd.s32 $0x300, s31;
	[sflag:s19] =	ssyncadd.s32 $0xFFFFF800  }
0xd6: {  	[tilespmem:s10], [sflag:$0x1] =	stream.indirect.gather [spmem:s2], $0x10, s26, s9, $0xb8;
	[tilespmem:$0xCF00] =	vst v63  }
0xd7: {  	_ =	swait.ge [sflag:s20], $0x800  }
0xd8: {  	[sflag:s20] =	ssyncset.done $0x0  }
0xd9: {  	s26 =	sadd.s32 $0x380, s31;
	[sflag:s20] =	ssyncadd.s32 $0xFFFFF800  }
0xda: {  	[tilespmem:s11], [sflag:$0x2] =	stream.indirect.gather [spmem:s2], $0x10, s26, s9, $0xb8;
	[tilespmem:$0xCF00] =	vst v63  }
0xdb: {  	_ =	swait.ge [sflag:s21], $0x800  }
0xdc: {  	[sflag:s21] =	ssyncset.done $0x0  }
0xdd: {  	s26 =	sadd.s32 $0x400, s31;
	[sflag:s21] =	ssyncadd.s32 $0xFFFFF800  }
0xde: {  	[tilespmem:s12], [sflag:$0x3] =	stream.indirect.gather [spmem:s2], $0x10, s26, s9, $0xb8;
	[tilespmem:$0xCF00] =	vst v63  }
0xdf: {  	_ =	swait.ge [sflag:s22], $0x800  }
0xe0: {  	[sflag:s22] =	ssyncset.done $0x0  }
0xe1: {  	s26 =	sadd.s32 $0x480, s31;
	[sflag:s22] =	ssyncadd.s32 $0xFFFFF800  }
0xe2: {  	[tilespmem:s13], [sflag:$0x4] =	stream.indirect.gather [spmem:s2], $0x10, s26, s9, $0xb8;
	[tilespmem:$0xCF00] =	vst v63  }
0xe3: {  	_ =	swait.ge [sflag:s23], $0x800  }
0xe4: {  	[sflag:s23] =	ssyncset.done $0x0  }
.Ltmp0:
0xe5: {  	s26 =	sadd.s32 $0x500, s31;
	[sflag:s23] =	ssyncadd.s32 $0xFFFFF800;
	(pc) =	sbr.rel @p1 .LBB2_2-.Ltmp0, $4  }
0xe6: {  	[tilespmem:s14], [sflag:$0x5] =	stream.indirect.gather [spmem:s2], $0x10, s26, s9, $0xb8;
	[tilespmem:$0xCF00] =	vst v63  }
0xe7: {  	_ =	swait.ge [sflag:s24], $0x800  }
0xe8: {  	[sflag:s24] =	ssyncset.done $0x0  }
0xe9: {  	s31 =	sadd.s32 $0x580, s31;
	[sflag:s24] =	ssyncadd.s32 $0xFFFFF800  }
0xea: {  	[tilespmem:s15], [sflag:$0x6] =	stream.indirect.gather [spmem:s2], $0x10, s31, s9, $0xb8;
	[tilespmem:$0xCF00] =	vst v63  }
0xeb: {  	_ =	swait.ge [sflag:s6], $0x800  }
0xec: {  	[sflag:s6] =	ssyncset.done $0x0  }
0xed: {  	s4 =	simm.s32 $0x4B80;
	[sflag:s6] =	ssyncadd.s32 $0xFFFFF800  }
0xee: {  	[spmem:s3] =	stream.indirect.scatter.add.bf16 [tilespmem:s10], [sflag:$0x7], $0x10, s4, s9, $0xb8;
	[tilespmem:$0xCF00] =	vst v63  }
0xef: {  	_ =	swait.ge [sflag:s7], $0x800  }
0xf0: {  	[sflag:s7] =	ssyncset.done $0x0  }
0xf1: {  	s26 =	simm.s32 $0x4C00;
	[sflag:s7] =	ssyncadd.s32 $0xFFFFF800  }
0xf2: {  	[spmem:s3] =	stream.indirect.scatter.add.bf16 [tilespmem:s11], [sflag:$0x8], $0x10, s26, s9, $0xb8;
	[tilespmem:$0xCF00] =	vst v63  }
0xf3: {  	_ =	swait.ge [sflag:s8], $0x800  }
0xf4: {  	[sflag:s8] =	ssyncset.done $0x0  }
0xf5: {  	s29 =	simm.s32 $0x4C80;
	[sflag:s8] =	ssyncadd.s32 $0xFFFFF800  }
0xf6: {  	[spmem:s3] =	stream.indirect.scatter.add.bf16 [tilespmem:s12], [sflag:$0x9], $0x10, s29, s9, $0xb8;
	[tilespmem:$0xCF00] =	vst v63  }
0xf7: {  	_ =	swait.ge [sflag:s16], $0x800  }
0xf8: {  	[sflag:s16] =	ssyncset.done $0x0  }
0xf9: {  	s31 =	simm.s32 $0x4D00;
	[sflag:s16] =	ssyncadd.s32 $0xFFFFF800  }
0xfa: {  	[spmem:s3] =	stream.indirect.scatter.add.bf16 [tilespmem:s13], [sflag:$0xA], $0x10, s31, s9, $0xb8;
	[tilespmem:$0xCF00] =	vst v63  }
0xfb: {  	_ =	swait.ge [sflag:s17], $0x800  }
0xfc: {  	[sflag:s17] =	ssyncset.done $0x0  }
0xfd: {  	s26 =	simm.s32 $0x4D80;
	[sflag:s17] =	ssyncadd.s32 $0xFFFFF800  }
0xfe: {  	[spmem:s3] =	stream.indirect.scatter.add.bf16 [tilespmem:s14], [sflag:$0xB], $0x10, s26, s9, $0xb8;
	[tilespmem:$0xCF00] =	vst v63  }
0xff: {  	_ =	swait.ge [sflag:s18], $0x800  }
0x100: {  	[sflag:s18] =	ssyncset.done $0x0  }
0x101: {  	s29 =	simm.s32 $0x4E00;
	[sflag:s18] =	ssyncadd.s32 $0xFFFFF800  }
0x102: {  	[spmem:s3] =	stream.indirect.scatter.add.bf16 [tilespmem:s15], [sflag:$0xC], $0x10, s29, s9, $0xb8;
	[tilespmem:$0xCF00] =	vst v63  }
0x103: {  	_ =	swait.ge [sflag:s19], $0x800  }
0x104: {  	[sflag:s19] =	ssyncset.done $0x0  }
0x105: {  	[sflag:s19] =	ssyncadd.s32 $0xFFFFF800  }
0x106: {  	_ =	swait.ge [sflag:s20], $0x800  }
0x107: {  	[sflag:s20] =	ssyncset.done $0x0  }
0x108: {  	[sflag:s20] =	ssyncadd.s32 $0xFFFFF800  }
0x109: {  	_ =	swait.ge [sflag:s21], $0x800  }
0x10a: {  	[sflag:s21] =	ssyncset.done $0x0  }
0x10b: {  	[sflag:s21] =	ssyncadd.s32 $0xFFFFF800  }
0x10c: {  	_ =	swait.ge [sflag:s22], $0x800  }
0x10d: {  	[sflag:s22] =	ssyncset.done $0x0  }
0x10e: {  	[sflag:s22] =	ssyncadd.s32 $0xFFFFF800  }
0x10f: {  	_ =	swait.ge [sflag:s23], $0x800  }
0x110: {  	[sflag:s23] =	ssyncset.done $0x0  }
0x111: {  	[sflag:s23] =	ssyncadd.s32 $0xFFFFF800  }
0x112: {  	_ =	swait.ge [sflag:s24], $0x800  }
0x113: {  	s4 =	simm.s32 @!p0 $0x80;
	[sflag:s24] =	ssyncset.done $0x0  }
0x114: {  	s31 =	simm.s32 @!p0 $0x4F00;
	s26 =	simm.s32 @!p0 $0x2700;
	[sflag:s24] =	ssyncadd.s32 $0xFFFFF800  }
0x115: {  	[tilespmem:s31], [sflag:$0x1] =	stream.indirect.gather @!p0 [spmem:s2], $0x10, s26, s4, $0xb8;
	[tilespmem:$0xCF00] =	vst v63  }
0x116: {  	s26 =	simm.s32 @!p0 $0x1  }
0x117: {  	_ =	swait.ge @!p0 [sflag:s26], $0x800  }
0x118: {  	[sflag:s26] =	ssyncset.done @!p0 $0x0  }
0x119: {  	[sflag:s26] =	ssyncadd.s32 @!p0 $0xFFFFF800;
	s26 =	simm.s32 @!p0 $0x4E80  }
0x11a: {  	[spmem:s3] =	stream.indirect.scatter.add.bf16 @!p0 [tilespmem:s31], [sflag:$0xD], $0x10, s26, s4, $0xb8;
	[tilespmem:$0xCF00] =	vst v63  }
0x11b: {  	s4 =	simm.s32 @!p0 $0xD  }
0x11c: {  	_ =	swait.ge @!p0 [sflag:s4], $0x800  }
0x11d: {  	[sflag:s4] =	ssyncset.done @!p0 $0x0  }
0x11e: {  	[sflag:s4] =	ssyncadd.s32 @!p0 $0xFFFFF800  }
0x11f: {  	[bflag:$0x0] =	sbarrier.arrive $0xFFFF  }
0x120: {  	s28 =	rddreg [dreg:$0x1c]  }
0x121: {  	s31 =	rddreg [dreg:$0xb]  }
0x122: {  	s29 =	rddreg [dreg:$0x1e];
	s4 =	sor.u32 $0x1C07, s28  }
0x123: {  	[hbm:s31], [sflag:s4] =	dma.local [spmem:s29], $0x100  }
0x124: {  	s26 =	rddreg [dreg:$0xc]  }
0x125: {  	s29 =	rddreg [dreg:$0x1f]  }
0x126: {  	[hbm:s26], [sflag:s4] =	dma.local [spmem:s29], $0x100  }
0x127: {  	s29 =	sld [smem:$0x7FD];
	_ =	sdelay $0x1  }
0x128: {  	s26 =	rddreg [dreg:$0xd]  }
0x129: {  	[hbm:s26], [sflag:s4] =	dma.local [spmem:s29], $0x100  }
0x12a: {  	s26 =	rddreg [dreg:$0xe]  }
0x12b: {  	[hbm:s26], [sflag:s4] =	dma.local [spmem:s30], $0x100  }
0x12c: {  	s26 =	rddreg [dreg:$0xf]  }
0x12d: {  	[hbm:s26], [sflag:s4] =	dma.local [spmem:s1], $0x100  }
0x12e: {  	_ =	swait.ge [sflag:s19], $0x100  }
0x12f: {  	[sflag:s19] =	ssyncset.done $0x0  }
0x130: {  	[sflag:s19] =	ssyncadd.s32 $0xFFFFFF00  }
0x131: {  	_ =	swait.ge [sflag:s19], $0x100  }
0x132: {  	[sflag:s19] =	ssyncset.done $0x0  }
0x133: {  	[sflag:s19] =	ssyncadd.s32 $0xFFFFFF00  }
0x134: {  	_ =	swait.ge [sflag:s19], $0x100  }
0x135: {  	[sflag:s19] =	ssyncset.done $0x0  }
0x136: {  	[sflag:s19] =	ssyncadd.s32 $0xFFFFFF00  }
0x137: {  	_ =	swait.ge [sflag:s19], $0x100  }
0x138: {  	[sflag:s19] =	ssyncset.done $0x0  }
0x139: {  	[sflag:s19] =	ssyncadd.s32 $0xFFFFFF00  }
0x13a: {  	_ =	swait.ge [sflag:s19], $0x100  }
0x13b: {  	s25 =	sadd.s32 $0x1, s25;
	s31 =	rddreg [dreg:$0x17]  }
0x13c: {  	p1 =	sne.s32 s25, s31  }
.Ltmp1:
0x13d: {  	_ = 	snop;
	(pc) =	sbr.rel @p1 .LBB2_1-.Ltmp1, $3  }
0x13e: {  	_ =	sdelay $0x1  }
0x13f: {  	[sflag:s19] =	ssyncset.done $0x0  }
0x140: {  	[sflag:s19] =	ssyncadd.s32 $0xFFFFFF00  }
0x141: {  	_ =	sfence.sel $0x180000  }
0x142: {  	[bflag:$0x0] =	sbarrier.arrive $0xFFFF  }
0x143: {  	_ =	strace $0x9000004D  }
0x144: {  	s0 =	stileid.u32;
	[bflag:$0x2] =	sbarrier.arrive $0xFFFF  }
0x145: {  	p0 =	sne.s32 s0, $0x0;
	s0 =	rddreg [dreg:$0x3]  }
0x146: {  	s0 =	sadd.s32 @!p0 $0x100000, s0  }
0x147: {  	[sflag:s0] =	ssyncadd.tile.s32 @!p0 $0x1;
	_ =	shalt  }
.Lfunc_end2:
_tile_overlayer_lowered:
.L_overlay_start_2:
0x148: {  	(tag) =	ssettag $0x2  }
0x149: {  	s0 =	rddreg [dreg:$0x0];
	s2 =	stileid.u32  }
0x14a: {  	s1 =	rddreg [dreg:$0x1];
	p0 =	sne.s32 s2, $0x0  }
0x14b: {  	s3 =	rddreg [dreg:$0x2];
	[bflag:$0x3] =	sbarrier.arrive $0xFFFF;
	s2 =	simm.s32 @!p0 $0x1C0D  }
0x14c: {  	[timem:s3], [sflag:s2] =	dma.local @!p0 [hbm:s0], s1  }
0x14d: {  	s0 =	simm.s32 @!p0 $0xD  }
0x14e: {  	_ =	swait.ge @!p0 [sflag:s0], s1  }
0x14f: {  	s1 =	ssub.s32 @!p0 $0x0, s1;
	[sflag:s0] =	ssyncset.done @!p0 $0x0  }
0x150: {  	[sflag:s0] =	ssyncadd.s32 @!p0 s1  }
0x151: {  	[bflag:$0x3] =	sbarrier.arrive $0xFFFF  }
0x152: {  	_ =	shalt  }

// kernel: kernel.20.cloned.1.call-start
scs
__scs_entry_jumppad:
0x0: {  	(pc) =	sbr.rel $0x88, $3  }
0x1: {  	(tag) =	ssettag $0x0;
	lr =	simm.s32 $0x1  }
0x2: {  	[smem:$0x3F94] =	sst lr;
	_ =	strace $0xD0000000  }
0x3: {  	_ = 	snop  }
0x4: {  	_ = 	snop  }
0x5: {  	_ = 	snop  }
0x6: {  	_ = 	snop  }
0x7: {  	_ = 	snop  }
__scs_overlays_trampoline_lowered:
0x8: {  	[smem:$0x3FA3] =	sst s0  }
0x9: {  	[smem:$0x3FA4] =	sst s1  }
0xa: {  	[smem:$0x3FA5] =	sst s2  }
0xb: {  	[smem:$0x3FA6] =	sst s3  }
0xc: {  	[smem:$0x3FA7] =	sst s4  }
0xd: {  	[smem:$0x3FA8] =	sst s5  }
0xe: {  	[smem:$0x3FA9] =	sst s6  }
0xf: {  	[smem:$0x3FAA] =	sst s7  }
0x10: {  	[smem:$0x3FAB] =	sst s8  }
0x11: {  	[smem:$0x3FAC] =	sst s9;
	s0 =	simm.s32 @!p0 $0x0  }
0x12: {  	s1 =	sld [smem:$0x3F92];
	s0 =	simm.s32 @p0 $0x1  }
0x13: {  	[smem:$0x3FAD] =	sst s0;
	s0 =	simm.s32 @!p1 $0x0  }
0x14: {  	s2 =	sld [smem:$0x3F91];
	s0 =	simm.s32 @p1 $0x1  }
0x15: {  	[smem:$0x3FAE] =	sst s0;
	s0 =	simm.s32 @!p2 $0x0  }
0x16: {  	s3 =	sld [smem:$0x3FDB];
	s0 =	simm.s32 @p2 $0x1  }
0x17: {  	s4 =	simm.s32 $0x1BF5;
	[smem:$0x3FB0] =	sst s0  }
0x18: {  	s0 =	sld [smem:$0x3F93];
	_ =	swait.ge [sflag:s4], $0x0  }
0x19: {  	s7 =	sld [smem:$0x3F94]  }
0x1a: {  	s8 =	sadd.s32 $0xFFFFE003, lr  }
0x1b: {  	s9 =	sadd.s32 $0xFFFFFEF7, lr;
	s5 =	simm.s32 $0xFFFFFFFF;
	p2 =	slt.u32 s8, $0xFFFFF086  }
0x1c: {  	p1 =	slt.u32 s9, $0xF7A;
	s5 =	simm.s32 @!p2 $0x0  }
0x1d: {  	s5 =	simm.s32 @p1 $0x1;
	p0 =	seq.s32 s7, s2  }
0x1e: {  	s7 =	smul.u32 @!p0 $0xF7A, s2;
	p2 =	seq.s32 @!p0 s5, $0x0  }
0x1f: {  	s9 =	smul.u32 $0xF7A, s1;
	s8 =	simm.s32 @!p0 $0x1BF5;
	p2 =	por !p2, p0  }
0x20: {  	[sflag:s8] =	ssyncset.s32 @!p0 $0xFFFFF086;
	s6 =	sadd.s32 @!p0 s3, s7;
	s7 =	simm.s32 @!p0 $0x108  }
0x21: {  	s3 =	sadd.s32 s3, s9;
	s6 =	sadd.s32 @!p0 $0x88, s6;
	s7 =	simm.s32 @p2 $0x1082  }
0x22: {  	[simem:s7], [sflag:s8] =	dma.local @!p0 [hbm:s6], $0xF7A  }
0x23: {  	s9 =	sor.u32 $0xD0000000, s2;
	s6 =	simm.s32 $0x108;
	_ =	swait.ge @!p0 [sflag:s8], $0x0  }
0x24: {  	s3 =	sadd.s32 $0x88, s3;
	s6 =	simm.s32 @!p1 $0x1082;
	[sflag:s4] =	ssyncset.s32 $0xFFFFF086  }
0x25: {  	[simem:s6], [sflag:s4] =	dma.local [hbm:s3], $0xF7A  }
0x26: {  	[smem:$0x3F94] =	sst s1;
	(tag) =	ssettag s2;
	_ =	strace s9  }
0x27: {  	s1 =	sld [smem:$0x3FA4]  }
0x28: {  	s2 =	sld [smem:$0x3FA5]  }
0x29: {  	s4 =	sld [smem:$0x3FA7]  }
0x2a: {  	p0 =	seq.s32 s5, $0x0;
	s5 =	sld [smem:$0x3FA8]  }
0x2b: {  	s6 =	sld [smem:$0x3FA9]  }
0x2c: {  	s7 =	sld [smem:$0x3FAA]  }
0x2d: {  	s3 =	simm.s32 $0x108;
	s8 =	sld [smem:$0x3FAB]  }
0x2e: {  	s3 =	simm.s32 @!p0 $0x1082;
	s9 =	sld [smem:$0x3FAC]  }
0x2f: {  	lr =	sadd.s32 s0, s3;
	s0 =	sld [smem:$0x3FA3]  }
0x30: {  	s3 =	sld [smem:$0x3FA6]  }
0x31: {  	[smem:$0x3FAF] =	sst s10  }
0x32: {  	s10 =	sld [smem:$0x3FAD];
	_ =	sdelay $0x3  }
0x33: {  	p0 =	seq.s32 s10, $0x1;
	s10 =	sld [smem:$0x3FAF];
	_ =	sdelay $0x3  }
0x34: {  	[smem:$0x3FAF] =	sst s10  }
0x35: {  	s10 =	sld [smem:$0x3FAE];
	_ =	sdelay $0x3  }
0x36: {  	p1 =	seq.s32 s10, $0x1;
	s10 =	sld [smem:$0x3FAF];
	_ =	sdelay $0x3  }
0x37: {  	[smem:$0x3FAF] =	sst s10  }
0x38: {  	s10 =	sld [smem:$0x3FB0]  }
0x39: {  	_ = 	snop;
	(pc) =	sbr.ind lr, $3  }
0x3a: {  	_ = 	snop  }
0x3b: {  	_ = 	snop  }
0x3c: {  	p2 =	seq.s32 s10, $0x1;
	s10 =	sld [smem:$0x3FAF]  }
0x3d: {  	_ =	shalt  }
0x3e: {  	_ =	shalt  }
0x3f: {  	_ =	shalt  }
0x40: {  	_ =	shalt  }
0x41: {  	_ =	shalt  }
0x42: {  	_ =	shalt  }
0x43: {  	_ =	shalt  }
0x44: {  	_ =	shalt  }
0x45: {  	_ =	shalt  }
0x46: {  	_ =	shalt  }
0x47: {  	_ =	shalt  }
0x48: {  	_ =	shalt  }
0x49: {  	_ =	shalt  }
0x4a: {  	_ =	shalt  }
0x4b: {  	_ =	shalt  }
0x4c: {  	_ =	shalt  }
0x4d: {  	_ =	shalt  }
0x4e: {  	_ =	shalt  }
0x4f: {  	_ =	shalt  }
0x50: {  	_ =	shalt  }
0x51: {  	_ =	shalt  }
0x52: {  	_ =	shalt  }
0x53: {  	_ =	shalt  }
0x54: {  	_ =	shalt  }
0x55: {  	_ =	shalt  }
0x56: {  	_ =	shalt  }
0x57: {  	_ =	shalt  }
0x58: {  	_ =	shalt  }
0x59: {  	_ =	shalt  }
0x5a: {  	_ =	shalt  }
0x5b: {  	_ =	shalt  }
0x5c: {  	_ =	shalt  }
0x5d: {  	_ =	shalt  }
0x5e: {  	_ =	shalt  }
0x5f: {  	_ =	shalt  }
0x60: {  	_ =	shalt  }
0x61: {  	_ =	shalt  }
0x62: {  	_ =	shalt  }
0x63: {  	_ =	shalt  }
0x64: {  	_ =	shalt  }
0x65: {  	_ =	shalt  }
0x66: {  	_ =	shalt  }
0x67: {  	_ =	shalt  }
0x68: {  	_ =	shalt  }
0x69: {  	_ =	shalt  }
0x6a: {  	_ =	shalt  }
0x6b: {  	_ =	shalt  }
0x6c: {  	_ =	shalt  }
0x6d: {  	_ =	shalt  }
0x6e: {  	_ =	shalt  }
0x6f: {  	_ =	shalt  }
0x70: {  	_ =	shalt  }
0x71: {  	_ =	shalt  }
0x72: {  	_ =	shalt  }
0x73: {  	_ =	shalt  }
0x74: {  	_ =	shalt  }
0x75: {  	_ =	shalt  }
0x76: {  	_ =	shalt  }
0x77: {  	_ =	shalt  }
0x78: {  	_ =	shalt  }
0x79: {  	_ =	shalt  }
0x7a: {  	_ =	shalt  }
0x7b: {  	_ =	shalt  }
0x7c: {  	_ =	shalt  }
0x7d: {  	_ =	shalt  }
0x7e: {  	_ =	shalt  }
0x7f: {  	_ =	shalt  }
0x80: {  	_ =	shalt  }
0x81: {  	_ =	shalt  }
0x82: {  	_ =	shalt  }
0x83: {  	_ =	shalt  }
0x84: {  	_ =	shalt  }
0x85: {  	_ =	shalt  }
0x86: {  	_ =	shalt  }
0x87: {  	_ =	shalt  }
.Lfunc_end0:
.L_simem_size_0:
called_computation.3_lowered:
.L_overlay_start_0:
0x88: {  	s2 =	sld [smem:$0x3FD9]  }
0x89: {  	s3 =	sld [smem:$0x3FFE];
	_ =	sdelay $0x1  }
0x8a: {  	s1 =	srdreg.scid  }
0x8b: {  	s0 =	sand.u32 $0x1, s1  }
0x8c: {  	s16 =	sshll.u32 s0, $0xA;
	s2 =	sadd.s32 s3, s2  }
0x8d: {  	s2 =	sadd.s32 s2, s16  }
0x8e: {  	[smem:$0x3FBB] =	sst s2  }
0x8f: {  	_ = 	snop  }
0x90: {  	(tm) =	ssettm $0x1  }
0x91: {  	s17 =	sld [smem:$0x3FFB];
	_ =	sdelay $0x3  }
0x92: {  	_ =	strace s17  }
0x93: {  	s2 =	sld [smem:$0x3FFC];
	_ =	sdelay $0x3  }
0x94: {  	_ =	strace s2  }
0x95: {  	s2 =	sld [smem:$0x3FFD];
	_ =	sdelay $0x3  }
0x96: {  	_ =	strace s2  }
0x97: {  	_ =	strace $0x8FFFFFFF  }
0x98: {  	s18 =	sld [smem:$0x3FDB];
	_ =	sdelay $0x1  }
0x99: {  	s19 =	simm.s32 $_scs_section_size  }
0x9a: {  	s4 =	simm.s32 $_size__tile_overlayer_lowered;
	s5 =	simm.s32 $_tile_overlayer_lowered  }
0x9b: {  	s22 =	simm.s32 $0x1BFF;
	s21 =	sshll.u32 s5, $0x1;
	s2 =	sadd.s32 s19, s18  }
0x9c: {  	s6 =	simm.s32 $0x0;
	s20 =	sshll.u32 s4, $0x1;
	s4 =	sadd.s32 s21, s2  }
0x9d: {  	[timem:s6], [sflag:s22] =	dma.local [hbm:s4], s20  }
0x9e: {  	_ =	swait.ge [sflag:s22], s20  }
0x9f: {  	s3 =	ssub.s32 $0x0, s20;
	[sflag:s22] =	ssyncset.done $0x0  }
0xa0: {  	[sflag:s22] =	ssyncadd.s32 s3;
	_ =	sdelay $0x1  }
0xa1: {  	s23 =	simm.s32 $0x1B8B  }
0xa2: {  	_ =	swait.ge [sflag:s23], $0x1  }
0xa3: {  	[sflag:s23] =	ssyncset.done $0x0  }
0xa4: {  	s25 =	simm.s32 $0x1B8E;
	s24 =	sld [smem:$0x3FFE];
	[sflag:s23] =	ssyncadd.s32 $0xFFFFFFFF  }
0xa5: {  	s26 =	simm.s32 $execute0_lowered;
	[smem:$0x3FD2] =	sst s25  }
0xa6: {  	s4 =	sshll.u32 s26, $0x1;
	_ =	strace $0x8000004F;
	[dreg:$0x1] =	wrdreg $0xFFFFFFFF  }
0xa7: {  	s28 =	simm.s32 $_size_execute0_lowered;
	s2 =	sadd.s32 s2, s4;
	[dreg:$0x0] =	wrdreg $0x0  }
0xa8: {  	s4 =	sshll.u32 s28, $0x1;
	[dreg:$0x2] =	wrdreg s2  }
0xa9: {  	[dreg:$0x3] =	wrdreg s4  }
0xaa: {  	[dreg:$0x4] =	wrdreg $0xC0  }
0xab: {  	_ =	task [dreg:s6], $0x5FFFF  }
0xac: {  	[dreg:$0x1] =	wrdreg $0xFFFFFFFF  }
0xad: {  	[dreg:$0x0] =	wrdreg $0x60  }
0xae: {  	[dreg:$0x2] =	wrdreg s24  }
0xaf: {  	[dreg:$0x3] =	wrdreg $0xA7000  }
0xb0: {  	[dreg:$0x4] =	wrdreg $0x7F000  }
0xb1: {  	[dreg:$0x5] =	wrdreg $0x9  }
0xb2: {  	_ =	task.clear_ibuf [dreg:s6], $0x6FFFF;
	_ =	strace $0x9000004F  }
0xb3: {  	s29 =	simm.s32 $0x9;
	_ =	strace $0x80000051  }
0xb4: {  	_ =	swait.ge [sflag:s29], $0x1  }
0xb5: {  	[sflag:s29] =	ssyncadd.s32 $0xFFFFFFFF  }
0xb6: {  	_ =	strace $0x90000051  }
0xb7: {  	_ =	sfence  }
0xb8: {  	s30 =	sld [smem:$0x0];
	_ =	sdelay $0x2  }
0xb9: {  	s31 =	sshll.u32 s1, $0xD;
	s1 =	sshrl.u32 s1, $0x2  }
0xba: {  	s3 =	sand.u32 $0x4000, s31;
	s1 =	sadd.s32 s1, s30  }
0xbb: {  	s0 =	sor.u32 s3, s0;
	s1 =	sshll.u32 s1, $0x11  }
0xbc: {  	s0 =	sor.u32 s1, s0  }
0xbd: {  	s0 =	sadd.s32 $0x8F2B, s0  }
0xbe: {  	[sflag:s0] =	ssyncadd.remote.s32 $0x1  }
0xbf: {  	_ =	sfence.sel $0xFFFF  }
0xc0: {  	[dreg:$0x0] =	wrdreg $0xFFFFFFFF;
	(pc) =	sbr.abs _section_cstart, $3  }
0xc1: {  	[dreg:$0x1] =	wrdreg $0xFFFFFFFF  }
0xc2: {  	_ =	task.clear_ibuf [dreg:s6], $0x2FFFF;
	_ =	strace $0x9FFFFFFF  }
0xc3: {  	(tm) =	ssettm $0x7FFFFFFF  }
tec
execute0_lowered:
.L_overlay_start_1:
0x0: {  	(tag) =	ssettag $0x1  }
0x1: {  	s0 =	srdreg.scid;
	s4 =	rddreg [dreg:$0x0]  }
0x2: {  	s17 =	stileid.u32;
	s2 =	rddreg [dreg:$0x1]  }
0x3: {  	s3 =	rddreg [dreg:$0x2];
	s6 =	simm.s32 $0x0;
	s0 =	sand.u32 $0x1, s0  }
0x4: {  	s1 =	sshll.u32 s17, $0x1;
	[smem:$0x7FF] =	sst s6;
	s31 =	sadd.s32 $0x17000, s4  }
0x5: {  	s8 =	smul.u32 $0x5000, s17;
	p0 =	sgt.u32 s17, $0x1;
	s28 =	sshll.u32 s17, $0x6  }
0x6: {  	s17 =	simm.s32 $0x5;
	s1 =	sor.u32 s0, s1;
	_ =	strace $0x80000050  }
0x7: {  	s7 =	ssub.s32 $0x2, s0;
	s0 =	smul.u32 $0x50000, s0;
	[dreg:$0x1c] =	wrdreg s28  }
0x8: {  	s5 =	smul.u32 $0x4E, s1;
	s1 =	smin.u32 s1, $0x4;
	s9 =	sshrl.u32 s7, $0x1  }
0x9: {  	s16 =	sshrl.u32 s8, $0x1;
	s10 =	sshrl.u32 s8, $0x4;
	s18 =	sadd.s32 $0x1000, s8  }
0xa: {  	s20 =	sadd.s32 $0x2000, s8;
	s14 =	sadd.s32 $0x3000, s8;
	s23 =	sadd.s32 $0x4000, s8  }
0xb: {  	s7 =	ssub.s32 s7, s9;
	s11 =	sadd.s32 s16, s2;
	s10 =	sadd.s32 s31, s10  }
0xc: {  	s9 =	sadd.s32 s16, s3;
	s19 =	sshrl.u32 s18, $0x1;
	s12 =	sshrl.u32 s18, $0x4  }
0xd: {  	s21 =	sshrl.u32 s20, $0x1;
	s15 =	sshrl.u32 s20, $0x4;
	s16 =	sshrl.u32 s14, $0x4  }
0xe: {  	s24 =	sshrl.u32 s23, $0x4;
	s8 =	sadd.s32 s8, s0;
	s30 =	sadd.s32 s0, s20  }
0xf: {  	s1 =	sadd.s32 s1, s5;
	s5 =	sadd.s32 $0x2B400, s4;
	[dreg:$0x4] =	wrdreg s10  }
0x10: {  	[dreg:$0x5] =	wrdreg s9;
	s13 =	sadd.s32 s19, s2;
	s12 =	sadd.s32 s31, s12  }
0x11: {  	s9 =	sadd.s32 s19, s3;
	s15 =	sadd.s32 s31, s15;
	s22 =	sadd.s32 s31, s16  }
0x12: {  	s10 =	sadd.s32 s0, s18;
	s6 =	sadd.s32 s31, s24;
	s25 =	sshrl.u32 s8, $0x4  }
0x13: {  	s31 =	sadd.s32 s0, s14;
	s0 =	sadd.s32 s0, s23;
	[dreg:$0x6] =	wrdreg s12  }
0x14: {  	s16 =	sadd.s32 s21, s3;
	s18 =	sshrl.u32 s14, $0x1;
	[dreg:$0x7] =	wrdreg s9  }
0x15: {  	s19 =	sshrl.u32 s23, $0x1;
	s8 =	simm.s32 $0x3;
	[dreg:$0x8] =	wrdreg s15  }
0x16: {  	s14 =	simm.s32 $0x6F00;
	s1 =	sshll.u32 s1, $0x4;
	[dreg:$0x9] =	wrdreg s22  }
0x17: {  	[dreg:$0xa] =	wrdreg s6;
	s26 =	sshrl.u32 s10, $0x4;
	s10 =	sshrl.u32 s31, $0x4  }
0x18: {  	s12 =	sadd.s32 s21, s2;
	[dreg:$0x10] =	wrdreg s16;
	s21 =	sadd.s32 s19, s2  }
0x19: {  	s1 =	sadd.s32 s1, s4;
	s4 =	sadd.s32 $0x1C000, s4;
	s31 =	sshrl.u32 s21, $0x3  }
0x1a: {  	s0 =	sshrl.u32 s0, $0x4;
	s6 =	sadd.s32 s4, s25;
	[dreg:$0x1d] =	wrdreg s31  }
0x1b: {  	s20 =	sadd.s32 s18, s2;
	s29 =	sadd.s32 s4, s26;
	[dreg:$0xb] =	wrdreg s6  }
0x1c: {  	s9 =	simm.s32 $0x80;
	s0 =	sadd.s32 s4, s0;
	[dreg:$0xc] =	wrdreg s29  }
0x1d: {  	s15 =	simm.s32 $0x7700;
	s22 =	sadd.s32 $0x3600, s1;
	[dreg:$0xf] =	wrdreg s0  }
0x1e: {  	s16 =	simm.s32 $0x4;
	s23 =	sadd.s32 $0xD240, s1;
	[dreg:$0x13] =	wrdreg s22  }
0x1f: {  	s21 =	simm.s32 $0x9;
	s24 =	sadd.s32 $0x3AE0, s1;
	[dreg:$0x14] =	wrdreg s23  }
0x20: {  	s1 =	sadd.s32 $0xD720, s1;
	s25 =	smax.u32 s7, $0x1;
	[dreg:$0x15] =	wrdreg s24  }
0x21: {  	s26 =	sshrl.u32 s11, $0x3;
	s7 =	simm.s32 $0x2;
	[dreg:$0x16] =	wrdreg s1  }
0x22: {  	s11 =	simm.s32 $0x5700;
	s6 =	sshrl.u32 s30, $0x4;
	[dreg:$0x17] =	wrdreg s25  }
0x23: {  	[dreg:$0x18] =	wrdreg s26;
	s29 =	sshrl.u32 s13, $0x3;
	s0 =	sshrl.u32 s12, $0x3  }
0x24: {  	s30 =	sshrl.u32 s20, $0x3;
	s12 =	simm.s32 $0x5F00;
	s13 =	simm.s32 $0x6700  }
0x25: {  	s20 =	simm.s32 $0x8;
	s22 =	simm.s32 $0xA;
	[dreg:$0x19] =	wrdreg s29  }
0x26: {  	s23 =	simm.s32 $0xB;
	s24 =	simm.s32 $0xC;
	[dreg:$0x1a] =	wrdreg s0  }
0x27: {  	s25 =	simm.s32 $0x0;
	s6 =	sadd.s32 s4, s6;
	[dreg:$0x1b] =	wrdreg s30  }
0x28: {  	s0 =	sor.u32 $0x1C01, s28;
	[dreg:$0xd] =	wrdreg s6;
	s6 =	sadd.s32 s4, s10  }
0x29: {  	s4 =	sadd.s32 s18, s3;
	s10 =	simm.s32 $0x4F00;
	[dreg:$0xe] =	wrdreg s6  }
0x2a: {  	s18 =	simm.s32 $0x6;
	[dreg:$0x11] =	wrdreg s4;
	s6 =	sadd.s32 s19, s3  }
0x2b: {  	s19 =	simm.s32 $0x7;
	[dreg:$0x12] =	wrdreg s6;
	s6 =	simm.s32 $0x1  }
.LBB2_1:
0x2c: {  	s1 =	rddreg [dreg:$0x4]  }
0x2d: {  	s4 =	rddreg [dreg:$0x18]  }
0x2e: {  	[spmem:s4], [sflag:s0] =	dma.local [hbm:s1], $0x100  }
0x2f: {  	s1 =	rddreg [dreg:$0x5]  }
0x30: {  	s1 =	sshrl.u32 s1, $0x3  }
0x31: {  	s4 =	sor.u32 $0x1C02, s28;
	[dreg:$0x1e] =	wrdreg s1  }
0x32: {  	[spmem:s1], [sflag:s4] =	dma.local [hbm:s5], $0x100  }
0x33: {  	s1 =	rddreg [dreg:$0x6]  }
0x34: {  	s26 =	rddreg [dreg:$0x19]  }
0x35: {  	[spmem:s26], [sflag:s0] =	dma.local [hbm:s1], $0x100  }
0x36: {  	s1 =	rddreg [dreg:$0x7]  }
0x37: {  	s1 =	sshrl.u32 s1, $0x3  }
0x38: {  	[dreg:$0x1f] =	wrdreg s1  }
0x39: {  	[spmem:s1], [sflag:s4] =	dma.local [hbm:s5], $0x100  }
0x3a: {  	s1 =	rddreg [dreg:$0x8]  }
0x3b: {  	s28 =	rddreg [dreg:$0x1a]  }
0x3c: {  	[spmem:s28], [sflag:s0] =	dma.local [hbm:s1], $0x100  }
0x3d: {  	s1 =	rddreg [dreg:$0x10]  }
0x3e: {  	s1 =	sshrl.u32 s1, $0x3  }
0x3f: {  	[smem:$0x7FD] =	sst s1  }
0x40: {  	[spmem:s1], [sflag:s4] =	dma.local [hbm:s5], $0x100  }
0x41: {  	s1 =	rddreg [dreg:$0x9]  }
0x42: {  	s29 =	rddreg [dreg:$0x1b]  }
0x43: {  	[spmem:s29], [sflag:s0] =	dma.local [hbm:s1], $0x100  }
0x44: {  	s1 =	rddreg [dreg:$0x11]  }
0x45: {  	s30 =	sshrl.u32 s1, $0x3  }
0x46: {  	[spmem:s30], [sflag:s4] =	dma.local [hbm:s5], $0x100  }
0x47: {  	s28 =	rddreg [dreg:$0xa]  }
0x48: {  	s29 =	rddreg [dreg:$0x1d]  }
0x49: {  	[spmem:s29], [sflag:s0] =	dma.local [hbm:s28], $0x100  }
0x4a: {  	s1 =	rddreg [dreg:$0x12]  }
0x4b: {  	s1 =	sshrl.u32 s1, $0x3  }
0x4c: {  	[spmem:s1], [sflag:s4] =	dma.local [hbm:s5], $0x100  }
0x4d: {  	s28 =	simm.s32 $0x0;
	s4 =	rddreg [dreg:$0x13]  }
0x4e: {  	[tilespmem:s28], [sflag:$0x3] =	stream.linear.gather [hbm4b:s4+s28], $0x2700, $0x38;
	[tilespmem:$0xCF00] =	vst v63  }
0x4f: {  	s29 =	simm.s32 $0x2780;
	s26 =	rddreg [dreg:$0x14]  }
0x50: {  	[tilespmem:s29], [sflag:$0x3] =	stream.linear.gather [hbm4b:s26+s28], $0x2700, $0x38;
	[tilespmem:$0xCF00] =	vst v63  }
0x51: {  	_ =	swait.ge [sflag:s6], $0x100  }
0x52: {  	[sflag:s6] =	ssyncset.done $0x0  }
0x53: {  	[sflag:s6] =	ssyncadd.s32 $0xFFFFFF00  }
0x54: {  	_ =	swait.ge [sflag:s7], $0x100  }
0x55: {  	[sflag:s7] =	ssyncset.done $0x0  }
0x56: {  	[sflag:s7] =	ssyncadd.s32 $0xFFFFFF00  }
0x57: {  	_ =	swait.ge [sflag:s6], $0x100  }
0x58: {  	[sflag:s6] =	ssyncset.done $0x0  }
0x59: {  	[sflag:s6] =	ssyncadd.s32 $0xFFFFFF00  }
0x5a: {  	_ =	swait.ge [sflag:s7], $0x100  }
0x5b: {  	[sflag:s7] =	ssyncset.done $0x0  }
0x5c: {  	[sflag:s7] =	ssyncadd.s32 $0xFFFFFF00  }
0x5d: {  	_ =	swait.ge [sflag:s6], $0x100  }
0x5e: {  	[sflag:s6] =	ssyncset.done $0x0  }
0x5f: {  	[sflag:s6] =	ssyncadd.s32 $0xFFFFFF00  }
0x60: {  	_ =	swait.ge [sflag:s7], $0x100  }
0x61: {  	[sflag:s7] =	ssyncset.done $0x0  }
0x62: {  	[sflag:s7] =	ssyncadd.s32 $0xFFFFFF00  }
0x63: {  	_ =	swait.ge [sflag:s6], $0x100  }
0x64: {  	[sflag:s6] =	ssyncset.done $0x0  }
0x65: {  	[sflag:s6] =	ssyncadd.s32 $0xFFFFFF00  }
0x66: {  	_ =	swait.ge [sflag:s7], $0x100  }
0x67: {  	[sflag:s7] =	ssyncset.done $0x0  }
0x68: {  	[sflag:s7] =	ssyncadd.s32 $0xFFFFFF00  }
0x69: {  	_ =	swait.ge [sflag:s6], $0x100  }
0x6a: {  	[sflag:s6] =	ssyncset.done $0x0  }
0x6b: {  	[sflag:s6] =	ssyncadd.s32 $0xFFFFFF00  }
0x6c: {  	_ =	swait.ge [sflag:s7], $0x100  }
0x6d: {  	[sflag:s7] =	ssyncset.done $0x0  }
0x6e: {  	[sflag:s7] =	ssyncadd.s32 $0xFFFFFF00  }
0x6f: {  	_ =	swait.ge [sflag:s8], $0x2700  }
0x70: {  	[sflag:s8] =	ssyncset.done $0x0  }
0x71: {  	[sflag:s8] =	ssyncadd.s32 $0xFFFFD900  }
0x72: {  	_ =	swait.ge [sflag:s8], $0x2700  }
0x73: {  	s31 =	simm.s32 @!p0 $0x2700;
	[sflag:s8] =	ssyncset.done $0x0  }
0x74: {  	s4 =	simm.s32 @!p0 $0x0;
	s26 =	rddreg [dreg:$0x15];
	[sflag:s8] =	ssyncadd.s32 $0xFFFFD900  }
0x75: {  	[tilespmem:s31], [sflag:$0xD] =	stream.linear.gather @!p0 [hbm4b:s26+s4], $0x80, $0x38;
	[tilespmem:$0xCF00] =	vst v63  }
0x76: {  	s31 =	simm.s32 @!p0 $0xD  }
0x77: {  	_ =	swait.ge @!p0 [sflag:s31], $0x80  }
0x78: {  	[sflag:s31] =	ssyncset.done @!p0 $0x0  }
0x79: {  	s26 =	simm.s32 @!p0 $0x4E80;
	s29 =	rddreg [dreg:$0x16];
	[sflag:s31] =	ssyncadd.s32 @!p0 $0xFFFFFF80  }
0x7a: {  	[tilespmem:s26], [sflag:$0xD] =	stream.linear.gather @!p0 [hbm4b:s29+s4], $0x80, $0x38;
	[tilespmem:$0xCF00] =	vst v63  }
0x7b: {  	_ =	swait.ge @!p0 [sflag:s31], $0x80  }
0x7c: {  	[sflag:s31] =	ssyncset.done @!p0 $0x0  }
0x7d: {  	[sflag:s31] =	ssyncadd.s32 @!p0 $0xFFFFFF80  }
0x7e: {  	[bflag:$0x0] =	sbarrier.arrive $0xFFFF  }
0x7f: {  	[tilespmem:s10], [sflag:$0x1] =	stream.indirect.gather [spmem:s2], $0x10, s28, s9, $0xb8;
	[tilespmem:$0xCF00] =	vst v63  }
0x80: {  	_ = 	snop  }
0x81: {  	[tilespmem:s11], [sflag:$0x2] =	stream.indirect.gather [spmem:s2], $0x10, s9, s9, $0xb8;
	[tilespmem:$0xCF00] =	vst v63  }
0x82: {  	s26 =	simm.s32 $0x100  }
0x83: {  	[tilespmem:s12], [sflag:$0x3] =	stream.indirect.gather [spmem:s2], $0x10, s26, s9, $0xb8;
	[tilespmem:$0xCF00] =	vst v63  }
0x84: {  	s28 =	simm.s32 $0x180  }
0x85: {  	[tilespmem:s13], [sflag:$0x4] =	stream.indirect.gather [spmem:s2], $0x10, s28, s9, $0xb8;
	[tilespmem:$0xCF00] =	vst v63  }
0x86: {  	s29 =	simm.s32 $0x200  }
0x87: {  	[tilespmem:s14], [sflag:$0x5] =	stream.indirect.gather [spmem:s2], $0x10, s29, s9, $0xb8;
	[tilespmem:$0xCF00] =	vst v63  }
0x88: {  	s26 =	simm.s32 $0x280  }
0x89: {  	[tilespmem:s15], [sflag:$0x6] =	stream.indirect.gather [spmem:s2], $0x10, s26, s9, $0xb8;
	[tilespmem:$0xCF00] =	vst v63  }
0x8a: {  	_ =	swait.ge [sflag:s6], $0x800  }
0x8b: {  	[sflag:s6] =	ssyncset.done $0x0  }
0x8c: {  	s28 =	simm.s32 $0x2780;
	[sflag:s6] =	ssyncadd.s32 $0xFFFFF800  }
0x8d: {  	[spmem:s3] =	stream.indirect.scatter.add.bf16 [tilespmem:s10], [sflag:$0x7], $0x10, s28, s9, $0xb8;
	[tilespmem:$0xCF00] =	vst v63  }
0x8e: {  	_ =	swait.ge [sflag:s7], $0x800  }
0x8f: {  	[sflag:s7] =	ssyncset.done $0x0  }
0x90: {  	s29 =	simm.s32 $0x2800;
	[sflag:s7] =	ssyncadd.s32 $0xFFFFF800  }
0x91: {  	[spmem:s3] =	stream.indirect.scatter.add.bf16 [tilespmem:s11], [sflag:$0x8], $0x10, s29, s9, $0xb8;
	[tilespmem:$0xCF00] =	vst v63  }
0x92: {  	_ =	swait.ge [sflag:s8], $0x800  }
0x93: {  	[sflag:s8] =	ssyncset.done $0x0  }
0x94: {  	s26 =	simm.s32 $0x2880;
	[sflag:s8] =	ssyncadd.s32 $0xFFFFF800  }
0x95: {  	[spmem:s3] =	stream.indirect.scatter.add.bf16 [tilespmem:s12], [sflag:$0x9], $0x10, s26, s9, $0xb8;
	[tilespmem:$0xCF00] =	vst v63  }
0x96: {  	_ =	swait.ge [sflag:s16], $0x800  }
0x97: {  	[sflag:s16] =	ssyncset.done $0x0  }
0x98: {  	s28 =	simm.s32 $0x2900;
	[sflag:s16] =	ssyncadd.s32 $0xFFFFF800  }
0x99: {  	[spmem:s3] =	stream.indirect.scatter.add.bf16 [tilespmem:s13], [sflag:$0xA], $0x10, s28, s9, $0xb8;
	[tilespmem:$0xCF00] =	vst v63  }
0x9a: {  	_ =	swait.ge [sflag:s17], $0x800  }
0x9b: {  	[sflag:s17] =	ssyncset.done $0x0  }
0x9c: {  	s29 =	simm.s32 $0x2980;
	[sflag:s17] =	ssyncadd.s32 $0xFFFFF800  }
0x9d: {  	[spmem:s3] =	stream.indirect.scatter.add.bf16 [tilespmem:s14], [sflag:$0xB], $0x10, s29, s9, $0xb8;
	[tilespmem:$0xCF00] =	vst v63  }
0x9e: {  	_ =	swait.ge [sflag:s18], $0x800  }
0x9f: {  	[sflag:s18] =	ssyncset.done $0x0  }
0xa0: {  	s26 =	simm.s32 $0x2A00;
	[sflag:s18] =	ssyncadd.s32 $0xFFFFF800  }
0xa1: {  	[spmem:s3] =	stream.indirect.scatter.add.bf16 [tilespmem:s15], [sflag:$0xC], $0x10, s26, s9, $0xb8;
	[tilespmem:$0xCF00] =	vst v63  }
0xa2: {  	_ =	swait.ge [sflag:s19], $0x800  }
0xa3: {  	[sflag:s19] =	ssyncset.done $0x0  }
0xa4: {  	s28 =	simm.s32 $0x300;
	[sflag:s19] =	ssyncadd.s32 $0xFFFFF800  }
0xa5: {  	[tilespmem:s10], [sflag:$0x1] =	stream.indirect.gather [spmem:s2], $0x10, s28, s9, $0xb8;
	[tilespmem:$0xCF00] =	vst v63  }
0xa6: {  	_ =	swait.ge [sflag:s20], $0x800  }
0xa7: {  	[sflag:s20] =	ssyncset.done $0x0  }
0xa8: {  	s29 =	simm.s32 $0x380;
	[sflag:s20] =	ssyncadd.s32 $0xFFFFF800  }
0xa9: {  	[tilespmem:s11], [sflag:$0x2] =	stream.indirect.gather [spmem:s2], $0x10, s29, s9, $0xb8;
	[tilespmem:$0xCF00] =	vst v63  }
0xaa: {  	_ =	swait.ge [sflag:s21], $0x800  }
0xab: {  	[sflag:s21] =	ssyncset.done $0x0  }
0xac: {  	s26 =	simm.s32 $0x400;
	[sflag:s21] =	ssyncadd.s32 $0xFFFFF800  }
0xad: {  	[tilespmem:s12], [sflag:$0x3] =	stream.indirect.gather [spmem:s2], $0x10, s26, s9, $0xb8;
	[tilespmem:$0xCF00] =	vst v63  }
0xae: {  	_ =	swait.ge [sflag:s22], $0x800  }
0xaf: {  	[sflag:s22] =	ssyncset.done $0x0  }
0xb0: {  	s28 =	simm.s32 $0x480;
	[sflag:s22] =	ssyncadd.s32 $0xFFFFF800  }
0xb1: {  	[tilespmem:s13], [sflag:$0x4] =	stream.indirect.gather [spmem:s2], $0x10, s28, s9, $0xb8;
	[tilespmem:$0xCF00] =	vst v63  }
0xb2: {  	_ =	swait.ge [sflag:s23], $0x800  }
0xb3: {  	[sflag:s23] =	ssyncset.done $0x0  }
0xb4: {  	s29 =	simm.s32 $0x500;
	[sflag:s23] =	ssyncadd.s32 $0xFFFFF800  }
0xb5: {  	[tilespmem:s14], [sflag:$0x5] =	stream.indirect.gather [spmem:s2], $0x10, s29, s9, $0xb8;
	[tilespmem:$0xCF00] =	vst v63  }
0xb6: {  	_ =	swait.ge [sflag:s24], $0x800  }
0xb7: {  	[sflag:s24] =	ssyncset.done $0x0  }
0xb8: {  	s4 =	simm.s32 $0xC00;
	s31 =	simm.s32 $0x580;
	[sflag:s24] =	ssyncadd.s32 $0xFFFFF800  }
.LBB2_2:
0xb9: {  	[tilespmem:s15], [sflag:$0x6] =	stream.indirect.gather [spmem:s2], $0x10, s31, s9, $0xb8;
	[tilespmem:$0xCF00] =	vst v63  }
0xba: {  	s26 =	smov.u32 s4  }
0xbb: {  	p1 =	sne.s32 s4, $0x8400;
	s4 =	sadd.s32 $0xC00, s4;
	_ =	swait.ge [sflag:s6], $0x800  }
0xbc: {  	s31 =	sshra.s32 s26, $0x2;
	[sflag:s6] =	ssyncset.done $0x0  }
0xbd: {  	s26 =	sadd.s32 $0x2780, s31;
	[sflag:s6] =	ssyncadd.s32 $0xFFFFF800  }
0xbe: {  	[spmem:s3] =	stream.indirect.scatter.add.bf16 [tilespmem:s10], [sflag:$0x7], $0x10, s26, s9, $0xb8;
	[tilespmem:$0xCF00] =	vst v63  }
0xbf: {  	_ =	swait.ge [sflag:s7], $0x800  }
0xc0: {  	[sflag:s7] =	ssyncset.done $0x0  }
0xc1: {  	s26 =	sadd.s32 $0x2800, s31;
	[sflag:s7] =	ssyncadd.s32 $0xFFFFF800  }
0xc2: {  	[spmem:s3] =	stream.indirect.scatter.add.bf16 [tilespmem:s11], [sflag:$0x8], $0x10, s26, s9, $0xb8;
	[tilespmem:$0xCF00] =	vst v63  }
0xc3: {  	_ =	swait.ge [sflag:s8], $0x800  }
0xc4: {  	[sflag:s8] =	ssyncset.done $0x0  }
0xc5: {  	s26 =	sadd.s32 $0x2880, s31;
	[sflag:s8] =	ssyncadd.s32 $0xFFFFF800  }
0xc6: {  	[spmem:s3] =	stream.indirect.scatter.add.bf16 [tilespmem:s12], [sflag:$0x9], $0x10, s26, s9, $0xb8;
	[tilespmem:$0xCF00] =	vst v63  }
0xc7: {  	_ =	swait.ge [sflag:s16], $0x800  }
0xc8: {  	[sflag:s16] =	ssyncset.done $0x0  }
0xc9: {  	s26 =	sadd.s32 $0x2900, s31;
	[sflag:s16] =	ssyncadd.s32 $0xFFFFF800  }
0xca: {  	[spmem:s3] =	stream.indirect.scatter.add.bf16 [tilespmem:s13], [sflag:$0xA], $0x10, s26, s9, $0xb8;
	[tilespmem:$0xCF00] =	vst v63  }
0xcb: {  	_ =	swait.ge [sflag:s17], $0x800  }
0xcc: {  	[sflag:s17] =	ssyncset.done $0x0  }
0xcd: {  	s26 =	sadd.s32 $0x2980, s31;
	[sflag:s17] =	ssyncadd.s32 $0xFFFFF800  }
0xce: {  	[spmem:s3] =	stream.indirect.scatter.add.bf16 [tilespmem:s14], [sflag:$0xB], $0x10, s26, s9, $0xb8;
	[tilespmem:$0xCF00] =	vst v63  }
0xcf: {  	_ =	swait.ge [sflag:s18], $0x800  }
0xd0: {  	[sflag:s18] =	ssyncset.done $0x0  }
0xd1: {  	s26 =	sadd.s32 $0x2A00, s31;
	[sflag:s18] =	ssyncadd.s32 $0xFFFFF800  }
0xd2: {  	[spmem:s3] =	stream.indirect.scatter.add.bf16 [tilespmem:s15], [sflag:$0xC], $0x10, s26, s9, $0xb8;
	[tilespmem:$0xCF00] =	vst v63  }
0xd3: {  	_ =	swait.ge [sflag:s19], $0x800  }
0xd4: {  	[sflag:s19] =	ssyncset.done $0x0  }
0xd5: {  	s26 =	sadd.s32 $0x300, s31;
	[sflag:s19] =	ssyncadd.s32 $0xFFFFF800  }
0xd6: {  	[tilespmem:s10], [sflag:$0x1] =	stream.indirect.gather [spmem:s2], $0x10, s26, s9, $0xb8;
	[tilespmem:$0xCF00] =	vst v63  }
0xd7: {  	_ =	swait.ge [sflag:s20], $0x800  }
0xd8: {  	[sflag:s20] =	ssyncset.done $0x0  }
0xd9: {  	s26 =	sadd.s32 $0x380, s31;
	[sflag:s20] =	ssyncadd.s32 $0xFFFFF800  }
0xda: {  	[tilespmem:s11], [sflag:$0x2] =	stream.indirect.gather [spmem:s2], $0x10, s26, s9, $0xb8;
	[tilespmem:$0xCF00] =	vst v63  }
0xdb: {  	_ =	swait.ge [sflag:s21], $0x800  }
0xdc: {  	[sflag:s21] =	ssyncset.done $0x0  }
0xdd: {  	s26 =	sadd.s32 $0x400, s31;
	[sflag:s21] =	ssyncadd.s32 $0xFFFFF800  }
0xde: {  	[tilespmem:s12], [sflag:$0x3] =	stream.indirect.gather [spmem:s2], $0x10, s26, s9, $0xb8;
	[tilespmem:$0xCF00] =	vst v63  }
0xdf: {  	_ =	swait.ge [sflag:s22], $0x800  }
0xe0: {  	[sflag:s22] =	ssyncset.done $0x0  }
0xe1: {  	s26 =	sadd.s32 $0x480, s31;
	[sflag:s22] =	ssyncadd.s32 $0xFFFFF800  }
0xe2: {  	[tilespmem:s13], [sflag:$0x4] =	stream.indirect.gather [spmem:s2], $0x10, s26, s9, $0xb8;
	[tilespmem:$0xCF00] =	vst v63  }
0xe3: {  	_ =	swait.ge [sflag:s23], $0x800  }
0xe4: {  	[sflag:s23] =	ssyncset.done $0x0  }
.Ltmp0:
0xe5: {  	s26 =	sadd.s32 $0x500, s31;
	[sflag:s23] =	ssyncadd.s32 $0xFFFFF800;
	(pc) =	sbr.rel @p1 .LBB2_2-.Ltmp0, $4  }
0xe6: {  	[tilespmem:s14], [sflag:$0x5] =	stream.indirect.gather [spmem:s2], $0x10, s26, s9, $0xb8;
	[tilespmem:$0xCF00] =	vst v63  }
0xe7: {  	_ =	swait.ge [sflag:s24], $0x800  }
0xe8: {  	[sflag:s24] =	ssyncset.done $0x0  }
0xe9: {  	s31 =	sadd.s32 $0x580, s31;
	[sflag:s24] =	ssyncadd.s32 $0xFFFFF800  }
0xea: {  	[tilespmem:s15], [sflag:$0x6] =	stream.indirect.gather [spmem:s2], $0x10, s31, s9, $0xb8;
	[tilespmem:$0xCF00] =	vst v63  }
0xeb: {  	_ =	swait.ge [sflag:s6], $0x800  }
0xec: {  	[sflag:s6] =	ssyncset.done $0x0  }
0xed: {  	s4 =	simm.s32 $0x4B80;
	[sflag:s6] =	ssyncadd.s32 $0xFFFFF800  }
0xee: {  	[spmem:s3] =	stream.indirect.scatter.add.bf16 [tilespmem:s10], [sflag:$0x7], $0x10, s4, s9, $0xb8;
	[tilespmem:$0xCF00] =	vst v63  }
0xef: {  	_ =	swait.ge [sflag:s7], $0x800  }
0xf0: {  	[sflag:s7] =	ssyncset.done $0x0  }
0xf1: {  	s26 =	simm.s32 $0x4C00;
	[sflag:s7] =	ssyncadd.s32 $0xFFFFF800  }
0xf2: {  	[spmem:s3] =	stream.indirect.scatter.add.bf16 [tilespmem:s11], [sflag:$0x8], $0x10, s26, s9, $0xb8;
	[tilespmem:$0xCF00] =	vst v63  }
0xf3: {  	_ =	swait.ge [sflag:s8], $0x800  }
0xf4: {  	[sflag:s8] =	ssyncset.done $0x0  }
0xf5: {  	s29 =	simm.s32 $0x4C80;
	[sflag:s8] =	ssyncadd.s32 $0xFFFFF800  }
0xf6: {  	[spmem:s3] =	stream.indirect.scatter.add.bf16 [tilespmem:s12], [sflag:$0x9], $0x10, s29, s9, $0xb8;
	[tilespmem:$0xCF00] =	vst v63  }
0xf7: {  	_ =	swait.ge [sflag:s16], $0x800  }
0xf8: {  	[sflag:s16] =	ssyncset.done $0x0  }
0xf9: {  	s31 =	simm.s32 $0x4D00;
	[sflag:s16] =	ssyncadd.s32 $0xFFFFF800  }
0xfa: {  	[spmem:s3] =	stream.indirect.scatter.add.bf16 [tilespmem:s13], [sflag:$0xA], $0x10, s31, s9, $0xb8;
	[tilespmem:$0xCF00] =	vst v63  }
0xfb: {  	_ =	swait.ge [sflag:s17], $0x800  }
0xfc: {  	[sflag:s17] =	ssyncset.done $0x0  }
0xfd: {  	s26 =	simm.s32 $0x4D80;
	[sflag:s17] =	ssyncadd.s32 $0xFFFFF800  }
0xfe: {  	[spmem:s3] =	stream.indirect.scatter.add.bf16 [tilespmem:s14], [sflag:$0xB], $0x10, s26, s9, $0xb8;
	[tilespmem:$0xCF00] =	vst v63  }
0xff: {  	_ =	swait.ge [sflag:s18], $0x800  }
0x100: {  	[sflag:s18] =	ssyncset.done $0x0  }
0x101: {  	s29 =	simm.s32 $0x4E00;
	[sflag:s18] =	ssyncadd.s32 $0xFFFFF800  }
0x102: {  	[spmem:s3] =	stream.indirect.scatter.add.bf16 [tilespmem:s15], [sflag:$0xC], $0x10, s29, s9, $0xb8;
	[tilespmem:$0xCF00] =	vst v63  }
0x103: {  	_ =	swait.ge [sflag:s19], $0x800  }
0x104: {  	[sflag:s19] =	ssyncset.done $0x0  }
0x105: {  	[sflag:s19] =	ssyncadd.s32 $0xFFFFF800  }
0x106: {  	_ =	swait.ge [sflag:s20], $0x800  }
0x107: {  	[sflag:s20] =	ssyncset.done $0x0  }
0x108: {  	[sflag:s20] =	ssyncadd.s32 $0xFFFFF800  }
0x109: {  	_ =	swait.ge [sflag:s21], $0x800  }
0x10a: {  	[sflag:s21] =	ssyncset.done $0x0  }
0x10b: {  	[sflag:s21] =	ssyncadd.s32 $0xFFFFF800  }
0x10c: {  	_ =	swait.ge [sflag:s22], $0x800  }
0x10d: {  	[sflag:s22] =	ssyncset.done $0x0  }
0x10e: {  	[sflag:s22] =	ssyncadd.s32 $0xFFFFF800  }
0x10f: {  	_ =	swait.ge [sflag:s23], $0x800  }
0x110: {  	[sflag:s23] =	ssyncset.done $0x0  }
0x111: {  	[sflag:s23] =	ssyncadd.s32 $0xFFFFF800  }
0x112: {  	_ =	swait.ge [sflag:s24], $0x800  }
0x113: {  	s4 =	simm.s32 @!p0 $0x80;
	[sflag:s24] =	ssyncset.done $0x0  }
0x114: {  	s31 =	simm.s32 @!p0 $0x4F00;
	s26 =	simm.s32 @!p0 $0x2700;
	[sflag:s24] =	ssyncadd.s32 $0xFFFFF800  }
0x115: {  	[tilespmem:s31], [sflag:$0x1] =	stream.indirect.gather @!p0 [spmem:s2], $0x10, s26, s4, $0xb8;
	[tilespmem:$0xCF00] =	vst v63  }
0x116: {  	s26 =	simm.s32 @!p0 $0x1  }
0x117: {  	_ =	swait.ge @!p0 [sflag:s26], $0x800  }
0x118: {  	[sflag:s26] =	ssyncset.done @!p0 $0x0  }
0x119: {  	[sflag:s26] =	ssyncadd.s32 @!p0 $0xFFFFF800;
	s26 =	simm.s32 @!p0 $0x4E80  }
0x11a: {  	[spmem:s3] =	stream.indirect.scatter.add.bf16 @!p0 [tilespmem:s31], [sflag:$0xD], $0x10, s26, s4, $0xb8;
	[tilespmem:$0xCF00] =	vst v63  }
0x11b: {  	s4 =	simm.s32 @!p0 $0xD  }
0x11c: {  	_ =	swait.ge @!p0 [sflag:s4], $0x800  }
0x11d: {  	[sflag:s4] =	ssyncset.done @!p0 $0x0  }
0x11e: {  	[sflag:s4] =	ssyncadd.s32 @!p0 $0xFFFFF800  }
0x11f: {  	[bflag:$0x0] =	sbarrier.arrive $0xFFFF  }
0x120: {  	s28 =	rddreg [dreg:$0x1c]  }
0x121: {  	s31 =	rddreg [dreg:$0xb]  }
0x122: {  	s29 =	rddreg [dreg:$0x1e];
	s4 =	sor.u32 $0x1C07, s28  }
0x123: {  	[hbm:s31], [sflag:s4] =	dma.local [spmem:s29], $0x100  }
0x124: {  	s26 =	rddreg [dreg:$0xc]  }
0x125: {  	s29 =	rddreg [dreg:$0x1f]  }
0x126: {  	[hbm:s26], [sflag:s4] =	dma.local [spmem:s29], $0x100  }
0x127: {  	s29 =	sld [smem:$0x7FD];
	_ =	sdelay $0x1  }
0x128: {  	s26 =	rddreg [dreg:$0xd]  }
0x129: {  	[hbm:s26], [sflag:s4] =	dma.local [spmem:s29], $0x100  }
0x12a: {  	s26 =	rddreg [dreg:$0xe]  }
0x12b: {  	[hbm:s26], [sflag:s4] =	dma.local [spmem:s30], $0x100  }
0x12c: {  	s26 =	rddreg [dreg:$0xf]  }
0x12d: {  	[hbm:s26], [sflag:s4] =	dma.local [spmem:s1], $0x100  }
0x12e: {  	_ =	swait.ge [sflag:s19], $0x100  }
0x12f: {  	[sflag:s19] =	ssyncset.done $0x0  }
0x130: {  	[sflag:s19] =	ssyncadd.s32 $0xFFFFFF00  }
0x131: {  	_ =	swait.ge [sflag:s19], $0x100  }
0x132: {  	[sflag:s19] =	ssyncset.done $0x0  }
0x133: {  	[sflag:s19] =	ssyncadd.s32 $0xFFFFFF00  }
0x134: {  	_ =	swait.ge [sflag:s19], $0x100  }
0x135: {  	[sflag:s19] =	ssyncset.done $0x0  }
0x136: {  	[sflag:s19] =	ssyncadd.s32 $0xFFFFFF00  }
0x137: {  	_ =	swait.ge [sflag:s19], $0x100  }
0x138: {  	[sflag:s19] =	ssyncset.done $0x0  }
0x139: {  	[sflag:s19] =	ssyncadd.s32 $0xFFFFFF00  }
0x13a: {  	_ =	swait.ge [sflag:s19], $0x100  }
0x13b: {  	s25 =	sadd.s32 $0x1, s25;
	s31 =	rddreg [dreg:$0x17]  }
0x13c: {  	p1 =	sne.s32 s25, s31  }
.Ltmp1:
0x13d: {  	_ = 	snop;
	(pc) =	sbr.rel @p1 .LBB2_1-.Ltmp1, $3  }
0x13e: {  	_ =	sdelay $0x1  }
0x13f: {  	[sflag:s19] =	ssyncset.done $0x0  }
0x140: {  	[sflag:s19] =	ssyncadd.s32 $0xFFFFFF00  }
0x141: {  	_ =	sfence.sel $0x180000  }
0x142: {  	[bflag:$0x0] =	sbarrier.arrive $0xFFFF  }
0x143: {  	_ =	strace $0x90000050  }
0x144: {  	s0 =	stileid.u32;
	[bflag:$0x2] =	sbarrier.arrive $0xFFFF  }
0x145: {  	p0 =	sne.s32 s0, $0x0;
	s0 =	rddreg [dreg:$0x3]  }
0x146: {  	s0 =	sadd.s32 @!p0 $0x100000, s0  }
0x147: {  	[sflag:s0] =	ssyncadd.tile.s32 @!p0 $0x1;
	_ =	shalt  }
.Lfunc_end2:
_tile_overlayer_lowered:
.L_overlay_start_2:
0x148: {  	(tag) =	ssettag $0x2  }
0x149: {  	s0 =	rddreg [dreg:$0x0];
	s2 =	stileid.u32  }
0x14a: {  	s1 =	rddreg [dreg:$0x1];
	p0 =	sne.s32 s2, $0x0  }
0x14b: {  	s3 =	rddreg [dreg:$0x2];
	[bflag:$0x3] =	sbarrier.arrive $0xFFFF;
	s2 =	simm.s32 @!p0 $0x1C0D  }
0x14c: {  	[timem:s3], [sflag:s2] =	dma.local @!p0 [hbm:s0], s1  }
0x14d: {  	s0 =	simm.s32 @!p0 $0xD  }
0x14e: {  	_ =	swait.ge @!p0 [sflag:s0], s1  }
0x14f: {  	s1 =	ssub.s32 @!p0 $0x0, s1;
	[sflag:s0] =	ssyncset.done @!p0 $0x0  }
0x150: {  	[sflag:s0] =	ssyncadd.s32 @!p0 s1  }
0x151: {  	[bflag:$0x3] =	sbarrier.arrive $0xFFFF  }
0x152: {  	_ =	shalt  }

</sc_bundles>
